<compile_context>
chip_gen: v7x
topology: tpu7x:2x2x1
jax: 0.10.2.dev20260603
libtpu: 0.0.44.dev20260713+nightly
codegen_flags: <defaults>
</compile_context>

<pallas_src>
import functools

import jax
import jax.numpy as jnp
from jax import lax
from jax.experimental import pallas as pl
from jax.experimental.pallas import tpu as pltpu
from jax.experimental.pallas import tpu_sc as plsc

N = 10000
E = 320000
D = 128
H = 128
C = 4
NP = 10240

WS = 16

NC = 2
NS = 16
NW = NC * NS
EPW = E // NW
CK = 80
NCHUNK = EPW // CK
RPT = NP // NS

_f32 = jnp.float32

_mesh = plsc.VectorSubcoreMesh(core_axis_name="c", subcore_axis_name="s",
                               num_cores=NC, num_subcores=NS)


def _make_sc_agg(W, m, tiled):

  @functools.partial(
      pl.kernel,
      out_type=jax.ShapeDtypeStruct((NC, NP, W), _f32),
      mesh=_mesh,
      scratch_types=[
          pltpu.VMEM((EPW,), jnp.int32),
          [pltpu.VMEM((CK,), jnp.int32)] * m,
          [pltpu.VMEM((CK, W), _f32)] * m,
          [pltpu.SemaphoreType.DMA] * m,
          [pltpu.SemaphoreType.DMA] * m,
          pltpu.VMEM_SHARED((NP, W), _f32),
      ],
      compiler_params=pltpu.CompilerParams(use_tc_tiling_on_sc=tiled),
  )
  def agg(z_hbm, src_hbm, dst_hbm, zero_hbm, out_hbm,
          sidx, didx, rows, gsems, dsems, acc):
    c = lax.axis_index("c")
    s = lax.axis_index("s")
    pltpu.sync_copy(zero_hbm, acc.at[pl.ds(s * RPT, RPT)])
    base = (s * NC + c) * EPW
    pltpu.sync_copy(src_hbm.at[pl.ds(base, EPW)], sidx)
    plsc.subcore_barrier()

    def start(j, b):
      pltpu.async_copy(dst_hbm.at[pl.ds(base + j * CK, CK)], didx[b], dsems[b])
      pltpu.async_copy(z_hbm.at[sidx.at[pl.ds(j * CK, CK)]], rows[b], gsems[b])

    def finish(j, b):
      pltpu.make_async_copy(dst_hbm.at[pl.ds(base, CK)], didx[b],
                            dsems[b]).wait()
      pltpu.make_async_copy(z_hbm.at[sidx.at[pl.ds(j * CK, CK)]], rows[b],
                            gsems[b]).wait()
      pltpu.sync_copy(rows[b], acc.at[didx[b]], add=True)

    for b in range(m):
      start(b, b)

    main_iters = NCHUNK // m

    def body(t, carry):
      for b in range(m):
        j = t * m + b
        finish(j, b)

        @pl.when(j + m < NCHUNK)
        def _():
          start(j + m, b)

      return carry

    lax.fori_loop(0, main_iters, body, 0)
    for j in range(main_iters * m, NCHUNK):
      finish(j, j % m)
    plsc.subcore_barrier()
    pltpu.sync_copy(acc.at[pl.ds(s * RPT, RPT)],
                    out_hbm.at[c, pl.ds(s * RPT, RPT)])

  return agg


_M_CNT = 8
_K_CNT = 4


@functools.partial(
    pl.kernel,
    out_type=jax.ShapeDtypeStruct((NC, NP, WS), _f32),
    mesh=_mesh,
    scratch_types=[
        pltpu.VMEM((CK, WS), _f32),
        [pltpu.VMEM((CK,), jnp.int32)] * _M_CNT,
        [pltpu.SemaphoreType.DMA] * _M_CNT,
        pltpu.VMEM_SHARED((NP, WS), _f32),
    ],
    compiler_params=pltpu.CompilerParams(use_tc_tiling_on_sc=False),
)
def _sc_counts(dst_hbm, ones_hbm, zero_hbm, out_hbm,
               ones_v, didx, dsems, acc):
  c = lax.axis_index("c")
  s = lax.axis_index("s")
  pltpu.sync_copy(zero_hbm, acc.at[pl.ds(s * RPT, RPT)])
  pltpu.sync_copy(ones_hbm, ones_v)
  base = (s * NC + c) * EPW
  plsc.subcore_barrier()

  def start(j, b):
    pltpu.async_copy(dst_hbm.at[pl.ds(base + j * CK, CK)], didx[b], dsems[b])

  def finish(b):
    pltpu.make_async_copy(dst_hbm.at[pl.ds(base, CK)], didx[b], dsems[b]).wait()
    pltpu.sync_copy(ones_v, acc.at[didx[b]], add=True)

  for b in range(_M_CNT):
    start(b, b)

  main_iters = NCHUNK // _M_CNT

  def body(t, carry):
    for b in range(_M_CNT):
      j = t * _M_CNT + b
      finish(b)

      @pl.when(j + _M_CNT < NCHUNK)
      def _():
        start(j + _M_CNT, b)

    return carry

  lax.fori_loop(0, main_iters, body, 0)
  for j in range(main_iters * _M_CNT, NCHUNK):
    finish(j % _M_CNT)
  plsc.subcore_barrier()
  pltpu.sync_copy(acc.at[pl.ds(s * RPT, RPT)],
                  out_hbm.at[c, pl.ds(s * RPT, RPT)])


_sc_agg_wide = _make_sc_agg(H, m=3, tiled=True)
_sc_agg_narrow = _make_sc_agg(WS, m=6, tiled=False)

_R = 2000
_G = N // _R


def _row_spec(w):
  return pl.BlockSpec((_R, w), lambda i: (i, 0))


def _pair_spec(w):
  return pl.BlockSpec((NC, _R, w), lambda i: (0, i, 0))


def _full_spec(shape):
  nd = len(shape)
  return pl.BlockSpec(shape, lambda i: (0,) * nd)


def _split_body(ei_ref, src_ref, dst_ref):
  src_ref[...] = ei_ref[0]
  dst_ref[...] = ei_ref[1]


def _tc_split_edges(ei):
  return pl.pallas_call(
      _split_body,
      out_shape=[jax.ShapeDtypeStruct((E,), jnp.int32),
                 jax.ShapeDtypeStruct((E,), jnp.int32)],
  )(ei)


def _dual_mm_body(x_ref, wl_ref, wr_ref, br_ref, zl_ref, zr_ref):
  xb = x_ref[...]
  zl_ref[...] = jnp.dot(xb, wl_ref[...], preferred_element_type=_f32)
  zr_ref[...] = jnp.dot(xb, wr_ref[...], preferred_element_type=_f32) + br_ref[...]


def _tc_dual_mm(x, wlT, wrT, br):
  wl_w, wr_w = wlT.shape[1], wrT.shape[1]
  return pl.pallas_call(
      _dual_mm_body,
      grid=(_G,),
      in_specs=[_row_spec(D), _full_spec(wlT.shape), _full_spec(wrT.shape),
                _full_spec(br.shape)],
      out_specs=[_row_spec(wl_w), _row_spec(wr_w)],
      out_shape=[jax.ShapeDtypeStruct((N, wl_w), _f32),
                 jax.ShapeDtypeStruct((N, wr_w), _f32)],
  )(x, wlT, wrT, br)


def _tc_combine1(p, q, zr, wlT, wrT, br):

  def body(p_ref, q_ref, zr_ref, wl_ref, wr_ref, br_ref,
           zl_ref, zro_ref, q_ref_out):
    qsum = q_ref[0] + q_ref[1]
    q_ref_out[...] = qsum
    cnt = jnp.maximum(qsum[:, 0:1], 1.0)
    h = (p_ref[0] + p_ref[1]) / cnt + zr_ref[...]
    h = jnp.maximum(h, 0.0)
    zl_ref[...] = jnp.dot(h, wl_ref[...], preferred_element_type=_f32)
    zro_ref[...] = jnp.dot(h, wr_ref[...], preferred_element_type=_f32) + br_ref[...]

  return pl.pallas_call(
      body,
      grid=(_G,),
      in_specs=[_pair_spec(H), _pair_spec(WS), _row_spec(H),
                _full_spec(wlT.shape), _full_spec(wrT.shape),
                _full_spec(br.shape)],
      out_specs=[_row_spec(H), _row_spec(H), _row_spec(WS)],
      out_shape=[jax.ShapeDtypeStruct((N, H), _f32),
                 jax.ShapeDtypeStruct((N, H), _f32),
                 jax.ShapeDtypeStruct((N, WS), _f32)],
  )(p, q, zr, wlT, wrT, br)


def _tc_combine2(p, cnt16, zr, wlT, wrT, br):

  def body(p_ref, q_ref, zr_ref, wl_ref, wr_ref, br_ref,
           h_ref, zl_ref, zro_ref):
    cnt = jnp.maximum(q_ref[:, 0:1], 1.0)
    h = (p_ref[0] + p_ref[1]) / cnt + zr_ref[...]
    h_ref[...] = h
    zl_ref[...] = jnp.dot(h, wl_ref[...], preferred_element_type=_f32)
    zro_ref[...] = jnp.dot(h, wr_ref[...], preferred_element_type=_f32) + br_ref[...]

  return pl.pallas_call(
      body,
      grid=(_G,),
      in_specs=[_pair_spec(H), _row_spec(WS), _row_spec(H),
                _full_spec(wlT.shape), _full_spec(wrT.shape),
                _full_spec(br.shape)],
      out_specs=[_row_spec(H), _row_spec(WS), _row_spec(WS)],
      out_shape=[jax.ShapeDtypeStruct((N, H), _f32),
                 jax.ShapeDtypeStruct((N, WS), _f32),
                 jax.ShapeDtypeStruct((N, WS), _f32)],
  )(p, cnt16, zr, wlT, wrT, br)


def _final_body(p_ref, q_ref, zr_ref, out_ref):
  cnt = jnp.maximum(q_ref[:, 0:1], 1.0)
  out_ref[...] = (p_ref[0] + p_ref[1]) / cnt + zr_ref[...]


def _tc_final(p, cnt16, zr):
  return pl.pallas_call(
      _final_body,
      grid=(_G,),
      in_specs=[_pair_spec(WS), _row_spec(WS), _row_spec(WS)],
      out_specs=_row_spec(WS),
      out_shape=jax.ShapeDtypeStruct((N, WS), _f32),
  )(p, cnt16, zr)


def kernel(x, W0l, b0, W0r, W1l, b1, W1r, W2l, b2, W2r, edge_index):
  def padT(w, width):
    wT = w.T.astype(_f32)
    return jnp.pad(wT, ((0, 0), (0, width - wT.shape[1])))

  wl0T = W0l.T.astype(_f32)
  wr0T = W0r.T.astype(_f32)
  wl1T = W1l.T.astype(_f32)
  wr1T = W1r.T.astype(_f32)
  wl2T = padT(W2l, WS)
  wr2T = padT(W2r, WS)
  br2 = jnp.pad(b2.astype(_f32), (0, WS - C)).reshape(1, WS)

  zeros_wide = jnp.zeros((RPT, H), _f32)
  zeros_narrow = jnp.zeros((RPT, WS), _f32)
  ones_rows = jnp.ones((CK, WS), _f32)

  src, dst = _tc_split_edges(edge_index)
  q = _sc_counts(dst, ones_rows, zeros_narrow)
  zl0, zr0 = _tc_dual_mm(x, wl0T, wr0T, b0.reshape(1, H))
  p0 = _sc_agg_wide(zl0, src, dst, zeros_wide)
  zl1, zr1, cnt16 = _tc_combine1(p0, q, zr0, wl1T, wr1T, b1.reshape(1, H))
  p1 = _sc_agg_wide(zl1, src, dst, zeros_wide)
  h1, zl2, zr2 = _tc_combine2(p1, cnt16, zr1, wl2T, wr2T, br2)
  p2 = _sc_agg_narrow(zl2, src, dst, zeros_narrow)
  out = _tc_final(p2, cnt16, zr2)[:, :C]
  return (out, out, h1)

# --- scband reference (transcript-rebuilt; emitter-appended) ---
"""Pipeline reference for scband-gcn-list-12687333392406 (READ-ONLY COPY).

The authoritative reference and input builder live on the scoring server;
editing this copy changes nothing except your own understanding.
"""

import jax, jax.numpy as jnp
import numpy as np

N = 10000
E = 320000
D = 128
H = 128
C = 4


def setup_inputs(seed: int = 0) -> dict:
    key = jax.random.key(seed)
    ks = jax.random.split(key, 12)
    x = jax.random.normal(ks[0], (N, D), dtype=jnp.float32)
    edge_index = jax.random.randint(ks[1], (2, E), 0, N, dtype=jnp.int32)
    s0 = 1.0 / np.sqrt(D)
    s1 = 1.0 / np.sqrt(H)
    W0l = jax.random.normal(ks[2], (H, D), dtype=jnp.float32) * s0
    b0 = jnp.zeros((H,), dtype=jnp.float32)
    W0r = jax.random.normal(ks[3], (H, D), dtype=jnp.float32) * s0
    W1l = jax.random.normal(ks[4], (H, H), dtype=jnp.float32) * s1
    b1 = jnp.zeros((H,), dtype=jnp.float32)
    W1r = jax.random.normal(ks[5], (H, H), dtype=jnp.float32) * s1
    W2l = jax.random.normal(ks[6], (C, H), dtype=jnp.float32) * s1
    b2 = jnp.zeros((C,), dtype=jnp.float32)
    W2r = jax.random.normal(ks[7], (C, H), dtype=jnp.float32) * s1
    return {"x": x, "W0l": W0l, "b0": b0, "W0r": W0r, "W1l": W1l, "b1": b1, "W1r": W1r, "W2l": W2l, "b2": b2, "W2r": W2r, "edge_index": edge_index}


def _sage_conv(x, edge_index, Wl, bl, Wr):
    # PyG SAGEConv: out = lin_l(mean_aggr(x_j)) + lin_r(x_i); bias lives on lin_l
    src = edge_index[0]
    dst = edge_index[1]
    msgs = jnp.take(x, src, axis=0)
    summed = jax.ops.segment_sum(msgs, dst, num_segments=N)
    cnt = jax.ops.segment_sum(jnp.ones((edge_index.shape[1],), dtype=x.dtype), dst, num_segments=N)
    mean = summed / jnp.maximum(cnt, 1.0)[:, None]
    return mean @ Wl.T + bl + x @ Wr.T


def reference(x, W0l, b0, W0r, W1l, b1, W1r, W2l, b2, W2r, edge_index):
    h = _sage_conv(x, edge_index, W0l, b0, W0r)
    h = jax.nn.relu(h)
    # F.dropout(p=0.5, training=self.training) -> identity in eval mode
    h1 = _sage_conv(h, edge_index, W1l, b1, W1r)
    out = _sage_conv(h1, edge_index, W2l, b2, W2r)
    return (out, out, h1)

if __name__ == "__main__":
    import jax
    _d = setup_inputs()
    print(jax.jit(kernel)(*tuple(_d.values())))

</pallas_src>

<mosaic_0001>
#map = affine_map<(d0, d1) -> (0)>
#map1 = affine_map<(d0, d1) -> (0, 0)>
#map2 = affine_map<(d0, d1) -> (0, 0, 0)>
module attributes {stable_mosaic.version = 14 : i64} {
  func.func @_sc_counts(%arg0: i32, %arg1: i32, %arg2: memref<320000xi32, #tpu.memory_space<hbm>>, %arg3: memref<80x16xf32, #tpu.memory_space<hbm>>, %arg4: memref<640x16xf32, #tpu.memory_space<hbm>>, %arg5: memref<2x10240x16xf32, #tpu.memory_space<hbm>>, %arg6: memref<80x16xf32, #tpu.memory_space<vmem>>, %arg7: memref<80xi32, #tpu.memory_space<vmem>>, %arg8: memref<80xi32, #tpu.memory_space<vmem>>, %arg9: memref<80xi32, #tpu.memory_space<vmem>>, %arg10: memref<80xi32, #tpu.memory_space<vmem>>, %arg11: memref<80xi32, #tpu.memory_space<vmem>>, %arg12: memref<80xi32, #tpu.memory_space<vmem>>, %arg13: memref<80xi32, #tpu.memory_space<vmem>>, %arg14: memref<80xi32, #tpu.memory_space<vmem>>, %arg15: memref<!tpu.dma_semaphore, #tpu.memory_space<semaphore_mem>>, %arg16: memref<!tpu.dma_semaphore, #tpu.memory_space<semaphore_mem>>, %arg17: memref<!tpu.dma_semaphore, #tpu.memory_space<semaphore_mem>>, %arg18: memref<!tpu.dma_semaphore, #tpu.memory_space<semaphore_mem>>, %arg19: memref<!tpu.dma_semaphore, #tpu.memory_space<semaphore_mem>>, %arg20: memref<!tpu.dma_semaphore, #tpu.memory_space<semaphore_mem>>, %arg21: memref<!tpu.dma_semaphore, #tpu.memory_space<semaphore_mem>>, %arg22: memref<!tpu.dma_semaphore, #tpu.memory_space<semaphore_mem>>, %arg23: memref<10240x16xf32, #tpu.memory_space<vmem_shared>>) attributes {dimension_semantics = [#tpu.dimension_semantics<core_parallel>, #tpu.dimension_semantics<subcore_parallel>], iteration_bounds = array<i64: 2, 16>, scalar_prefetch = 0 : i64, scratch_operands = 18 : i64, tpu.core_type = #tpu.core_type<sc_vector_subcore>, window_params = [{transform_indices = #map}, {transform_indices = #map1}, {transform_indices = #map1}, {transform_indices = #map2}]} {
    %mul3A = arith.constant 640 : i32
    %mul3A_0 = arith.muli %arg1, %mul3A : i32
    "tpu.region"() ({
      %run_scoped3A = tpu.sem_alloc : memref<!tpu.dma_semaphore, #tpu.memory_space<semaphore_mem>>
      %dma_start3A_55 = arith.constant 0 : i32
      %dma_start3A_56 = tpu.memref_slice %arg23[%mul3A_0, %dma_start3A_55] : memref<10240x16xf32, #tpu.memory_space<vmem_shared>> -> memref<640x16xf32, #tpu.memory_space<vmem_shared>>
      tpu.enqueue_dma source(%arg4 : memref<640x16xf32, #tpu.memory_space<hbm>>) target(%dma_start3A_56 : memref<640x16xf32, #tpu.memory_space<vmem_shared>>) target_semaphore(%run_scoped3A : memref<!tpu.dma_semaphore, #tpu.memory_space<semaphore_mem>>)
      %dma_wait3A_57 = arith.constant 0 : i32
      %dma_wait3A_58 = tpu.memref_slice %arg23[%mul3A_0, %dma_wait3A_57] : memref<10240x16xf32, #tpu.memory_space<vmem_shared>> -> memref<640x16xf32, #tpu.memory_space<vmem_shared>>
      tpu.wait_dma2 semaphore(%run_scoped3A : memref<!tpu.dma_semaphore, #tpu.memory_space<semaphore_mem>>) src(%arg4 : memref<640x16xf32, #tpu.memory_space<hbm>>) dst(%dma_wait3A_58 : memref<640x16xf32, #tpu.memory_space<vmem_shared>>)
      tpu.yield
    }) : () -> ()
    "tpu.region"() ({
      %run_scoped3A = tpu.sem_alloc : memref<!tpu.dma_semaphore, #tpu.memory_space<semaphore_mem>>
      tpu.enqueue_dma source(%arg3 : memref<80x16xf32, #tpu.memory_space<hbm>>) target(%arg6 : memref<80x16xf32, #tpu.memory_space<vmem>>) target_semaphore(%run_scoped3A : memref<!tpu.dma_semaphore, #tpu.memory_space<semaphore_mem>>)
      tpu.wait_dma2 semaphore(%run_scoped3A : memref<!tpu.dma_semaphore, #tpu.memory_space<semaphore_mem>>) src(%arg3 : memref<80x16xf32, #tpu.memory_space<hbm>>) dst(%arg6 : memref<80x16xf32, #tpu.memory_space<vmem>>)
      tpu.yield
    }) : () -> ()
    %mul3A_1 = arith.constant 2 : i32
    %mul3A_2 = arith.muli %arg1, %mul3A_1 : i32
    %add3A = arith.addi %mul3A_2, %arg0 : i32
    %mul3A_3 = arith.constant 10000 : i32
    %mul3A_4 = arith.muli %add3A, %mul3A_3 : i32
    %barrier3A = arith.constant 0 : index
    tpu.barrier barrier_id(%barrier3A)
    %add3A_5 = arith.constant 0 : i32
    %add3A_6 = arith.addi %mul3A_4, %add3A_5 : i32
    %dma_start3A = tpu.memref_slice %arg2[%add3A_6] : memref<320000xi32, #tpu.memory_space<hbm>> -> memref<80xi32, #tpu.memory_space<hbm>>
    %dma_start3A_7 = tpu.memref_slice %arg2[%add3A_6] : memref<320000xi32, #tpu.memory_space<hbm>> -> memref<80xi32, #tpu.memory_space<hbm>>
    tpu.enqueue_dma source(%dma_start3A_7 : memref<80xi32, #tpu.memory_space<hbm>>) target(%arg7 : memref<80xi32, #tpu.memory_space<vmem>>) target_semaphore(%arg15 : memref<!tpu.dma_semaphore, #tpu.memory_space<semaphore_mem>>)
    %add3A_8 = arith.constant 80 : i32
    %add3A_9 = arith.addi %mul3A_4, %add3A_8 : i32
    %dma_start3A_10 = tpu.memref_slice %arg2[%add3A_9] : memref<320000xi32, #tpu.memory_space<hbm>> -> memref<80xi32, #tpu.memory_space<hbm>>
    %dma_start3A_11 = tpu.memref_slice %arg2[%add3A_9] : memref<320000xi32, #tpu.memory_space<hbm>> -> memref<80xi32, #tpu.memory_space<hbm>>
    tpu.enqueue_dma source(%dma_start3A_11 : memref<80xi32, #tpu.memory_space<hbm>>) target(%arg8 : memref<80xi32, #tpu.memory_space<vmem>>) target_semaphore(%arg16 : memref<!tpu.dma_semaphore, #tpu.memory_space<semaphore_mem>>)
    %add3A_12 = arith.constant 160 : i32
    %add3A_13 = arith.addi %mul3A_4, %add3A_12 : i32
    %dma_start3A_14 = tpu.memref_slice %arg2[%add3A_13] : memref<320000xi32, #tpu.memory_space<hbm>> -> memref<80xi32, #tpu.memory_space<hbm>>
    %dma_start3A_15 = tpu.memref_slice %arg2[%add3A_13] : memref<320000xi32, #tpu.memory_space<hbm>> -> memref<80xi32, #tpu.memory_space<hbm>>
    tpu.enqueue_dma source(%dma_start3A_15 : memref<80xi32, #tpu.memory_space<hbm>>) target(%arg9 : memref<80xi32, #tpu.memory_space<vmem>>) target_semaphore(%arg17 : memref<!tpu.dma_semaphore, #tpu.memory_space<semaphore_mem>>)
    %add3A_16 = arith.constant 240 : i32
    %add3A_17 = arith.addi %mul3A_4, %add3A_16 : i32
    %dma_start3A_18 = tpu.memref_slice %arg2[%add3A_17] : memref<320000xi32, #tpu.memory_space<hbm>> -> memref<80xi32, #tpu.memory_space<hbm>>
    %dma_start3A_19 = tpu.memref_slice %arg2[%add3A_17] : memref<320000xi32, #tpu.memory_space<hbm>> -> memref<80xi32, #tpu.memory_space<hbm>>
    tpu.enqueue_dma source(%dma_start3A_19 : memref<80xi32, #tpu.memory_space<hbm>>) target(%arg10 : memref<80xi32, #tpu.memory_space<vmem>>) target_semaphore(%arg18 : memref<!tpu.dma_semaphore, #tpu.memory_space<semaphore_mem>>)
    %add3A_20 = arith.constant 320 : i32
    %add3A_21 = arith.addi %mul3A_4, %add3A_20 : i32
    %dma_start3A_22 = tpu.memref_slice %arg2[%add3A_21] : memref<320000xi32, #tpu.memory_space<hbm>> -> memref<80xi32, #tpu.memory_space<hbm>>
    %dma_start3A_23 = tpu.memref_slice %arg2[%add3A_21] : memref<320000xi32, #tpu.memory_space<hbm>> -> memref<80xi32, #tpu.memory_space<hbm>>
    tpu.enqueue_dma source(%dma_start3A_23 : memref<80xi32, #tpu.memory_space<hbm>>) target(%arg11 : memref<80xi32, #tpu.memory_space<vmem>>) target_semaphore(%arg19 : memref<!tpu.dma_semaphore, #tpu.memory_space<semaphore_mem>>)
    %add3A_24 = arith.constant 400 : i32
    %add3A_25 = arith.addi %mul3A_4, %add3A_24 : i32
    %dma_start3A_26 = tpu.memref_slice %arg2[%add3A_25] : memref<320000xi32, #tpu.memory_space<hbm>> -> memref<80xi32, #tpu.memory_space<hbm>>
    %dma_start3A_27 = tpu.memref_slice %arg2[%add3A_25] : memref<320000xi32, #tpu.memory_space<hbm>> -> memref<80xi32, #tpu.memory_space<hbm>>
    tpu.enqueue_dma source(%dma_start3A_27 : memref<80xi32, #tpu.memory_space<hbm>>) target(%arg12 : memref<80xi32, #tpu.memory_space<vmem>>) target_semaphore(%arg20 : memref<!tpu.dma_semaphore, #tpu.memory_space<semaphore_mem>>)
    %add3A_28 = arith.constant 480 : i32
    %add3A_29 = arith.addi %mul3A_4, %add3A_28 : i32
    %dma_start3A_30 = tpu.memref_slice %arg2[%add3A_29] : memref<320000xi32, #tpu.memory_space<hbm>> -> memref<80xi32, #tpu.memory_space<hbm>>
    %dma_start3A_31 = tpu.memref_slice %arg2[%add3A_29] : memref<320000xi32, #tpu.memory_space<hbm>> -> memref<80xi32, #tpu.memory_space<hbm>>
    tpu.enqueue_dma source(%dma_start3A_31 : memref<80xi32, #tpu.memory_space<hbm>>) target(%arg13 : memref<80xi32, #tpu.memory_space<vmem>>) target_semaphore(%arg21 : memref<!tpu.dma_semaphore, #tpu.memory_space<semaphore_mem>>)
    %add3A_32 = arith.constant 560 : i32
    %add3A_33 = arith.addi %mul3A_4, %add3A_32 : i32
    %dma_start3A_34 = tpu.memref_slice %arg2[%add3A_33] : memref<320000xi32, #tpu.memory_space<hbm>> -> memref<80xi32, #tpu.memory_space<hbm>>
    %dma_start3A_35 = tpu.memref_slice %arg2[%add3A_33] : memref<320000xi32, #tpu.memory_space<hbm>> -> memref<80xi32, #tpu.memory_space<hbm>>
    tpu.enqueue_dma source(%dma_start3A_35 : memref<80xi32, #tpu.memory_space<hbm>>) target(%arg14 : memref<80xi32, #tpu.memory_space<vmem>>) target_semaphore(%arg22 : memref<!tpu.dma_semaphore, #tpu.memory_space<semaphore_mem>>)
    %scan3A = arith.constant 0 : i32
    %scan3A_36 = arith.constant 0 : i32
    %scan3A_37 = arith.constant 15 : i32
    %scan3A_38 = arith.addi %scan3A_36, %scan3A_37 : i32
    %scan3A_39 = arith.constant 1 : i32
    scf.for %scan3A_55 = %scan3A_36 to %scan3A_38 step %scan3A_39  : i32 {
      %mul3A_56 = arith.constant 8 : i32
      %mul3A_57 = arith.muli %scan3A_55, %mul3A_56 : i32
      %add3A_58 = arith.constant 0 : i32
      %add3A_59 = arith.addi %mul3A_57, %add3A_58 : i32
      %dma_wait3A_60 = tpu.memref_slice %arg2[%mul3A_4] : memref<320000xi32, #tpu.memory_space<hbm>> -> memref<80xi32, #tpu.memory_space<hbm>>
      %dma_wait3A_61 = tpu.memref_slice %arg2[%mul3A_4] : memref<320000xi32, #tpu.memory_space<hbm>> -> memref<80xi32, #tpu.memory_space<hbm>>
      tpu.wait_dma2 semaphore(%arg15 : memref<!tpu.dma_semaphore, #tpu.memory_space<semaphore_mem>>) src(%dma_wait3A_61 : memref<80xi32, #tpu.memory_space<hbm>>) dst(%arg7 : memref<80xi32, #tpu.memory_space<vmem>>)
      "tpu.region"() ({
        %run_scoped3A = tpu.sem_alloc : memref<!tpu.dma_semaphore, #tpu.memory_space<semaphore_mem>>
        %dma_start3A_157 = arith.constant 0 : i32
        %dma_start3A_158 = arith.constant 0 : i32
        %dma_start3A_159 = tpu.memref_slice %arg23[%dma_start3A_157, %dma_start3A_158] : memref<10240x16xf32, #tpu.memory_space<vmem_shared>> -> memref<10240x16xf32, #tpu.memory_space<vmem_shared>>
        tpu.enqueue_indirect_dma source(%arg6 : memref<80x16xf32, #tpu.memory_space<vmem>>) target(%dma_start3A_159 : memref<10240x16xf32, #tpu.memory_space<vmem_shared>>) offsets(%arg7 : memref<80xi32, #tpu.memory_space<vmem>>) semaphore(%run_scoped3A : memref<!tpu.dma_semaphore, #tpu.memory_space<semaphore_mem>>) {add = true}
        %dma_wait3A_160 = arith.constant 0 : i32
        %dma_wait3A_161 = arith.constant 0 : i32
        %dma_wait3A_162 = tpu.memref_slice %arg23[%dma_wait3A_160, %dma_wait3A_161] : memref<10240x16xf32, #tpu.memory_space<vmem_shared>> -> memref<10240x16xf32, #tpu.memory_space<vmem_shared>>
        tpu.wait_indirect_dma semaphore(%run_scoped3A : memref<!tpu.dma_semaphore, #tpu.memory_space<semaphore_mem>>) src(%arg6 : memref<80x16xf32, #tpu.memory_space<vmem>>) dst(%dma_wait3A_162 : memref<10240x16xf32, #tpu.memory_space<vmem_shared>>)
        tpu.yield
      }) : () -> ()
      %add3A_62 = arith.constant 8 : i32
      %add3A_63 = arith.addi %add3A_59, %add3A_62 : i32
      %lt3A = arith.constant 125 : i32
      %lt3A_64 = arith.cmpi slt, %add3A_63, %lt3A : i32
      %convert_element_type3A = arith.extui %lt3A_64 : i1 to i32
      %cond3A = arith.constant 0 : i32
      %cond3A_65 = arith.cmpi ne, %convert_element_type3A, %cond3A : i32
      scf.if %cond3A_65 {
        %add3A_157 = arith.constant 8 : i32
        %add3A_158 = arith.addi %add3A_59, %add3A_157 : i32
        %mul3A_159 = arith.constant 80 : i32
        %mul3A_160 = arith.muli %add3A_158, %mul3A_159 : i32
        %add3A_161 = arith.addi %mul3A_4, %mul3A_160 : i32
        %dma_start3A_162 = tpu.memref_slice %arg2[%add3A_161] : memref<320000xi32, #tpu.memory_space<hbm>> -> memref<80xi32, #tpu.memory_space<hbm>>
        %dma_start3A_163 = tpu.memref_slice %arg2[%add3A_161] : memref<320000xi32, #tpu.memory_space<hbm>> -> memref<80xi32, #tpu.memory_space<hbm>>
        tpu.enqueue_dma source(%dma_start3A_163 : memref<80xi32, #tpu.memory_space<hbm>>) target(%arg7 : memref<80xi32, #tpu.memory_space<vmem>>) target_semaphore(%arg15 : memref<!tpu.dma_semaphore, #tpu.memory_space<semaphore_mem>>)
      } else {
      }
      %mul3A_66 = arith.constant 8 : i32
      %mul3A_67 = arith.muli %scan3A_55, %mul3A_66 : i32
      %add3A_68 = arith.constant 1 : i32
      %add3A_69 = arith.addi %mul3A_67, %add3A_68 : i32
      %dma_wait3A_70 = tpu.memref_slice %arg2[%mul3A_4] : memref<320000xi32, #tpu.memory_space<hbm>> -> memref<80xi32, #tpu.memory_space<hbm>>
      %dma_wait3A_71 = tpu.memref_slice %arg2[%mul3A_4] : memref<320000xi32, #tpu.memory_space<hbm>> -> memref<80xi32, #tpu.memory_space<hbm>>
      tpu.wait_dma2 semaphore(%arg16 : memref<!tpu.dma_semaphore, #tpu.memory_space<semaphore_mem>>) src(%dma_wait3A_71 : memref<80xi32, #tpu.memory_space<hbm>>) dst(%arg8 : memref<80xi32, #tpu.memory_space<vmem>>)
      "tpu.region"() ({
        %run_scoped3A = tpu.sem_alloc : memref<!tpu.dma_semaphore, #tpu.memory_space<semaphore_mem>>
        %dma_start3A_157 = arith.constant 0 : i32
        %dma_start3A_158 = arith.constant 0 : i32
        %dma_start3A_159 = tpu.memref_slice %arg23[%dma_start3A_157, %dma_start3A_158] : memref<10240x16xf32, #tpu.memory_space<vmem_shared>> -> memref<10240x16xf32, #tpu.memory_space<vmem_shared>>
        tpu.enqueue_indirect_dma source(%arg6 : memref<80x16xf32, #tpu.memory_space<vmem>>) target(%dma_start3A_159 : memref<10240x16xf32, #tpu.memory_space<vmem_shared>>) offsets(%arg8 : memref<80xi32, #tpu.memory_space<vmem>>) semaphore(%run_scoped3A : memref<!tpu.dma_semaphore, #tpu.memory_space<semaphore_mem>>) {add = true}
        %dma_wait3A_160 = arith.constant 0 : i32
        %dma_wait3A_161 = arith.constant 0 : i32
        %dma_wait3A_162 = tpu.memref_slice %arg23[%dma_wait3A_160, %dma_wait3A_161] : memref<10240x16xf32, #tpu.memory_space<vmem_shared>> -> memref<10240x16xf32, #tpu.memory_space<vmem_shared>>
        tpu.wait_indirect_dma semaphore(%run_scoped3A : memref<!tpu.dma_semaphore, #tpu.memory_space<semaphore_mem>>) src(%arg6 : memref<80x16xf32, #tpu.memory_space<vmem>>) dst(%dma_wait3A_162 : memref<10240x16xf32, #tpu.memory_space<vmem_shared>>)
        tpu.yield
      }) : () -> ()
      %add3A_72 = arith.constant 8 : i32
      %add3A_73 = arith.addi %add3A_69, %add3A_72 : i32
      %lt3A_74 = arith.constant 125 : i32
      %lt3A_75 = arith.cmpi slt, %add3A_73, %lt3A_74 : i32
      %convert_element_type3A_76 = arith.extui %lt3A_75 : i1 to i32
      %cond3A_77 = arith.constant 0 : i32
      %cond3A_78 = arith.cmpi ne, %convert_element_type3A_76, %cond3A_77 : i32
      scf.if %cond3A_78 {
        %add3A_157 = arith.constant 8 : i32
        %add3A_158 = arith.addi %add3A_69, %add3A_157 : i32
        %mul3A_159 = arith.constant 80 : i32
        %mul3A_160 = arith.muli %add3A_158, %mul3A_159 : i32
        %add3A_161 = arith.addi %mul3A_4, %mul3A_160 : i32
        %dma_start3A_162 = tpu.memref_slice %arg2[%add3A_161] : memref<320000xi32, #tpu.memory_space<hbm>> -> memref<80xi32, #tpu.memory_space<hbm>>
        %dma_start3A_163 = tpu.memref_slice %arg2[%add3A_161] : memref<320000xi32, #tpu.memory_space<hbm>> -> memref<80xi32, #tpu.memory_space<hbm>>
        tpu.enqueue_dma source(%dma_start3A_163 : memref<80xi32, #tpu.memory_space<hbm>>) target(%arg8 : memref<80xi32, #tpu.memory_space<vmem>>) target_semaphore(%arg16 : memref<!tpu.dma_semaphore, #tpu.memory_space<semaphore_mem>>)
      } else {
      }
      %mul3A_79 = arith.constant 8 : i32
      %mul3A_80 = arith.muli %scan3A_55, %mul3A_79 : i32
      %add3A_81 = arith.constant 2 : i32
      %add3A_82 = arith.addi %mul3A_80, %add3A_81 : i32
      %dma_wait3A_83 = tpu.memref_slice %arg2[%mul3A_4] : memref<320000xi32, #tpu.memory_space<hbm>> -> memref<80xi32, #tpu.memory_space<hbm>>
      %dma_wait3A_84 = tpu.memref_slice %arg2[%mul3A_4] : memref<320000xi32, #tpu.memory_space<hbm>> -> memref<80xi32, #tpu.memory_space<hbm>>
      tpu.wait_dma2 semaphore(%arg17 : memref<!tpu.dma_semaphore, #tpu.memory_space<semaphore_mem>>) src(%dma_wait3A_84 : memref<80xi32, #tpu.memory_space<hbm>>) dst(%arg9 : memref<80xi32, #tpu.memory_space<vmem>>)
      "tpu.region"() ({
        %run_scoped3A = tpu.sem_alloc : memref<!tpu.dma_semaphore, #tpu.memory_space<semaphore_mem>>
        %dma_start3A_157 = arith.constant 0 : i32
        %dma_start3A_158 = arith.constant 0 : i32
        %dma_start3A_159 = tpu.memref_slice %arg23[%dma_start3A_157, %dma_start3A_158] : memref<10240x16xf32, #tpu.memory_space<vmem_shared>> -> memref<10240x16xf32, #tpu.memory_space<vmem_shared>>
        tpu.enqueue_indirect_dma source(%arg6 : memref<80x16xf32, #tpu.memory_space<vmem>>) target(%dma_start3A_159 : memref<10240x16xf32, #tpu.memory_space<vmem_shared>>) offsets(%arg9 : memref<80xi32, #tpu.memory_space<vmem>>) semaphore(%run_scoped3A : memref<!tpu.dma_semaphore, #tpu.memory_space<semaphore_mem>>) {add = true}
        %dma_wait3A_160 = arith.constant 0 : i32
        %dma_wait3A_161 = arith.constant 0 : i32
        %dma_wait3A_162 = tpu.memref_slice %arg23[%dma_wait3A_160, %dma_wait3A_161] : memref<10240x16xf32, #tpu.memory_space<vmem_shared>> -> memref<10240x16xf32, #tpu.memory_space<vmem_shared>>
        tpu.wait_indirect_dma semaphore(%run_scoped3A : memref<!tpu.dma_semaphore, #tpu.memory_space<semaphore_mem>>) src(%arg6 : memref<80x16xf32, #tpu.memory_space<vmem>>) dst(%dma_wait3A_162 : memref<10240x16xf32, #tpu.memory_space<vmem_shared>>)
        tpu.yield
      }) : () -> ()
      %add3A_85 = arith.constant 8 : i32
      %add3A_86 = arith.addi %add3A_82, %add3A_85 : i32
      %lt3A_87 = arith.constant 125 : i32
      %lt3A_88 = arith.cmpi slt, %add3A_86, %lt3A_87 : i32
      %convert_element_type3A_89 = arith.extui %lt3A_88 : i1 to i32
      %cond3A_90 = arith.constant 0 : i32
      %cond3A_91 = arith.cmpi ne, %convert_element_type3A_89, %cond3A_90 : i32
      scf.if %cond3A_91 {
        %add3A_157 = arith.constant 8 : i32
        %add3A_158 = arith.addi %add3A_82, %add3A_157 : i32
        %mul3A_159 = arith.constant 80 : i32
        %mul3A_160 = arith.muli %add3A_158, %mul3A_159 : i32
        %add3A_161 = arith.addi %mul3A_4, %mul3A_160 : i32
        %dma_start3A_162 = tpu.memref_slice %arg2[%add3A_161] : memref<320000xi32, #tpu.memory_space<hbm>> -> memref<80xi32, #tpu.memory_space<hbm>>
        %dma_start3A_163 = tpu.memref_slice %arg2[%add3A_161] : memref<320000xi32, #tpu.memory_space<hbm>> -> memref<80xi32, #tpu.memory_space<hbm>>
        tpu.enqueue_dma source(%dma_start3A_163 : memref<80xi32, #tpu.memory_space<hbm>>) target(%arg9 : memref<80xi32, #tpu.memory_space<vmem>>) target_semaphore(%arg17 : memref<!tpu.dma_semaphore, #tpu.memory_space<semaphore_mem>>)
      } else {
      }
      %mul3A_92 = arith.constant 8 : i32
      %mul3A_93 = arith.muli %scan3A_55, %mul3A_92 : i32
      %add3A_94 = arith.constant 3 : i32
      %add3A_95 = arith.addi %mul3A_93, %add3A_94 : i32
      %dma_wait3A_96 = tpu.memref_slice %arg2[%mul3A_4] : memref<320000xi32, #tpu.memory_space<hbm>> -> memref<80xi32, #tpu.memory_space<hbm>>
      %dma_wait3A_97 = tpu.memref_slice %arg2[%mul3A_4] : memref<320000xi32, #tpu.memory_space<hbm>> -> memref<80xi32, #tpu.memory_space<hbm>>
      tpu.wait_dma2 semaphore(%arg18 : memref<!tpu.dma_semaphore, #tpu.memory_space<semaphore_mem>>) src(%dma_wait3A_97 : memref<80xi32, #tpu.memory_space<hbm>>) dst(%arg10 : memref<80xi32, #tpu.memory_space<vmem>>)
      "tpu.region"() ({
        %run_scoped3A = tpu.sem_alloc : memref<!tpu.dma_semaphore, #tpu.memory_space<semaphore_mem>>
        %dma_start3A_157 = arith.constant 0 : i32
        %dma_start3A_158 = arith.constant 0 : i32
        %dma_start3A_159 = tpu.memref_slice %arg23[%dma_start3A_157, %dma_start3A_158] : memref<10240x16xf32, #tpu.memory_space<vmem_shared>> -> memref<10240x16xf32, #tpu.memory_space<vmem_shared>>
        tpu.enqueue_indirect_dma source(%arg6 : memref<80x16xf32, #tpu.memory_space<vmem>>) target(%dma_start3A_159 : memref<10240x16xf32, #tpu.memory_space<vmem_shared>>) offsets(%arg10 : memref<80xi32, #tpu.memory_space<vmem>>) semaphore(%run_scoped3A : memref<!tpu.dma_semaphore, #tpu.memory_space<semaphore_mem>>) {add = true}
        %dma_wait3A_160 = arith.constant 0 : i32
        %dma_wait3A_161 = arith.constant 0 : i32
        %dma_wait3A_162 = tpu.memref_slice %arg23[%dma_wait3A_160, %dma_wait3A_161] : memref<10240x16xf32, #tpu.memory_space<vmem_shared>> -> memref<10240x16xf32, #tpu.memory_space<vmem_shared>>
        tpu.wait_indirect_dma semaphore(%run_scoped3A : memref<!tpu.dma_semaphore, #tpu.memory_space<semaphore_mem>>) src(%arg6 : memref<80x16xf32, #tpu.memory_space<vmem>>) dst(%dma_wait3A_162 : memref<10240x16xf32, #tpu.memory_space<vmem_shared>>)
        tpu.yield
      }) : () -> ()
      %add3A_98 = arith.constant 8 : i32
      %add3A_99 = arith.addi %add3A_95, %add3A_98 : i32
      %lt3A_100 = arith.constant 125 : i32
      %lt3A_101 = arith.cmpi slt, %add3A_99, %lt3A_100 : i32
      %convert_element_type3A_102 = arith.extui %lt3A_101 : i1 to i32
      %cond3A_103 = arith.constant 0 : i32
      %cond3A_104 = arith.cmpi ne, %convert_element_type3A_102, %cond3A_103 : i32
      scf.if %cond3A_104 {
        %add3A_157 = arith.constant 8 : i32
        %add3A_158 = arith.addi %add3A_95, %add3A_157 : i32
        %mul3A_159 = arith.constant 80 : i32
        %mul3A_160 = arith.muli %add3A_158, %mul3A_159 : i32
        %add3A_161 = arith.addi %mul3A_4, %mul3A_160 : i32
        %dma_start3A_162 = tpu.memref_slice %arg2[%add3A_161] : memref<320000xi32, #tpu.memory_space<hbm>> -> memref<80xi32, #tpu.memory_space<hbm>>
        %dma_start3A_163 = tpu.memref_slice %arg2[%add3A_161] : memref<320000xi32, #tpu.memory_space<hbm>> -> memref<80xi32, #tpu.memory_space<hbm>>
        tpu.enqueue_dma source(%dma_start3A_163 : memref<80xi32, #tpu.memory_space<hbm>>) target(%arg10 : memref<80xi32, #tpu.memory_space<vmem>>) target_semaphore(%arg18 : memref<!tpu.dma_semaphore, #tpu.memory_space<semaphore_mem>>)
      } else {
      }
      %mul3A_105 = arith.constant 8 : i32
      %mul3A_106 = arith.muli %scan3A_55, %mul3A_105 : i32
      %add3A_107 = arith.constant 4 : i32
      %add3A_108 = arith.addi %mul3A_106, %add3A_107 : i32
      %dma_wait3A_109 = tpu.memref_slice %arg2[%mul3A_4] : memref<320000xi32, #tpu.memory_space<hbm>> -> memref<80xi32, #tpu.memory_space<hbm>>
      %dma_wait3A_110 = tpu.memref_slice %arg2[%mul3A_4] : memref<320000xi32, #tpu.memory_space<hbm>> -> memref<80xi32, #tpu.memory_space<hbm>>
      tpu.wait_dma2 semaphore(%arg19 : memref<!tpu.dma_semaphore, #tpu.memory_space<semaphore_mem>>) src(%dma_wait3A_110 : memref<80xi32, #tpu.memory_space<hbm>>) dst(%arg11 : memref<80xi32, #tpu.memory_space<vmem>>)
      "tpu.region"() ({
        %run_scoped3A = tpu.sem_alloc : memref<!tpu.dma_semaphore, #tpu.memory_space<semaphore_mem>>
        %dma_start3A_157 = arith.constant 0 : i32
        %dma_start3A_158 = arith.constant 0 : i32
        %dma_start3A_159 = tpu.memref_slice %arg23[%dma_start3A_157, %dma_start3A_158] : memref<10240x16xf32, #tpu.memory_space<vmem_shared>> -> memref<10240x16xf32, #tpu.memory_space<vmem_shared>>
        tpu.enqueue_indirect_dma source(%arg6 : memref<80x16xf32, #tpu.memory_space<vmem>>) target(%dma_start3A_159 : memref<10240x16xf32, #tpu.memory_space<vmem_shared>>) offsets(%arg11 : memref<80xi32, #tpu.memory_space<vmem>>) semaphore(%run_scoped3A : memref<!tpu.dma_semaphore, #tpu.memory_space<semaphore_mem>>) {add = true}
        %dma_wait3A_160 = arith.constant 0 : i32
        %dma_wait3A_161 = arith.constant 0 : i32
        %dma_wait3A_162 = tpu.memref_slice %arg23[%dma_wait3A_160, %dma_wait3A_161] : memref<10240x16xf32, #tpu.memory_space<vmem_shared>> -> memref<10240x16xf32, #tpu.memory_space<vmem_shared>>
        tpu.wait_indirect_dma semaphore(%run_scoped3A : memref<!tpu.dma_semaphore, #tpu.memory_space<semaphore_mem>>) src(%arg6 : memref<80x16xf32, #tpu.memory_space<vmem>>) dst(%dma_wait3A_162 : memref<10240x16xf32, #tpu.memory_space<vmem_shared>>)
        tpu.yield
      }) : () -> ()
      %add3A_111 = arith.constant 8 : i32
      %add3A_112 = arith.addi %add3A_108, %add3A_111 : i32
      %lt3A_113 = arith.constant 125 : i32
      %lt3A_114 = arith.cmpi slt, %add3A_112, %lt3A_113 : i32
      %convert_element_type3A_115 = arith.extui %lt3A_114 : i1 to i32
      %cond3A_116 = arith.constant 0 : i32
      %cond3A_117 = arith.cmpi ne, %convert_element_type3A_115, %cond3A_116 : i32
      scf.if %cond3A_117 {
        %add3A_157 = arith.constant 8 : i32
        %add3A_158 = arith.addi %add3A_108, %add3A_157 : i32
        %mul3A_159 = arith.constant 80 : i32
        %mul3A_160 = arith.muli %add3A_158, %mul3A_159 : i32
        %add3A_161 = arith.addi %mul3A_4, %mul3A_160 : i32
        %dma_start3A_162 = tpu.memref_slice %arg2[%add3A_161] : memref<320000xi32, #tpu.memory_space<hbm>> -> memref<80xi32, #tpu.memory_space<hbm>>
        %dma_start3A_163 = tpu.memref_slice %arg2[%add3A_161] : memref<320000xi32, #tpu.memory_space<hbm>> -> memref<80xi32, #tpu.memory_space<hbm>>
        tpu.enqueue_dma source(%dma_start3A_163 : memref<80xi32, #tpu.memory_space<hbm>>) target(%arg11 : memref<80xi32, #tpu.memory_space<vmem>>) target_semaphore(%arg19 : memref<!tpu.dma_semaphore, #tpu.memory_space<semaphore_mem>>)
      } else {
      }
      %mul3A_118 = arith.constant 8 : i32
      %mul3A_119 = arith.muli %scan3A_55, %mul3A_118 : i32
      %add3A_120 = arith.constant 5 : i32
      %add3A_121 = arith.addi %mul3A_119, %add3A_120 : i32
      %dma_wait3A_122 = tpu.memref_slice %arg2[%mul3A_4] : memref<320000xi32, #tpu.memory_space<hbm>> -> memref<80xi32, #tpu.memory_space<hbm>>
      %dma_wait3A_123 = tpu.memref_slice %arg2[%mul3A_4] : memref<320000xi32, #tpu.memory_space<hbm>> -> memref<80xi32, #tpu.memory_space<hbm>>
      tpu.wait_dma2 semaphore(%arg20 : memref<!tpu.dma_semaphore, #tpu.memory_space<semaphore_mem>>) src(%dma_wait3A_123 : memref<80xi32, #tpu.memory_space<hbm>>) dst(%arg12 : memref<80xi32, #tpu.memory_space<vmem>>)
      "tpu.region"() ({
        %run_scoped3A = tpu.sem_alloc : memref<!tpu.dma_semaphore, #tpu.memory_space<semaphore_mem>>
        %dma_start3A_157 = arith.constant 0 : i32
        %dma_start3A_158 = arith.constant 0 : i32
        %dma_start3A_159 = tpu.memref_slice %arg23[%dma_start3A_157, %dma_start3A_158] : memref<10240x16xf32, #tpu.memory_space<vmem_shared>> -> memref<10240x16xf32, #tpu.memory_space<vmem_shared>>
        tpu.enqueue_indirect_dma source(%arg6 : memref<80x16xf32, #tpu.memory_space<vmem>>) target(%dma_start3A_159 : memref<10240x16xf32, #tpu.memory_space<vmem_shared>>) offsets(%arg12 : memref<80xi32, #tpu.memory_space<vmem>>) semaphore(%run_scoped3A : memref<!tpu.dma_semaphore, #tpu.memory_space<semaphore_mem>>) {add = true}
        %dma_wait3A_160 = arith.constant 0 : i32
        %dma_wait3A_161 = arith.constant 0 : i32
        %dma_wait3A_162 = tpu.memref_slice %arg23[%dma_wait3A_160, %dma_wait3A_161] : memref<10240x16xf32, #tpu.memory_space<vmem_shared>> -> memref<10240x16xf32, #tpu.memory_space<vmem_shared>>
        tpu.wait_indirect_dma semaphore(%run_scoped3A : memref<!tpu.dma_semaphore, #tpu.memory_space<semaphore_mem>>) src(%arg6 : memref<80x16xf32, #tpu.memory_space<vmem>>) dst(%dma_wait3A_162 : memref<10240x16xf32, #tpu.memory_space<vmem_shared>>)
        tpu.yield
      }) : () -> ()
      %add3A_124 = arith.constant 8 : i32
      %add3A_125 = arith.addi %add3A_121, %add3A_124 : i32
      %lt3A_126 = arith.constant 125 : i32
      %lt3A_127 = arith.cmpi slt, %add3A_125, %lt3A_126 : i32
      %convert_element_type3A_128 = arith.extui %lt3A_127 : i1 to i32
      %cond3A_129 = arith.constant 0 : i32
      %cond3A_130 = arith.cmpi ne, %convert_element_type3A_128, %cond3A_129 : i32
      scf.if %cond3A_130 {
        %add3A_157 = arith.constant 8 : i32
        %add3A_158 = arith.addi %add3A_121, %add3A_157 : i32
        %mul3A_159 = arith.constant 80 : i32
        %mul3A_160 = arith.muli %add3A_158, %mul3A_159 : i32
        %add3A_161 = arith.addi %mul3A_4, %mul3A_160 : i32
        %dma_start3A_162 = tpu.memref_slice %arg2[%add3A_161] : memref<320000xi32, #tpu.memory_space<hbm>> -> memref<80xi32, #tpu.memory_space<hbm>>
        %dma_start3A_163 = tpu.memref_slice %arg2[%add3A_161] : memref<320000xi32, #tpu.memory_space<hbm>> -> memref<80xi32, #tpu.memory_space<hbm>>
        tpu.enqueue_dma source(%dma_start3A_163 : memref<80xi32, #tpu.memory_space<hbm>>) target(%arg12 : memref<80xi32, #tpu.memory_space<vmem>>) target_semaphore(%arg20 : memref<!tpu.dma_semaphore, #tpu.memory_space<semaphore_mem>>)
      } else {
      }
      %mul3A_131 = arith.constant 8 : i32
      %mul3A_132 = arith.muli %scan3A_55, %mul3A_131 : i32
      %add3A_133 = arith.constant 6 : i32
      %add3A_134 = arith.addi %mul3A_132, %add3A_133 : i32
      %dma_wait3A_135 = tpu.memref_slice %arg2[%mul3A_4] : memref<320000xi32, #tpu.memory_space<hbm>> -> memref<80xi32, #tpu.memory_space<hbm>>
      %dma_wait3A_136 = tpu.memref_slice %arg2[%mul3A_4] : memref<320000xi32, #tpu.memory_space<hbm>> -> memref<80xi32, #tpu.memory_space<hbm>>
      tpu.wait_dma2 semaphore(%arg21 : memref<!tpu.dma_semaphore, #tpu.memory_space<semaphore_mem>>) src(%dma_wait3A_136 : memref<80xi32, #tpu.memory_space<hbm>>) dst(%arg13 : memref<80xi32, #tpu.memory_space<vmem>>)
      "tpu.region"() ({
        %run_scoped3A = tpu.sem_alloc : memref<!tpu.dma_semaphore, #tpu.memory_space<semaphore_mem>>
        %dma_start3A_157 = arith.constant 0 : i32
        %dma_start3A_158 = arith.constant 0 : i32
        %dma_start3A_159 = tpu.memref_slice %arg23[%dma_start3A_157, %dma_start3A_158] : memref<10240x16xf32, #tpu.memory_space<vmem_shared>> -> memref<10240x16xf32, #tpu.memory_space<vmem_shared>>
        tpu.enqueue_indirect_dma source(%arg6 : memref<80x16xf32, #tpu.memory_space<vmem>>) target(%dma_start3A_159 : memref<10240x16xf32, #tpu.memory_space<vmem_shared>>) offsets(%arg13 : memref<80xi32, #tpu.memory_space<vmem>>) semaphore(%run_scoped3A : memref<!tpu.dma_semaphore, #tpu.memory_space<semaphore_mem>>) {add = true}
        %dma_wait3A_160 = arith.constant 0 : i32
        %dma_wait3A_161 = arith.constant 0 : i32
        %dma_wait3A_162 = tpu.memref_slice %arg23[%dma_wait3A_160, %dma_wait3A_161] : memref<10240x16xf32, #tpu.memory_space<vmem_shared>> -> memref<10240x16xf32, #tpu.memory_space<vmem_shared>>
        tpu.wait_indirect_dma semaphore(%run_scoped3A : memref<!tpu.dma_semaphore, #tpu.memory_space<semaphore_mem>>) src(%arg6 : memref<80x16xf32, #tpu.memory_space<vmem>>) dst(%dma_wait3A_162 : memref<10240x16xf32, #tpu.memory_space<vmem_shared>>)
        tpu.yield
      }) : () -> ()
      %add3A_137 = arith.constant 8 : i32
      %add3A_138 = arith.addi %add3A_134, %add3A_137 : i32
      %lt3A_139 = arith.constant 125 : i32
      %lt3A_140 = arith.cmpi slt, %add3A_138, %lt3A_139 : i32
      %convert_element_type3A_141 = arith.extui %lt3A_140 : i1 to i32
      %cond3A_142 = arith.constant 0 : i32
      %cond3A_143 = arith.cmpi ne, %convert_element_type3A_141, %cond3A_142 : i32
      scf.if %cond3A_143 {
        %add3A_157 = arith.constant 8 : i32
        %add3A_158 = arith.addi %add3A_134, %add3A_157 : i32
        %mul3A_159 = arith.constant 80 : i32
        %mul3A_160 = arith.muli %add3A_158, %mul3A_159 : i32
        %add3A_161 = arith.addi %mul3A_4, %mul3A_160 : i32
        %dma_start3A_162 = tpu.memref_slice %arg2[%add3A_161] : memref<320000xi32, #tpu.memory_space<hbm>> -> memref<80xi32, #tpu.memory_space<hbm>>
        %dma_start3A_163 = tpu.memref_slice %arg2[%add3A_161] : memref<320000xi32, #tpu.memory_space<hbm>> -> memref<80xi32, #tpu.memory_space<hbm>>
        tpu.enqueue_dma source(%dma_start3A_163 : memref<80xi32, #tpu.memory_space<hbm>>) target(%arg13 : memref<80xi32, #tpu.memory_space<vmem>>) target_semaphore(%arg21 : memref<!tpu.dma_semaphore, #tpu.memory_space<semaphore_mem>>)
      } else {
      }
      %mul3A_144 = arith.constant 8 : i32
      %mul3A_145 = arith.muli %scan3A_55, %mul3A_144 : i32
      %add3A_146 = arith.constant 7 : i32
      %add3A_147 = arith.addi %mul3A_145, %add3A_146 : i32
      %dma_wait3A_148 = tpu.memref_slice %arg2[%mul3A_4] : memref<320000xi32, #tpu.memory_space<hbm>> -> memref<80xi32, #tpu.memory_space<hbm>>
      %dma_wait3A_149 = tpu.memref_slice %arg2[%mul3A_4] : memref<320000xi32, #tpu.memory_space<hbm>> -> memref<80xi32, #tpu.memory_space<hbm>>
      tpu.wait_dma2 semaphore(%arg22 : memref<!tpu.dma_semaphore, #tpu.memory_space<semaphore_mem>>) src(%dma_wait3A_149 : memref<80xi32, #tpu.memory_space<hbm>>) dst(%arg14 : memref<80xi32, #tpu.memory_space<vmem>>)
      "tpu.region"() ({
        %run_scoped3A = tpu.sem_alloc : memref<!tpu.dma_semaphore, #tpu.memory_space<semaphore_mem>>
        %dma_start3A_157 = arith.constant 0 : i32
        %dma_start3A_158 = arith.constant 0 : i32
        %dma_start3A_159 = tpu.memref_slice %arg23[%dma_start3A_157, %dma_start3A_158] : memref<10240x16xf32, #tpu.memory_space<vmem_shared>> -> memref<10240x16xf32, #tpu.memory_space<vmem_shared>>
        tpu.enqueue_indirect_dma source(%arg6 : memref<80x16xf32, #tpu.memory_space<vmem>>) target(%dma_start3A_159 : memref<10240x16xf32, #tpu.memory_space<vmem_shared>>) offsets(%arg14 : memref<80xi32, #tpu.memory_space<vmem>>) semaphore(%run_scoped3A : memref<!tpu.dma_semaphore, #tpu.memory_space<semaphore_mem>>) {add = true}
        %dma_wait3A_160 = arith.constant 0 : i32
        %dma_wait3A_161 = arith.constant 0 : i32
        %dma_wait3A_162 = tpu.memref_slice %arg23[%dma_wait3A_160, %dma_wait3A_161] : memref<10240x16xf32, #tpu.memory_space<vmem_shared>> -> memref<10240x16xf32, #tpu.memory_space<vmem_shared>>
        tpu.wait_indirect_dma semaphore(%run_scoped3A : memref<!tpu.dma_semaphore, #tpu.memory_space<semaphore_mem>>) src(%arg6 : memref<80x16xf32, #tpu.memory_space<vmem>>) dst(%dma_wait3A_162 : memref<10240x16xf32, #tpu.memory_space<vmem_shared>>)
        tpu.yield
      }) : () -> ()
      %add3A_150 = arith.constant 8 : i32
      %add3A_151 = arith.addi %add3A_147, %add3A_150 : i32
      %lt3A_152 = arith.constant 125 : i32
      %lt3A_153 = arith.cmpi slt, %add3A_151, %lt3A_152 : i32
      %convert_element_type3A_154 = arith.extui %lt3A_153 : i1 to i32
      %cond3A_155 = arith.constant 0 : i32
      %cond3A_156 = arith.cmpi ne, %convert_element_type3A_154, %cond3A_155 : i32
      scf.if %cond3A_156 {
        %add3A_157 = arith.constant 8 : i32
        %add3A_158 = arith.addi %add3A_147, %add3A_157 : i32
        %mul3A_159 = arith.constant 80 : i32
        %mul3A_160 = arith.muli %add3A_158, %mul3A_159 : i32
        %add3A_161 = arith.addi %mul3A_4, %mul3A_160 : i32
        %dma_start3A_162 = tpu.memref_slice %arg2[%add3A_161] : memref<320000xi32, #tpu.memory_space<hbm>> -> memref<80xi32, #tpu.memory_space<hbm>>
        %dma_start3A_163 = tpu.memref_slice %arg2[%add3A_161] : memref<320000xi32, #tpu.memory_space<hbm>> -> memref<80xi32, #tpu.memory_space<hbm>>
        tpu.enqueue_dma source(%dma_start3A_163 : memref<80xi32, #tpu.memory_space<hbm>>) target(%arg14 : memref<80xi32, #tpu.memory_space<vmem>>) target_semaphore(%arg22 : memref<!tpu.dma_semaphore, #tpu.memory_space<semaphore_mem>>)
      } else {
      }
    }
    %scan3A_40 = arith.constant 15 : i32
    %dma_wait3A = tpu.memref_slice %arg2[%mul3A_4] : memref<320000xi32, #tpu.memory_space<hbm>> -> memref<80xi32, #tpu.memory_space<hbm>>
    %dma_wait3A_41 = tpu.memref_slice %arg2[%mul3A_4] : memref<320000xi32, #tpu.memory_space<hbm>> -> memref<80xi32, #tpu.memory_space<hbm>>
    tpu.wait_dma2 semaphore(%arg15 : memref<!tpu.dma_semaphore, #tpu.memory_space<semaphore_mem>>) src(%dma_wait3A_41 : memref<80xi32, #tpu.memory_space<hbm>>) dst(%arg7 : memref<80xi32, #tpu.memory_space<vmem>>)
    "tpu.region"() ({
      %run_scoped3A = tpu.sem_alloc : memref<!tpu.dma_semaphore, #tpu.memory_space<semaphore_mem>>
      %dma_start3A_55 = arith.constant 0 : i32
      %dma_start3A_56 = arith.constant 0 : i32
      %dma_start3A_57 = tpu.memref_slice %arg23[%dma_start3A_55, %dma_start3A_56] : memref<10240x16xf32, #tpu.memory_space<vmem_shared>> -> memref<10240x16xf32, #tpu.memory_space<vmem_shared>>
      tpu.enqueue_indirect_dma source(%arg6 : memref<80x16xf32, #tpu.memory_space<vmem>>) target(%dma_start3A_57 : memref<10240x16xf32, #tpu.memory_space<vmem_shared>>) offsets(%arg7 : memref<80xi32, #tpu.memory_space<vmem>>) semaphore(%run_scoped3A : memref<!tpu.dma_semaphore, #tpu.memory_space<semaphore_mem>>) {add = true}
      %dma_wait3A_58 = arith.constant 0 : i32
      %dma_wait3A_59 = arith.constant 0 : i32
      %dma_wait3A_60 = tpu.memref_slice %arg23[%dma_wait3A_58, %dma_wait3A_59] : memref<10240x16xf32, #tpu.memory_space<vmem_shared>> -> memref<10240x16xf32, #tpu.memory_space<vmem_shared>>
      tpu.wait_indirect_dma semaphore(%run_scoped3A : memref<!tpu.dma_semaphore, #tpu.memory_space<semaphore_mem>>) src(%arg6 : memref<80x16xf32, #tpu.memory_space<vmem>>) dst(%dma_wait3A_60 : memref<10240x16xf32, #tpu.memory_space<vmem_shared>>)
      tpu.yield
    }) : () -> ()
    %dma_wait3A_42 = tpu.memref_slice %arg2[%mul3A_4] : memref<320000xi32, #tpu.memory_space<hbm>> -> memref<80xi32, #tpu.memory_space<hbm>>
    %dma_wait3A_43 = tpu.memref_slice %arg2[%mul3A_4] : memref<320000xi32, #tpu.memory_space<hbm>> -> memref<80xi32, #tpu.memory_space<hbm>>
    tpu.wait_dma2 semaphore(%arg16 : memref<!tpu.dma_semaphore, #tpu.memory_space<semaphore_mem>>) src(%dma_wait3A_43 : memref<80xi32, #tpu.memory_space<hbm>>) dst(%arg8 : memref<80xi32, #tpu.memory_space<vmem>>)
    "tpu.region"() ({
      %run_scoped3A = tpu.sem_alloc : memref<!tpu.dma_semaphore, #tpu.memory_space<semaphore_mem>>
      %dma_start3A_55 = arith.constant 0 : i32
      %dma_start3A_56 = arith.constant 0 : i32
      %dma_start3A_57 = tpu.memref_slice %arg23[%dma_start3A_55, %dma_start3A_56] : memref<10240x16xf32, #tpu.memory_space<vmem_shared>> -> memref<10240x16xf32, #tpu.memory_space<vmem_shared>>
      tpu.enqueue_indirect_dma source(%arg6 : memref<80x16xf32, #tpu.memory_space<vmem>>) target(%dma_start3A_57 : memref<10240x16xf32, #tpu.memory_space<vmem_shared>>) offsets(%arg8 : memref<80xi32, #tpu.memory_space<vmem>>) semaphore(%run_scoped3A : memref<!tpu.dma_semaphore, #tpu.memory_space<semaphore_mem>>) {add = true}
      %dma_wait3A_58 = arith.constant 0 : i32
      %dma_wait3A_59 = arith.constant 0 : i32
      %dma_wait3A_60 = tpu.memref_slice %arg23[%dma_wait3A_58, %dma_wait3A_59] : memref<10240x16xf32, #tpu.memory_space<vmem_shared>> -> memref<10240x16xf32, #tpu.memory_space<vmem_shared>>
      tpu.wait_indirect_dma semaphore(%run_scoped3A : memref<!tpu.dma_semaphore, #tpu.memory_space<semaphore_mem>>) src(%arg6 : memref<80x16xf32, #tpu.memory_space<vmem>>) dst(%dma_wait3A_60 : memref<10240x16xf32, #tpu.memory_space<vmem_shared>>)
      tpu.yield
    }) : () -> ()
    %dma_wait3A_44 = tpu.memref_slice %arg2[%mul3A_4] : memref<320000xi32, #tpu.memory_space<hbm>> -> memref<80xi32, #tpu.memory_space<hbm>>
    %dma_wait3A_45 = tpu.memref_slice %arg2[%mul3A_4] : memref<320000xi32, #tpu.memory_space<hbm>> -> memref<80xi32, #tpu.memory_space<hbm>>
    tpu.wait_dma2 semaphore(%arg17 : memref<!tpu.dma_semaphore, #tpu.memory_space<semaphore_mem>>) src(%dma_wait3A_45 : memref<80xi32, #tpu.memory_space<hbm>>) dst(%arg9 : memref<80xi32, #tpu.memory_space<vmem>>)
    "tpu.region"() ({
      %run_scoped3A = tpu.sem_alloc : memref<!tpu.dma_semaphore, #tpu.memory_space<semaphore_mem>>
      %dma_start3A_55 = arith.constant 0 : i32
      %dma_start3A_56 = arith.constant 0 : i32
      %dma_start3A_57 = tpu.memref_slice %arg23[%dma_start3A_55, %dma_start3A_56] : memref<10240x16xf32, #tpu.memory_space<vmem_shared>> -> memref<10240x16xf32, #tpu.memory_space<vmem_shared>>
      tpu.enqueue_indirect_dma source(%arg6 : memref<80x16xf32, #tpu.memory_space<vmem>>) target(%dma_start3A_57 : memref<10240x16xf32, #tpu.memory_space<vmem_shared>>) offsets(%arg9 : memref<80xi32, #tpu.memory_space<vmem>>) semaphore(%run_scoped3A : memref<!tpu.dma_semaphore, #tpu.memory_space<semaphore_mem>>) {add = true}
      %dma_wait3A_58 = arith.constant 0 : i32
      %dma_wait3A_59 = arith.constant 0 : i32
      %dma_wait3A_60 = tpu.memref_slice %arg23[%dma_wait3A_58, %dma_wait3A_59] : memref<10240x16xf32, #tpu.memory_space<vmem_shared>> -> memref<10240x16xf32, #tpu.memory_space<vmem_shared>>
      tpu.wait_indirect_dma semaphore(%run_scoped3A : memref<!tpu.dma_semaphore, #tpu.memory_space<semaphore_mem>>) src(%arg6 : memref<80x16xf32, #tpu.memory_space<vmem>>) dst(%dma_wait3A_60 : memref<10240x16xf32, #tpu.memory_space<vmem_shared>>)
      tpu.yield
    }) : () -> ()
    %dma_wait3A_46 = tpu.memref_slice %arg2[%mul3A_4] : memref<320000xi32, #tpu.memory_space<hbm>> -> memref<80xi32, #tpu.memory_space<hbm>>
    %dma_wait3A_47 = tpu.memref_slice %arg2[%mul3A_4] : memref<320000xi32, #tpu.memory_space<hbm>> -> memref<80xi32, #tpu.memory_space<hbm>>
    tpu.wait_dma2 semaphore(%arg18 : memref<!tpu.dma_semaphore, #tpu.memory_space<semaphore_mem>>) src(%dma_wait3A_47 : memref<80xi32, #tpu.memory_space<hbm>>) dst(%arg10 : memref<80xi32, #tpu.memory_space<vmem>>)
    "tpu.region"() ({
      %run_scoped3A = tpu.sem_alloc : memref<!tpu.dma_semaphore, #tpu.memory_space<semaphore_mem>>
      %dma_start3A_55 = arith.constant 0 : i32
      %dma_start3A_56 = arith.constant 0 : i32
      %dma_start3A_57 = tpu.memref_slice %arg23[%dma_start3A_55, %dma_start3A_56] : memref<10240x16xf32, #tpu.memory_space<vmem_shared>> -> memref<10240x16xf32, #tpu.memory_space<vmem_shared>>
      tpu.enqueue_indirect_dma source(%arg6 : memref<80x16xf32, #tpu.memory_space<vmem>>) target(%dma_start3A_57 : memref<10240x16xf32, #tpu.memory_space<vmem_shared>>) offsets(%arg10 : memref<80xi32, #tpu.memory_space<vmem>>) semaphore(%run_scoped3A : memref<!tpu.dma_semaphore, #tpu.memory_space<semaphore_mem>>) {add = true}
      %dma_wait3A_58 = arith.constant 0 : i32
      %dma_wait3A_59 = arith.constant 0 : i32
      %dma_wait3A_60 = tpu.memref_slice %arg23[%dma_wait3A_58, %dma_wait3A_59] : memref<10240x16xf32, #tpu.memory_space<vmem_shared>> -> memref<10240x16xf32, #tpu.memory_space<vmem_shared>>
      tpu.wait_indirect_dma semaphore(%run_scoped3A : memref<!tpu.dma_semaphore, #tpu.memory_space<semaphore_mem>>) src(%arg6 : memref<80x16xf32, #tpu.memory_space<vmem>>) dst(%dma_wait3A_60 : memref<10240x16xf32, #tpu.memory_space<vmem_shared>>)
      tpu.yield
    }) : () -> ()
    %dma_wait3A_48 = tpu.memref_slice %arg2[%mul3A_4] : memref<320000xi32, #tpu.memory_space<hbm>> -> memref<80xi32, #tpu.memory_space<hbm>>
    %dma_wait3A_49 = tpu.memref_slice %arg2[%mul3A_4] : memref<320000xi32, #tpu.memory_space<hbm>> -> memref<80xi32, #tpu.memory_space<hbm>>
    tpu.wait_dma2 semaphore(%arg19 : memref<!tpu.dma_semaphore, #tpu.memory_space<semaphore_mem>>) src(%dma_wait3A_49 : memref<80xi32, #tpu.memory_space<hbm>>) dst(%arg11 : memref<80xi32, #tpu.memory_space<vmem>>)
    "tpu.region"() ({
      %run_scoped3A = tpu.sem_alloc : memref<!tpu.dma_semaphore, #tpu.memory_space<semaphore_mem>>
      %dma_start3A_55 = arith.constant 0 : i32
      %dma_start3A_56 = arith.constant 0 : i32
      %dma_start3A_57 = tpu.memref_slice %arg23[%dma_start3A_55, %dma_start3A_56] : memref<10240x16xf32, #tpu.memory_space<vmem_shared>> -> memref<10240x16xf32, #tpu.memory_space<vmem_shared>>
      tpu.enqueue_indirect_dma source(%arg6 : memref<80x16xf32, #tpu.memory_space<vmem>>) target(%dma_start3A_57 : memref<10240x16xf32, #tpu.memory_space<vmem_shared>>) offsets(%arg11 : memref<80xi32, #tpu.memory_space<vmem>>) semaphore(%run_scoped3A : memref<!tpu.dma_semaphore, #tpu.memory_space<semaphore_mem>>) {add = true}
      %dma_wait3A_58 = arith.constant 0 : i32
      %dma_wait3A_59 = arith.constant 0 : i32
      %dma_wait3A_60 = tpu.memref_slice %arg23[%dma_wait3A_58, %dma_wait3A_59] : memref<10240x16xf32, #tpu.memory_space<vmem_shared>> -> memref<10240x16xf32, #tpu.memory_space<vmem_shared>>
      tpu.wait_indirect_dma semaphore(%run_scoped3A : memref<!tpu.dma_semaphore, #tpu.memory_space<semaphore_mem>>) src(%arg6 : memref<80x16xf32, #tpu.memory_space<vmem>>) dst(%dma_wait3A_60 : memref<10240x16xf32, #tpu.memory_space<vmem_shared>>)
      tpu.yield
    }) : () -> ()
    %barrier3A_50 = arith.constant 0 : index
    tpu.barrier barrier_id(%barrier3A_50)
    %mul3A_51 = arith.constant 640 : i32
    %mul3A_52 = arith.muli %arg1, %mul3A_51 : i32
    %mul3A_53 = arith.constant 640 : i32
    %mul3A_54 = arith.muli %arg1, %mul3A_53 : i32
    "tpu.region"() ({
      %run_scoped3A = tpu.sem_alloc : memref<!tpu.dma_semaphore, #tpu.memory_space<semaphore_mem>>
      %dma_start3A_55 = arith.constant 0 : i32
      %dma_start3A_56 = tpu.memref_slice %arg5[%arg0, %mul3A_54, %dma_start3A_55] : memref<2x10240x16xf32, #tpu.memory_space<hbm>> -> memref<1x640x16xf32, #tpu.memory_space<hbm>>
      %dma_start3A_57 = tpu.memref_squeeze %dma_start3A_56 : memref<1x640x16xf32, #tpu.memory_space<hbm>> -> memref<640x16xf32, #tpu.memory_space<hbm>>
      %dma_start3A_58 = arith.constant 0 : i32
      %dma_start3A_59 = tpu.memref_slice %arg23[%mul3A_52, %dma_start3A_58] : memref<10240x16xf32, #tpu.memory_space<vmem_shared>> -> memref<640x16xf32, #tpu.memory_space<vmem_shared>>
      tpu.enqueue_dma source(%dma_start3A_59 : memref<640x16xf32, #tpu.memory_space<vmem_shared>>) target(%dma_start3A_57 : memref<640x16xf32, #tpu.memory_space<hbm>>) target_semaphore(%run_scoped3A : memref<!tpu.dma_semaphore, #tpu.memory_space<semaphore_mem>>)
      %dma_wait3A_60 = arith.constant 0 : i32
      %dma_wait3A_61 = tpu.memref_slice %arg5[%arg0, %mul3A_54, %dma_wait3A_60] : memref<2x10240x16xf32, #tpu.memory_space<hbm>> -> memref<1x640x16xf32, #tpu.memory_space<hbm>>
      %dma_wait3A_62 = tpu.memref_squeeze %dma_wait3A_61 : memref<1x640x16xf32, #tpu.memory_space<hbm>> -> memref<640x16xf32, #tpu.memory_space<hbm>>
      %dma_wait3A_63 = arith.constant 0 : i32
      %dma_wait3A_64 = tpu.memref_slice %arg23[%mul3A_52, %dma_wait3A_63] : memref<10240x16xf32, #tpu.memory_space<vmem_shared>> -> memref<640x16xf32, #tpu.memory_space<vmem_shared>>
      tpu.wait_dma2 semaphore(%run_scoped3A : memref<!tpu.dma_semaphore, #tpu.memory_space<semaphore_mem>>) src(%dma_wait3A_64 : memref<640x16xf32, #tpu.memory_space<vmem_shared>>) dst(%dma_wait3A_62 : memref<640x16xf32, #tpu.memory_space<hbm>>)
      tpu.yield
    }) : () -> ()
    return
  }
}

#map = affine_map<(d0, d1) -> (0, 0)>
#map1 = affine_map<(d0, d1) -> (0)>
#map2 = affine_map<(d0, d1) -> (0, 0, 0)>
module attributes {stable_mosaic.version = 14 : i64} {
  func.func @agg(%arg0: i32, %arg1: i32, %arg2: memref<10000x16xf32, #tpu.memory_space<hbm>>, %arg3: memref<320000xi32, #tpu.memory_space<hbm>>, %arg4: memref<320000xi32, #tpu.memory_space<hbm>>, %arg5: memref<640x16xf32, #tpu.memory_space<hbm>>, %arg6: memref<2x10240x16xf32, #tpu.memory_space<hbm>>, %arg7: memref<10000xi32, #tpu.memory_space<vmem>>, %arg8: memref<80xi32, #tpu.memory_space<vmem>>, %arg9: memref<80xi32, #tpu.memory_space<vmem>>, %arg10: memref<80xi32, #tpu.memory_space<vmem>>, %arg11: memref<80xi32, #tpu.memory_space<vmem>>, %arg12: memref<80xi32, #tpu.memory_space<vmem>>, %arg13: memref<80xi32, #tpu.memory_space<vmem>>, %arg14: memref<80x16xf32, #tpu.memory_space<vmem>>, %arg15: memref<80x16xf32, #tpu.memory_space<vmem>>, %arg16: memref<80x16xf32, #tpu.memory_space<vmem>>, %arg17: memref<80x16xf32, #tpu.memory_space<vmem>>, %arg18: memref<80x16xf32, #tpu.memory_space<vmem>>, %arg19: memref<80x16xf32, #tpu.memory_space<vmem>>, %arg20: memref<!tpu.dma_semaphore, #tpu.memory_space<semaphore_mem>>, %arg21: memref<!tpu.dma_semaphore, #tpu.memory_space<semaphore_mem>>, %arg22: memref<!tpu.dma_semaphore, #tpu.memory_space<semaphore_mem>>, %arg23: memref<!tpu.dma_semaphore, #tpu.memory_space<semaphore_mem>>, %arg24: memref<!tpu.dma_semaphore, #tpu.memory_space<semaphore_mem>>, %arg25: memref<!tpu.dma_semaphore, #tpu.memory_space<semaphore_mem>>, %arg26: memref<!tpu.dma_semaphore, #tpu.memory_space<semaphore_mem>>, %arg27: memref<!tpu.dma_semaphore, #tpu.memory_space<semaphore_mem>>, %arg28: memref<!tpu.dma_semaphore, #tpu.memory_space<semaphore_mem>>, %arg29: memref<!tpu.dma_semaphore, #tpu.memory_space<semaphore_mem>>, %arg30: memref<!tpu.dma_semaphore, #tpu.memory_space<semaphore_mem>>, %arg31: memref<!tpu.dma_semaphore, #tpu.memory_space<semaphore_mem>>, %arg32: memref<10240x16xf32, #tpu.memory_space<vmem_shared>>) attributes {dimension_semantics = [#tpu.dimension_semantics<core_parallel>, #tpu.dimension_semantics<subcore_parallel>], iteration_bounds = array<i64: 2, 16>, scalar_prefetch = 0 : i64, scratch_operands = 26 : i64, tpu.core_type = #tpu.core_type<sc_vector_subcore>, window_params = [{transform_indices = #map}, {transform_indices = #map1}, {transform_indices = #map1}, {transform_indices = #map}, {transform_indices = #map2}]} {
    %mul3A = arith.constant 640 : i32
    %mul3A_0 = arith.muli %arg1, %mul3A : i32
    "tpu.region"() ({
      %run_scoped3A = tpu.sem_alloc : memref<!tpu.dma_semaphore, #tpu.memory_space<semaphore_mem>>
      %dma_start3A_102 = arith.constant 0 : i32
      %dma_start3A_103 = tpu.memref_slice %arg32[%mul3A_0, %dma_start3A_102] : memref<10240x16xf32, #tpu.memory_space<vmem_shared>> -> memref<640x16xf32, #tpu.memory_space<vmem_shared>>
      tpu.enqueue_dma source(%arg5 : memref<640x16xf32, #tpu.memory_space<hbm>>) target(%dma_start3A_103 : memref<640x16xf32, #tpu.memory_space<vmem_shared>>) target_semaphore(%run_scoped3A : memref<!tpu.dma_semaphore, #tpu.memory_space<semaphore_mem>>)
      %dma_wait3A_104 = arith.constant 0 : i32
      %dma_wait3A_105 = tpu.memref_slice %arg32[%mul3A_0, %dma_wait3A_104] : memref<10240x16xf32, #tpu.memory_space<vmem_shared>> -> memref<640x16xf32, #tpu.memory_space<vmem_shared>>
      tpu.wait_dma2 semaphore(%run_scoped3A : memref<!tpu.dma_semaphore, #tpu.memory_space<semaphore_mem>>) src(%arg5 : memref<640x16xf32, #tpu.memory_space<hbm>>) dst(%dma_wait3A_105 : memref<640x16xf32, #tpu.memory_space<vmem_shared>>)
      tpu.yield
    }) : () -> ()
    %mul3A_1 = arith.constant 2 : i32
    %mul3A_2 = arith.muli %arg1, %mul3A_1 : i32
    %add3A = arith.addi %mul3A_2, %arg0 : i32
    %mul3A_3 = arith.constant 10000 : i32
    %mul3A_4 = arith.muli %add3A, %mul3A_3 : i32
    "tpu.region"() ({
      %run_scoped3A = tpu.sem_alloc : memref<!tpu.dma_semaphore, #tpu.memory_space<semaphore_mem>>
      %dma_start3A_102 = tpu.memref_slice %arg3[%mul3A_4] : memref<320000xi32, #tpu.memory_space<hbm>> -> memref<10000xi32, #tpu.memory_space<hbm>>
      %dma_start3A_103 = tpu.memref_slice %arg3[%mul3A_4] : memref<320000xi32, #tpu.memory_space<hbm>> -> memref<10000xi32, #tpu.memory_space<hbm>>
      tpu.enqueue_dma source(%dma_start3A_103 : memref<10000xi32, #tpu.memory_space<hbm>>) target(%arg7 : memref<10000xi32, #tpu.memory_space<vmem>>) target_semaphore(%run_scoped3A : memref<!tpu.dma_semaphore, #tpu.memory_space<semaphore_mem>>)
      %dma_wait3A_104 = tpu.memref_slice %arg3[%mul3A_4] : memref<320000xi32, #tpu.memory_space<hbm>> -> memref<10000xi32, #tpu.memory_space<hbm>>
      %dma_wait3A_105 = tpu.memref_slice %arg3[%mul3A_4] : memref<320000xi32, #tpu.memory_space<hbm>> -> memref<10000xi32, #tpu.memory_space<hbm>>
      tpu.wait_dma2 semaphore(%run_scoped3A : memref<!tpu.dma_semaphore, #tpu.memory_space<semaphore_mem>>) src(%dma_wait3A_105 : memref<10000xi32, #tpu.memory_space<hbm>>) dst(%arg7 : memref<10000xi32, #tpu.memory_space<vmem>>)
      tpu.yield
    }) : () -> ()
    %barrier3A = arith.constant 0 : index
    tpu.barrier barrier_id(%barrier3A)
    %add3A_5 = arith.constant 0 : i32
    %add3A_6 = arith.addi %mul3A_4, %add3A_5 : i32
    %dma_start3A = tpu.memref_slice %arg4[%add3A_6] : memref<320000xi32, #tpu.memory_space<hbm>> -> memref<80xi32, #tpu.memory_space<hbm>>
    %dma_start3A_7 = tpu.memref_slice %arg4[%add3A_6] : memref<320000xi32, #tpu.memory_space<hbm>> -> memref<80xi32, #tpu.memory_space<hbm>>
    tpu.enqueue_dma source(%dma_start3A_7 : memref<80xi32, #tpu.memory_space<hbm>>) target(%arg8 : memref<80xi32, #tpu.memory_space<vmem>>) target_semaphore(%arg26 : memref<!tpu.dma_semaphore, #tpu.memory_space<semaphore_mem>>)
    %dma_start3A_8 = arith.constant 0 : i32
    %dma_start3A_9 = tpu.memref_slice %arg7[%dma_start3A_8] : memref<10000xi32, #tpu.memory_space<vmem>> -> memref<80xi32, #tpu.memory_space<vmem>>
    %dma_start3A_10 = arith.constant 0 : i32
    %dma_start3A_11 = arith.constant 0 : i32
    %dma_start3A_12 = tpu.memref_slice %arg2[%dma_start3A_10, %dma_start3A_11] : memref<10000x16xf32, #tpu.memory_space<hbm>> -> memref<10000x16xf32, #tpu.memory_space<hbm>>
    tpu.enqueue_indirect_dma source(%dma_start3A_12 : memref<10000x16xf32, #tpu.memory_space<hbm>>) target(%arg14 : memref<80x16xf32, #tpu.memory_space<vmem>>) offsets(%dma_start3A_9 : memref<80xi32, #tpu.memory_space<vmem>>) semaphore(%arg20 : memref<!tpu.dma_semaphore, #tpu.memory_space<semaphore_mem>>)
    %add3A_13 = arith.constant 80 : i32
    %add3A_14 = arith.addi %mul3A_4, %add3A_13 : i32
    %dma_start3A_15 = tpu.memref_slice %arg4[%add3A_14] : memref<320000xi32, #tpu.memory_space<hbm>> -> memref<80xi32, #tpu.memory_space<hbm>>
    %dma_start3A_16 = tpu.memref_slice %arg4[%add3A_14] : memref<320000xi32, #tpu.memory_space<hbm>> -> memref<80xi32, #tpu.memory_space<hbm>>
    tpu.enqueue_dma source(%dma_start3A_16 : memref<80xi32, #tpu.memory_space<hbm>>) target(%arg9 : memref<80xi32, #tpu.memory_space<vmem>>) target_semaphore(%arg27 : memref<!tpu.dma_semaphore, #tpu.memory_space<semaphore_mem>>)
    %dma_start3A_17 = arith.constant 80 : i32
    %dma_start3A_18 = tpu.memref_slice %arg7[%dma_start3A_17] : memref<10000xi32, #tpu.memory_space<vmem>> -> memref<80xi32, #tpu.memory_space<vmem>>
    %dma_start3A_19 = arith.constant 0 : i32
    %dma_start3A_20 = arith.constant 0 : i32
    %dma_start3A_21 = tpu.memref_slice %arg2[%dma_start3A_19, %dma_start3A_20] : memref<10000x16xf32, #tpu.memory_space<hbm>> -> memref<10000x16xf32, #tpu.memory_space<hbm>>
    tpu.enqueue_indirect_dma source(%dma_start3A_21 : memref<10000x16xf32, #tpu.memory_space<hbm>>) target(%arg15 : memref<80x16xf32, #tpu.memory_space<vmem>>) offsets(%dma_start3A_18 : memref<80xi32, #tpu.memory_space<vmem>>) semaphore(%arg21 : memref<!tpu.dma_semaphore, #tpu.memory_space<semaphore_mem>>)
    %add3A_22 = arith.constant 160 : i32
    %add3A_23 = arith.addi %mul3A_4, %add3A_22 : i32
    %dma_start3A_24 = tpu.memref_slice %arg4[%add3A_23] : memref<320000xi32, #tpu.memory_space<hbm>> -> memref<80xi32, #tpu.memory_space<hbm>>
    %dma_start3A_25 = tpu.memref_slice %arg4[%add3A_23] : memref<320000xi32, #tpu.memory_space<hbm>> -> memref<80xi32, #tpu.memory_space<hbm>>
    tpu.enqueue_dma source(%dma_start3A_25 : memref<80xi32, #tpu.memory_space<hbm>>) target(%arg10 : memref<80xi32, #tpu.memory_space<vmem>>) target_semaphore(%arg28 : memref<!tpu.dma_semaphore, #tpu.memory_space<semaphore_mem>>)
    %dma_start3A_26 = arith.constant 160 : i32
    %dma_start3A_27 = tpu.memref_slice %arg7[%dma_start3A_26] : memref<10000xi32, #tpu.memory_space<vmem>> -> memref<80xi32, #tpu.memory_space<vmem>>
    %dma_start3A_28 = arith.constant 0 : i32
    %dma_start3A_29 = arith.constant 0 : i32
    %dma_start3A_30 = tpu.memref_slice %arg2[%dma_start3A_28, %dma_start3A_29] : memref<10000x16xf32, #tpu.memory_space<hbm>> -> memref<10000x16xf32, #tpu.memory_space<hbm>>
    tpu.enqueue_indirect_dma source(%dma_start3A_30 : memref<10000x16xf32, #tpu.memory_space<hbm>>) target(%arg16 : memref<80x16xf32, #tpu.memory_space<vmem>>) offsets(%dma_start3A_27 : memref<80xi32, #tpu.memory_space<vmem>>) semaphore(%arg22 : memref<!tpu.dma_semaphore, #tpu.memory_space<semaphore_mem>>)
    %add3A_31 = arith.constant 240 : i32
    %add3A_32 = arith.addi %mul3A_4, %add3A_31 : i32
    %dma_start3A_33 = tpu.memref_slice %arg4[%add3A_32] : memref<320000xi32, #tpu.memory_space<hbm>> -> memref<80xi32, #tpu.memory_space<hbm>>
    %dma_start3A_34 = tpu.memref_slice %arg4[%add3A_32] : memref<320000xi32, #tpu.memory_space<hbm>> -> memref<80xi32, #tpu.memory_space<hbm>>
    tpu.enqueue_dma source(%dma_start3A_34 : memref<80xi32, #tpu.memory_space<hbm>>) target(%arg11 : memref<80xi32, #tpu.memory_space<vmem>>) target_semaphore(%arg29 : memref<!tpu.dma_semaphore, #tpu.memory_space<semaphore_mem>>)
    %dma_start3A_35 = arith.constant 240 : i32
    %dma_start3A_36 = tpu.memref_slice %arg7[%dma_start3A_35] : memref<10000xi32, #tpu.memory_space<vmem>> -> memref<80xi32, #tpu.memory_space<vmem>>
    %dma_start3A_37 = arith.constant 0 : i32
    %dma_start3A_38 = arith.constant 0 : i32
    %dma_start3A_39 = tpu.memref_slice %arg2[%dma_start3A_37, %dma_start3A_38] : memref<10000x16xf32, #tpu.memory_space<hbm>> -> memref<10000x16xf32, #tpu.memory_space<hbm>>
    tpu.enqueue_indirect_dma source(%dma_start3A_39 : memref<10000x16xf32, #tpu.memory_space<hbm>>) target(%arg17 : memref<80x16xf32, #tpu.memory_space<vmem>>) offsets(%dma_start3A_36 : memref<80xi32, #tpu.memory_space<vmem>>) semaphore(%arg23 : memref<!tpu.dma_semaphore, #tpu.memory_space<semaphore_mem>>)
    %add3A_40 = arith.constant 320 : i32
    %add3A_41 = arith.addi %mul3A_4, %add3A_40 : i32
    %dma_start3A_42 = tpu.memref_slice %arg4[%add3A_41] : memref<320000xi32, #tpu.memory_space<hbm>> -> memref<80xi32, #tpu.memory_space<hbm>>
    %dma_start3A_43 = tpu.memref_slice %arg4[%add3A_41] : memref<320000xi32, #tpu.memory_space<hbm>> -> memref<80xi32, #tpu.memory_space<hbm>>
    tpu.enqueue_dma source(%dma_start3A_43 : memref<80xi32, #tpu.memory_space<hbm>>) target(%arg12 : memref<80xi32, #tpu.memory_space<vmem>>) target_semaphore(%arg30 : memref<!tpu.dma_semaphore, #tpu.memory_space<semaphore_mem>>)
    %dma_start3A_44 = arith.constant 320 : i32
    %dma_start3A_45 = tpu.memref_slice %arg7[%dma_start3A_44] : memref<10000xi32, #tpu.memory_space<vmem>> -> memref<80xi32, #tpu.memory_space<vmem>>
    %dma_start3A_46 = arith.constant 0 : i32
    %dma_start3A_47 = arith.constant 0 : i32
    %dma_start3A_48 = tpu.memref_slice %arg2[%dma_start3A_46, %dma_start3A_47] : memref<10000x16xf32, #tpu.memory_space<hbm>> -> memref<10000x16xf32, #tpu.memory_space<hbm>>
    tpu.enqueue_indirect_dma source(%dma_start3A_48 : memref<10000x16xf32, #tpu.memory_space<hbm>>) target(%arg18 : memref<80x16xf32, #tpu.memory_space<vmem>>) offsets(%dma_start3A_45 : memref<80xi32, #tpu.memory_space<vmem>>) semaphore(%arg24 : memref<!tpu.dma_semaphore, #tpu.memory_space<semaphore_mem>>)
    %add3A_49 = arith.constant 400 : i32
    %add3A_50 = arith.addi %mul3A_4, %add3A_49 : i32
    %dma_start3A_51 = tpu.memref_slice %arg4[%add3A_50] : memref<320000xi32, #tpu.memory_space<hbm>> -> memref<80xi32, #tpu.memory_space<hbm>>
    %dma_start3A_52 = tpu.memref_slice %arg4[%add3A_50] : memref<320000xi32, #tpu.memory_space<hbm>> -> memref<80xi32, #tpu.memory_space<hbm>>
    tpu.enqueue_dma source(%dma_start3A_52 : memref<80xi32, #tpu.memory_space<hbm>>) target(%arg13 : memref<80xi32, #tpu.memory_space<vmem>>) target_semaphore(%arg31 : memref<!tpu.dma_semaphore, #tpu.memory_space<semaphore_mem>>)
    %dma_start3A_53 = arith.constant 400 : i32
    %dma_start3A_54 = tpu.memref_slice %arg7[%dma_start3A_53] : memref<10000xi32, #tpu.memory_space<vmem>> -> memref<80xi32, #tpu.memory_space<vmem>>
    %dma_start3A_55 = arith.constant 0 : i32
    %dma_start3A_56 = arith.constant 0 : i32
    %dma_start3A_57 = tpu.memref_slice %arg2[%dma_start3A_55, %dma_start3A_56] : memref<10000x16xf32, #tpu.memory_space<hbm>> -> memref<10000x16xf32, #tpu.memory_space<hbm>>
    tpu.enqueue_indirect_dma source(%dma_start3A_57 : memref<10000x16xf32, #tpu.memory_space<hbm>>) target(%arg19 : memref<80x16xf32, #tpu.memory_space<vmem>>) offsets(%dma_start3A_54 : memref<80xi32, #tpu.memory_space<vmem>>) semaphore(%arg25 : memref<!tpu.dma_semaphore, #tpu.memory_space<semaphore_mem>>)
    %scan3A = arith.constant 0 : i32
    %scan3A_58 = arith.constant 0 : i32
    %scan3A_59 = arith.constant 20 : i32
    %scan3A_60 = arith.addi %scan3A_58, %scan3A_59 : i32
    %scan3A_61 = arith.constant 1 : i32
    scf.for %scan3A_102 = %scan3A_58 to %scan3A_60 step %scan3A_61  : i32 {
      %mul3A_103 = arith.constant 6 : i32
      %mul3A_104 = arith.muli %scan3A_102, %mul3A_103 : i32
      %add3A_105 = arith.constant 0 : i32
      %add3A_106 = arith.addi %mul3A_104, %add3A_105 : i32
      %dma_wait3A_107 = tpu.memref_slice %arg4[%mul3A_4] : memref<320000xi32, #tpu.memory_space<hbm>> -> memref<80xi32, #tpu.memory_space<hbm>>
      %dma_wait3A_108 = tpu.memref_slice %arg4[%mul3A_4] : memref<320000xi32, #tpu.memory_space<hbm>> -> memref<80xi32, #tpu.memory_space<hbm>>
      tpu.wait_dma2 semaphore(%arg26 : memref<!tpu.dma_semaphore, #tpu.memory_space<semaphore_mem>>) src(%dma_wait3A_108 : memref<80xi32, #tpu.memory_space<hbm>>) dst(%arg8 : memref<80xi32, #tpu.memory_space<vmem>>)
      %mul3A_109 = arith.constant 80 : i32
      %mul3A_110 = arith.muli %add3A_106, %mul3A_109 : i32
      %dma_wait3A_111 = tpu.memref_slice %arg7[%mul3A_110] : memref<10000xi32, #tpu.memory_space<vmem>> -> memref<80xi32, #tpu.memory_space<vmem>>
      %dma_wait3A_112 = arith.constant 0 : i32
      %dma_wait3A_113 = arith.constant 0 : i32
      %dma_wait3A_114 = tpu.memref_slice %arg2[%dma_wait3A_112, %dma_wait3A_113] : memref<10000x16xf32, #tpu.memory_space<hbm>> -> memref<10000x16xf32, #tpu.memory_space<hbm>>
      tpu.wait_indirect_dma semaphore(%arg20 : memref<!tpu.dma_semaphore, #tpu.memory_space<semaphore_mem>>) src(%dma_wait3A_114 : memref<10000x16xf32, #tpu.memory_space<hbm>>) dst(%arg14 : memref<80x16xf32, #tpu.memory_space<vmem>>)
      "tpu.region"() ({
        %run_scoped3A = tpu.sem_alloc : memref<!tpu.dma_semaphore, #tpu.memory_space<semaphore_mem>>
        %dma_start3A_214 = arith.constant 0 : i32
        %dma_start3A_215 = arith.constant 0 : i32
        %dma_start3A_216 = tpu.memref_slice %arg32[%dma_start3A_214, %dma_start3A_215] : memref<10240x16xf32, #tpu.memory_space<vmem_shared>> -> memref<10240x16xf32, #tpu.memory_space<vmem_shared>>
        tpu.enqueue_indirect_dma source(%arg14 : memref<80x16xf32, #tpu.memory_space<vmem>>) target(%dma_start3A_216 : memref<10240x16xf32, #tpu.memory_space<vmem_shared>>) offsets(%arg8 : memref<80xi32, #tpu.memory_space<vmem>>) semaphore(%run_scoped3A : memref<!tpu.dma_semaphore, #tpu.memory_space<semaphore_mem>>) {add = true}
        %dma_wait3A_217 = arith.constant 0 : i32
        %dma_wait3A_218 = arith.constant 0 : i32
        %dma_wait3A_219 = tpu.memref_slice %arg32[%dma_wait3A_217, %dma_wait3A_218] : memref<10240x16xf32, #tpu.memory_space<vmem_shared>> -> memref<10240x16xf32, #tpu.memory_space<vmem_shared>>
        tpu.wait_indirect_dma semaphore(%run_scoped3A : memref<!tpu.dma_semaphore, #tpu.memory_space<semaphore_mem>>) src(%arg14 : memref<80x16xf32, #tpu.memory_space<vmem>>) dst(%dma_wait3A_219 : memref<10240x16xf32, #tpu.memory_space<vmem_shared>>)
        tpu.yield
      }) : () -> ()
      %add3A_115 = arith.constant 6 : i32
      %add3A_116 = arith.addi %add3A_106, %add3A_115 : i32
      %lt3A = arith.constant 125 : i32
      %lt3A_117 = arith.cmpi slt, %add3A_116, %lt3A : i32
      %convert_element_type3A = arith.extui %lt3A_117 : i1 to i32
      %cond3A = arith.constant 0 : i32
      %cond3A_118 = arith.cmpi ne, %convert_element_type3A, %cond3A : i32
      scf.if %cond3A_118 {
        %add3A_214 = arith.constant 6 : i32
        %add3A_215 = arith.addi %add3A_106, %add3A_214 : i32
        %mul3A_216 = arith.constant 80 : i32
        %mul3A_217 = arith.muli %add3A_215, %mul3A_216 : i32
        %add3A_218 = arith.addi %mul3A_4, %mul3A_217 : i32
        %dma_start3A_219 = tpu.memref_slice %arg4[%add3A_218] : memref<320000xi32, #tpu.memory_space<hbm>> -> memref<80xi32, #tpu.memory_space<hbm>>
        %dma_start3A_220 = tpu.memref_slice %arg4[%add3A_218] : memref<320000xi32, #tpu.memory_space<hbm>> -> memref<80xi32, #tpu.memory_space<hbm>>
        tpu.enqueue_dma source(%dma_start3A_220 : memref<80xi32, #tpu.memory_space<hbm>>) target(%arg8 : memref<80xi32, #tpu.memory_space<vmem>>) target_semaphore(%arg26 : memref<!tpu.dma_semaphore, #tpu.memory_space<semaphore_mem>>)
        %mul3A_221 = arith.constant 80 : i32
        %mul3A_222 = arith.muli %add3A_215, %mul3A_221 : i32
        %dma_start3A_223 = tpu.memref_slice %arg7[%mul3A_222] : memref<10000xi32, #tpu.memory_space<vmem>> -> memref<80xi32, #tpu.memory_space<vmem>>
        %dma_start3A_224 = arith.constant 0 : i32
        %dma_start3A_225 = arith.constant 0 : i32
        %dma_start3A_226 = tpu.memref_slice %arg2[%dma_start3A_224, %dma_start3A_225] : memref<10000x16xf32, #tpu.memory_space<hbm>> -> memref<10000x16xf32, #tpu.memory_space<hbm>>
        tpu.enqueue_indirect_dma source(%dma_start3A_226 : memref<10000x16xf32, #tpu.memory_space<hbm>>) target(%arg14 : memref<80x16xf32, #tpu.memory_space<vmem>>) offsets(%dma_start3A_223 : memref<80xi32, #tpu.memory_space<vmem>>) semaphore(%arg20 : memref<!tpu.dma_semaphore, #tpu.memory_space<semaphore_mem>>)
      } else {
      }
      %mul3A_119 = arith.constant 6 : i32
      %mul3A_120 = arith.muli %scan3A_102, %mul3A_119 : i32
      %add3A_121 = arith.constant 1 : i32
      %add3A_122 = arith.addi %mul3A_120, %add3A_121 : i32
      %dma_wait3A_123 = tpu.memref_slice %arg4[%mul3A_4] : memref<320000xi32, #tpu.memory_space<hbm>> -> memref<80xi32, #tpu.memory_space<hbm>>
      %dma_wait3A_124 = tpu.memref_slice %arg4[%mul3A_4] : memref<320000xi32, #tpu.memory_space<hbm>> -> memref<80xi32, #tpu.memory_space<hbm>>
      tpu.wait_dma2 semaphore(%arg27 : memref<!tpu.dma_semaphore, #tpu.memory_space<semaphore_mem>>) src(%dma_wait3A_124 : memref<80xi32, #tpu.memory_space<hbm>>) dst(%arg9 : memref<80xi32, #tpu.memory_space<vmem>>)
      %mul3A_125 = arith.constant 80 : i32
      %mul3A_126 = arith.muli %add3A_122, %mul3A_125 : i32
      %dma_wait3A_127 = tpu.memref_slice %arg7[%mul3A_126] : memref<10000xi32, #tpu.memory_space<vmem>> -> memref<80xi32, #tpu.memory_space<vmem>>
      %dma_wait3A_128 = arith.constant 0 : i32
      %dma_wait3A_129 = arith.constant 0 : i32
      %dma_wait3A_130 = tpu.memref_slice %arg2[%dma_wait3A_128, %dma_wait3A_129] : memref<10000x16xf32, #tpu.memory_space<hbm>> -> memref<10000x16xf32, #tpu.memory_space<hbm>>
      tpu.wait_indirect_dma semaphore(%arg21 : memref<!tpu.dma_semaphore, #tpu.memory_space<semaphore_mem>>) src(%dma_wait3A_130 : memref<10000x16xf32, #tpu.memory_space<hbm>>) dst(%arg15 : memref<80x16xf32, #tpu.memory_space<vmem>>)
      "tpu.region"() ({
        %run_scoped3A = tpu.sem_alloc : memref<!tpu.dma_semaphore, #tpu.memory_space<semaphore_mem>>
        %dma_start3A_214 = arith.constant 0 : i32
        %dma_start3A_215 = arith.constant 0 : i32
        %dma_start3A_216 = tpu.memref_slice %arg32[%dma_start3A_214, %dma_start3A_215] : memref<10240x16xf32, #tpu.memory_space<vmem_shared>> -> memref<10240x16xf32, #tpu.memory_space<vmem_shared>>
        tpu.enqueue_indirect_dma source(%arg15 : memref<80x16xf32, #tpu.memory_space<vmem>>) target(%dma_start3A_216 : memref<10240x16xf32, #tpu.memory_space<vmem_shared>>) offsets(%arg9 : memref<80xi32, #tpu.memory_space<vmem>>) semaphore(%run_scoped3A : memref<!tpu.dma_semaphore, #tpu.memory_space<semaphore_mem>>) {add = true}
        %dma_wait3A_217 = arith.constant 0 : i32
        %dma_wait3A_218 = arith.constant 0 : i32
        %dma_wait3A_219 = tpu.memref_slice %arg32[%dma_wait3A_217, %dma_wait3A_218] : memref<10240x16xf32, #tpu.memory_space<vmem_shared>> -> memref<10240x16xf32, #tpu.memory_space<vmem_shared>>
        tpu.wait_indirect_dma semaphore(%run_scoped3A : memref<!tpu.dma_semaphore, #tpu.memory_space<semaphore_mem>>) src(%arg15 : memref<80x16xf32, #tpu.memory_space<vmem>>) dst(%dma_wait3A_219 : memref<10240x16xf32, #tpu.memory_space<vmem_shared>>)
        tpu.yield
      }) : () -> ()
      %add3A_131 = arith.constant 6 : i32
      %add3A_132 = arith.addi %add3A_122, %add3A_131 : i32
      %lt3A_133 = arith.constant 125 : i32
      %lt3A_134 = arith.cmpi slt, %add3A_132, %lt3A_133 : i32
      %convert_element_type3A_135 = arith.extui %lt3A_134 : i1 to i32
      %cond3A_136 = arith.constant 0 : i32
      %cond3A_137 = arith.cmpi ne, %convert_element_type3A_135, %cond3A_136 : i32
      scf.if %cond3A_137 {
        %add3A_214 = arith.constant 6 : i32
        %add3A_215 = arith.addi %add3A_122, %add3A_214 : i32
        %mul3A_216 = arith.constant 80 : i32
        %mul3A_217 = arith.muli %add3A_215, %mul3A_216 : i32
        %add3A_218 = arith.addi %mul3A_4, %mul3A_217 : i32
        %dma_start3A_219 = tpu.memref_slice %arg4[%add3A_218] : memref<320000xi32, #tpu.memory_space<hbm>> -> memref<80xi32, #tpu.memory_space<hbm>>
        %dma_start3A_220 = tpu.memref_slice %arg4[%add3A_218] : memref<320000xi32, #tpu.memory_space<hbm>> -> memref<80xi32, #tpu.memory_space<hbm>>
        tpu.enqueue_dma source(%dma_start3A_220 : memref<80xi32, #tpu.memory_space<hbm>>) target(%arg9 : memref<80xi32, #tpu.memory_space<vmem>>) target_semaphore(%arg27 : memref<!tpu.dma_semaphore, #tpu.memory_space<semaphore_mem>>)
        %mul3A_221 = arith.constant 80 : i32
        %mul3A_222 = arith.muli %add3A_215, %mul3A_221 : i32
        %dma_start3A_223 = tpu.memref_slice %arg7[%mul3A_222] : memref<10000xi32, #tpu.memory_space<vmem>> -> memref<80xi32, #tpu.memory_space<vmem>>
        %dma_start3A_224 = arith.constant 0 : i32
        %dma_start3A_225 = arith.constant 0 : i32
        %dma_start3A_226 = tpu.memref_slice %arg2[%dma_start3A_224, %dma_start3A_225] : memref<10000x16xf32, #tpu.memory_space<hbm>> -> memref<10000x16xf32, #tpu.memory_space<hbm>>
        tpu.enqueue_indirect_dma source(%dma_start3A_226 : memref<10000x16xf32, #tpu.memory_space<hbm>>) target(%arg15 : memref<80x16xf32, #tpu.memory_space<vmem>>) offsets(%dma_start3A_223 : memref<80xi32, #tpu.memory_space<vmem>>) semaphore(%arg21 : memref<!tpu.dma_semaphore, #tpu.memory_space<semaphore_mem>>)
      } else {
      }
      %mul3A_138 = arith.constant 6 : i32
      %mul3A_139 = arith.muli %scan3A_102, %mul3A_138 : i32
      %add3A_140 = arith.constant 2 : i32
      %add3A_141 = arith.addi %mul3A_139, %add3A_140 : i32
      %dma_wait3A_142 = tpu.memref_slice %arg4[%mul3A_4] : memref<320000xi32, #tpu.memory_space<hbm>> -> memref<80xi32, #tpu.memory_space<hbm>>
      %dma_wait3A_143 = tpu.memref_slice %arg4[%mul3A_4] : memref<320000xi32, #tpu.memory_space<hbm>> -> memref<80xi32, #tpu.memory_space<hbm>>
      tpu.wait_dma2 semaphore(%arg28 : memref<!tpu.dma_semaphore, #tpu.memory_space<semaphore_mem>>) src(%dma_wait3A_143 : memref<80xi32, #tpu.memory_space<hbm>>) dst(%arg10 : memref<80xi32, #tpu.memory_space<vmem>>)
      %mul3A_144 = arith.constant 80 : i32
      %mul3A_145 = arith.muli %add3A_141, %mul3A_144 : i32
      %dma_wait3A_146 = tpu.memref_slice %arg7[%mul3A_145] : memref<10000xi32, #tpu.memory_space<vmem>> -> memref<80xi32, #tpu.memory_space<vmem>>
      %dma_wait3A_147 = arith.constant 0 : i32
      %dma_wait3A_148 = arith.constant 0 : i32
      %dma_wait3A_149 = tpu.memref_slice %arg2[%dma_wait3A_147, %dma_wait3A_148] : memref<10000x16xf32, #tpu.memory_space<hbm>> -> memref<10000x16xf32, #tpu.memory_space<hbm>>
      tpu.wait_indirect_dma semaphore(%arg22 : memref<!tpu.dma_semaphore, #tpu.memory_space<semaphore_mem>>) src(%dma_wait3A_149 : memref<10000x16xf32, #tpu.memory_space<hbm>>) dst(%arg16 : memref<80x16xf32, #tpu.memory_space<vmem>>)
      "tpu.region"() ({
        %run_scoped3A = tpu.sem_alloc : memref<!tpu.dma_semaphore, #tpu.memory_space<semaphore_mem>>
        %dma_start3A_214 = arith.constant 0 : i32
        %dma_start3A_215 = arith.constant 0 : i32
        %dma_start3A_216 = tpu.memref_slice %arg32[%dma_start3A_214, %dma_start3A_215] : memref<10240x16xf32, #tpu.memory_space<vmem_shared>> -> memref<10240x16xf32, #tpu.memory_space<vmem_shared>>
        tpu.enqueue_indirect_dma source(%arg16 : memref<80x16xf32, #tpu.memory_space<vmem>>) target(%dma_start3A_216 : memref<10240x16xf32, #tpu.memory_space<vmem_shared>>) offsets(%arg10 : memref<80xi32, #tpu.memory_space<vmem>>) semaphore(%run_scoped3A : memref<!tpu.dma_semaphore, #tpu.memory_space<semaphore_mem>>) {add = true}
        %dma_wait3A_217 = arith.constant 0 : i32
        %dma_wait3A_218 = arith.constant 0 : i32
        %dma_wait3A_219 = tpu.memref_slice %arg32[%dma_wait3A_217, %dma_wait3A_218] : memref<10240x16xf32, #tpu.memory_space<vmem_shared>> -> memref<10240x16xf32, #tpu.memory_space<vmem_shared>>
        tpu.wait_indirect_dma semaphore(%run_scoped3A : memref<!tpu.dma_semaphore, #tpu.memory_space<semaphore_mem>>) src(%arg16 : memref<80x16xf32, #tpu.memory_space<vmem>>) dst(%dma_wait3A_219 : memref<10240x16xf32, #tpu.memory_space<vmem_shared>>)
        tpu.yield
      }) : () -> ()
      %add3A_150 = arith.constant 6 : i32
      %add3A_151 = arith.addi %add3A_141, %add3A_150 : i32
      %lt3A_152 = arith.constant 125 : i32
      %lt3A_153 = arith.cmpi slt, %add3A_151, %lt3A_152 : i32
      %convert_element_type3A_154 = arith.extui %lt3A_153 : i1 to i32
      %cond3A_155 = arith.constant 0 : i32
      %cond3A_156 = arith.cmpi ne, %convert_element_type3A_154, %cond3A_155 : i32
      scf.if %cond3A_156 {
        %add3A_214 = arith.constant 6 : i32
        %add3A_215 = arith.addi %add3A_141, %add3A_214 : i32
        %mul3A_216 = arith.constant 80 : i32
        %mul3A_217 = arith.muli %add3A_215, %mul3A_216 : i32
        %add3A_218 = arith.addi %mul3A_4, %mul3A_217 : i32
        %dma_start3A_219 = tpu.memref_slice %arg4[%add3A_218] : memref<320000xi32, #tpu.memory_space<hbm>> -> memref<80xi32, #tpu.memory_space<hbm>>
        %dma_start3A_220 = tpu.memref_slice %arg4[%add3A_218] : memref<320000xi32, #tpu.memory_space<hbm>> -> memref<80xi32, #tpu.memory_space<hbm>>
        tpu.enqueue_dma source(%dma_start3A_220 : memref<80xi32, #tpu.memory_space<hbm>>) target(%arg10 : memref<80xi32, #tpu.memory_space<vmem>>) target_semaphore(%arg28 : memref<!tpu.dma_semaphore, #tpu.memory_space<semaphore_mem>>)
        %mul3A_221 = arith.constant 80 : i32
        %mul3A_222 = arith.muli %add3A_215, %mul3A_221 : i32
        %dma_start3A_223 = tpu.memref_slice %arg7[%mul3A_222] : memref<10000xi32, #tpu.memory_space<vmem>> -> memref<80xi32, #tpu.memory_space<vmem>>
        %dma_start3A_224 = arith.constant 0 : i32
        %dma_start3A_225 = arith.constant 0 : i32
        %dma_start3A_226 = tpu.memref_slice %arg2[%dma_start3A_224, %dma_start3A_225] : memref<10000x16xf32, #tpu.memory_space<hbm>> -> memref<10000x16xf32, #tpu.memory_space<hbm>>
        tpu.enqueue_indirect_dma source(%dma_start3A_226 : memref<10000x16xf32, #tpu.memory_space<hbm>>) target(%arg16 : memref<80x16xf32, #tpu.memory_space<vmem>>) offsets(%dma_start3A_223 : memref<80xi32, #tpu.memory_space<vmem>>) semaphore(%arg22 : memref<!tpu.dma_semaphore, #tpu.memory_space<semaphore_mem>>)
      } else {
      }
      %mul3A_157 = arith.constant 6 : i32
      %mul3A_158 = arith.muli %scan3A_102, %mul3A_157 : i32
      %add3A_159 = arith.constant 3 : i32
      %add3A_160 = arith.addi %mul3A_158, %add3A_159 : i32
      %dma_wait3A_161 = tpu.memref_slice %arg4[%mul3A_4] : memref<320000xi32, #tpu.memory_space<hbm>> -> memref<80xi32, #tpu.memory_space<hbm>>
      %dma_wait3A_162 = tpu.memref_slice %arg4[%mul3A_4] : memref<320000xi32, #tpu.memory_space<hbm>> -> memref<80xi32, #tpu.memory_space<hbm>>
      tpu.wait_dma2 semaphore(%arg29 : memref<!tpu.dma_semaphore, #tpu.memory_space<semaphore_mem>>) src(%dma_wait3A_162 : memref<80xi32, #tpu.memory_space<hbm>>) dst(%arg11 : memref<80xi32, #tpu.memory_space<vmem>>)
      %mul3A_163 = arith.constant 80 : i32
      %mul3A_164 = arith.muli %add3A_160, %mul3A_163 : i32
      %dma_wait3A_165 = tpu.memref_slice %arg7[%mul3A_164] : memref<10000xi32, #tpu.memory_space<vmem>> -> memref<80xi32, #tpu.memory_space<vmem>>
      %dma_wait3A_166 = arith.constant 0 : i32
      %dma_wait3A_167 = arith.constant 0 : i32
      %dma_wait3A_168 = tpu.memref_slice %arg2[%dma_wait3A_166, %dma_wait3A_167] : memref<10000x16xf32, #tpu.memory_space<hbm>> -> memref<10000x16xf32, #tpu.memory_space<hbm>>
      tpu.wait_indirect_dma semaphore(%arg23 : memref<!tpu.dma_semaphore, #tpu.memory_space<semaphore_mem>>) src(%dma_wait3A_168 : memref<10000x16xf32, #tpu.memory_space<hbm>>) dst(%arg17 : memref<80x16xf32, #tpu.memory_space<vmem>>)
      "tpu.region"() ({
        %run_scoped3A = tpu.sem_alloc : memref<!tpu.dma_semaphore, #tpu.memory_space<semaphore_mem>>
        %dma_start3A_214 = arith.constant 0 : i32
        %dma_start3A_215 = arith.constant 0 : i32
        %dma_start3A_216 = tpu.memref_slice %arg32[%dma_start3A_214, %dma_start3A_215] : memref<10240x16xf32, #tpu.memory_space<vmem_shared>> -> memref<10240x16xf32, #tpu.memory_space<vmem_shared>>
        tpu.enqueue_indirect_dma source(%arg17 : memref<80x16xf32, #tpu.memory_space<vmem>>) target(%dma_start3A_216 : memref<10240x16xf32, #tpu.memory_space<vmem_shared>>) offsets(%arg11 : memref<80xi32, #tpu.memory_space<vmem>>) semaphore(%run_scoped3A : memref<!tpu.dma_semaphore, #tpu.memory_space<semaphore_mem>>) {add = true}
        %dma_wait3A_217 = arith.constant 0 : i32
        %dma_wait3A_218 = arith.constant 0 : i32
        %dma_wait3A_219 = tpu.memref_slice %arg32[%dma_wait3A_217, %dma_wait3A_218] : memref<10240x16xf32, #tpu.memory_space<vmem_shared>> -> memref<10240x16xf32, #tpu.memory_space<vmem_shared>>
        tpu.wait_indirect_dma semaphore(%run_scoped3A : memref<!tpu.dma_semaphore, #tpu.memory_space<semaphore_mem>>) src(%arg17 : memref<80x16xf32, #tpu.memory_space<vmem>>) dst(%dma_wait3A_219 : memref<10240x16xf32, #tpu.memory_space<vmem_shared>>)
        tpu.yield
      }) : () -> ()
      %add3A_169 = arith.constant 6 : i32
      %add3A_170 = arith.addi %add3A_160, %add3A_169 : i32
      %lt3A_171 = arith.constant 125 : i32
      %lt3A_172 = arith.cmpi slt, %add3A_170, %lt3A_171 : i32
      %convert_element_type3A_173 = arith.extui %lt3A_172 : i1 to i32
      %cond3A_174 = arith.constant 0 : i32
      %cond3A_175 = arith.cmpi ne, %convert_element_type3A_173, %cond3A_174 : i32
      scf.if %cond3A_175 {
        %add3A_214 = arith.constant 6 : i32
        %add3A_215 = arith.addi %add3A_160, %add3A_214 : i32
        %mul3A_216 = arith.constant 80 : i32
        %mul3A_217 = arith.muli %add3A_215, %mul3A_216 : i32
        %add3A_218 = arith.addi %mul3A_4, %mul3A_217 : i32
        %dma_start3A_219 = tpu.memref_slice %arg4[%add3A_218] : memref<320000xi32, #tpu.memory_space<hbm>> -> memref<80xi32, #tpu.memory_space<hbm>>
        %dma_start3A_220 = tpu.memref_slice %arg4[%add3A_218] : memref<320000xi32, #tpu.memory_space<hbm>> -> memref<80xi32, #tpu.memory_space<hbm>>
        tpu.enqueue_dma source(%dma_start3A_220 : memref<80xi32, #tpu.memory_space<hbm>>) target(%arg11 : memref<80xi32, #tpu.memory_space<vmem>>) target_semaphore(%arg29 : memref<!tpu.dma_semaphore, #tpu.memory_space<semaphore_mem>>)
        %mul3A_221 = arith.constant 80 : i32
        %mul3A_222 = arith.muli %add3A_215, %mul3A_221 : i32
        %dma_start3A_223 = tpu.memref_slice %arg7[%mul3A_222] : memref<10000xi32, #tpu.memory_space<vmem>> -> memref<80xi32, #tpu.memory_space<vmem>>
        %dma_start3A_224 = arith.constant 0 : i32
        %dma_start3A_225 = arith.constant 0 : i32
        %dma_start3A_226 = tpu.memref_slice %arg2[%dma_start3A_224, %dma_start3A_225] : memref<10000x16xf32, #tpu.memory_space<hbm>> -> memref<10000x16xf32, #tpu.memory_space<hbm>>
        tpu.enqueue_indirect_dma source(%dma_start3A_226 : memref<10000x16xf32, #tpu.memory_space<hbm>>) target(%arg17 : memref<80x16xf32, #tpu.memory_space<vmem>>) offsets(%dma_start3A_223 : memref<80xi32, #tpu.memory_space<vmem>>) semaphore(%arg23 : memref<!tpu.dma_semaphore, #tpu.memory_space<semaphore_mem>>)
      } else {
      }
      %mul3A_176 = arith.constant 6 : i32
      %mul3A_177 = arith.muli %scan3A_102, %mul3A_176 : i32
      %add3A_178 = arith.constant 4 : i32
      %add3A_179 = arith.addi %mul3A_177, %add3A_178 : i32
      %dma_wait3A_180 = tpu.memref_slice %arg4[%mul3A_4] : memref<320000xi32, #tpu.memory_space<hbm>> -> memref<80xi32, #tpu.memory_space<hbm>>
      %dma_wait3A_181 = tpu.memref_slice %arg4[%mul3A_4] : memref<320000xi32, #tpu.memory_space<hbm>> -> memref<80xi32, #tpu.memory_space<hbm>>
      tpu.wait_dma2 semaphore(%arg30 : memref<!tpu.dma_semaphore, #tpu.memory_space<semaphore_mem>>) src(%dma_wait3A_181 : memref<80xi32, #tpu.memory_space<hbm>>) dst(%arg12 : memref<80xi32, #tpu.memory_space<vmem>>)
      %mul3A_182 = arith.constant 80 : i32
      %mul3A_183 = arith.muli %add3A_179, %mul3A_182 : i32
      %dma_wait3A_184 = tpu.memref_slice %arg7[%mul3A_183] : memref<10000xi32, #tpu.memory_space<vmem>> -> memref<80xi32, #tpu.memory_space<vmem>>
      %dma_wait3A_185 = arith.constant 0 : i32
      %dma_wait3A_186 = arith.constant 0 : i32
      %dma_wait3A_187 = tpu.memref_slice %arg2[%dma_wait3A_185, %dma_wait3A_186] : memref<10000x16xf32, #tpu.memory_space<hbm>> -> memref<10000x16xf32, #tpu.memory_space<hbm>>
      tpu.wait_indirect_dma semaphore(%arg24 : memref<!tpu.dma_semaphore, #tpu.memory_space<semaphore_mem>>) src(%dma_wait3A_187 : memref<10000x16xf32, #tpu.memory_space<hbm>>) dst(%arg18 : memref<80x16xf32, #tpu.memory_space<vmem>>)
      "tpu.region"() ({
        %run_scoped3A = tpu.sem_alloc : memref<!tpu.dma_semaphore, #tpu.memory_space<semaphore_mem>>
        %dma_start3A_214 = arith.constant 0 : i32
        %dma_start3A_215 = arith.constant 0 : i32
        %dma_start3A_216 = tpu.memref_slice %arg32[%dma_start3A_214, %dma_start3A_215] : memref<10240x16xf32, #tpu.memory_space<vmem_shared>> -> memref<10240x16xf32, #tpu.memory_space<vmem_shared>>
        tpu.enqueue_indirect_dma source(%arg18 : memref<80x16xf32, #tpu.memory_space<vmem>>) target(%dma_start3A_216 : memref<10240x16xf32, #tpu.memory_space<vmem_shared>>) offsets(%arg12 : memref<80xi32, #tpu.memory_space<vmem>>) semaphore(%run_scoped3A : memref<!tpu.dma_semaphore, #tpu.memory_space<semaphore_mem>>) {add = true}
        %dma_wait3A_217 = arith.constant 0 : i32
        %dma_wait3A_218 = arith.constant 0 : i32
        %dma_wait3A_219 = tpu.memref_slice %arg32[%dma_wait3A_217, %dma_wait3A_218] : memref<10240x16xf32, #tpu.memory_space<vmem_shared>> -> memref<10240x16xf32, #tpu.memory_space<vmem_shared>>
        tpu.wait_indirect_dma semaphore(%run_scoped3A : memref<!tpu.dma_semaphore, #tpu.memory_space<semaphore_mem>>) src(%arg18 : memref<80x16xf32, #tpu.memory_space<vmem>>) dst(%dma_wait3A_219 : memref<10240x16xf32, #tpu.memory_space<vmem_shared>>)
        tpu.yield
      }) : () -> ()
      %add3A_188 = arith.constant 6 : i32
      %add3A_189 = arith.addi %add3A_179, %add3A_188 : i32
      %lt3A_190 = arith.constant 125 : i32
      %lt3A_191 = arith.cmpi slt, %add3A_189, %lt3A_190 : i32
      %convert_element_type3A_192 = arith.extui %lt3A_191 : i1 to i32
      %cond3A_193 = arith.constant 0 : i32
      %cond3A_194 = arith.cmpi ne, %convert_element_type3A_192, %cond3A_193 : i32
      scf.if %cond3A_194 {
        %add3A_214 = arith.constant 6 : i32
        %add3A_215 = arith.addi %add3A_179, %add3A_214 : i32
        %mul3A_216 = arith.constant 80 : i32
        %mul3A_217 = arith.muli %add3A_215, %mul3A_216 : i32
        %add3A_218 = arith.addi %mul3A_4, %mul3A_217 : i32
        %dma_start3A_219 = tpu.memref_slice %arg4[%add3A_218] : memref<320000xi32, #tpu.memory_space<hbm>> -> memref<80xi32, #tpu.memory_space<hbm>>
        %dma_start3A_220 = tpu.memref_slice %arg4[%add3A_218] : memref<320000xi32, #tpu.memory_space<hbm>> -> memref<80xi32, #tpu.memory_space<hbm>>
        tpu.enqueue_dma source(%dma_start3A_220 : memref<80xi32, #tpu.memory_space<hbm>>) target(%arg12 : memref<80xi32, #tpu.memory_space<vmem>>) target_semaphore(%arg30 : memref<!tpu.dma_semaphore, #tpu.memory_space<semaphore_mem>>)
        %mul3A_221 = arith.constant 80 : i32
        %mul3A_222 = arith.muli %add3A_215, %mul3A_221 : i32
        %dma_start3A_223 = tpu.memref_slice %arg7[%mul3A_222] : memref<10000xi32, #tpu.memory_space<vmem>> -> memref<80xi32, #tpu.memory_space<vmem>>
        %dma_start3A_224 = arith.constant 0 : i32
        %dma_start3A_225 = arith.constant 0 : i32
        %dma_start3A_226 = tpu.memref_slice %arg2[%dma_start3A_224, %dma_start3A_225] : memref<10000x16xf32, #tpu.memory_space<hbm>> -> memref<10000x16xf32, #tpu.memory_space<hbm>>
        tpu.enqueue_indirect_dma source(%dma_start3A_226 : memref<10000x16xf32, #tpu.memory_space<hbm>>) target(%arg18 : memref<80x16xf32, #tpu.memory_space<vmem>>) offsets(%dma_start3A_223 : memref<80xi32, #tpu.memory_space<vmem>>) semaphore(%arg24 : memref<!tpu.dma_semaphore, #tpu.memory_space<semaphore_mem>>)
      } else {
      }
      %mul3A_195 = arith.constant 6 : i32
      %mul3A_196 = arith.muli %scan3A_102, %mul3A_195 : i32
      %add3A_197 = arith.constant 5 : i32
      %add3A_198 = arith.addi %mul3A_196, %add3A_197 : i32
      %dma_wait3A_199 = tpu.memref_slice %arg4[%mul3A_4] : memref<320000xi32, #tpu.memory_space<hbm>> -> memref<80xi32, #tpu.memory_space<hbm>>
      %dma_wait3A_200 = tpu.memref_slice %arg4[%mul3A_4] : memref<320000xi32, #tpu.memory_space<hbm>> -> memref<80xi32, #tpu.memory_space<hbm>>
      tpu.wait_dma2 semaphore(%arg31 : memref<!tpu.dma_semaphore, #tpu.memory_space<semaphore_mem>>) src(%dma_wait3A_200 : memref<80xi32, #tpu.memory_space<hbm>>) dst(%arg13 : memref<80xi32, #tpu.memory_space<vmem>>)
      %mul3A_201 = arith.constant 80 : i32
      %mul3A_202 = arith.muli %add3A_198, %mul3A_201 : i32
      %dma_wait3A_203 = tpu.memref_slice %arg7[%mul3A_202] : memref<10000xi32, #tpu.memory_space<vmem>> -> memref<80xi32, #tpu.memory_space<vmem>>
      %dma_wait3A_204 = arith.constant 0 : i32
      %dma_wait3A_205 = arith.constant 0 : i32
      %dma_wait3A_206 = tpu.memref_slice %arg2[%dma_wait3A_204, %dma_wait3A_205] : memref<10000x16xf32, #tpu.memory_space<hbm>> -> memref<10000x16xf32, #tpu.memory_space<hbm>>
      tpu.wait_indirect_dma semaphore(%arg25 : memref<!tpu.dma_semaphore, #tpu.memory_space<semaphore_mem>>) src(%dma_wait3A_206 : memref<10000x16xf32, #tpu.memory_space<hbm>>) dst(%arg19 : memref<80x16xf32, #tpu.memory_space<vmem>>)
      "tpu.region"() ({
        %run_scoped3A = tpu.sem_alloc : memref<!tpu.dma_semaphore, #tpu.memory_space<semaphore_mem>>
        %dma_start3A_214 = arith.constant 0 : i32
        %dma_start3A_215 = arith.constant 0 : i32
        %dma_start3A_216 = tpu.memref_slice %arg32[%dma_start3A_214, %dma_start3A_215] : memref<10240x16xf32, #tpu.memory_space<vmem_shared>> -> memref<10240x16xf32, #tpu.memory_space<vmem_shared>>
        tpu.enqueue_indirect_dma source(%arg19 : memref<80x16xf32, #tpu.memory_space<vmem>>) target(%dma_start3A_216 : memref<10240x16xf32, #tpu.memory_space<vmem_shared>>) offsets(%arg13 : memref<80xi32, #tpu.memory_space<vmem>>) semaphore(%run_scoped3A : memref<!tpu.dma_semaphore, #tpu.memory_space<semaphore_mem>>) {add = true}
        %dma_wait3A_217 = arith.constant 0 : i32
        %dma_wait3A_218 = arith.constant 0 : i32
        %dma_wait3A_219 = tpu.memref_slice %arg32[%dma_wait3A_217, %dma_wait3A_218] : memref<10240x16xf32, #tpu.memory_space<vmem_shared>> -> memref<10240x16xf32, #tpu.memory_space<vmem_shared>>
        tpu.wait_indirect_dma semaphore(%run_scoped3A : memref<!tpu.dma_semaphore, #tpu.memory_space<semaphore_mem>>) src(%arg19 : memref<80x16xf32, #tpu.memory_space<vmem>>) dst(%dma_wait3A_219 : memref<10240x16xf32, #tpu.memory_space<vmem_shared>>)
        tpu.yield
      }) : () -> ()
      %add3A_207 = arith.constant 6 : i32
      %add3A_208 = arith.addi %add3A_198, %add3A_207 : i32
      %lt3A_209 = arith.constant 125 : i32
      %lt3A_210 = arith.cmpi slt, %add3A_208, %lt3A_209 : i32
      %convert_element_type3A_211 = arith.extui %lt3A_210 : i1 to i32
      %cond3A_212 = arith.constant 0 : i32
      %cond3A_213 = arith.cmpi ne, %convert_element_type3A_211, %cond3A_212 : i32
      scf.if %cond3A_213 {
        %add3A_214 = arith.constant 6 : i32
        %add3A_215 = arith.addi %add3A_198, %add3A_214 : i32
        %mul3A_216 = arith.constant 80 : i32
        %mul3A_217 = arith.muli %add3A_215, %mul3A_216 : i32
        %add3A_218 = arith.addi %mul3A_4, %mul3A_217 : i32
        %dma_start3A_219 = tpu.memref_slice %arg4[%add3A_218] : memref<320000xi32, #tpu.memory_space<hbm>> -> memref<80xi32, #tpu.memory_space<hbm>>
        %dma_start3A_220 = tpu.memref_slice %arg4[%add3A_218] : memref<320000xi32, #tpu.memory_space<hbm>> -> memref<80xi32, #tpu.memory_space<hbm>>
        tpu.enqueue_dma source(%dma_start3A_220 : memref<80xi32, #tpu.memory_space<hbm>>) target(%arg13 : memref<80xi32, #tpu.memory_space<vmem>>) target_semaphore(%arg31 : memref<!tpu.dma_semaphore, #tpu.memory_space<semaphore_mem>>)
        %mul3A_221 = arith.constant 80 : i32
        %mul3A_222 = arith.muli %add3A_215, %mul3A_221 : i32
        %dma_start3A_223 = tpu.memref_slice %arg7[%mul3A_222] : memref<10000xi32, #tpu.memory_space<vmem>> -> memref<80xi32, #tpu.memory_space<vmem>>
        %dma_start3A_224 = arith.constant 0 : i32
        %dma_start3A_225 = arith.constant 0 : i32
        %dma_start3A_226 = tpu.memref_slice %arg2[%dma_start3A_224, %dma_start3A_225] : memref<10000x16xf32, #tpu.memory_space<hbm>> -> memref<10000x16xf32, #tpu.memory_space<hbm>>
        tpu.enqueue_indirect_dma source(%dma_start3A_226 : memref<10000x16xf32, #tpu.memory_space<hbm>>) target(%arg19 : memref<80x16xf32, #tpu.memory_space<vmem>>) offsets(%dma_start3A_223 : memref<80xi32, #tpu.memory_space<vmem>>) semaphore(%arg25 : memref<!tpu.dma_semaphore, #tpu.memory_space<semaphore_mem>>)
      } else {
      }
    }
    %scan3A_62 = arith.constant 20 : i32
    %dma_wait3A = tpu.memref_slice %arg4[%mul3A_4] : memref<320000xi32, #tpu.memory_space<hbm>> -> memref<80xi32, #tpu.memory_space<hbm>>
    %dma_wait3A_63 = tpu.memref_slice %arg4[%mul3A_4] : memref<320000xi32, #tpu.memory_space<hbm>> -> memref<80xi32, #tpu.memory_space<hbm>>
    tpu.wait_dma2 semaphore(%arg26 : memref<!tpu.dma_semaphore, #tpu.memory_space<semaphore_mem>>) src(%dma_wait3A_63 : memref<80xi32, #tpu.memory_space<hbm>>) dst(%arg8 : memref<80xi32, #tpu.memory_space<vmem>>)
    %dma_wait3A_64 = arith.constant 9600 : i32
    %dma_wait3A_65 = tpu.memref_slice %arg7[%dma_wait3A_64] : memref<10000xi32, #tpu.memory_space<vmem>> -> memref<80xi32, #tpu.memory_space<vmem>>
    %dma_wait3A_66 = arith.constant 0 : i32
    %dma_wait3A_67 = arith.constant 0 : i32
    %dma_wait3A_68 = tpu.memref_slice %arg2[%dma_wait3A_66, %dma_wait3A_67] : memref<10000x16xf32, #tpu.memory_space<hbm>> -> memref<10000x16xf32, #tpu.memory_space<hbm>>
    tpu.wait_indirect_dma semaphore(%arg20 : memref<!tpu.dma_semaphore, #tpu.memory_space<semaphore_mem>>) src(%dma_wait3A_68 : memref<10000x16xf32, #tpu.memory_space<hbm>>) dst(%arg14 : memref<80x16xf32, #tpu.memory_space<vmem>>)
    "tpu.region"() ({
      %run_scoped3A = tpu.sem_alloc : memref<!tpu.dma_semaphore, #tpu.memory_space<semaphore_mem>>
      %dma_start3A_102 = arith.constant 0 : i32
      %dma_start3A_103 = arith.constant 0 : i32
      %dma_start3A_104 = tpu.memref_slice %arg32[%dma_start3A_102, %dma_start3A_103] : memref<10240x16xf32, #tpu.memory_space<vmem_shared>> -> memref<10240x16xf32, #tpu.memory_space<vmem_shared>>
      tpu.enqueue_indirect_dma source(%arg14 : memref<80x16xf32, #tpu.memory_space<vmem>>) target(%dma_start3A_104 : memref<10240x16xf32, #tpu.memory_space<vmem_shared>>) offsets(%arg8 : memref<80xi32, #tpu.memory_space<vmem>>) semaphore(%run_scoped3A : memref<!tpu.dma_semaphore, #tpu.memory_space<semaphore_mem>>) {add = true}
      %dma_wait3A_105 = arith.constant 0 : i32
      %dma_wait3A_106 = arith.constant 0 : i32
      %dma_wait3A_107 = tpu.memref_slice %arg32[%dma_wait3A_105, %dma_wait3A_106] : memref<10240x16xf32, #tpu.memory_space<vmem_shared>> -> memref<10240x16xf32, #tpu.memory_space<vmem_shared>>
      tpu.wait_indirect_dma semaphore(%run_scoped3A : memref<!tpu.dma_semaphore, #tpu.memory_space<semaphore_mem>>) src(%arg14 : memref<80x16xf32, #tpu.memory_space<vmem>>) dst(%dma_wait3A_107 : memref<10240x16xf32, #tpu.memory_space<vmem_shared>>)
      tpu.yield
    }) : () -> ()
    %dma_wait3A_69 = tpu.memref_slice %arg4[%mul3A_4] : memref<320000xi32, #tpu.memory_space<hbm>> -> memref<80xi32, #tpu.memory_space<hbm>>
    %dma_wait3A_70 = tpu.memref_slice %arg4[%mul3A_4] : memref<320000xi32, #tpu.memory_space<hbm>> -> memref<80xi32, #tpu.memory_space<hbm>>
    tpu.wait_dma2 semaphore(%arg27 : memref<!tpu.dma_semaphore, #tpu.memory_space<semaphore_mem>>) src(%dma_wait3A_70 : memref<80xi32, #tpu.memory_space<hbm>>) dst(%arg9 : memref<80xi32, #tpu.memory_space<vmem>>)
    %dma_wait3A_71 = arith.constant 9680 : i32
    %dma_wait3A_72 = tpu.memref_slice %arg7[%dma_wait3A_71] : memref<10000xi32, #tpu.memory_space<vmem>> -> memref<80xi32, #tpu.memory_space<vmem>>
    %dma_wait3A_73 = arith.constant 0 : i32
    %dma_wait3A_74 = arith.constant 0 : i32
    %dma_wait3A_75 = tpu.memref_slice %arg2[%dma_wait3A_73, %dma_wait3A_74] : memref<10000x16xf32, #tpu.memory_space<hbm>> -> memref<10000x16xf32, #tpu.memory_space<hbm>>
    tpu.wait_indirect_dma semaphore(%arg21 : memref<!tpu.dma_semaphore, #tpu.memory_space<semaphore_mem>>) src(%dma_wait3A_75 : memref<10000x16xf32, #tpu.memory_space<hbm>>) dst(%arg15 : memref<80x16xf32, #tpu.memory_space<vmem>>)
    "tpu.region"() ({
      %run_scoped3A = tpu.sem_alloc : memref<!tpu.dma_semaphore, #tpu.memory_space<semaphore_mem>>
      %dma_start3A_102 = arith.constant 0 : i32
      %dma_start3A_103 = arith.constant 0 : i32
      %dma_start3A_104 = tpu.memref_slice %arg32[%dma_start3A_102, %dma_start3A_103] : memref<10240x16xf32, #tpu.memory_space<vmem_shared>> -> memref<10240x16xf32, #tpu.memory_space<vmem_shared>>
      tpu.enqueue_indirect_dma source(%arg15 : memref<80x16xf32, #tpu.memory_space<vmem>>) target(%dma_start3A_104 : memref<10240x16xf32, #tpu.memory_space<vmem_shared>>) offsets(%arg9 : memref<80xi32, #tpu.memory_space<vmem>>) semaphore(%run_scoped3A : memref<!tpu.dma_semaphore, #tpu.memory_space<semaphore_mem>>) {add = true}
      %dma_wait3A_105 = arith.constant 0 : i32
      %dma_wait3A_106 = arith.constant 0 : i32
      %dma_wait3A_107 = tpu.memref_slice %arg32[%dma_wait3A_105, %dma_wait3A_106] : memref<10240x16xf32, #tpu.memory_space<vmem_shared>> -> memref<10240x16xf32, #tpu.memory_space<vmem_shared>>
      tpu.wait_indirect_dma semaphore(%run_scoped3A : memref<!tpu.dma_semaphore, #tpu.memory_space<semaphore_mem>>) src(%arg15 : memref<80x16xf32, #tpu.memory_space<vmem>>) dst(%dma_wait3A_107 : memref<10240x16xf32, #tpu.memory_space<vmem_shared>>)
      tpu.yield
    }) : () -> ()
    %dma_wait3A_76 = tpu.memref_slice %arg4[%mul3A_4] : memref<320000xi32, #tpu.memory_space<hbm>> -> memref<80xi32, #tpu.memory_space<hbm>>
    %dma_wait3A_77 = tpu.memref_slice %arg4[%mul3A_4] : memref<320000xi32, #tpu.memory_space<hbm>> -> memref<80xi32, #tpu.memory_space<hbm>>
    tpu.wait_dma2 semaphore(%arg28 : memref<!tpu.dma_semaphore, #tpu.memory_space<semaphore_mem>>) src(%dma_wait3A_77 : memref<80xi32, #tpu.memory_space<hbm>>) dst(%arg10 : memref<80xi32, #tpu.memory_space<vmem>>)
    %dma_wait3A_78 = arith.constant 9760 : i32
    %dma_wait3A_79 = tpu.memref_slice %arg7[%dma_wait3A_78] : memref<10000xi32, #tpu.memory_space<vmem>> -> memref<80xi32, #tpu.memory_space<vmem>>
    %dma_wait3A_80 = arith.constant 0 : i32
    %dma_wait3A_81 = arith.constant 0 : i32
    %dma_wait3A_82 = tpu.memref_slice %arg2[%dma_wait3A_80, %dma_wait3A_81] : memref<10000x16xf32, #tpu.memory_space<hbm>> -> memref<10000x16xf32, #tpu.memory_space<hbm>>
    tpu.wait_indirect_dma semaphore(%arg22 : memref<!tpu.dma_semaphore, #tpu.memory_space<semaphore_mem>>) src(%dma_wait3A_82 : memref<10000x16xf32, #tpu.memory_space<hbm>>) dst(%arg16 : memref<80x16xf32, #tpu.memory_space<vmem>>)
    "tpu.region"() ({
      %run_scoped3A = tpu.sem_alloc : memref<!tpu.dma_semaphore, #tpu.memory_space<semaphore_mem>>
      %dma_start3A_102 = arith.constant 0 : i32
      %dma_start3A_103 = arith.constant 0 : i32
      %dma_start3A_104 = tpu.memref_slice %arg32[%dma_start3A_102, %dma_start3A_103] : memref<10240x16xf32, #tpu.memory_space<vmem_shared>> -> memref<10240x16xf32, #tpu.memory_space<vmem_shared>>
      tpu.enqueue_indirect_dma source(%arg16 : memref<80x16xf32, #tpu.memory_space<vmem>>) target(%dma_start3A_104 : memref<10240x16xf32, #tpu.memory_space<vmem_shared>>) offsets(%arg10 : memref<80xi32, #tpu.memory_space<vmem>>) semaphore(%run_scoped3A : memref<!tpu.dma_semaphore, #tpu.memory_space<semaphore_mem>>) {add = true}
      %dma_wait3A_105 = arith.constant 0 : i32
      %dma_wait3A_106 = arith.constant 0 : i32
      %dma_wait3A_107 = tpu.memref_slice %arg32[%dma_wait3A_105, %dma_wait3A_106] : memref<10240x16xf32, #tpu.memory_space<vmem_shared>> -> memref<10240x16xf32, #tpu.memory_space<vmem_shared>>
      tpu.wait_indirect_dma semaphore(%run_scoped3A : memref<!tpu.dma_semaphore, #tpu.memory_space<semaphore_mem>>) src(%arg16 : memref<80x16xf32, #tpu.memory_space<vmem>>) dst(%dma_wait3A_107 : memref<10240x16xf32, #tpu.memory_space<vmem_shared>>)
      tpu.yield
    }) : () -> ()
    %dma_wait3A_83 = tpu.memref_slice %arg4[%mul3A_4] : memref<320000xi32, #tpu.memory_space<hbm>> -> memref<80xi32, #tpu.memory_space<hbm>>
    %dma_wait3A_84 = tpu.memref_slice %arg4[%mul3A_4] : memref<320000xi32, #tpu.memory_space<hbm>> -> memref<80xi32, #tpu.memory_space<hbm>>
    tpu.wait_dma2 semaphore(%arg29 : memref<!tpu.dma_semaphore, #tpu.memory_space<semaphore_mem>>) src(%dma_wait3A_84 : memref<80xi32, #tpu.memory_space<hbm>>) dst(%arg11 : memref<80xi32, #tpu.memory_space<vmem>>)
    %dma_wait3A_85 = arith.constant 9840 : i32
    %dma_wait3A_86 = tpu.memref_slice %arg7[%dma_wait3A_85] : memref<10000xi32, #tpu.memory_space<vmem>> -> memref<80xi32, #tpu.memory_space<vmem>>
    %dma_wait3A_87 = arith.constant 0 : i32
    %dma_wait3A_88 = arith.constant 0 : i32
    %dma_wait3A_89 = tpu.memref_slice %arg2[%dma_wait3A_87, %dma_wait3A_88] : memref<10000x16xf32, #tpu.memory_space<hbm>> -> memref<10000x16xf32, #tpu.memory_space<hbm>>
    tpu.wait_indirect_dma semaphore(%arg23 : memref<!tpu.dma_semaphore, #tpu.memory_space<semaphore_mem>>) src(%dma_wait3A_89 : memref<10000x16xf32, #tpu.memory_space<hbm>>) dst(%arg17 : memref<80x16xf32, #tpu.memory_space<vmem>>)
    "tpu.region"() ({
      %run_scoped3A = tpu.sem_alloc : memref<!tpu.dma_semaphore, #tpu.memory_space<semaphore_mem>>
      %dma_start3A_102 = arith.constant 0 : i32
      %dma_start3A_103 = arith.constant 0 : i32
      %dma_start3A_104 = tpu.memref_slice %arg32[%dma_start3A_102, %dma_start3A_103] : memref<10240x16xf32, #tpu.memory_space<vmem_shared>> -> memref<10240x16xf32, #tpu.memory_space<vmem_shared>>
      tpu.enqueue_indirect_dma source(%arg17 : memref<80x16xf32, #tpu.memory_space<vmem>>) target(%dma_start3A_104 : memref<10240x16xf32, #tpu.memory_space<vmem_shared>>) offsets(%arg11 : memref<80xi32, #tpu.memory_space<vmem>>) semaphore(%run_scoped3A : memref<!tpu.dma_semaphore, #tpu.memory_space<semaphore_mem>>) {add = true}
      %dma_wait3A_105 = arith.constant 0 : i32
      %dma_wait3A_106 = arith.constant 0 : i32
      %dma_wait3A_107 = tpu.memref_slice %arg32[%dma_wait3A_105, %dma_wait3A_106] : memref<10240x16xf32, #tpu.memory_space<vmem_shared>> -> memref<10240x16xf32, #tpu.memory_space<vmem_shared>>
      tpu.wait_indirect_dma semaphore(%run_scoped3A : memref<!tpu.dma_semaphore, #tpu.memory_space<semaphore_mem>>) src(%arg17 : memref<80x16xf32, #tpu.memory_space<vmem>>) dst(%dma_wait3A_107 : memref<10240x16xf32, #tpu.memory_space<vmem_shared>>)
      tpu.yield
    }) : () -> ()
    %dma_wait3A_90 = tpu.memref_slice %arg4[%mul3A_4] : memref<320000xi32, #tpu.memory_space<hbm>> -> memref<80xi32, #tpu.memory_space<hbm>>
    %dma_wait3A_91 = tpu.memref_slice %arg4[%mul3A_4] : memref<320000xi32, #tpu.memory_space<hbm>> -> memref<80xi32, #tpu.memory_space<hbm>>
    tpu.wait_dma2 semaphore(%arg30 : memref<!tpu.dma_semaphore, #tpu.memory_space<semaphore_mem>>) src(%dma_wait3A_91 : memref<80xi32, #tpu.memory_space<hbm>>) dst(%arg12 : memref<80xi32, #tpu.memory_space<vmem>>)
    %dma_wait3A_92 = arith.constant 9920 : i32
    %dma_wait3A_93 = tpu.memref_slice %arg7[%dma_wait3A_92] : memref<10000xi32, #tpu.memory_space<vmem>> -> memref<80xi32, #tpu.memory_space<vmem>>
    %dma_wait3A_94 = arith.constant 0 : i32
    %dma_wait3A_95 = arith.constant 0 : i32
    %dma_wait3A_96 = tpu.memref_slice %arg2[%dma_wait3A_94, %dma_wait3A_95] : memref<10000x16xf32, #tpu.memory_space<hbm>> -> memref<10000x16xf32, #tpu.memory_space<hbm>>
    tpu.wait_indirect_dma semaphore(%arg24 : memref<!tpu.dma_semaphore, #tpu.memory_space<semaphore_mem>>) src(%dma_wait3A_96 : memref<10000x16xf32, #tpu.memory_space<hbm>>) dst(%arg18 : memref<80x16xf32, #tpu.memory_space<vmem>>)
    "tpu.region"() ({
      %run_scoped3A = tpu.sem_alloc : memref<!tpu.dma_semaphore, #tpu.memory_space<semaphore_mem>>
      %dma_start3A_102 = arith.constant 0 : i32
      %dma_start3A_103 = arith.constant 0 : i32
      %dma_start3A_104 = tpu.memref_slice %arg32[%dma_start3A_102, %dma_start3A_103] : memref<10240x16xf32, #tpu.memory_space<vmem_shared>> -> memref<10240x16xf32, #tpu.memory_space<vmem_shared>>
      tpu.enqueue_indirect_dma source(%arg18 : memref<80x16xf32, #tpu.memory_space<vmem>>) target(%dma_start3A_104 : memref<10240x16xf32, #tpu.memory_space<vmem_shared>>) offsets(%arg12 : memref<80xi32, #tpu.memory_space<vmem>>) semaphore(%run_scoped3A : memref<!tpu.dma_semaphore, #tpu.memory_space<semaphore_mem>>) {add = true}
      %dma_wait3A_105 = arith.constant 0 : i32
      %dma_wait3A_106 = arith.constant 0 : i32
      %dma_wait3A_107 = tpu.memref_slice %arg32[%dma_wait3A_105, %dma_wait3A_106] : memref<10240x16xf32, #tpu.memory_space<vmem_shared>> -> memref<10240x16xf32, #tpu.memory_space<vmem_shared>>
      tpu.wait_indirect_dma semaphore(%run_scoped3A : memref<!tpu.dma_semaphore, #tpu.memory_space<semaphore_mem>>) src(%arg18 : memref<80x16xf32, #tpu.memory_space<vmem>>) dst(%dma_wait3A_107 : memref<10240x16xf32, #tpu.memory_space<vmem_shared>>)
      tpu.yield
    }) : () -> ()
    %barrier3A_97 = arith.constant 0 : index
    tpu.barrier barrier_id(%barrier3A_97)
    %mul3A_98 = arith.constant 640 : i32
    %mul3A_99 = arith.muli %arg1, %mul3A_98 : i32
    %mul3A_100 = arith.constant 640 : i32
    %mul3A_101 = arith.muli %arg1, %mul3A_100 : i32
    "tpu.region"() ({
      %run_scoped3A = tpu.sem_alloc : memref<!tpu.dma_semaphore, #tpu.memory_space<semaphore_mem>>
      %dma_start3A_102 = arith.constant 0 : i32
      %dma_start3A_103 = tpu.memref_slice %arg6[%arg0, %mul3A_101, %dma_start3A_102] : memref<2x10240x16xf32, #tpu.memory_space<hbm>> -> memref<1x640x16xf32, #tpu.memory_space<hbm>>
      %dma_start3A_104 = tpu.memref_squeeze %dma_start3A_103 : memref<1x640x16xf32, #tpu.memory_space<hbm>> -> memref<640x16xf32, #tpu.memory_space<hbm>>
      %dma_start3A_105 = arith.constant 0 : i32
      %dma_start3A_106 = tpu.memref_slice %arg32[%mul3A_99, %dma_start3A_105] : memref<10240x16xf32, #tpu.memory_space<vmem_shared>> -> memref<640x16xf32, #tpu.memory_space<vmem_shared>>
      tpu.enqueue_dma source(%dma_start3A_106 : memref<640x16xf32, #tpu.memory_space<vmem_shared>>) target(%dma_start3A_104 : memref<640x16xf32, #tpu.memory_space<hbm>>) target_semaphore(%run_scoped3A : memref<!tpu.dma_semaphore, #tpu.memory_space<semaphore_mem>>)
      %dma_wait3A_107 = arith.constant 0 : i32
      %dma_wait3A_108 = tpu.memref_slice %arg6[%arg0, %mul3A_101, %dma_wait3A_107] : memref<2x10240x16xf32, #tpu.memory_space<hbm>> -> memref<1x640x16xf32, #tpu.memory_space<hbm>>
      %dma_wait3A_109 = tpu.memref_squeeze %dma_wait3A_108 : memref<1x640x16xf32, #tpu.memory_space<hbm>> -> memref<640x16xf32, #tpu.memory_space<hbm>>
      %dma_wait3A_110 = arith.constant 0 : i32
      %dma_wait3A_111 = tpu.memref_slice %arg32[%mul3A_99, %dma_wait3A_110] : memref<10240x16xf32, #tpu.memory_space<vmem_shared>> -> memref<640x16xf32, #tpu.memory_space<vmem_shared>>
      tpu.wait_dma2 semaphore(%run_scoped3A : memref<!tpu.dma_semaphore, #tpu.memory_space<semaphore_mem>>) src(%dma_wait3A_111 : memref<640x16xf32, #tpu.memory_space<vmem_shared>>) dst(%dma_wait3A_109 : memref<640x16xf32, #tpu.memory_space<hbm>>)
      tpu.yield
    }) : () -> ()
    return
  }
}

#map = affine_map<(d0, d1) -> (0, 0)>
#map1 = affine_map<(d0, d1) -> (0)>
#map2 = affine_map<(d0, d1) -> (0, 0, 0)>
module attributes {stable_mosaic.version = 14 : i64} {
  func.func @agg(%arg0: i32, %arg1: i32, %arg2: memref<10000x128xf32, #tpu.memory_space<hbm>>, %arg3: memref<320000xi32, #tpu.memory_space<hbm>>, %arg4: memref<320000xi32, #tpu.memory_space<hbm>>, %arg5: memref<640x128xf32, #tpu.memory_space<hbm>>, %arg6: memref<2x10240x128xf32, #tpu.memory_space<hbm>>, %arg7: memref<10000xi32, #tpu.memory_space<vmem>>, %arg8: memref<80xi32, #tpu.memory_space<vmem>>, %arg9: memref<80xi32, #tpu.memory_space<vmem>>, %arg10: memref<80xi32, #tpu.memory_space<vmem>>, %arg11: memref<80x128xf32, #tpu.memory_space<vmem>>, %arg12: memref<80x128xf32, #tpu.memory_space<vmem>>, %arg13: memref<80x128xf32, #tpu.memory_space<vmem>>, %arg14: memref<!tpu.dma_semaphore, #tpu.memory_space<semaphore_mem>>, %arg15: memref<!tpu.dma_semaphore, #tpu.memory_space<semaphore_mem>>, %arg16: memref<!tpu.dma_semaphore, #tpu.memory_space<semaphore_mem>>, %arg17: memref<!tpu.dma_semaphore, #tpu.memory_space<semaphore_mem>>, %arg18: memref<!tpu.dma_semaphore, #tpu.memory_space<semaphore_mem>>, %arg19: memref<!tpu.dma_semaphore, #tpu.memory_space<semaphore_mem>>, %arg20: memref<10240x128xf32, #tpu.memory_space<vmem_shared>>) attributes {dimension_semantics = [#tpu.dimension_semantics<core_parallel>, #tpu.dimension_semantics<subcore_parallel>], iteration_bounds = array<i64: 2, 16>, scalar_prefetch = 0 : i64, scratch_operands = 14 : i64, tpu.core_type = #tpu.core_type<sc_vector_subcore>, window_params = [{transform_indices = #map}, {transform_indices = #map1}, {transform_indices = #map1}, {transform_indices = #map}, {transform_indices = #map2}]} {
    %mul3A = arith.constant 640 : i32
    %mul3A_0 = arith.muli %arg1, %mul3A : i32
    "tpu.region"() ({
      %run_scoped3A = tpu.sem_alloc : memref<!tpu.dma_semaphore, #tpu.memory_space<semaphore_mem>>
      %dma_start3A_54 = arith.constant 0 : i32
      %dma_start3A_55 = tpu.memref_slice %arg20[%mul3A_0, %dma_start3A_54] : memref<10240x128xf32, #tpu.memory_space<vmem_shared>> -> memref<640x128xf32, #tpu.memory_space<vmem_shared>>
      tpu.enqueue_dma source(%arg5 : memref<640x128xf32, #tpu.memory_space<hbm>>) target(%dma_start3A_55 : memref<640x128xf32, #tpu.memory_space<vmem_shared>>) target_semaphore(%run_scoped3A : memref<!tpu.dma_semaphore, #tpu.memory_space<semaphore_mem>>)
      %dma_wait3A_56 = arith.constant 0 : i32
      %dma_wait3A_57 = tpu.memref_slice %arg20[%mul3A_0, %dma_wait3A_56] : memref<10240x128xf32, #tpu.memory_space<vmem_shared>> -> memref<640x128xf32, #tpu.memory_space<vmem_shared>>
      tpu.wait_dma2 semaphore(%run_scoped3A : memref<!tpu.dma_semaphore, #tpu.memory_space<semaphore_mem>>) src(%arg5 : memref<640x128xf32, #tpu.memory_space<hbm>>) dst(%dma_wait3A_57 : memref<640x128xf32, #tpu.memory_space<vmem_shared>>)
      tpu.yield
    }) : () -> ()
    %mul3A_1 = arith.constant 2 : i32
    %mul3A_2 = arith.muli %arg1, %mul3A_1 : i32
    %add3A = arith.addi %mul3A_2, %arg0 : i32
    %mul3A_3 = arith.constant 10000 : i32
    %mul3A_4 = arith.muli %add3A, %mul3A_3 : i32
    "tpu.region"() ({
      %run_scoped3A = tpu.sem_alloc : memref<!tpu.dma_semaphore, #tpu.memory_space<semaphore_mem>>
      %dma_start3A_54 = tpu.memref_slice %arg3[%mul3A_4] : memref<320000xi32, #tpu.memory_space<hbm>> -> memref<10000xi32, #tpu.memory_space<hbm>>
      %dma_start3A_55 = tpu.memref_slice %arg3[%mul3A_4] : memref<320000xi32, #tpu.memory_space<hbm>> -> memref<10000xi32, #tpu.memory_space<hbm>>
      tpu.enqueue_dma source(%dma_start3A_55 : memref<10000xi32, #tpu.memory_space<hbm>>) target(%arg7 : memref<10000xi32, #tpu.memory_space<vmem>>) target_semaphore(%run_scoped3A : memref<!tpu.dma_semaphore, #tpu.memory_space<semaphore_mem>>)
      %dma_wait3A_56 = tpu.memref_slice %arg3[%mul3A_4] : memref<320000xi32, #tpu.memory_space<hbm>> -> memref<10000xi32, #tpu.memory_space<hbm>>
      %dma_wait3A_57 = tpu.memref_slice %arg3[%mul3A_4] : memref<320000xi32, #tpu.memory_space<hbm>> -> memref<10000xi32, #tpu.memory_space<hbm>>
      tpu.wait_dma2 semaphore(%run_scoped3A : memref<!tpu.dma_semaphore, #tpu.memory_space<semaphore_mem>>) src(%dma_wait3A_57 : memref<10000xi32, #tpu.memory_space<hbm>>) dst(%arg7 : memref<10000xi32, #tpu.memory_space<vmem>>)
      tpu.yield
    }) : () -> ()
    %barrier3A = arith.constant 0 : index
    tpu.barrier barrier_id(%barrier3A)
    %add3A_5 = arith.constant 0 : i32
    %add3A_6 = arith.addi %mul3A_4, %add3A_5 : i32
    %dma_start3A = tpu.memref_slice %arg4[%add3A_6] : memref<320000xi32, #tpu.memory_space<hbm>> -> memref<80xi32, #tpu.memory_space<hbm>>
    %dma_start3A_7 = tpu.memref_slice %arg4[%add3A_6] : memref<320000xi32, #tpu.memory_space<hbm>> -> memref<80xi32, #tpu.memory_space<hbm>>
    tpu.enqueue_dma source(%dma_start3A_7 : memref<80xi32, #tpu.memory_space<hbm>>) target(%arg8 : memref<80xi32, #tpu.memory_space<vmem>>) target_semaphore(%arg17 : memref<!tpu.dma_semaphore, #tpu.memory_space<semaphore_mem>>)
    %dma_start3A_8 = arith.constant 0 : i32
    %dma_start3A_9 = tpu.memref_slice %arg7[%dma_start3A_8] : memref<10000xi32, #tpu.memory_space<vmem>> -> memref<80xi32, #tpu.memory_space<vmem>>
    %dma_start3A_10 = arith.constant 0 : i32
    %dma_start3A_11 = arith.constant 0 : i32
    %dma_start3A_12 = tpu.memref_slice %arg2[%dma_start3A_10, %dma_start3A_11] : memref<10000x128xf32, #tpu.memory_space<hbm>> -> memref<10000x128xf32, #tpu.memory_space<hbm>>
    tpu.enqueue_indirect_dma source(%dma_start3A_12 : memref<10000x128xf32, #tpu.memory_space<hbm>>) target(%arg11 : memref<80x128xf32, #tpu.memory_space<vmem>>) offsets(%dma_start3A_9 : memref<80xi32, #tpu.memory_space<vmem>>) semaphore(%arg14 : memref<!tpu.dma_semaphore, #tpu.memory_space<semaphore_mem>>)
    %add3A_13 = arith.constant 80 : i32
    %add3A_14 = arith.addi %mul3A_4, %add3A_13 : i32
    %dma_start3A_15 = tpu.memref_slice %arg4[%add3A_14] : memref<320000xi32, #tpu.memory_space<hbm>> -> memref<80xi32, #tpu.memory_space<hbm>>
    %dma_start3A_16 = tpu.memref_slice %arg4[%add3A_14] : memref<320000xi32, #tpu.memory_space<hbm>> -> memref<80xi32, #tpu.memory_space<hbm>>
    tpu.enqueue_dma source(%dma_start3A_16 : memref<80xi32, #tpu.memory_space<hbm>>) target(%arg9 : memref<80xi32, #tpu.memory_space<vmem>>) target_semaphore(%arg18 : memref<!tpu.dma_semaphore, #tpu.memory_space<semaphore_mem>>)
    %dma_start3A_17 = arith.constant 80 : i32
    %dma_start3A_18 = tpu.memref_slice %arg7[%dma_start3A_17] : memref<10000xi32, #tpu.memory_space<vmem>> -> memref<80xi32, #tpu.memory_space<vmem>>
    %dma_start3A_19 = arith.constant 0 : i32
    %dma_start3A_20 = arith.constant 0 : i32
    %dma_start3A_21 = tpu.memref_slice %arg2[%dma_start3A_19, %dma_start3A_20] : memref<10000x128xf32, #tpu.memory_space<hbm>> -> memref<10000x128xf32, #tpu.memory_space<hbm>>
    tpu.enqueue_indirect_dma source(%dma_start3A_21 : memref<10000x128xf32, #tpu.memory_space<hbm>>) target(%arg12 : memref<80x128xf32, #tpu.memory_space<vmem>>) offsets(%dma_start3A_18 : memref<80xi32, #tpu.memory_space<vmem>>) semaphore(%arg15 : memref<!tpu.dma_semaphore, #tpu.memory_space<semaphore_mem>>)
    %add3A_22 = arith.constant 160 : i32
    %add3A_23 = arith.addi %mul3A_4, %add3A_22 : i32
    %dma_start3A_24 = tpu.memref_slice %arg4[%add3A_23] : memref<320000xi32, #tpu.memory_space<hbm>> -> memref<80xi32, #tpu.memory_space<hbm>>
    %dma_start3A_25 = tpu.memref_slice %arg4[%add3A_23] : memref<320000xi32, #tpu.memory_space<hbm>> -> memref<80xi32, #tpu.memory_space<hbm>>
    tpu.enqueue_dma source(%dma_start3A_25 : memref<80xi32, #tpu.memory_space<hbm>>) target(%arg10 : memref<80xi32, #tpu.memory_space<vmem>>) target_semaphore(%arg19 : memref<!tpu.dma_semaphore, #tpu.memory_space<semaphore_mem>>)
    %dma_start3A_26 = arith.constant 160 : i32
    %dma_start3A_27 = tpu.memref_slice %arg7[%dma_start3A_26] : memref<10000xi32, #tpu.memory_space<vmem>> -> memref<80xi32, #tpu.memory_space<vmem>>
    %dma_start3A_28 = arith.constant 0 : i32
    %dma_start3A_29 = arith.constant 0 : i32
    %dma_start3A_30 = tpu.memref_slice %arg2[%dma_start3A_28, %dma_start3A_29] : memref<10000x128xf32, #tpu.memory_space<hbm>> -> memref<10000x128xf32, #tpu.memory_space<hbm>>
    tpu.enqueue_indirect_dma source(%dma_start3A_30 : memref<10000x128xf32, #tpu.memory_space<hbm>>) target(%arg13 : memref<80x128xf32, #tpu.memory_space<vmem>>) offsets(%dma_start3A_27 : memref<80xi32, #tpu.memory_space<vmem>>) semaphore(%arg16 : memref<!tpu.dma_semaphore, #tpu.memory_space<semaphore_mem>>)
    %scan3A = arith.constant 0 : i32
    %scan3A_31 = arith.constant 0 : i32
    %scan3A_32 = arith.constant 41 : i32
    %scan3A_33 = arith.addi %scan3A_31, %scan3A_32 : i32
    %scan3A_34 = arith.constant 1 : i32
    scf.for %scan3A_54 = %scan3A_31 to %scan3A_33 step %scan3A_34  : i32 {
      %mul3A_55 = arith.constant 3 : i32
      %mul3A_56 = arith.muli %scan3A_54, %mul3A_55 : i32
      %add3A_57 = arith.constant 0 : i32
      %add3A_58 = arith.addi %mul3A_56, %add3A_57 : i32
      %dma_wait3A_59 = tpu.memref_slice %arg4[%mul3A_4] : memref<320000xi32, #tpu.memory_space<hbm>> -> memref<80xi32, #tpu.memory_space<hbm>>
      %dma_wait3A_60 = tpu.memref_slice %arg4[%mul3A_4] : memref<320000xi32, #tpu.memory_space<hbm>> -> memref<80xi32, #tpu.memory_space<hbm>>
      tpu.wait_dma2 semaphore(%arg17 : memref<!tpu.dma_semaphore, #tpu.memory_space<semaphore_mem>>) src(%dma_wait3A_60 : memref<80xi32, #tpu.memory_space<hbm>>) dst(%arg8 : memref<80xi32, #tpu.memory_space<vmem>>)
      %mul3A_61 = arith.constant 80 : i32
      %mul3A_62 = arith.muli %add3A_58, %mul3A_61 : i32
      %dma_wait3A_63 = tpu.memref_slice %arg7[%mul3A_62] : memref<10000xi32, #tpu.memory_space<vmem>> -> memref<80xi32, #tpu.memory_space<vmem>>
      %dma_wait3A_64 = arith.constant 0 : i32
      %dma_wait3A_65 = arith.constant 0 : i32
      %dma_wait3A_66 = tpu.memref_slice %arg2[%dma_wait3A_64, %dma_wait3A_65] : memref<10000x128xf32, #tpu.memory_space<hbm>> -> memref<10000x128xf32, #tpu.memory_space<hbm>>
      tpu.wait_indirect_dma semaphore(%arg14 : memref<!tpu.dma_semaphore, #tpu.memory_space<semaphore_mem>>) src(%dma_wait3A_66 : memref<10000x128xf32, #tpu.memory_space<hbm>>) dst(%arg11 : memref<80x128xf32, #tpu.memory_space<vmem>>)
      "tpu.region"() ({
        %run_scoped3A = tpu.sem_alloc : memref<!tpu.dma_semaphore, #tpu.memory_space<semaphore_mem>>
        %dma_start3A_109 = arith.constant 0 : i32
        %dma_start3A_110 = arith.constant 0 : i32
        %dma_start3A_111 = tpu.memref_slice %arg20[%dma_start3A_109, %dma_start3A_110] : memref<10240x128xf32, #tpu.memory_space<vmem_shared>> -> memref<10240x128xf32, #tpu.memory_space<vmem_shared>>
        tpu.enqueue_indirect_dma source(%arg11 : memref<80x128xf32, #tpu.memory_space<vmem>>) target(%dma_start3A_111 : memref<10240x128xf32, #tpu.memory_space<vmem_shared>>) offsets(%arg8 : memref<80xi32, #tpu.memory_space<vmem>>) semaphore(%run_scoped3A : memref<!tpu.dma_semaphore, #tpu.memory_space<semaphore_mem>>) {add = true}
        %dma_wait3A_112 = arith.constant 0 : i32
        %dma_wait3A_113 = arith.constant 0 : i32
        %dma_wait3A_114 = tpu.memref_slice %arg20[%dma_wait3A_112, %dma_wait3A_113] : memref<10240x128xf32, #tpu.memory_space<vmem_shared>> -> memref<10240x128xf32, #tpu.memory_space<vmem_shared>>
        tpu.wait_indirect_dma semaphore(%run_scoped3A : memref<!tpu.dma_semaphore, #tpu.memory_space<semaphore_mem>>) src(%arg11 : memref<80x128xf32, #tpu.memory_space<vmem>>) dst(%dma_wait3A_114 : memref<10240x128xf32, #tpu.memory_space<vmem_shared>>)
        tpu.yield
      }) : () -> ()
      %add3A_67 = arith.constant 3 : i32
      %add3A_68 = arith.addi %add3A_58, %add3A_67 : i32
      %lt3A = arith.constant 125 : i32
      %lt3A_69 = arith.cmpi slt, %add3A_68, %lt3A : i32
      %convert_element_type3A = arith.extui %lt3A_69 : i1 to i32
      %cond3A = arith.constant 0 : i32
      %cond3A_70 = arith.cmpi ne, %convert_element_type3A, %cond3A : i32
      scf.if %cond3A_70 {
        %add3A_109 = arith.constant 3 : i32
        %add3A_110 = arith.addi %add3A_58, %add3A_109 : i32
        %mul3A_111 = arith.constant 80 : i32
        %mul3A_112 = arith.muli %add3A_110, %mul3A_111 : i32
        %add3A_113 = arith.addi %mul3A_4, %mul3A_112 : i32
        %dma_start3A_114 = tpu.memref_slice %arg4[%add3A_113] : memref<320000xi32, #tpu.memory_space<hbm>> -> memref<80xi32, #tpu.memory_space<hbm>>
        %dma_start3A_115 = tpu.memref_slice %arg4[%add3A_113] : memref<320000xi32, #tpu.memory_space<hbm>> -> memref<80xi32, #tpu.memory_space<hbm>>
        tpu.enqueue_dma source(%dma_start3A_115 : memref<80xi32, #tpu.memory_space<hbm>>) target(%arg8 : memref<80xi32, #tpu.memory_space<vmem>>) target_semaphore(%arg17 : memref<!tpu.dma_semaphore, #tpu.memory_space<semaphore_mem>>)
        %mul3A_116 = arith.constant 80 : i32
        %mul3A_117 = arith.muli %add3A_110, %mul3A_116 : i32
        %dma_start3A_118 = tpu.memref_slice %arg7[%mul3A_117] : memref<10000xi32, #tpu.memory_space<vmem>> -> memref<80xi32, #tpu.memory_space<vmem>>
        %dma_start3A_119 = arith.constant 0 : i32
        %dma_start3A_120 = arith.constant 0 : i32
        %dma_start3A_121 = tpu.memref_slice %arg2[%dma_start3A_119, %dma_start3A_120] : memref<10000x128xf32, #tpu.memory_space<hbm>> -> memref<10000x128xf32, #tpu.memory_space<hbm>>
        tpu.enqueue_indirect_dma source(%dma_start3A_121 : memref<10000x128xf32, #tpu.memory_space<hbm>>) target(%arg11 : memref<80x128xf32, #tpu.memory_space<vmem>>) offsets(%dma_start3A_118 : memref<80xi32, #tpu.memory_space<vmem>>) semaphore(%arg14 : memref<!tpu.dma_semaphore, #tpu.memory_space<semaphore_mem>>)
      } else {
      }
      %mul3A_71 = arith.constant 3 : i32
      %mul3A_72 = arith.muli %scan3A_54, %mul3A_71 : i32
      %add3A_73 = arith.constant 1 : i32
      %add3A_74 = arith.addi %mul3A_72, %add3A_73 : i32
      %dma_wait3A_75 = tpu.memref_slice %arg4[%mul3A_4] : memref<320000xi32, #tpu.memory_space<hbm>> -> memref<80xi32, #tpu.memory_space<hbm>>
      %dma_wait3A_76 = tpu.memref_slice %arg4[%mul3A_4] : memref<320000xi32, #tpu.memory_space<hbm>> -> memref<80xi32, #tpu.memory_space<hbm>>
      tpu.wait_dma2 semaphore(%arg18 : memref<!tpu.dma_semaphore, #tpu.memory_space<semaphore_mem>>) src(%dma_wait3A_76 : memref<80xi32, #tpu.memory_space<hbm>>) dst(%arg9 : memref<80xi32, #tpu.memory_space<vmem>>)
      %mul3A_77 = arith.constant 80 : i32
      %mul3A_78 = arith.muli %add3A_74, %mul3A_77 : i32
      %dma_wait3A_79 = tpu.memref_slice %arg7[%mul3A_78] : memref<10000xi32, #tpu.memory_space<vmem>> -> memref<80xi32, #tpu.memory_space<vmem>>
      %dma_wait3A_80 = arith.constant 0 : i32
      %dma_wait3A_81 = arith.constant 0 : i32
      %dma_wait3A_82 = tpu.memref_slice %arg2[%dma_wait3A_80, %dma_wait3A_81] : memref<10000x128xf32, #tpu.memory_space<hbm>> -> memref<10000x128xf32, #tpu.memory_space<hbm>>
      tpu.wait_indirect_dma semaphore(%arg15 : memref<!tpu.dma_semaphore, #tpu.memory_space<semaphore_mem>>) src(%dma_wait3A_82 : memref<10000x128xf32, #tpu.memory_space<hbm>>) dst(%arg12 : memref<80x128xf32, #tpu.memory_space<vmem>>)
      "tpu.region"() ({
        %run_scoped3A = tpu.sem_alloc : memref<!tpu.dma_semaphore, #tpu.memory_space<semaphore_mem>>
        %dma_start3A_109 = arith.constant 0 : i32
        %dma_start3A_110 = arith.constant 0 : i32
        %dma_start3A_111 = tpu.memref_slice %arg20[%dma_start3A_109, %dma_start3A_110] : memref<10240x128xf32, #tpu.memory_space<vmem_shared>> -> memref<10240x128xf32, #tpu.memory_space<vmem_shared>>
        tpu.enqueue_indirect_dma source(%arg12 : memref<80x128xf32, #tpu.memory_space<vmem>>) target(%dma_start3A_111 : memref<10240x128xf32, #tpu.memory_space<vmem_shared>>) offsets(%arg9 : memref<80xi32, #tpu.memory_space<vmem>>) semaphore(%run_scoped3A : memref<!tpu.dma_semaphore, #tpu.memory_space<semaphore_mem>>) {add = true}
        %dma_wait3A_112 = arith.constant 0 : i32
        %dma_wait3A_113 = arith.constant 0 : i32
        %dma_wait3A_114 = tpu.memref_slice %arg20[%dma_wait3A_112, %dma_wait3A_113] : memref<10240x128xf32, #tpu.memory_space<vmem_shared>> -> memref<10240x128xf32, #tpu.memory_space<vmem_shared>>
        tpu.wait_indirect_dma semaphore(%run_scoped3A : memref<!tpu.dma_semaphore, #tpu.memory_space<semaphore_mem>>) src(%arg12 : memref<80x128xf32, #tpu.memory_space<vmem>>) dst(%dma_wait3A_114 : memref<10240x128xf32, #tpu.memory_space<vmem_shared>>)
        tpu.yield
      }) : () -> ()
      %add3A_83 = arith.constant 3 : i32
      %add3A_84 = arith.addi %add3A_74, %add3A_83 : i32
      %lt3A_85 = arith.constant 125 : i32
      %lt3A_86 = arith.cmpi slt, %add3A_84, %lt3A_85 : i32
      %convert_element_type3A_87 = arith.extui %lt3A_86 : i1 to i32
      %cond3A_88 = arith.constant 0 : i32
      %cond3A_89 = arith.cmpi ne, %convert_element_type3A_87, %cond3A_88 : i32
      scf.if %cond3A_89 {
        %add3A_109 = arith.constant 3 : i32
        %add3A_110 = arith.addi %add3A_74, %add3A_109 : i32
        %mul3A_111 = arith.constant 80 : i32
        %mul3A_112 = arith.muli %add3A_110, %mul3A_111 : i32
        %add3A_113 = arith.addi %mul3A_4, %mul3A_112 : i32
        %dma_start3A_114 = tpu.memref_slice %arg4[%add3A_113] : memref<320000xi32, #tpu.memory_space<hbm>> -> memref<80xi32, #tpu.memory_space<hbm>>
        %dma_start3A_115 = tpu.memref_slice %arg4[%add3A_113] : memref<320000xi32, #tpu.memory_space<hbm>> -> memref<80xi32, #tpu.memory_space<hbm>>
        tpu.enqueue_dma source(%dma_start3A_115 : memref<80xi32, #tpu.memory_space<hbm>>) target(%arg9 : memref<80xi32, #tpu.memory_space<vmem>>) target_semaphore(%arg18 : memref<!tpu.dma_semaphore, #tpu.memory_space<semaphore_mem>>)
        %mul3A_116 = arith.constant 80 : i32
        %mul3A_117 = arith.muli %add3A_110, %mul3A_116 : i32
        %dma_start3A_118 = tpu.memref_slice %arg7[%mul3A_117] : memref<10000xi32, #tpu.memory_space<vmem>> -> memref<80xi32, #tpu.memory_space<vmem>>
        %dma_start3A_119 = arith.constant 0 : i32
        %dma_start3A_120 = arith.constant 0 : i32
        %dma_start3A_121 = tpu.memref_slice %arg2[%dma_start3A_119, %dma_start3A_120] : memref<10000x128xf32, #tpu.memory_space<hbm>> -> memref<10000x128xf32, #tpu.memory_space<hbm>>
        tpu.enqueue_indirect_dma source(%dma_start3A_121 : memref<10000x128xf32, #tpu.memory_space<hbm>>) target(%arg12 : memref<80x128xf32, #tpu.memory_space<vmem>>) offsets(%dma_start3A_118 : memref<80xi32, #tpu.memory_space<vmem>>) semaphore(%arg15 : memref<!tpu.dma_semaphore, #tpu.memory_space<semaphore_mem>>)
      } else {
      }
      %mul3A_90 = arith.constant 3 : i32
      %mul3A_91 = arith.muli %scan3A_54, %mul3A_90 : i32
      %add3A_92 = arith.constant 2 : i32
      %add3A_93 = arith.addi %mul3A_91, %add3A_92 : i32
      %dma_wait3A_94 = tpu.memref_slice %arg4[%mul3A_4] : memref<320000xi32, #tpu.memory_space<hbm>> -> memref<80xi32, #tpu.memory_space<hbm>>
      %dma_wait3A_95 = tpu.memref_slice %arg4[%mul3A_4] : memref<320000xi32, #tpu.memory_space<hbm>> -> memref<80xi32, #tpu.memory_space<hbm>>
      tpu.wait_dma2 semaphore(%arg19 : memref<!tpu.dma_semaphore, #tpu.memory_space<semaphore_mem>>) src(%dma_wait3A_95 : memref<80xi32, #tpu.memory_space<hbm>>) dst(%arg10 : memref<80xi32, #tpu.memory_space<vmem>>)
      %mul3A_96 = arith.constant 80 : i32
      %mul3A_97 = arith.muli %add3A_93, %mul3A_96 : i32
      %dma_wait3A_98 = tpu.memref_slice %arg7[%mul3A_97] : memref<10000xi32, #tpu.memory_space<vmem>> -> memref<80xi32, #tpu.memory_space<vmem>>
      %dma_wait3A_99 = arith.constant 0 : i32
      %dma_wait3A_100 = arith.constant 0 : i32
      %dma_wait3A_101 = tpu.memref_slice %arg2[%dma_wait3A_99, %dma_wait3A_100] : memref<10000x128xf32, #tpu.memory_space<hbm>> -> memref<10000x128xf32, #tpu.memory_space<hbm>>
      tpu.wait_indirect_dma semaphore(%arg16 : memref<!tpu.dma_semaphore, #tpu.memory_space<semaphore_mem>>) src(%dma_wait3A_101 : memref<10000x128xf32, #tpu.memory_space<hbm>>) dst(%arg13 : memref<80x128xf32, #tpu.memory_space<vmem>>)
      "tpu.region"() ({
        %run_scoped3A = tpu.sem_alloc : memref<!tpu.dma_semaphore, #tpu.memory_space<semaphore_mem>>
        %dma_start3A_109 = arith.constant 0 : i32
        %dma_start3A_110 = arith.constant 0 : i32
        %dma_start3A_111 = tpu.memref_slice %arg20[%dma_start3A_109, %dma_start3A_110] : memref<10240x128xf32, #tpu.memory_space<vmem_shared>> -> memref<10240x128xf32, #tpu.memory_space<vmem_shared>>
        tpu.enqueue_indirect_dma source(%arg13 : memref<80x128xf32, #tpu.memory_space<vmem>>) target(%dma_start3A_111 : memref<10240x128xf32, #tpu.memory_space<vmem_shared>>) offsets(%arg10 : memref<80xi32, #tpu.memory_space<vmem>>) semaphore(%run_scoped3A : memref<!tpu.dma_semaphore, #tpu.memory_space<semaphore_mem>>) {add = true}
        %dma_wait3A_112 = arith.constant 0 : i32
        %dma_wait3A_113 = arith.constant 0 : i32
        %dma_wait3A_114 = tpu.memref_slice %arg20[%dma_wait3A_112, %dma_wait3A_113] : memref<10240x128xf32, #tpu.memory_space<vmem_shared>> -> memref<10240x128xf32, #tpu.memory_space<vmem_shared>>
        tpu.wait_indirect_dma semaphore(%run_scoped3A : memref<!tpu.dma_semaphore, #tpu.memory_space<semaphore_mem>>) src(%arg13 : memref<80x128xf32, #tpu.memory_space<vmem>>) dst(%dma_wait3A_114 : memref<10240x128xf32, #tpu.memory_space<vmem_shared>>)
        tpu.yield
      }) : () -> ()
      %add3A_102 = arith.constant 3 : i32
      %add3A_103 = arith.addi %add3A_93, %add3A_102 : i32
      %lt3A_104 = arith.constant 125 : i32
      %lt3A_105 = arith.cmpi slt, %add3A_103, %lt3A_104 : i32
      %convert_element_type3A_106 = arith.extui %lt3A_105 : i1 to i32
      %cond3A_107 = arith.constant 0 : i32
      %cond3A_108 = arith.cmpi ne, %convert_element_type3A_106, %cond3A_107 : i32
      scf.if %cond3A_108 {
        %add3A_109 = arith.constant 3 : i32
        %add3A_110 = arith.addi %add3A_93, %add3A_109 : i32
        %mul3A_111 = arith.constant 80 : i32
        %mul3A_112 = arith.muli %add3A_110, %mul3A_111 : i32
        %add3A_113 = arith.addi %mul3A_4, %mul3A_112 : i32
        %dma_start3A_114 = tpu.memref_slice %arg4[%add3A_113] : memref<320000xi32, #tpu.memory_space<hbm>> -> memref<80xi32, #tpu.memory_space<hbm>>
        %dma_start3A_115 = tpu.memref_slice %arg4[%add3A_113] : memref<320000xi32, #tpu.memory_space<hbm>> -> memref<80xi32, #tpu.memory_space<hbm>>
        tpu.enqueue_dma source(%dma_start3A_115 : memref<80xi32, #tpu.memory_space<hbm>>) target(%arg10 : memref<80xi32, #tpu.memory_space<vmem>>) target_semaphore(%arg19 : memref<!tpu.dma_semaphore, #tpu.memory_space<semaphore_mem>>)
        %mul3A_116 = arith.constant 80 : i32
        %mul3A_117 = arith.muli %add3A_110, %mul3A_116 : i32
        %dma_start3A_118 = tpu.memref_slice %arg7[%mul3A_117] : memref<10000xi32, #tpu.memory_space<vmem>> -> memref<80xi32, #tpu.memory_space<vmem>>
        %dma_start3A_119 = arith.constant 0 : i32
        %dma_start3A_120 = arith.constant 0 : i32
        %dma_start3A_121 = tpu.memref_slice %arg2[%dma_start3A_119, %dma_start3A_120] : memref<10000x128xf32, #tpu.memory_space<hbm>> -> memref<10000x128xf32, #tpu.memory_space<hbm>>
        tpu.enqueue_indirect_dma source(%dma_start3A_121 : memref<10000x128xf32, #tpu.memory_space<hbm>>) target(%arg13 : memref<80x128xf32, #tpu.memory_space<vmem>>) offsets(%dma_start3A_118 : memref<80xi32, #tpu.memory_space<vmem>>) semaphore(%arg16 : memref<!tpu.dma_semaphore, #tpu.memory_space<semaphore_mem>>)
      } else {
      }
    }
    %scan3A_35 = arith.constant 41 : i32
    %dma_wait3A = tpu.memref_slice %arg4[%mul3A_4] : memref<320000xi32, #tpu.memory_space<hbm>> -> memref<80xi32, #tpu.memory_space<hbm>>
    %dma_wait3A_36 = tpu.memref_slice %arg4[%mul3A_4] : memref<320000xi32, #tpu.memory_space<hbm>> -> memref<80xi32, #tpu.memory_space<hbm>>
    tpu.wait_dma2 semaphore(%arg17 : memref<!tpu.dma_semaphore, #tpu.memory_space<semaphore_mem>>) src(%dma_wait3A_36 : memref<80xi32, #tpu.memory_space<hbm>>) dst(%arg8 : memref<80xi32, #tpu.memory_space<vmem>>)
    %dma_wait3A_37 = arith.constant 9840 : i32
    %dma_wait3A_38 = tpu.memref_slice %arg7[%dma_wait3A_37] : memref<10000xi32, #tpu.memory_space<vmem>> -> memref<80xi32, #tpu.memory_space<vmem>>
    %dma_wait3A_39 = arith.constant 0 : i32
    %dma_wait3A_40 = arith.constant 0 : i32
    %dma_wait3A_41 = tpu.memref_slice %arg2[%dma_wait3A_39, %dma_wait3A_40] : memref<10000x128xf32, #tpu.memory_space<hbm>> -> memref<10000x128xf32, #tpu.memory_space<hbm>>
    tpu.wait_indirect_dma semaphore(%arg14 : memref<!tpu.dma_semaphore, #tpu.memory_space<semaphore_mem>>) src(%dma_wait3A_41 : memref<10000x128xf32, #tpu.memory_space<hbm>>) dst(%arg11 : memref<80x128xf32, #tpu.memory_space<vmem>>)
    "tpu.region"() ({
      %run_scoped3A = tpu.sem_alloc : memref<!tpu.dma_semaphore, #tpu.memory_space<semaphore_mem>>
      %dma_start3A_54 = arith.constant 0 : i32
      %dma_start3A_55 = arith.constant 0 : i32
      %dma_start3A_56 = tpu.memref_slice %arg20[%dma_start3A_54, %dma_start3A_55] : memref<10240x128xf32, #tpu.memory_space<vmem_shared>> -> memref<10240x128xf32, #tpu.memory_space<vmem_shared>>
      tpu.enqueue_indirect_dma source(%arg11 : memref<80x128xf32, #tpu.memory_space<vmem>>) target(%dma_start3A_56 : memref<10240x128xf32, #tpu.memory_space<vmem_shared>>) offsets(%arg8 : memref<80xi32, #tpu.memory_space<vmem>>) semaphore(%run_scoped3A : memref<!tpu.dma_semaphore, #tpu.memory_space<semaphore_mem>>) {add = true}
      %dma_wait3A_57 = arith.constant 0 : i32
      %dma_wait3A_58 = arith.constant 0 : i32
      %dma_wait3A_59 = tpu.memref_slice %arg20[%dma_wait3A_57, %dma_wait3A_58] : memref<10240x128xf32, #tpu.memory_space<vmem_shared>> -> memref<10240x128xf32, #tpu.memory_space<vmem_shared>>
      tpu.wait_indirect_dma semaphore(%run_scoped3A : memref<!tpu.dma_semaphore, #tpu.memory_space<semaphore_mem>>) src(%arg11 : memref<80x128xf32, #tpu.memory_space<vmem>>) dst(%dma_wait3A_59 : memref<10240x128xf32, #tpu.memory_space<vmem_shared>>)
      tpu.yield
    }) : () -> ()
    %dma_wait3A_42 = tpu.memref_slice %arg4[%mul3A_4] : memref<320000xi32, #tpu.memory_space<hbm>> -> memref<80xi32, #tpu.memory_space<hbm>>
    %dma_wait3A_43 = tpu.memref_slice %arg4[%mul3A_4] : memref<320000xi32, #tpu.memory_space<hbm>> -> memref<80xi32, #tpu.memory_space<hbm>>
    tpu.wait_dma2 semaphore(%arg18 : memref<!tpu.dma_semaphore, #tpu.memory_space<semaphore_mem>>) src(%dma_wait3A_43 : memref<80xi32, #tpu.memory_space<hbm>>) dst(%arg9 : memref<80xi32, #tpu.memory_space<vmem>>)
    %dma_wait3A_44 = arith.constant 9920 : i32
    %dma_wait3A_45 = tpu.memref_slice %arg7[%dma_wait3A_44] : memref<10000xi32, #tpu.memory_space<vmem>> -> memref<80xi32, #tpu.memory_space<vmem>>
    %dma_wait3A_46 = arith.constant 0 : i32
    %dma_wait3A_47 = arith.constant 0 : i32
    %dma_wait3A_48 = tpu.memref_slice %arg2[%dma_wait3A_46, %dma_wait3A_47] : memref<10000x128xf32, #tpu.memory_space<hbm>> -> memref<10000x128xf32, #tpu.memory_space<hbm>>
    tpu.wait_indirect_dma semaphore(%arg15 : memref<!tpu.dma_semaphore, #tpu.memory_space<semaphore_mem>>) src(%dma_wait3A_48 : memref<10000x128xf32, #tpu.memory_space<hbm>>) dst(%arg12 : memref<80x128xf32, #tpu.memory_space<vmem>>)
    "tpu.region"() ({
      %run_scoped3A = tpu.sem_alloc : memref<!tpu.dma_semaphore, #tpu.memory_space<semaphore_mem>>
      %dma_start3A_54 = arith.constant 0 : i32
      %dma_start3A_55 = arith.constant 0 : i32
      %dma_start3A_56 = tpu.memref_slice %arg20[%dma_start3A_54, %dma_start3A_55] : memref<10240x128xf32, #tpu.memory_space<vmem_shared>> -> memref<10240x128xf32, #tpu.memory_space<vmem_shared>>
      tpu.enqueue_indirect_dma source(%arg12 : memref<80x128xf32, #tpu.memory_space<vmem>>) target(%dma_start3A_56 : memref<10240x128xf32, #tpu.memory_space<vmem_shared>>) offsets(%arg9 : memref<80xi32, #tpu.memory_space<vmem>>) semaphore(%run_scoped3A : memref<!tpu.dma_semaphore, #tpu.memory_space<semaphore_mem>>) {add = true}
      %dma_wait3A_57 = arith.constant 0 : i32
      %dma_wait3A_58 = arith.constant 0 : i32
      %dma_wait3A_59 = tpu.memref_slice %arg20[%dma_wait3A_57, %dma_wait3A_58] : memref<10240x128xf32, #tpu.memory_space<vmem_shared>> -> memref<10240x128xf32, #tpu.memory_space<vmem_shared>>
      tpu.wait_indirect_dma semaphore(%run_scoped3A : memref<!tpu.dma_semaphore, #tpu.memory_space<semaphore_mem>>) src(%arg12 : memref<80x128xf32, #tpu.memory_space<vmem>>) dst(%dma_wait3A_59 : memref<10240x128xf32, #tpu.memory_space<vmem_shared>>)
      tpu.yield
    }) : () -> ()
    %barrier3A_49 = arith.constant 0 : index
    tpu.barrier barrier_id(%barrier3A_49)
    %mul3A_50 = arith.constant 640 : i32
    %mul3A_51 = arith.muli %arg1, %mul3A_50 : i32
    %mul3A_52 = arith.constant 640 : i32
    %mul3A_53 = arith.muli %arg1, %mul3A_52 : i32
    "tpu.region"() ({
      %run_scoped3A = tpu.sem_alloc : memref<!tpu.dma_semaphore, #tpu.memory_space<semaphore_mem>>
      %dma_start3A_54 = arith.constant 0 : i32
      %dma_start3A_55 = tpu.memref_slice %arg6[%arg0, %mul3A_53, %dma_start3A_54] : memref<2x10240x128xf32, #tpu.memory_space<hbm>> -> memref<1x640x128xf32, #tpu.memory_space<hbm>>
      %dma_start3A_56 = tpu.memref_squeeze %dma_start3A_55 : memref<1x640x128xf32, #tpu.memory_space<hbm>> -> memref<640x128xf32, #tpu.memory_space<hbm>>
      %dma_start3A_57 = arith.constant 0 : i32
      %dma_start3A_58 = tpu.memref_slice %arg20[%mul3A_51, %dma_start3A_57] : memref<10240x128xf32, #tpu.memory_space<vmem_shared>> -> memref<640x128xf32, #tpu.memory_space<vmem_shared>>
      tpu.enqueue_dma source(%dma_start3A_58 : memref<640x128xf32, #tpu.memory_space<vmem_shared>>) target(%dma_start3A_56 : memref<640x128xf32, #tpu.memory_space<hbm>>) target_semaphore(%run_scoped3A : memref<!tpu.dma_semaphore, #tpu.memory_space<semaphore_mem>>)
      %dma_wait3A_59 = arith.constant 0 : i32
      %dma_wait3A_60 = tpu.memref_slice %arg6[%arg0, %mul3A_53, %dma_wait3A_59] : memref<2x10240x128xf32, #tpu.memory_space<hbm>> -> memref<1x640x128xf32, #tpu.memory_space<hbm>>
      %dma_wait3A_61 = tpu.memref_squeeze %dma_wait3A_60 : memref<1x640x128xf32, #tpu.memory_space<hbm>> -> memref<640x128xf32, #tpu.memory_space<hbm>>
      %dma_wait3A_62 = arith.constant 0 : i32
      %dma_wait3A_63 = tpu.memref_slice %arg20[%mul3A_51, %dma_wait3A_62] : memref<10240x128xf32, #tpu.memory_space<vmem_shared>> -> memref<640x128xf32, #tpu.memory_space<vmem_shared>>
      tpu.wait_dma2 semaphore(%run_scoped3A : memref<!tpu.dma_semaphore, #tpu.memory_space<semaphore_mem>>) src(%dma_wait3A_63 : memref<640x128xf32, #tpu.memory_space<vmem_shared>>) dst(%dma_wait3A_61 : memref<640x128xf32, #tpu.memory_space<hbm>>)
      tpu.yield
    }) : () -> ()
    return
  }
}

#map = affine_map<(d0, d1) -> (0, 0)>
#map1 = affine_map<(d0, d1) -> (0)>
#map2 = affine_map<(d0, d1) -> (0, 0, 0)>
module attributes {stable_mosaic.version = 14 : i64} {
  func.func @agg(%arg0: i32, %arg1: i32, %arg2: memref<10000x128xf32, #tpu.memory_space<hbm>>, %arg3: memref<320000xi32, #tpu.memory_space<hbm>>, %arg4: memref<320000xi32, #tpu.memory_space<hbm>>, %arg5: memref<640x128xf32, #tpu.memory_space<hbm>>, %arg6: memref<2x10240x128xf32, #tpu.memory_space<hbm>>, %arg7: memref<10000xi32, #tpu.memory_space<vmem>>, %arg8: memref<80xi32, #tpu.memory_space<vmem>>, %arg9: memref<80xi32, #tpu.memory_space<vmem>>, %arg10: memref<80xi32, #tpu.memory_space<vmem>>, %arg11: memref<80x128xf32, #tpu.memory_space<vmem>>, %arg12: memref<80x128xf32, #tpu.memory_space<vmem>>, %arg13: memref<80x128xf32, #tpu.memory_space<vmem>>, %arg14: memref<!tpu.dma_semaphore, #tpu.memory_space<semaphore_mem>>, %arg15: memref<!tpu.dma_semaphore, #tpu.memory_space<semaphore_mem>>, %arg16: memref<!tpu.dma_semaphore, #tpu.memory_space<semaphore_mem>>, %arg17: memref<!tpu.dma_semaphore, #tpu.memory_space<semaphore_mem>>, %arg18: memref<!tpu.dma_semaphore, #tpu.memory_space<semaphore_mem>>, %arg19: memref<!tpu.dma_semaphore, #tpu.memory_space<semaphore_mem>>, %arg20: memref<10240x128xf32, #tpu.memory_space<vmem_shared>>) attributes {dimension_semantics = [#tpu.dimension_semantics<core_parallel>, #tpu.dimension_semantics<subcore_parallel>], iteration_bounds = array<i64: 2, 16>, scalar_prefetch = 0 : i64, scratch_operands = 14 : i64, tpu.core_type = #tpu.core_type<sc_vector_subcore>, window_params = [{transform_indices = #map}, {transform_indices = #map1}, {transform_indices = #map1}, {transform_indices = #map}, {transform_indices = #map2}]} {
    %mul3A = arith.constant 640 : i32
    %mul3A_0 = arith.muli %arg1, %mul3A : i32
    "tpu.region"() ({
      %run_scoped3A = tpu.sem_alloc : memref<!tpu.dma_semaphore, #tpu.memory_space<semaphore_mem>>
      %dma_start3A_54 = arith.constant 0 : i32
      %dma_start3A_55 = tpu.memref_slice %arg20[%mul3A_0, %dma_start3A_54] : memref<10240x128xf32, #tpu.memory_space<vmem_shared>> -> memref<640x128xf32, #tpu.memory_space<vmem_shared>>
      tpu.enqueue_dma source(%arg5 : memref<640x128xf32, #tpu.memory_space<hbm>>) target(%dma_start3A_55 : memref<640x128xf32, #tpu.memory_space<vmem_shared>>) target_semaphore(%run_scoped3A : memref<!tpu.dma_semaphore, #tpu.memory_space<semaphore_mem>>)
      %dma_wait3A_56 = arith.constant 0 : i32
      %dma_wait3A_57 = tpu.memref_slice %arg20[%mul3A_0, %dma_wait3A_56] : memref<10240x128xf32, #tpu.memory_space<vmem_shared>> -> memref<640x128xf32, #tpu.memory_space<vmem_shared>>
      tpu.wait_dma2 semaphore(%run_scoped3A : memref<!tpu.dma_semaphore, #tpu.memory_space<semaphore_mem>>) src(%arg5 : memref<640x128xf32, #tpu.memory_space<hbm>>) dst(%dma_wait3A_57 : memref<640x128xf32, #tpu.memory_space<vmem_shared>>)
      tpu.yield
    }) : () -> ()
    %mul3A_1 = arith.constant 2 : i32
    %mul3A_2 = arith.muli %arg1, %mul3A_1 : i32
    %add3A = arith.addi %mul3A_2, %arg0 : i32
    %mul3A_3 = arith.constant 10000 : i32
    %mul3A_4 = arith.muli %add3A, %mul3A_3 : i32
    "tpu.region"() ({
      %run_scoped3A = tpu.sem_alloc : memref<!tpu.dma_semaphore, #tpu.memory_space<semaphore_mem>>
      %dma_start3A_54 = tpu.memref_slice %arg3[%mul3A_4] : memref<320000xi32, #tpu.memory_space<hbm>> -> memref<10000xi32, #tpu.memory_space<hbm>>
      %dma_start3A_55 = tpu.memref_slice %arg3[%mul3A_4] : memref<320000xi32, #tpu.memory_space<hbm>> -> memref<10000xi32, #tpu.memory_space<hbm>>
      tpu.enqueue_dma source(%dma_start3A_55 : memref<10000xi32, #tpu.memory_space<hbm>>) target(%arg7 : memref<10000xi32, #tpu.memory_space<vmem>>) target_semaphore(%run_scoped3A : memref<!tpu.dma_semaphore, #tpu.memory_space<semaphore_mem>>)
      %dma_wait3A_56 = tpu.memref_slice %arg3[%mul3A_4] : memref<320000xi32, #tpu.memory_space<hbm>> -> memref<10000xi32, #tpu.memory_space<hbm>>
      %dma_wait3A_57 = tpu.memref_slice %arg3[%mul3A_4] : memref<320000xi32, #tpu.memory_space<hbm>> -> memref<10000xi32, #tpu.memory_space<hbm>>
      tpu.wait_dma2 semaphore(%run_scoped3A : memref<!tpu.dma_semaphore, #tpu.memory_space<semaphore_mem>>) src(%dma_wait3A_57 : memref<10000xi32, #tpu.memory_space<hbm>>) dst(%arg7 : memref<10000xi32, #tpu.memory_space<vmem>>)
      tpu.yield
    }) : () -> ()
    %barrier3A = arith.constant 0 : index
    tpu.barrier barrier_id(%barrier3A)
    %add3A_5 = arith.constant 0 : i32
    %add3A_6 = arith.addi %mul3A_4, %add3A_5 : i32
    %dma_start3A = tpu.memref_slice %arg4[%add3A_6] : memref<320000xi32, #tpu.memory_space<hbm>> -> memref<80xi32, #tpu.memory_space<hbm>>
    %dma_start3A_7 = tpu.memref_slice %arg4[%add3A_6] : memref<320000xi32, #tpu.memory_space<hbm>> -> memref<80xi32, #tpu.memory_space<hbm>>
    tpu.enqueue_dma source(%dma_start3A_7 : memref<80xi32, #tpu.memory_space<hbm>>) target(%arg8 : memref<80xi32, #tpu.memory_space<vmem>>) target_semaphore(%arg17 : memref<!tpu.dma_semaphore, #tpu.memory_space<semaphore_mem>>)
    %dma_start3A_8 = arith.constant 0 : i32
    %dma_start3A_9 = tpu.memref_slice %arg7[%dma_start3A_8] : memref<10000xi32, #tpu.memory_space<vmem>> -> memref<80xi32, #tpu.memory_space<vmem>>
    %dma_start3A_10 = arith.constant 0 : i32
    %dma_start3A_11 = arith.constant 0 : i32
    %dma_start3A_12 = tpu.memref_slice %arg2[%dma_start3A_10, %dma_start3A_11] : memref<10000x128xf32, #tpu.memory_space<hbm>> -> memref<10000x128xf32, #tpu.memory_space<hbm>>
    tpu.enqueue_indirect_dma source(%dma_start3A_12 : memref<10000x128xf32, #tpu.memory_space<hbm>>) target(%arg11 : memref<80x128xf32, #tpu.memory_space<vmem>>) offsets(%dma_start3A_9 : memref<80xi32, #tpu.memory_space<vmem>>) semaphore(%arg14 : memref<!tpu.dma_semaphore, #tpu.memory_space<semaphore_mem>>)
    %add3A_13 = arith.constant 80 : i32
    %add3A_14 = arith.addi %mul3A_4, %add3A_13 : i32
    %dma_start3A_15 = tpu.memref_slice %arg4[%add3A_14] : memref<320000xi32, #tpu.memory_space<hbm>> -> memref<80xi32, #tpu.memory_space<hbm>>
    %dma_start3A_16 = tpu.memref_slice %arg4[%add3A_14] : memref<320000xi32, #tpu.memory_space<hbm>> -> memref<80xi32, #tpu.memory_space<hbm>>
    tpu.enqueue_dma source(%dma_start3A_16 : memref<80xi32, #tpu.memory_space<hbm>>) target(%arg9 : memref<80xi32, #tpu.memory_space<vmem>>) target_semaphore(%arg18 : memref<!tpu.dma_semaphore, #tpu.memory_space<semaphore_mem>>)
    %dma_start3A_17 = arith.constant 80 : i32
    %dma_start3A_18 = tpu.memref_slice %arg7[%dma_start3A_17] : memref<10000xi32, #tpu.memory_space<vmem>> -> memref<80xi32, #tpu.memory_space<vmem>>
    %dma_start3A_19 = arith.constant 0 : i32
    %dma_start3A_20 = arith.constant 0 : i32
    %dma_start3A_21 = tpu.memref_slice %arg2[%dma_start3A_19, %dma_start3A_20] : memref<10000x128xf32, #tpu.memory_space<hbm>> -> memref<10000x128xf32, #tpu.memory_space<hbm>>
    tpu.enqueue_indirect_dma source(%dma_start3A_21 : memref<10000x128xf32, #tpu.memory_space<hbm>>) target(%arg12 : memref<80x128xf32, #tpu.memory_space<vmem>>) offsets(%dma_start3A_18 : memref<80xi32, #tpu.memory_space<vmem>>) semaphore(%arg15 : memref<!tpu.dma_semaphore, #tpu.memory_space<semaphore_mem>>)
    %add3A_22 = arith.constant 160 : i32
    %add3A_23 = arith.addi %mul3A_4, %add3A_22 : i32
    %dma_start3A_24 = tpu.memref_slice %arg4[%add3A_23] : memref<320000xi32, #tpu.memory_space<hbm>> -> memref<80xi32, #tpu.memory_space<hbm>>
    %dma_start3A_25 = tpu.memref_slice %arg4[%add3A_23] : memref<320000xi32, #tpu.memory_space<hbm>> -> memref<80xi32, #tpu.memory_space<hbm>>
    tpu.enqueue_dma source(%dma_start3A_25 : memref<80xi32, #tpu.memory_space<hbm>>) target(%arg10 : memref<80xi32, #tpu.memory_space<vmem>>) target_semaphore(%arg19 : memref<!tpu.dma_semaphore, #tpu.memory_space<semaphore_mem>>)
    %dma_start3A_26 = arith.constant 160 : i32
    %dma_start3A_27 = tpu.memref_slice %arg7[%dma_start3A_26] : memref<10000xi32, #tpu.memory_space<vmem>> -> memref<80xi32, #tpu.memory_space<vmem>>
    %dma_start3A_28 = arith.constant 0 : i32
    %dma_start3A_29 = arith.constant 0 : i32
    %dma_start3A_30 = tpu.memref_slice %arg2[%dma_start3A_28, %dma_start3A_29] : memref<10000x128xf32, #tpu.memory_space<hbm>> -> memref<10000x128xf32, #tpu.memory_space<hbm>>
    tpu.enqueue_indirect_dma source(%dma_start3A_30 : memref<10000x128xf32, #tpu.memory_space<hbm>>) target(%arg13 : memref<80x128xf32, #tpu.memory_space<vmem>>) offsets(%dma_start3A_27 : memref<80xi32, #tpu.memory_space<vmem>>) semaphore(%arg16 : memref<!tpu.dma_semaphore, #tpu.memory_space<semaphore_mem>>)
    %scan3A = arith.constant 0 : i32
    %scan3A_31 = arith.constant 0 : i32
    %scan3A_32 = arith.constant 41 : i32
    %scan3A_33 = arith.addi %scan3A_31, %scan3A_32 : i32
    %scan3A_34 = arith.constant 1 : i32
    scf.for %scan3A_54 = %scan3A_31 to %scan3A_33 step %scan3A_34  : i32 {
      %mul3A_55 = arith.constant 3 : i32
      %mul3A_56 = arith.muli %scan3A_54, %mul3A_55 : i32
      %add3A_57 = arith.constant 0 : i32
      %add3A_58 = arith.addi %mul3A_56, %add3A_57 : i32
      %dma_wait3A_59 = tpu.memref_slice %arg4[%mul3A_4] : memref<320000xi32, #tpu.memory_space<hbm>> -> memref<80xi32, #tpu.memory_space<hbm>>
      %dma_wait3A_60 = tpu.memref_slice %arg4[%mul3A_4] : memref<320000xi32, #tpu.memory_space<hbm>> -> memref<80xi32, #tpu.memory_space<hbm>>
      tpu.wait_dma2 semaphore(%arg17 : memref<!tpu.dma_semaphore, #tpu.memory_space<semaphore_mem>>) src(%dma_wait3A_60 : memref<80xi32, #tpu.memory_space<hbm>>) dst(%arg8 : memref<80xi32, #tpu.memory_space<vmem>>)
      %mul3A_61 = arith.constant 80 : i32
      %mul3A_62 = arith.muli %add3A_58, %mul3A_61 : i32
      %dma_wait3A_63 = tpu.memref_slice %arg7[%mul3A_62] : memref<10000xi32, #tpu.memory_space<vmem>> -> memref<80xi32, #tpu.memory_space<vmem>>
      %dma_wait3A_64 = arith.constant 0 : i32
      %dma_wait3A_65 = arith.constant 0 : i32
      %dma_wait3A_66 = tpu.memref_slice %arg2[%dma_wait3A_64, %dma_wait3A_65] : memref<10000x128xf32, #tpu.memory_space<hbm>> -> memref<10000x128xf32, #tpu.memory_space<hbm>>
      tpu.wait_indirect_dma semaphore(%arg14 : memref<!tpu.dma_semaphore, #tpu.memory_space<semaphore_mem>>) src(%dma_wait3A_66 : memref<10000x128xf32, #tpu.memory_space<hbm>>) dst(%arg11 : memref<80x128xf32, #tpu.memory_space<vmem>>)
      "tpu.region"() ({
        %run_scoped3A = tpu.sem_alloc : memref<!tpu.dma_semaphore, #tpu.memory_space<semaphore_mem>>
        %dma_start3A_109 = arith.constant 0 : i32
        %dma_start3A_110 = arith.constant 0 : i32
        %dma_start3A_111 = tpu.memref_slice %arg20[%dma_start3A_109, %dma_start3A_110] : memref<10240x128xf32, #tpu.memory_space<vmem_shared>> -> memref<10240x128xf32, #tpu.memory_space<vmem_shared>>
        tpu.enqueue_indirect_dma source(%arg11 : memref<80x128xf32, #tpu.memory_space<vmem>>) target(%dma_start3A_111 : memref<10240x128xf32, #tpu.memory_space<vmem_shared>>) offsets(%arg8 : memref<80xi32, #tpu.memory_space<vmem>>) semaphore(%run_scoped3A : memref<!tpu.dma_semaphore, #tpu.memory_space<semaphore_mem>>) {add = true}
        %dma_wait3A_112 = arith.constant 0 : i32
        %dma_wait3A_113 = arith.constant 0 : i32
        %dma_wait3A_114 = tpu.memref_slice %arg20[%dma_wait3A_112, %dma_wait3A_113] : memref<10240x128xf32, #tpu.memory_space<vmem_shared>> -> memref<10240x128xf32, #tpu.memory_space<vmem_shared>>
        tpu.wait_indirect_dma semaphore(%run_scoped3A : memref<!tpu.dma_semaphore, #tpu.memory_space<semaphore_mem>>) src(%arg11 : memref<80x128xf32, #tpu.memory_space<vmem>>) dst(%dma_wait3A_114 : memref<10240x128xf32, #tpu.memory_space<vmem_shared>>)
        tpu.yield
      }) : () -> ()
      %add3A_67 = arith.constant 3 : i32
      %add3A_68 = arith.addi %add3A_58, %add3A_67 : i32
      %lt3A = arith.constant 125 : i32
      %lt3A_69 = arith.cmpi slt, %add3A_68, %lt3A : i32
      %convert_element_type3A = arith.extui %lt3A_69 : i1 to i32
      %cond3A = arith.constant 0 : i32
      %cond3A_70 = arith.cmpi ne, %convert_element_type3A, %cond3A : i32
      scf.if %cond3A_70 {
        %add3A_109 = arith.constant 3 : i32
        %add3A_110 = arith.addi %add3A_58, %add3A_109 : i32
        %mul3A_111 = arith.constant 80 : i32
        %mul3A_112 = arith.muli %add3A_110, %mul3A_111 : i32
        %add3A_113 = arith.addi %mul3A_4, %mul3A_112 : i32
        %dma_start3A_114 = tpu.memref_slice %arg4[%add3A_113] : memref<320000xi32, #tpu.memory_space<hbm>> -> memref<80xi32, #tpu.memory_space<hbm>>
        %dma_start3A_115 = tpu.memref_slice %arg4[%add3A_113] : memref<320000xi32, #tpu.memory_space<hbm>> -> memref<80xi32, #tpu.memory_space<hbm>>
        tpu.enqueue_dma source(%dma_start3A_115 : memref<80xi32, #tpu.memory_space<hbm>>) target(%arg8 : memref<80xi32, #tpu.memory_space<vmem>>) target_semaphore(%arg17 : memref<!tpu.dma_semaphore, #tpu.memory_space<semaphore_mem>>)
        %mul3A_116 = arith.constant 80 : i32
        %mul3A_117 = arith.muli %add3A_110, %mul3A_116 : i32
        %dma_start3A_118 = tpu.memref_slice %arg7[%mul3A_117] : memref<10000xi32, #tpu.memory_space<vmem>> -> memref<80xi32, #tpu.memory_space<vmem>>
        %dma_start3A_119 = arith.constant 0 : i32
        %dma_start3A_120 = arith.constant 0 : i32
        %dma_start3A_121 = tpu.memref_slice %arg2[%dma_start3A_119, %dma_start3A_120] : memref<10000x128xf32, #tpu.memory_space<hbm>> -> memref<10000x128xf32, #tpu.memory_space<hbm>>
        tpu.enqueue_indirect_dma source(%dma_start3A_121 : memref<10000x128xf32, #tpu.memory_space<hbm>>) target(%arg11 : memref<80x128xf32, #tpu.memory_space<vmem>>) offsets(%dma_start3A_118 : memref<80xi32, #tpu.memory_space<vmem>>) semaphore(%arg14 : memref<!tpu.dma_semaphore, #tpu.memory_space<semaphore_mem>>)
      } else {
      }
      %mul3A_71 = arith.constant 3 : i32
      %mul3A_72 = arith.muli %scan3A_54, %mul3A_71 : i32
      %add3A_73 = arith.constant 1 : i32
      %add3A_74 = arith.addi %mul3A_72, %add3A_73 : i32
      %dma_wait3A_75 = tpu.memref_slice %arg4[%mul3A_4] : memref<320000xi32, #tpu.memory_space<hbm>> -> memref<80xi32, #tpu.memory_space<hbm>>
      %dma_wait3A_76 = tpu.memref_slice %arg4[%mul3A_4] : memref<320000xi32, #tpu.memory_space<hbm>> -> memref<80xi32, #tpu.memory_space<hbm>>
      tpu.wait_dma2 semaphore(%arg18 : memref<!tpu.dma_semaphore, #tpu.memory_space<semaphore_mem>>) src(%dma_wait3A_76 : memref<80xi32, #tpu.memory_space<hbm>>) dst(%arg9 : memref<80xi32, #tpu.memory_space<vmem>>)
      %mul3A_77 = arith.constant 80 : i32
      %mul3A_78 = arith.muli %add3A_74, %mul3A_77 : i32
      %dma_wait3A_79 = tpu.memref_slice %arg7[%mul3A_78] : memref<10000xi32, #tpu.memory_space<vmem>> -> memref<80xi32, #tpu.memory_space<vmem>>
      %dma_wait3A_80 = arith.constant 0 : i32
      %dma_wait3A_81 = arith.constant 0 : i32
      %dma_wait3A_82 = tpu.memref_slice %arg2[%dma_wait3A_80, %dma_wait3A_81] : memref<10000x128xf32, #tpu.memory_space<hbm>> -> memref<10000x128xf32, #tpu.memory_space<hbm>>
      tpu.wait_indirect_dma semaphore(%arg15 : memref<!tpu.dma_semaphore, #tpu.memory_space<semaphore_mem>>) src(%dma_wait3A_82 : memref<10000x128xf32, #tpu.memory_space<hbm>>) dst(%arg12 : memref<80x128xf32, #tpu.memory_space<vmem>>)
      "tpu.region"() ({
        %run_scoped3A = tpu.sem_alloc : memref<!tpu.dma_semaphore, #tpu.memory_space<semaphore_mem>>
        %dma_start3A_109 = arith.constant 0 : i32
        %dma_start3A_110 = arith.constant 0 : i32
        %dma_start3A_111 = tpu.memref_slice %arg20[%dma_start3A_109, %dma_start3A_110] : memref<10240x128xf32, #tpu.memory_space<vmem_shared>> -> memref<10240x128xf32, #tpu.memory_space<vmem_shared>>
        tpu.enqueue_indirect_dma source(%arg12 : memref<80x128xf32, #tpu.memory_space<vmem>>) target(%dma_start3A_111 : memref<10240x128xf32, #tpu.memory_space<vmem_shared>>) offsets(%arg9 : memref<80xi32, #tpu.memory_space<vmem>>) semaphore(%run_scoped3A : memref<!tpu.dma_semaphore, #tpu.memory_space<semaphore_mem>>) {add = true}
        %dma_wait3A_112 = arith.constant 0 : i32
        %dma_wait3A_113 = arith.constant 0 : i32
        %dma_wait3A_114 = tpu.memref_slice %arg20[%dma_wait3A_112, %dma_wait3A_113] : memref<10240x128xf32, #tpu.memory_space<vmem_shared>> -> memref<10240x128xf32, #tpu.memory_space<vmem_shared>>
        tpu.wait_indirect_dma semaphore(%run_scoped3A : memref<!tpu.dma_semaphore, #tpu.memory_space<semaphore_mem>>) src(%arg12 : memref<80x128xf32, #tpu.memory_space<vmem>>) dst(%dma_wait3A_114 : memref<10240x128xf32, #tpu.memory_space<vmem_shared>>)
        tpu.yield
      }) : () -> ()
      %add3A_83 = arith.constant 3 : i32
      %add3A_84 = arith.addi %add3A_74, %add3A_83 : i32
      %lt3A_85 = arith.constant 125 : i32
      %lt3A_86 = arith.cmpi slt, %add3A_84, %lt3A_85 : i32
      %convert_element_type3A_87 = arith.extui %lt3A_86 : i1 to i32
      %cond3A_88 = arith.constant 0 : i32
      %cond3A_89 = arith.cmpi ne, %convert_element_type3A_87, %cond3A_88 : i32
      scf.if %cond3A_89 {
        %add3A_109 = arith.constant 3 : i32
        %add3A_110 = arith.addi %add3A_74, %add3A_109 : i32
        %mul3A_111 = arith.constant 80 : i32
        %mul3A_112 = arith.muli %add3A_110, %mul3A_111 : i32
        %add3A_113 = arith.addi %mul3A_4, %mul3A_112 : i32
        %dma_start3A_114 = tpu.memref_slice %arg4[%add3A_113] : memref<320000xi32, #tpu.memory_space<hbm>> -> memref<80xi32, #tpu.memory_space<hbm>>
        %dma_start3A_115 = tpu.memref_slice %arg4[%add3A_113] : memref<320000xi32, #tpu.memory_space<hbm>> -> memref<80xi32, #tpu.memory_space<hbm>>
        tpu.enqueue_dma source(%dma_start3A_115 : memref<80xi32, #tpu.memory_space<hbm>>) target(%arg9 : memref<80xi32, #tpu.memory_space<vmem>>) target_semaphore(%arg18 : memref<!tpu.dma_semaphore, #tpu.memory_space<semaphore_mem>>)
        %mul3A_116 = arith.constant 80 : i32
        %mul3A_117 = arith.muli %add3A_110, %mul3A_116 : i32
        %dma_start3A_118 = tpu.memref_slice %arg7[%mul3A_117] : memref<10000xi32, #tpu.memory_space<vmem>> -> memref<80xi32, #tpu.memory_space<vmem>>
        %dma_start3A_119 = arith.constant 0 : i32
        %dma_start3A_120 = arith.constant 0 : i32
        %dma_start3A_121 = tpu.memref_slice %arg2[%dma_start3A_119, %dma_start3A_120] : memref<10000x128xf32, #tpu.memory_space<hbm>> -> memref<10000x128xf32, #tpu.memory_space<hbm>>
        tpu.enqueue_indirect_dma source(%dma_start3A_121 : memref<10000x128xf32, #tpu.memory_space<hbm>>) target(%arg12 : memref<80x128xf32, #tpu.memory_space<vmem>>) offsets(%dma_start3A_118 : memref<80xi32, #tpu.memory_space<vmem>>) semaphore(%arg15 : memref<!tpu.dma_semaphore, #tpu.memory_space<semaphore_mem>>)
      } else {
      }
      %mul3A_90 = arith.constant 3 : i32
      %mul3A_91 = arith.muli %scan3A_54, %mul3A_90 : i32
      %add3A_92 = arith.constant 2 : i32
      %add3A_93 = arith.addi %mul3A_91, %add3A_92 : i32
      %dma_wait3A_94 = tpu.memref_slice %arg4[%mul3A_4] : memref<320000xi32, #tpu.memory_space<hbm>> -> memref<80xi32, #tpu.memory_space<hbm>>
      %dma_wait3A_95 = tpu.memref_slice %arg4[%mul3A_4] : memref<320000xi32, #tpu.memory_space<hbm>> -> memref<80xi32, #tpu.memory_space<hbm>>
      tpu.wait_dma2 semaphore(%arg19 : memref<!tpu.dma_semaphore, #tpu.memory_space<semaphore_mem>>) src(%dma_wait3A_95 : memref<80xi32, #tpu.memory_space<hbm>>) dst(%arg10 : memref<80xi32, #tpu.memory_space<vmem>>)
      %mul3A_96 = arith.constant 80 : i32
      %mul3A_97 = arith.muli %add3A_93, %mul3A_96 : i32
      %dma_wait3A_98 = tpu.memref_slice %arg7[%mul3A_97] : memref<10000xi32, #tpu.memory_space<vmem>> -> memref<80xi32, #tpu.memory_space<vmem>>
      %dma_wait3A_99 = arith.constant 0 : i32
      %dma_wait3A_100 = arith.constant 0 : i32
      %dma_wait3A_101 = tpu.memref_slice %arg2[%dma_wait3A_99, %dma_wait3A_100] : memref<10000x128xf32, #tpu.memory_space<hbm>> -> memref<10000x128xf32, #tpu.memory_space<hbm>>
      tpu.wait_indirect_dma semaphore(%arg16 : memref<!tpu.dma_semaphore, #tpu.memory_space<semaphore_mem>>) src(%dma_wait3A_101 : memref<10000x128xf32, #tpu.memory_space<hbm>>) dst(%arg13 : memref<80x128xf32, #tpu.memory_space<vmem>>)
      "tpu.region"() ({
        %run_scoped3A = tpu.sem_alloc : memref<!tpu.dma_semaphore, #tpu.memory_space<semaphore_mem>>
        %dma_start3A_109 = arith.constant 0 : i32
        %dma_start3A_110 = arith.constant 0 : i32
        %dma_start3A_111 = tpu.memref_slice %arg20[%dma_start3A_109, %dma_start3A_110] : memref<10240x128xf32, #tpu.memory_space<vmem_shared>> -> memref<10240x128xf32, #tpu.memory_space<vmem_shared>>
        tpu.enqueue_indirect_dma source(%arg13 : memref<80x128xf32, #tpu.memory_space<vmem>>) target(%dma_start3A_111 : memref<10240x128xf32, #tpu.memory_space<vmem_shared>>) offsets(%arg10 : memref<80xi32, #tpu.memory_space<vmem>>) semaphore(%run_scoped3A : memref<!tpu.dma_semaphore, #tpu.memory_space<semaphore_mem>>) {add = true}
        %dma_wait3A_112 = arith.constant 0 : i32
        %dma_wait3A_113 = arith.constant 0 : i32
        %dma_wait3A_114 = tpu.memref_slice %arg20[%dma_wait3A_112, %dma_wait3A_113] : memref<10240x128xf32, #tpu.memory_space<vmem_shared>> -> memref<10240x128xf32, #tpu.memory_space<vmem_shared>>
        tpu.wait_indirect_dma semaphore(%run_scoped3A : memref<!tpu.dma_semaphore, #tpu.memory_space<semaphore_mem>>) src(%arg13 : memref<80x128xf32, #tpu.memory_space<vmem>>) dst(%dma_wait3A_114 : memref<10240x128xf32, #tpu.memory_space<vmem_shared>>)
        tpu.yield
      }) : () -> ()
      %add3A_102 = arith.constant 3 : i32
      %add3A_103 = arith.addi %add3A_93, %add3A_102 : i32
      %lt3A_104 = arith.constant 125 : i32
      %lt3A_105 = arith.cmpi slt, %add3A_103, %lt3A_104 : i32
      %convert_element_type3A_106 = arith.extui %lt3A_105 : i1 to i32
      %cond3A_107 = arith.constant 0 : i32
      %cond3A_108 = arith.cmpi ne, %convert_element_type3A_106, %cond3A_107 : i32
      scf.if %cond3A_108 {
        %add3A_109 = arith.constant 3 : i32
        %add3A_110 = arith.addi %add3A_93, %add3A_109 : i32
        %mul3A_111 = arith.constant 80 : i32
        %mul3A_112 = arith.muli %add3A_110, %mul3A_111 : i32
        %add3A_113 = arith.addi %mul3A_4, %mul3A_112 : i32
        %dma_start3A_114 = tpu.memref_slice %arg4[%add3A_113] : memref<320000xi32, #tpu.memory_space<hbm>> -> memref<80xi32, #tpu.memory_space<hbm>>
        %dma_start3A_115 = tpu.memref_slice %arg4[%add3A_113] : memref<320000xi32, #tpu.memory_space<hbm>> -> memref<80xi32, #tpu.memory_space<hbm>>
        tpu.enqueue_dma source(%dma_start3A_115 : memref<80xi32, #tpu.memory_space<hbm>>) target(%arg10 : memref<80xi32, #tpu.memory_space<vmem>>) target_semaphore(%arg19 : memref<!tpu.dma_semaphore, #tpu.memory_space<semaphore_mem>>)
        %mul3A_116 = arith.constant 80 : i32
        %mul3A_117 = arith.muli %add3A_110, %mul3A_116 : i32
        %dma_start3A_118 = tpu.memref_slice %arg7[%mul3A_117] : memref<10000xi32, #tpu.memory_space<vmem>> -> memref<80xi32, #tpu.memory_space<vmem>>
        %dma_start3A_119 = arith.constant 0 : i32
        %dma_start3A_120 = arith.constant 0 : i32
        %dma_start3A_121 = tpu.memref_slice %arg2[%dma_start3A_119, %dma_start3A_120] : memref<10000x128xf32, #tpu.memory_space<hbm>> -> memref<10000x128xf32, #tpu.memory_space<hbm>>
        tpu.enqueue_indirect_dma source(%dma_start3A_121 : memref<10000x128xf32, #tpu.memory_space<hbm>>) target(%arg13 : memref<80x128xf32, #tpu.memory_space<vmem>>) offsets(%dma_start3A_118 : memref<80xi32, #tpu.memory_space<vmem>>) semaphore(%arg16 : memref<!tpu.dma_semaphore, #tpu.memory_space<semaphore_mem>>)
      } else {
      }
    }
    %scan3A_35 = arith.constant 41 : i32
    %dma_wait3A = tpu.memref_slice %arg4[%mul3A_4] : memref<320000xi32, #tpu.memory_space<hbm>> -> memref<80xi32, #tpu.memory_space<hbm>>
    %dma_wait3A_36 = tpu.memref_slice %arg4[%mul3A_4] : memref<320000xi32, #tpu.memory_space<hbm>> -> memref<80xi32, #tpu.memory_space<hbm>>
    tpu.wait_dma2 semaphore(%arg17 : memref<!tpu.dma_semaphore, #tpu.memory_space<semaphore_mem>>) src(%dma_wait3A_36 : memref<80xi32, #tpu.memory_space<hbm>>) dst(%arg8 : memref<80xi32, #tpu.memory_space<vmem>>)
    %dma_wait3A_37 = arith.constant 9840 : i32
    %dma_wait3A_38 = tpu.memref_slice %arg7[%dma_wait3A_37] : memref<10000xi32, #tpu.memory_space<vmem>> -> memref<80xi32, #tpu.memory_space<vmem>>
    %dma_wait3A_39 = arith.constant 0 : i32
    %dma_wait3A_40 = arith.constant 0 : i32
    %dma_wait3A_41 = tpu.memref_slice %arg2[%dma_wait3A_39, %dma_wait3A_40] : memref<10000x128xf32, #tpu.memory_space<hbm>> -> memref<10000x128xf32, #tpu.memory_space<hbm>>
    tpu.wait_indirect_dma semaphore(%arg14 : memref<!tpu.dma_semaphore, #tpu.memory_space<semaphore_mem>>) src(%dma_wait3A_41 : memref<10000x128xf32, #tpu.memory_space<hbm>>) dst(%arg11 : memref<80x128xf32, #tpu.memory_space<vmem>>)
    "tpu.region"() ({
      %run_scoped3A = tpu.sem_alloc : memref<!tpu.dma_semaphore, #tpu.memory_space<semaphore_mem>>
      %dma_start3A_54 = arith.constant 0 : i32
      %dma_start3A_55 = arith.constant 0 : i32
      %dma_start3A_56 = tpu.memref_slice %arg20[%dma_start3A_54, %dma_start3A_55] : memref<10240x128xf32, #tpu.memory_space<vmem_shared>> -> memref<10240x128xf32, #tpu.memory_space<vmem_shared>>
      tpu.enqueue_indirect_dma source(%arg11 : memref<80x128xf32, #tpu.memory_space<vmem>>) target(%dma_start3A_56 : memref<10240x128xf32, #tpu.memory_space<vmem_shared>>) offsets(%arg8 : memref<80xi32, #tpu.memory_space<vmem>>) semaphore(%run_scoped3A : memref<!tpu.dma_semaphore, #tpu.memory_space<semaphore_mem>>) {add = true}
      %dma_wait3A_57 = arith.constant 0 : i32
      %dma_wait3A_58 = arith.constant 0 : i32
      %dma_wait3A_59 = tpu.memref_slice %arg20[%dma_wait3A_57, %dma_wait3A_58] : memref<10240x128xf32, #tpu.memory_space<vmem_shared>> -> memref<10240x128xf32, #tpu.memory_space<vmem_shared>>
      tpu.wait_indirect_dma semaphore(%run_scoped3A : memref<!tpu.dma_semaphore, #tpu.memory_space<semaphore_mem>>) src(%arg11 : memref<80x128xf32, #tpu.memory_space<vmem>>) dst(%dma_wait3A_59 : memref<10240x128xf32, #tpu.memory_space<vmem_shared>>)
      tpu.yield
    }) : () -> ()
    %dma_wait3A_42 = tpu.memref_slice %arg4[%mul3A_4] : memref<320000xi32, #tpu.memory_space<hbm>> -> memref<80xi32, #tpu.memory_space<hbm>>
    %dma_wait3A_43 = tpu.memref_slice %arg4[%mul3A_4] : memref<320000xi32, #tpu.memory_space<hbm>> -> memref<80xi32, #tpu.memory_space<hbm>>
    tpu.wait_dma2 semaphore(%arg18 : memref<!tpu.dma_semaphore, #tpu.memory_space<semaphore_mem>>) src(%dma_wait3A_43 : memref<80xi32, #tpu.memory_space<hbm>>) dst(%arg9 : memref<80xi32, #tpu.memory_space<vmem>>)
    %dma_wait3A_44 = arith.constant 9920 : i32
    %dma_wait3A_45 = tpu.memref_slice %arg7[%dma_wait3A_44] : memref<10000xi32, #tpu.memory_space<vmem>> -> memref<80xi32, #tpu.memory_space<vmem>>
    %dma_wait3A_46 = arith.constant 0 : i32
    %dma_wait3A_47 = arith.constant 0 : i32
    %dma_wait3A_48 = tpu.memref_slice %arg2[%dma_wait3A_46, %dma_wait3A_47] : memref<10000x128xf32, #tpu.memory_space<hbm>> -> memref<10000x128xf32, #tpu.memory_space<hbm>>
    tpu.wait_indirect_dma semaphore(%arg15 : memref<!tpu.dma_semaphore, #tpu.memory_space<semaphore_mem>>) src(%dma_wait3A_48 : memref<10000x128xf32, #tpu.memory_space<hbm>>) dst(%arg12 : memref<80x128xf32, #tpu.memory_space<vmem>>)
    "tpu.region"() ({
      %run_scoped3A = tpu.sem_alloc : memref<!tpu.dma_semaphore, #tpu.memory_space<semaphore_mem>>
      %dma_start3A_54 = arith.constant 0 : i32
      %dma_start3A_55 = arith.constant 0 : i32
      %dma_start3A_56 = tpu.memref_slice %arg20[%dma_start3A_54, %dma_start3A_55] : memref<10240x128xf32, #tpu.memory_space<vmem_shared>> -> memref<10240x128xf32, #tpu.memory_space<vmem_shared>>
      tpu.enqueue_indirect_dma source(%arg12 : memref<80x128xf32, #tpu.memory_space<vmem>>) target(%dma_start3A_56 : memref<10240x128xf32, #tpu.memory_space<vmem_shared>>) offsets(%arg9 : memref<80xi32, #tpu.memory_space<vmem>>) semaphore(%run_scoped3A : memref<!tpu.dma_semaphore, #tpu.memory_space<semaphore_mem>>) {add = true}
      %dma_wait3A_57 = arith.constant 0 : i32
      %dma_wait3A_58 = arith.constant 0 : i32
      %dma_wait3A_59 = tpu.memref_slice %arg20[%dma_wait3A_57, %dma_wait3A_58] : memref<10240x128xf32, #tpu.memory_space<vmem_shared>> -> memref<10240x128xf32, #tpu.memory_space<vmem_shared>>
      tpu.wait_indirect_dma semaphore(%run_scoped3A : memref<!tpu.dma_semaphore, #tpu.memory_space<semaphore_mem>>) src(%arg12 : memref<80x128xf32, #tpu.memory_space<vmem>>) dst(%dma_wait3A_59 : memref<10240x128xf32, #tpu.memory_space<vmem_shared>>)
      tpu.yield
    }) : () -> ()
    %barrier3A_49 = arith.constant 0 : index
    tpu.barrier barrier_id(%barrier3A_49)
    %mul3A_50 = arith.constant 640 : i32
    %mul3A_51 = arith.muli %arg1, %mul3A_50 : i32
    %mul3A_52 = arith.constant 640 : i32
    %mul3A_53 = arith.muli %arg1, %mul3A_52 : i32
    "tpu.region"() ({
      %run_scoped3A = tpu.sem_alloc : memref<!tpu.dma_semaphore, #tpu.memory_space<semaphore_mem>>
      %dma_start3A_54 = arith.constant 0 : i32
      %dma_start3A_55 = tpu.memref_slice %arg6[%arg0, %mul3A_53, %dma_start3A_54] : memref<2x10240x128xf32, #tpu.memory_space<hbm>> -> memref<1x640x128xf32, #tpu.memory_space<hbm>>
      %dma_start3A_56 = tpu.memref_squeeze %dma_start3A_55 : memref<1x640x128xf32, #tpu.memory_space<hbm>> -> memref<640x128xf32, #tpu.memory_space<hbm>>
      %dma_start3A_57 = arith.constant 0 : i32
      %dma_start3A_58 = tpu.memref_slice %arg20[%mul3A_51, %dma_start3A_57] : memref<10240x128xf32, #tpu.memory_space<vmem_shared>> -> memref<640x128xf32, #tpu.memory_space<vmem_shared>>
      tpu.enqueue_dma source(%dma_start3A_58 : memref<640x128xf32, #tpu.memory_space<vmem_shared>>) target(%dma_start3A_56 : memref<640x128xf32, #tpu.memory_space<hbm>>) target_semaphore(%run_scoped3A : memref<!tpu.dma_semaphore, #tpu.memory_space<semaphore_mem>>)
      %dma_wait3A_59 = arith.constant 0 : i32
      %dma_wait3A_60 = tpu.memref_slice %arg6[%arg0, %mul3A_53, %dma_wait3A_59] : memref<2x10240x128xf32, #tpu.memory_space<hbm>> -> memref<1x640x128xf32, #tpu.memory_space<hbm>>
      %dma_wait3A_61 = tpu.memref_squeeze %dma_wait3A_60 : memref<1x640x128xf32, #tpu.memory_space<hbm>> -> memref<640x128xf32, #tpu.memory_space<hbm>>
      %dma_wait3A_62 = arith.constant 0 : i32
      %dma_wait3A_63 = tpu.memref_slice %arg20[%mul3A_51, %dma_wait3A_62] : memref<10240x128xf32, #tpu.memory_space<vmem_shared>> -> memref<640x128xf32, #tpu.memory_space<vmem_shared>>
      tpu.wait_dma2 semaphore(%run_scoped3A : memref<!tpu.dma_semaphore, #tpu.memory_space<semaphore_mem>>) src(%dma_wait3A_63 : memref<640x128xf32, #tpu.memory_space<vmem_shared>>) dst(%dma_wait3A_61 : memref<640x128xf32, #tpu.memory_space<hbm>>)
      tpu.yield
    }) : () -> ()
    return
  }
}

module attributes {stable_mosaic.version = 14 : i64} {
  func.func @_split_body(%arg0: memref<2x320000xi32, #tpu.memory_space<vmem>>, %arg1: memref<320000xi32, #tpu.memory_space<vmem>>, %arg2: memref<320000xi32, #tpu.memory_space<vmem>>) attributes {dimension_semantics = [], scalar_prefetch = 0 : i64, scratch_operands = 0 : i64, tpu.core_type = #tpu.core_type<tc>} {
    %get3A = arith.constant 0 : index
    %get3A_0 = arith.constant 0 : index
    %get3A_1 = vector.load %arg0[%get3A, %get3A_0] : memref<2x320000xi32, #tpu.memory_space<vmem>>, vector<1x320000xi32>
    %get3A_2 = vector.shape_cast %get3A_1 : vector<1x320000xi32> to vector<320000xi32>
    %swap3A = arith.constant 0 : index
    %swap3A_3 = vector.load %arg1[%swap3A] : memref<320000xi32, #tpu.memory_space<vmem>>, vector<320000xi32>
    tpu.vector_store %arg1[%swap3A], %get3A_2 {strides = array<i32>} : memref<320000xi32, #tpu.memory_space<vmem>>, vector<320000xi32>,
    %get3A_4 = arith.constant 1 : index
    %get3A_5 = arith.constant 0 : index
    %get3A_6 = vector.load %arg0[%get3A_4, %get3A_5] : memref<2x320000xi32, #tpu.memory_space<vmem>>, vector<1x320000xi32>
    %get3A_7 = vector.shape_cast %get3A_6 : vector<1x320000xi32> to vector<320000xi32>
    %swap3A_8 = arith.constant 0 : index
    %swap3A_9 = vector.load %arg2[%swap3A_8] : memref<320000xi32, #tpu.memory_space<vmem>>, vector<320000xi32>
    tpu.vector_store %arg2[%swap3A_8], %get3A_7 {strides = array<i32>} : memref<320000xi32, #tpu.memory_space<vmem>>, vector<320000xi32>,
    return
  }
}

module attributes {stable_mosaic.version = 14 : i64} {
  func.func @_dual_mm_body(%arg0: i32, %arg1: memref<2000x128xf32, #tpu.memory_space<vmem>>, %arg2: memref<128x128xf32, #tpu.memory_space<vmem>>, %arg3: memref<128x128xf32, #tpu.memory_space<vmem>>, %arg4: memref<1x128xf32, #tpu.memory_space<vmem>>, %arg5: memref<2000x128xf32, #tpu.memory_space<vmem>>, %arg6: memref<2000x128xf32, #tpu.memory_space<vmem>>) attributes {dimension_semantics = [#tpu.dimension_semantics<arbitrary>], iteration_bounds = array<i64: 5>, scalar_prefetch = 0 : i64, scratch_operands = 0 : i64, tpu.core_type = #tpu.core_type<tc>, window_params = [{transform_indices = @transform_0, window_bounds = array<i64: 2000, 128>}, {pipeline_mode = #tpu.pipeline_mode<synchronous>, transform_indices = @transform_1, window_bounds = array<i64: 128, 128>}, {pipeline_mode = #tpu.pipeline_mode<synchronous>, transform_indices = @transform_2, window_bounds = array<i64: 128, 128>}, {pipeline_mode = #tpu.pipeline_mode<synchronous>, transform_indices = @transform_3, window_bounds = array<i64: 1, 128>}, {transform_indices = @transform_4, window_bounds = array<i64: 2000, 128>}, {transform_indices = @transform_5, window_bounds = array<i64: 2000, 128>}]} {
    %get3A = arith.constant 0 : index
    %get3A_0 = arith.constant 0 : index
    %get3A_1 = vector.load %arg1[%get3A, %get3A_0] : memref<2000x128xf32, #tpu.memory_space<vmem>>, vector<2000x128xf32>
    %get3A_2 = arith.constant 0 : index
    %get3A_3 = arith.constant 0 : index
    %get3A_4 = vector.load %arg2[%get3A_2, %get3A_3] : memref<128x128xf32, #tpu.memory_space<vmem>>, vector<128x128xf32>
    %dot_general3A = arith.constant dense<0.000000e+00> : vector<2000x128xf32>
    %dot_general3A_5 = tpu.matmul %get3A_1, %get3A_4, %dot_general3A {dimension_numbers = #tpu.dot_dimension_numbers<[1], [0], [0], [1], [0, 0, 1, 1], [], []>, transpose_lhs_hint = false} : vector<2000x128xf32>, vector<128x128xf32>, vector<2000x128xf32> -> vector<2000x128xf32>
    %swap3A = arith.constant 0 : index
    %swap3A_6 = arith.constant 0 : index
    %swap3A_7 = vector.load %arg5[%swap3A, %swap3A_6] : memref<2000x128xf32, #tpu.memory_space<vmem>>, vector<2000x128xf32>
    tpu.vector_store %arg5[%swap3A, %swap3A_6], %dot_general3A_5 {strides = array<i32>} : memref<2000x128xf32, #tpu.memory_space<vmem>>, vector<2000x128xf32>,
    %get3A_8 = arith.constant 0 : index
    %get3A_9 = arith.constant 0 : index
    %get3A_10 = vector.load %arg3[%get3A_8, %get3A_9] : memref<128x128xf32, #tpu.memory_space<vmem>>, vector<128x128xf32>
    %dot_general3A_11 = arith.constant dense<0.000000e+00> : vector<2000x128xf32>
    %dot_general3A_12 = tpu.matmul %get3A_1, %get3A_10, %dot_general3A_11 {dimension_numbers = #tpu.dot_dimension_numbers<[1], [0], [0], [1], [0, 0, 1, 1], [], []>, transpose_lhs_hint = false} : vector<2000x128xf32>, vector<128x128xf32>, vector<2000x128xf32> -> vector<2000x128xf32>
    %get3A_13 = arith.constant 0 : index
    %get3A_14 = arith.constant 0 : index
    %get3A_15 = vector.load %arg4[%get3A_13, %get3A_14] : memref<1x128xf32, #tpu.memory_space<vmem>>, vector<1x128xf32>
    %add3A = vector.broadcast %get3A_15 : vector<1x128xf32> to vector<2000x128xf32>
    %add3A_16 = arith.addf %dot_general3A_12, %add3A : vector<2000x128xf32>
    %swap3A_17 = arith.constant 0 : index
    %swap3A_18 = arith.constant 0 : index
    %swap3A_19 = vector.load %arg6[%swap3A_17, %swap3A_18] : memref<2000x128xf32, #tpu.memory_space<vmem>>, vector<2000x128xf32>
    tpu.vector_store %arg6[%swap3A_17, %swap3A_18], %add3A_16 {strides = array<i32>} : memref<2000x128xf32, #tpu.memory_space<vmem>>, vector<2000x128xf32>,
    return
  }
  func.func @transform_0(%arg0: i32) -> (i32, i32) {
    %c0_i32 = arith.constant 0 : i32
    %c0_i32_0 = arith.constant 0 : i32
    return %arg0, %c0_i32 : i32, i32
  }
  func.func @transform_1(%arg0: i32) -> (i32, i32) {
    %c0_i32 = arith.constant 0 : i32
    %c0_i32_0 = arith.constant 0 : i32
    %c0_i32_1 = arith.constant 0 : i32
    return %c0_i32, %c0_i32_0 : i32, i32
  }
  func.func @transform_2(%arg0: i32) -> (i32, i32) {
    %c0_i32 = arith.constant 0 : i32
    %c0_i32_0 = arith.constant 0 : i32
    %c0_i32_1 = arith.constant 0 : i32
    return %c0_i32, %c0_i32_0 : i32, i32
  }
  func.func @transform_3(%arg0: i32) -> (i32, i32) {
    %c0_i32 = arith.constant 0 : i32
    %c0_i32_0 = arith.constant 0 : i32
    %c0_i32_1 = arith.constant 0 : i32
    return %c0_i32, %c0_i32_0 : i32, i32
  }
  func.func @transform_4(%arg0: i32) -> (i32, i32) {
    %c0_i32 = arith.constant 0 : i32
    %c0_i32_0 = arith.constant 0 : i32
    return %arg0, %c0_i32 : i32, i32
  }
  func.func @transform_5(%arg0: i32) -> (i32, i32) {
    %c0_i32 = arith.constant 0 : i32
    %c0_i32_0 = arith.constant 0 : i32
    return %arg0, %c0_i32 : i32, i32
  }
}

module attributes {stable_mosaic.version = 14 : i64} {
  func.func @body(%arg0: i32, %arg1: memref<2x2000x128xf32, #tpu.memory_space<vmem>>, %arg2: memref<2x2000x16xf32, #tpu.memory_space<vmem>>, %arg3: memref<2000x128xf32, #tpu.memory_space<vmem>>, %arg4: memref<128x128xf32, #tpu.memory_space<vmem>>, %arg5: memref<128x128xf32, #tpu.memory_space<vmem>>, %arg6: memref<1x128xf32, #tpu.memory_space<vmem>>, %arg7: memref<2000x128xf32, #tpu.memory_space<vmem>>, %arg8: memref<2000x128xf32, #tpu.memory_space<vmem>>, %arg9: memref<2000x16xf32, #tpu.memory_space<vmem>>) attributes {dimension_semantics = [#tpu.dimension_semantics<arbitrary>], iteration_bounds = array<i64: 5>, scalar_prefetch = 0 : i64, scratch_operands = 0 : i64, tpu.core_type = #tpu.core_type<tc>, window_params = [{transform_indices = @transform_0, window_bounds = array<i64: 2, 2000, 128>}, {transform_indices = @transform_1, window_bounds = array<i64: 2, 2000, 16>}, {transform_indices = @transform_2, window_bounds = array<i64: 2000, 128>}, {pipeline_mode = #tpu.pipeline_mode<synchronous>, transform_indices = @transform_3, window_bounds = array<i64: 128, 128>}, {pipeline_mode = #tpu.pipeline_mode<synchronous>, transform_indices = @transform_4, window_bounds = array<i64: 128, 128>}, {pipeline_mode = #tpu.pipeline_mode<synchronous>, transform_indices = @transform_5, window_bounds = array<i64: 1, 128>}, {transform_indices = @transform_6, window_bounds = array<i64: 2000, 128>}, {transform_indices = @transform_7, window_bounds = array<i64: 2000, 128>}, {transform_indices = @transform_8, window_bounds = array<i64: 2000, 16>}]} {
    %get3A = arith.constant 0 : index
    %get3A_0 = arith.constant 0 : index
    %get3A_1 = arith.constant 0 : index
    %get3A_2 = vector.load %arg2[%get3A, %get3A_0, %get3A_1] : memref<2x2000x16xf32, #tpu.memory_space<vmem>>, vector<1x2000x16xf32>
    %get3A_3 = vector.shape_cast %get3A_2 : vector<1x2000x16xf32> to vector<2000x16xf32>
    %get3A_4 = arith.constant 1 : index
    %get3A_5 = arith.constant 0 : index
    %get3A_6 = arith.constant 0 : index
    %get3A_7 = vector.load %arg2[%get3A_4, %get3A_5, %get3A_6] : memref<2x2000x16xf32, #tpu.memory_space<vmem>>, vector<1x2000x16xf32>
    %get3A_8 = vector.shape_cast %get3A_7 : vector<1x2000x16xf32> to vector<2000x16xf32>
    %add3A = arith.addf %get3A_3, %get3A_8 : vector<2000x16xf32>
    %swap3A = arith.constant 0 : index
    %swap3A_9 = arith.constant 0 : index
    %swap3A_10 = vector.load %arg9[%swap3A, %swap3A_9] : memref<2000x16xf32, #tpu.memory_space<vmem>>, vector<2000x16xf32>
    tpu.vector_store %arg9[%swap3A, %swap3A_9], %add3A {strides = array<i32>} : memref<2000x16xf32, #tpu.memory_space<vmem>>, vector<2000x16xf32>,
    %slice3A = vector.extract_strided_slice %add3A {offsets = [0, 0], sizes = [2000, 1], strides = [1, 1]} : vector<2000x16xf32> to vector<2000x1xf32>
    %max3A = arith.constant 1.000000e+00 : f32
    %max3A_11 = vector.broadcast %max3A : f32 to vector<2000x1xf32>
    %max3A_12 = arith.maximumf %slice3A, %max3A_11 : vector<2000x1xf32>
    %get3A_13 = arith.constant 0 : index
    %get3A_14 = arith.constant 0 : index
    %get3A_15 = arith.constant 0 : index
    %get3A_16 = vector.load %arg1[%get3A_13, %get3A_14, %get3A_15] : memref<2x2000x128xf32, #tpu.memory_space<vmem>>, vector<1x2000x128xf32>
    %get3A_17 = vector.shape_cast %get3A_16 : vector<1x2000x128xf32> to vector<2000x128xf32>
    %get3A_18 = arith.constant 1 : index
    %get3A_19 = arith.constant 0 : index
    %get3A_20 = arith.constant 0 : index
    %get3A_21 = vector.load %arg1[%get3A_18, %get3A_19, %get3A_20] : memref<2x2000x128xf32, #tpu.memory_space<vmem>>, vector<1x2000x128xf32>
    %get3A_22 = vector.shape_cast %get3A_21 : vector<1x2000x128xf32> to vector<2000x128xf32>
    %add3A_23 = arith.addf %get3A_17, %get3A_22 : vector<2000x128xf32>
    %div3A = vector.broadcast %max3A_12 : vector<2000x1xf32> to vector<2000x128xf32>
    %div3A_24 = arith.divf %add3A_23, %div3A : vector<2000x128xf32>
    %get3A_25 = arith.constant 0 : index
    %get3A_26 = arith.constant 0 : index
    %get3A_27 = vector.load %arg3[%get3A_25, %get3A_26] : memref<2000x128xf32, #tpu.memory_space<vmem>>, vector<2000x128xf32>
    %add3A_28 = arith.addf %div3A_24, %get3A_27 : vector<2000x128xf32>
    %max3A_29 = arith.constant 0.000000e+00 : f32
    %max3A_30 = vector.broadcast %max3A_29 : f32 to vector<2000x128xf32>
    %max3A_31 = arith.maximumf %add3A_28, %max3A_30 : vector<2000x128xf32>
    %get3A_32 = arith.constant 0 : index
    %get3A_33 = arith.constant 0 : index
    %get3A_34 = vector.load %arg4[%get3A_32, %get3A_33] : memref<128x128xf32, #tpu.memory_space<vmem>>, vector<128x128xf32>
    %dot_general3A = arith.constant dense<0.000000e+00> : vector<2000x128xf32>
    %dot_general3A_35 = tpu.matmul %max3A_31, %get3A_34, %dot_general3A {dimension_numbers = #tpu.dot_dimension_numbers<[1], [0], [0], [1], [0, 0, 1, 1], [], []>, transpose_lhs_hint = false} : vector<2000x128xf32>, vector<128x128xf32>, vector<2000x128xf32> -> vector<2000x128xf32>
    %swap3A_36 = arith.constant 0 : index
    %swap3A_37 = arith.constant 0 : index
    %swap3A_38 = vector.load %arg7[%swap3A_36, %swap3A_37] : memref<2000x128xf32, #tpu.memory_space<vmem>>, vector<2000x128xf32>
    tpu.vector_store %arg7[%swap3A_36, %swap3A_37], %dot_general3A_35 {strides = array<i32>} : memref<2000x128xf32, #tpu.memory_space<vmem>>, vector<2000x128xf32>,
    %get3A_39 = arith.constant 0 : index
    %get3A_40 = arith.constant 0 : index
    %get3A_41 = vector.load %arg5[%get3A_39, %get3A_40] : memref<128x128xf32, #tpu.memory_space<vmem>>, vector<128x128xf32>
    %dot_general3A_42 = arith.constant dense<0.000000e+00> : vector<2000x128xf32>
    %dot_general3A_43 = tpu.matmul %max3A_31, %get3A_41, %dot_general3A_42 {dimension_numbers = #tpu.dot_dimension_numbers<[1], [0], [0], [1], [0, 0, 1, 1], [], []>, transpose_lhs_hint = false} : vector<2000x128xf32>, vector<128x128xf32>, vector<2000x128xf32> -> vector<2000x128xf32>
    %get3A_44 = arith.constant 0 : index
    %get3A_45 = arith.constant 0 : index
    %get3A_46 = vector.load %arg6[%get3A_44, %get3A_45] : memref<1x128xf32, #tpu.memory_space<vmem>>, vector<1x128xf32>
    %add3A_47 = vector.broadcast %get3A_46 : vector<1x128xf32> to vector<2000x128xf32>
    %add3A_48 = arith.addf %dot_general3A_43, %add3A_47 : vector<2000x128xf32>
    %swap3A_49 = arith.constant 0 : index
    %swap3A_50 = arith.constant 0 : index
    %swap3A_51 = vector.load %arg8[%swap3A_49, %swap3A_50] : memref<2000x128xf32, #tpu.memory_space<vmem>>, vector<2000x128xf32>
    tpu.vector_store %arg8[%swap3A_49, %swap3A_50], %add3A_48 {strides = array<i32>} : memref<2000x128xf32, #tpu.memory_space<vmem>>, vector<2000x128xf32>,
    return
  }
  func.func @transform_0(%arg0: i32) -> (i32, i32, i32) {
    %c0_i32 = arith.constant 0 : i32
    %c0_i32_0 = arith.constant 0 : i32
    %c0_i32_1 = arith.constant 0 : i32
    return %c0_i32, %arg0, %c0_i32_0 : i32, i32, i32
  }
  func.func @transform_1(%arg0: i32) -> (i32, i32, i32) {
    %c0_i32 = arith.constant 0 : i32
    %c0_i32_0 = arith.constant 0 : i32
    %c0_i32_1 = arith.constant 0 : i32
    return %c0_i32, %arg0, %c0_i32_0 : i32, i32, i32
  }
  func.func @transform_2(%arg0: i32) -> (i32, i32) {
    %c0_i32 = arith.constant 0 : i32
    %c0_i32_0 = arith.constant 0 : i32
    return %arg0, %c0_i32 : i32, i32
  }
  func.func @transform_3(%arg0: i32) -> (i32, i32) {
    %c0_i32 = arith.constant 0 : i32
    %c0_i32_0 = arith.constant 0 : i32
    %c0_i32_1 = arith.constant 0 : i32
    return %c0_i32, %c0_i32_0 : i32, i32
  }
  func.func @transform_4(%arg0: i32) -> (i32, i32) {
    %c0_i32 = arith.constant 0 : i32
    %c0_i32_0 = arith.constant 0 : i32
    %c0_i32_1 = arith.constant 0 : i32
    return %c0_i32, %c0_i32_0 : i32, i32
  }
  func.func @transform_5(%arg0: i32) -> (i32, i32) {
    %c0_i32 = arith.constant 0 : i32
    %c0_i32_0 = arith.constant 0 : i32
    %c0_i32_1 = arith.constant 0 : i32
    return %c0_i32, %c0_i32_0 : i32, i32
  }
  func.func @transform_6(%arg0: i32) -> (i32, i32) {
    %c0_i32 = arith.constant 0 : i32
    %c0_i32_0 = arith.constant 0 : i32
    return %arg0, %c0_i32 : i32, i32
  }
  func.func @transform_7(%arg0: i32) -> (i32, i32) {
    %c0_i32 = arith.constant 0 : i32
    %c0_i32_0 = arith.constant 0 : i32
    return %arg0, %c0_i32 : i32, i32
  }
  func.func @transform_8(%arg0: i32) -> (i32, i32) {
    %c0_i32 = arith.constant 0 : i32
    %c0_i32_0 = arith.constant 0 : i32
    return %arg0, %c0_i32 : i32, i32
  }
}

module attributes {stable_mosaic.version = 14 : i64} {
  func.func @body(%arg0: i32, %arg1: memref<2x2000x128xf32, #tpu.memory_space<vmem>>, %arg2: memref<2000x16xf32, #tpu.memory_space<vmem>>, %arg3: memref<2000x128xf32, #tpu.memory_space<vmem>>, %arg4: memref<128x16xf32, #tpu.memory_space<vmem>>, %arg5: memref<128x16xf32, #tpu.memory_space<vmem>>, %arg6: memref<1x16xf32, #tpu.memory_space<vmem>>, %arg7: memref<2000x128xf32, #tpu.memory_space<vmem>>, %arg8: memref<2000x16xf32, #tpu.memory_space<vmem>>, %arg9: memref<2000x16xf32, #tpu.memory_space<vmem>>) attributes {dimension_semantics = [#tpu.dimension_semantics<arbitrary>], iteration_bounds = array<i64: 5>, scalar_prefetch = 0 : i64, scratch_operands = 0 : i64, tpu.core_type = #tpu.core_type<tc>, window_params = [{transform_indices = @transform_0, window_bounds = array<i64: 2, 2000, 128>}, {transform_indices = @transform_1, window_bounds = array<i64: 2000, 16>}, {transform_indices = @transform_2, window_bounds = array<i64: 2000, 128>}, {pipeline_mode = #tpu.pipeline_mode<synchronous>, transform_indices = @transform_3, window_bounds = array<i64: 128, 16>}, {pipeline_mode = #tpu.pipeline_mode<synchronous>, transform_indices = @transform_4, window_bounds = array<i64: 128, 16>}, {pipeline_mode = #tpu.pipeline_mode<synchronous>, transform_indices = @transform_5, window_bounds = array<i64: 1, 16>}, {transform_indices = @transform_6, window_bounds = array<i64: 2000, 128>}, {transform_indices = @transform_7, window_bounds = array<i64: 2000, 16>}, {transform_indices = @transform_8, window_bounds = array<i64: 2000, 16>}]} {
    %get3A = arith.constant 0 : index
    %get3A_0 = arith.constant 0 : index
    %get3A_1 = vector.load %arg2[%get3A, %get3A_0] : memref<2000x16xf32, #tpu.memory_space<vmem>>, vector<2000x1xf32>
    %max3A = arith.constant 1.000000e+00 : f32
    %max3A_2 = vector.broadcast %max3A : f32 to vector<2000x1xf32>
    %max3A_3 = arith.maximumf %get3A_1, %max3A_2 : vector<2000x1xf32>
    %get3A_4 = arith.constant 0 : index
    %get3A_5 = arith.constant 0 : index
    %get3A_6 = arith.constant 0 : index
    %get3A_7 = vector.load %arg1[%get3A_4, %get3A_5, %get3A_6] : memref<2x2000x128xf32, #tpu.memory_space<vmem>>, vector<1x2000x128xf32>
    %get3A_8 = vector.shape_cast %get3A_7 : vector<1x2000x128xf32> to vector<2000x128xf32>
    %get3A_9 = arith.constant 1 : index
    %get3A_10 = arith.constant 0 : index
    %get3A_11 = arith.constant 0 : index
    %get3A_12 = vector.load %arg1[%get3A_9, %get3A_10, %get3A_11] : memref<2x2000x128xf32, #tpu.memory_space<vmem>>, vector<1x2000x128xf32>
    %get3A_13 = vector.shape_cast %get3A_12 : vector<1x2000x128xf32> to vector<2000x128xf32>
    %add3A = arith.addf %get3A_8, %get3A_13 : vector<2000x128xf32>
    %div3A = vector.broadcast %max3A_3 : vector<2000x1xf32> to vector<2000x128xf32>
    %div3A_14 = arith.divf %add3A, %div3A : vector<2000x128xf32>
    %get3A_15 = arith.constant 0 : index
    %get3A_16 = arith.constant 0 : index
    %get3A_17 = vector.load %arg3[%get3A_15, %get3A_16] : memref<2000x128xf32, #tpu.memory_space<vmem>>, vector<2000x128xf32>
    %add3A_18 = arith.addf %div3A_14, %get3A_17 : vector<2000x128xf32>
    %swap3A = arith.constant 0 : index
    %swap3A_19 = arith.constant 0 : index
    %swap3A_20 = vector.load %arg7[%swap3A, %swap3A_19] : memref<2000x128xf32, #tpu.memory_space<vmem>>, vector<2000x128xf32>
    tpu.vector_store %arg7[%swap3A, %swap3A_19], %add3A_18 {strides = array<i32>} : memref<2000x128xf32, #tpu.memory_space<vmem>>, vector<2000x128xf32>,
    %get3A_21 = arith.constant 0 : index
    %get3A_22 = arith.constant 0 : index
    %get3A_23 = vector.load %arg4[%get3A_21, %get3A_22] : memref<128x16xf32, #tpu.memory_space<vmem>>, vector<128x16xf32>
    %dot_general3A = arith.constant dense<0.000000e+00> : vector<2000x16xf32>
    %dot_general3A_24 = tpu.matmul %add3A_18, %get3A_23, %dot_general3A {dimension_numbers = #tpu.dot_dimension_numbers<[1], [0], [0], [1], [0, 0, 1, 1], [], []>, transpose_lhs_hint = false} : vector<2000x128xf32>, vector<128x16xf32>, vector<2000x16xf32> -> vector<2000x16xf32>
    %swap3A_25 = arith.constant 0 : index
    %swap3A_26 = arith.constant 0 : index
    %swap3A_27 = vector.load %arg8[%swap3A_25, %swap3A_26] : memref<2000x16xf32, #tpu.memory_space<vmem>>, vector<2000x16xf32>
    tpu.vector_store %arg8[%swap3A_25, %swap3A_26], %dot_general3A_24 {strides = array<i32>} : memref<2000x16xf32, #tpu.memory_space<vmem>>, vector<2000x16xf32>,
    %get3A_28 = arith.constant 0 : index
    %get3A_29 = arith.constant 0 : index
    %get3A_30 = vector.load %arg5[%get3A_28, %get3A_29] : memref<128x16xf32, #tpu.memory_space<vmem>>, vector<128x16xf32>
    %dot_general3A_31 = arith.constant dense<0.000000e+00> : vector<2000x16xf32>
    %dot_general3A_32 = tpu.matmul %add3A_18, %get3A_30, %dot_general3A_31 {dimension_numbers = #tpu.dot_dimension_numbers<[1], [0], [0], [1], [0, 0, 1, 1], [], []>, transpose_lhs_hint = false} : vector<2000x128xf32>, vector<128x16xf32>, vector<2000x16xf32> -> vector<2000x16xf32>
    %get3A_33 = arith.constant 0 : index
    %get3A_34 = arith.constant 0 : index
    %get3A_35 = vector.load %arg6[%get3A_33, %get3A_34] : memref<1x16xf32, #tpu.memory_space<vmem>>, vector<1x16xf32>
    %add3A_36 = vector.broadcast %get3A_35 : vector<1x16xf32> to vector<2000x16xf32>
    %add3A_37 = arith.addf %dot_general3A_32, %add3A_36 : vector<2000x16xf32>
    %swap3A_38 = arith.constant 0 : index
    %swap3A_39 = arith.constant 0 : index
    %swap3A_40 = vector.load %arg9[%swap3A_38, %swap3A_39] : memref<2000x16xf32, #tpu.memory_space<vmem>>, vector<2000x16xf32>
    tpu.vector_store %arg9[%swap3A_38, %swap3A_39], %add3A_37 {strides = array<i32>} : memref<2000x16xf32, #tpu.memory_space<vmem>>, vector<2000x16xf32>,
    return
  }
  func.func @transform_0(%arg0: i32) -> (i32, i32, i32) {
    %c0_i32 = arith.constant 0 : i32
    %c0_i32_0 = arith.constant 0 : i32
    %c0_i32_1 = arith.constant 0 : i32
    return %c0_i32, %arg0, %c0_i32_0 : i32, i32, i32
  }
  func.func @transform_1(%arg0: i32) -> (i32, i32) {
    %c0_i32 = arith.constant 0 : i32
    %c0_i32_0 = arith.constant 0 : i32
    return %arg0, %c0_i32 : i32, i32
  }
  func.func @transform_2(%arg0: i32) -> (i32, i32) {
    %c0_i32 = arith.constant 0 : i32
    %c0_i32_0 = arith.constant 0 : i32
    return %arg0, %c0_i32 : i32, i32
  }
  func.func @transform_3(%arg0: i32) -> (i32, i32) {
    %c0_i32 = arith.constant 0 : i32
    %c0_i32_0 = arith.constant 0 : i32
    %c0_i32_1 = arith.constant 0 : i32
    return %c0_i32, %c0_i32_0 : i32, i32
  }
  func.func @transform_4(%arg0: i32) -> (i32, i32) {
    %c0_i32 = arith.constant 0 : i32
    %c0_i32_0 = arith.constant 0 : i32
    %c0_i32_1 = arith.constant 0 : i32
    return %c0_i32, %c0_i32_0 : i32, i32
  }
  func.func @transform_5(%arg0: i32) -> (i32, i32) {
    %c0_i32 = arith.constant 0 : i32
    %c0_i32_0 = arith.constant 0 : i32
    %c0_i32_1 = arith.constant 0 : i32
    return %c0_i32, %c0_i32_0 : i32, i32
  }
  func.func @transform_6(%arg0: i32) -> (i32, i32) {
    %c0_i32 = arith.constant 0 : i32
    %c0_i32_0 = arith.constant 0 : i32
    return %arg0, %c0_i32 : i32, i32
  }
  func.func @transform_7(%arg0: i32) -> (i32, i32) {
    %c0_i32 = arith.constant 0 : i32
    %c0_i32_0 = arith.constant 0 : i32
    return %arg0, %c0_i32 : i32, i32
  }
  func.func @transform_8(%arg0: i32) -> (i32, i32) {
    %c0_i32 = arith.constant 0 : i32
    %c0_i32_0 = arith.constant 0 : i32
    return %arg0, %c0_i32 : i32, i32
  }
}

module attributes {stable_mosaic.version = 14 : i64} {
  func.func @_final_body(%arg0: i32, %arg1: memref<2x2000x16xf32, #tpu.memory_space<vmem>>, %arg2: memref<2000x16xf32, #tpu.memory_space<vmem>>, %arg3: memref<2000x16xf32, #tpu.memory_space<vmem>>, %arg4: memref<2000x16xf32, #tpu.memory_space<vmem>>) attributes {dimension_semantics = [#tpu.dimension_semantics<arbitrary>], iteration_bounds = array<i64: 5>, scalar_prefetch = 0 : i64, scratch_operands = 0 : i64, tpu.core_type = #tpu.core_type<tc>, window_params = [{transform_indices = @transform_0, window_bounds = array<i64: 2, 2000, 16>}, {transform_indices = @transform_1, window_bounds = array<i64: 2000, 16>}, {transform_indices = @transform_2, window_bounds = array<i64: 2000, 16>}, {transform_indices = @transform_3, window_bounds = array<i64: 2000, 16>}]} {
    %get3A = arith.constant 0 : index
    %get3A_0 = arith.constant 0 : index
    %get3A_1 = vector.load %arg2[%get3A, %get3A_0] : memref<2000x16xf32, #tpu.memory_space<vmem>>, vector<2000x1xf32>
    %max3A = arith.constant 1.000000e+00 : f32
    %max3A_2 = vector.broadcast %max3A : f32 to vector<2000x1xf32>
    %max3A_3 = arith.maximumf %get3A_1, %max3A_2 : vector<2000x1xf32>
    %get3A_4 = arith.constant 0 : index
    %get3A_5 = arith.constant 0 : index
    %get3A_6 = arith.constant 0 : index
    %get3A_7 = vector.load %arg1[%get3A_4, %get3A_5, %get3A_6] : memref<2x2000x16xf32, #tpu.memory_space<vmem>>, vector<1x2000x16xf32>
    %get3A_8 = vector.shape_cast %get3A_7 : vector<1x2000x16xf32> to vector<2000x16xf32>
    %get3A_9 = arith.constant 1 : index
    %get3A_10 = arith.constant 0 : index
    %get3A_11 = arith.constant 0 : index
    %get3A_12 = vector.load %arg1[%get3A_9, %get3A_10, %get3A_11] : memref<2x2000x16xf32, #tpu.memory_space<vmem>>, vector<1x2000x16xf32>
    %get3A_13 = vector.shape_cast %get3A_12 : vector<1x2000x16xf32> to vector<2000x16xf32>
    %add3A = arith.addf %get3A_8, %get3A_13 : vector<2000x16xf32>
    %div3A = vector.broadcast %max3A_3 : vector<2000x1xf32> to vector<2000x16xf32>
    %div3A_14 = arith.divf %add3A, %div3A : vector<2000x16xf32>
    %get3A_15 = arith.constant 0 : index
    %get3A_16 = arith.constant 0 : index
    %get3A_17 = vector.load %arg3[%get3A_15, %get3A_16] : memref<2000x16xf32, #tpu.memory_space<vmem>>, vector<2000x16xf32>
    %add3A_18 = arith.addf %div3A_14, %get3A_17 : vector<2000x16xf32>
    %swap3A = arith.constant 0 : index
    %swap3A_19 = arith.constant 0 : index
    %swap3A_20 = vector.load %arg4[%swap3A, %swap3A_19] : memref<2000x16xf32, #tpu.memory_space<vmem>>, vector<2000x16xf32>
    tpu.vector_store %arg4[%swap3A, %swap3A_19], %add3A_18 {strides = array<i32>} : memref<2000x16xf32, #tpu.memory_space<vmem>>, vector<2000x16xf32>,
    return
  }
  func.func @transform_0(%arg0: i32) -> (i32, i32, i32) {
    %c0_i32 = arith.constant 0 : i32
    %c0_i32_0 = arith.constant 0 : i32
    %c0_i32_1 = arith.constant 0 : i32
    return %c0_i32, %arg0, %c0_i32_0 : i32, i32, i32
  }
  func.func @transform_1(%arg0: i32) -> (i32, i32) {
    %c0_i32 = arith.constant 0 : i32
    %c0_i32_0 = arith.constant 0 : i32
    return %arg0, %c0_i32 : i32, i32
  }
  func.func @transform_2(%arg0: i32) -> (i32, i32) {
    %c0_i32 = arith.constant 0 : i32
    %c0_i32_0 = arith.constant 0 : i32
    return %arg0, %c0_i32 : i32, i32
  }
  func.func @transform_3(%arg0: i32) -> (i32, i32) {
    %c0_i32 = arith.constant 0 : i32
    %c0_i32_0 = arith.constant 0 : i32
    return %arg0, %c0_i32 : i32, i32
  }
}

</mosaic_0001>

<sc_bundles>
// kernel: kernel.11.cloned.1.call-start
scs
__scs_entry_jumppad:
0x0: {  	(pc) =	sbr.rel $0x88, $3  }
0x1: {  	(tag) =	ssettag $0x0;
	lr =	simm.s32 $0x1  }
0x2: {  	[smem:$0x3F96] =	sst lr;
	_ =	strace $0xD0000000  }
0x3: {  	_ = 	snop  }
0x4: {  	_ = 	snop  }
0x5: {  	_ = 	snop  }
0x6: {  	_ = 	snop  }
0x7: {  	_ = 	snop  }
__scs_overlays_trampoline_lowered:
0x8: {  	[smem:$0x3FA5] =	sst s0  }
0x9: {  	[smem:$0x3FA6] =	sst s1  }
0xa: {  	[smem:$0x3FA7] =	sst s2  }
0xb: {  	[smem:$0x3FA8] =	sst s3  }
0xc: {  	[smem:$0x3FA9] =	sst s4  }
0xd: {  	[smem:$0x3FAA] =	sst s5  }
0xe: {  	[smem:$0x3FAB] =	sst s6  }
0xf: {  	[smem:$0x3FAC] =	sst s7  }
0x10: {  	[smem:$0x3FAD] =	sst s8  }
0x11: {  	[smem:$0x3FAE] =	sst s9;
	s0 =	simm.s32 @!p0 $0x0  }
0x12: {  	s1 =	sld [smem:$0x3F94];
	s0 =	simm.s32 @p0 $0x1  }
0x13: {  	[smem:$0x3FAF] =	sst s0;
	s0 =	simm.s32 @!p1 $0x0  }
0x14: {  	s2 =	sld [smem:$0x3F93];
	s0 =	simm.s32 @p1 $0x1  }
0x15: {  	[smem:$0x3FB0] =	sst s0;
	s0 =	simm.s32 @!p2 $0x0  }
0x16: {  	s3 =	sld [smem:$0x3FDB];
	s0 =	simm.s32 @p2 $0x1  }
0x17: {  	s4 =	simm.s32 $0x1BF5;
	[smem:$0x3FB2] =	sst s0  }
0x18: {  	s0 =	sld [smem:$0x3F95];
	_ =	swait.ge [sflag:s4], $0x0  }
0x19: {  	s7 =	sld [smem:$0x3F96]  }
0x1a: {  	s8 =	sadd.s32 $0xFFFFE003, lr  }
0x1b: {  	s9 =	sadd.s32 $0xFFFFFEF7, lr;
	s5 =	simm.s32 $0xFFFFFFFF;
	p2 =	slt.u32 s8, $0xFFFFF086  }
0x1c: {  	p1 =	slt.u32 s9, $0xF7A;
	s5 =	simm.s32 @!p2 $0x0  }
0x1d: {  	s5 =	simm.s32 @p1 $0x1;
	p0 =	seq.s32 s7, s2  }
0x1e: {  	s7 =	smul.u32 @!p0 $0xF7A, s2;
	p2 =	seq.s32 @!p0 s5, $0x0  }
0x1f: {  	s9 =	smul.u32 $0xF7A, s1;
	s8 =	simm.s32 @!p0 $0x1BF5;
	p2 =	por !p2, p0  }
0x20: {  	[sflag:s8] =	ssyncset.s32 @!p0 $0xFFFFF086;
	s6 =	sadd.s32 @!p0 s3, s7;
	s7 =	simm.s32 @!p0 $0x108  }
0x21: {  	s3 =	sadd.s32 s3, s9;
	s6 =	sadd.s32 @!p0 $0x88, s6;
	s7 =	simm.s32 @p2 $0x1082  }
0x22: {  	[simem:s7], [sflag:s8] =	dma.local @!p0 [hbm:s6], $0xF7A  }
0x23: {  	s9 =	sor.u32 $0xD0000000, s2;
	s6 =	simm.s32 $0x108;
	_ =	swait.ge @!p0 [sflag:s8], $0x0  }
0x24: {  	s3 =	sadd.s32 $0x88, s3;
	s6 =	simm.s32 @!p1 $0x1082;
	[sflag:s4] =	ssyncset.s32 $0xFFFFF086  }
0x25: {  	[simem:s6], [sflag:s4] =	dma.local [hbm:s3], $0xF7A  }
0x26: {  	[smem:$0x3F96] =	sst s1;
	(tag) =	ssettag s2;
	_ =	strace s9  }
0x27: {  	s1 =	sld [smem:$0x3FA6]  }
0x28: {  	s2 =	sld [smem:$0x3FA7]  }
0x29: {  	s4 =	sld [smem:$0x3FA9]  }
0x2a: {  	p0 =	seq.s32 s5, $0x0;
	s5 =	sld [smem:$0x3FAA]  }
0x2b: {  	s6 =	sld [smem:$0x3FAB]  }
0x2c: {  	s7 =	sld [smem:$0x3FAC]  }
0x2d: {  	s3 =	simm.s32 $0x108;
	s8 =	sld [smem:$0x3FAD]  }
0x2e: {  	s3 =	simm.s32 @!p0 $0x1082;
	s9 =	sld [smem:$0x3FAE]  }
0x2f: {  	lr =	sadd.s32 s0, s3;
	s0 =	sld [smem:$0x3FA5]  }
0x30: {  	s3 =	sld [smem:$0x3FA8]  }
0x31: {  	[smem:$0x3FB1] =	sst s10  }
0x32: {  	s10 =	sld [smem:$0x3FAF];
	_ =	sdelay $0x3  }
0x33: {  	p0 =	seq.s32 s10, $0x1;
	s10 =	sld [smem:$0x3FB1];
	_ =	sdelay $0x3  }
0x34: {  	[smem:$0x3FB1] =	sst s10  }
0x35: {  	s10 =	sld [smem:$0x3FB0];
	_ =	sdelay $0x3  }
0x36: {  	p1 =	seq.s32 s10, $0x1;
	s10 =	sld [smem:$0x3FB1];
	_ =	sdelay $0x3  }
0x37: {  	[smem:$0x3FB1] =	sst s10  }
0x38: {  	s10 =	sld [smem:$0x3FB2]  }
0x39: {  	_ = 	snop;
	(pc) =	sbr.ind lr, $3  }
0x3a: {  	_ = 	snop  }
0x3b: {  	_ = 	snop  }
0x3c: {  	p2 =	seq.s32 s10, $0x1;
	s10 =	sld [smem:$0x3FB1]  }
0x3d: {  	_ =	shalt  }
0x3e: {  	_ =	shalt  }
0x3f: {  	_ =	shalt  }
0x40: {  	_ =	shalt  }
0x41: {  	_ =	shalt  }
0x42: {  	_ =	shalt  }
0x43: {  	_ =	shalt  }
0x44: {  	_ =	shalt  }
0x45: {  	_ =	shalt  }
0x46: {  	_ =	shalt  }
0x47: {  	_ =	shalt  }
0x48: {  	_ =	shalt  }
0x49: {  	_ =	shalt  }
0x4a: {  	_ =	shalt  }
0x4b: {  	_ =	shalt  }
0x4c: {  	_ =	shalt  }
0x4d: {  	_ =	shalt  }
0x4e: {  	_ =	shalt  }
0x4f: {  	_ =	shalt  }
0x50: {  	_ =	shalt  }
0x51: {  	_ =	shalt  }
0x52: {  	_ =	shalt  }
0x53: {  	_ =	shalt  }
0x54: {  	_ =	shalt  }
0x55: {  	_ =	shalt  }
0x56: {  	_ =	shalt  }
0x57: {  	_ =	shalt  }
0x58: {  	_ =	shalt  }
0x59: {  	_ =	shalt  }
0x5a: {  	_ =	shalt  }
0x5b: {  	_ =	shalt  }
0x5c: {  	_ =	shalt  }
0x5d: {  	_ =	shalt  }
0x5e: {  	_ =	shalt  }
0x5f: {  	_ =	shalt  }
0x60: {  	_ =	shalt  }
0x61: {  	_ =	shalt  }
0x62: {  	_ =	shalt  }
0x63: {  	_ =	shalt  }
0x64: {  	_ =	shalt  }
0x65: {  	_ =	shalt  }
0x66: {  	_ =	shalt  }
0x67: {  	_ =	shalt  }
0x68: {  	_ =	shalt  }
0x69: {  	_ =	shalt  }
0x6a: {  	_ =	shalt  }
0x6b: {  	_ =	shalt  }
0x6c: {  	_ =	shalt  }
0x6d: {  	_ =	shalt  }
0x6e: {  	_ =	shalt  }
0x6f: {  	_ =	shalt  }
0x70: {  	_ =	shalt  }
0x71: {  	_ =	shalt  }
0x72: {  	_ =	shalt  }
0x73: {  	_ =	shalt  }
0x74: {  	_ =	shalt  }
0x75: {  	_ =	shalt  }
0x76: {  	_ =	shalt  }
0x77: {  	_ =	shalt  }
0x78: {  	_ =	shalt  }
0x79: {  	_ =	shalt  }
0x7a: {  	_ =	shalt  }
0x7b: {  	_ =	shalt  }
0x7c: {  	_ =	shalt  }
0x7d: {  	_ =	shalt  }
0x7e: {  	_ =	shalt  }
0x7f: {  	_ =	shalt  }
0x80: {  	_ =	shalt  }
0x81: {  	_ =	shalt  }
0x82: {  	_ =	shalt  }
0x83: {  	_ =	shalt  }
0x84: {  	_ =	shalt  }
0x85: {  	_ =	shalt  }
0x86: {  	_ =	shalt  }
0x87: {  	_ =	shalt  }
.Lfunc_end0:
.L_simem_size_0:
called_computation_lowered:
.L_overlay_start_0:
0x88: {  	s2 =	sld [smem:$0x3FD9]  }
0x89: {  	s3 =	sld [smem:$0x3FFE];
	_ =	sdelay $0x1  }
0x8a: {  	s1 =	srdreg.scid  }
0x8b: {  	s0 =	sand.u32 $0x1, s1  }
0x8c: {  	s14 =	sshll.u32 s0, $0xA;
	s2 =	sadd.s32 s3, s2  }
0x8d: {  	s2 =	sadd.s32 s2, s14  }
0x8e: {  	[smem:$0x3FBD] =	sst s2  }
0x8f: {  	_ = 	snop  }
0x90: {  	s2 =	sld [smem:$0x3FD0];
	_ =	sdelay $0x2  }
0x91: {  	s15 =	simm.s32 $0xB;
	s4 =	simm.s32 $0x10  }
0x92: {  	[smem:s4], [sflag:s15] =	dma.local [hbm:s2], $0x1  }
0x93: {  	_ =	swait.eq [sflag:s15], $0x1  }
0x94: {  	[sflag:s15] =	ssyncset.done $0x0  }
0x95: {  	s16 =	sld [smem:$0x10];
	[sflag:s15] =	ssyncadd.s32 $0xFFFFFFFF  }
0x96: {  	s17 =	sld [smem:$0x11];
	(tm) =	ssettm $0x1  }
0x97: {  	s18 =	sld [smem:$0x3FFB];
	_ =	sdelay $0x3  }
0x98: {  	_ =	strace s18  }
0x99: {  	s4 =	sld [smem:$0x3FFC];
	_ =	sdelay $0x3  }
0x9a: {  	_ =	strace s4  }
0x9b: {  	s4 =	sld [smem:$0x3FFD];
	_ =	sdelay $0x3  }
0x9c: {  	_ =	strace s4  }
0x9d: {  	_ =	strace $0x8FFFFFFF  }
0x9e: {  	s19 =	sld [smem:$0x3FDB];
	_ =	sdelay $0x1  }
0x9f: {  	s5 =	simm.s32 $_scs_section_size  }
0xa0: {  	s6 =	simm.s32 $_size__tile_overlayer_lowered;
	s7 =	simm.s32 $_tile_overlayer_lowered  }
0xa1: {  	s22 =	simm.s32 $0x1BFF;
	s21 =	sshll.u32 s7, $0x1;
	s4 =	sadd.s32 s5, s19  }
0xa2: {  	s8 =	simm.s32 $0x0;
	s20 =	sshll.u32 s6, $0x1;
	s6 =	sadd.s32 s21, s4  }
0xa3: {  	[timem:s8], [sflag:s22] =	dma.local [hbm:s6], s20  }
0xa4: {  	_ =	swait.ge [sflag:s22], s20  }
0xa5: {  	s5 =	ssub.s32 $0x0, s20;
	[sflag:s22] =	ssyncset.done $0x0  }
0xa6: {  	[sflag:s22] =	ssyncadd.s32 s5;
	_ =	sdelay $0x1  }
0xa7: {  	s23 =	simm.s32 $0x1B8B  }
0xa8: {  	_ =	swait.ge [sflag:s23], $0x1  }
0xa9: {  	[sflag:s23] =	ssyncset.done $0x0  }
0xaa: {  	s25 =	simm.s32 $0x1B8E;
	s24 =	sld [smem:$0x3FFE];
	[sflag:s23] =	ssyncadd.s32 $0xFFFFFFFF  }
0xab: {  	s26 =	simm.s32 $execute0_lowered;
	[smem:$0x3FD2] =	sst s25  }
0xac: {  	s6 =	sshll.u32 s26, $0x1;
	_ =	strace $0x80000046;
	[dreg:$0x1] =	wrdreg $0xFFFFFFFF  }
0xad: {  	s28 =	simm.s32 $_size_execute0_lowered;
	s4 =	sadd.s32 s4, s6;
	[dreg:$0x0] =	wrdreg $0x0  }
0xae: {  	s6 =	sshll.u32 s28, $0x1;
	[dreg:$0x2] =	wrdreg s4  }
0xaf: {  	[dreg:$0x3] =	wrdreg s6  }
0xb0: {  	[dreg:$0x4] =	wrdreg $0xC0  }
0xb1: {  	_ =	task [dreg:s8], $0x5FFFF  }
0xb2: {  	[dreg:$0x1] =	wrdreg $0xFFFFFFFF  }
0xb3: {  	[dreg:$0x0] =	wrdreg $0x60  }
0xb4: {  	[dreg:$0x2] =	wrdreg s24  }
0xb5: {  	[dreg:$0x3] =	wrdreg s16  }
0xb6: {  	[dreg:$0x4] =	wrdreg s17  }
0xb7: {  	[dreg:$0x5] =	wrdreg $0x7800  }
0xb8: {  	[dreg:$0x6] =	wrdreg $0x9  }
0xb9: {  	_ =	task.clear_ibuf [dreg:s8], $0x7FFFF;
	_ =	strace $0x90000046  }
0xba: {  	s29 =	simm.s32 $0x9;
	_ =	strace $0x80000048  }
0xbb: {  	_ =	swait.ge [sflag:s29], $0x1  }
0xbc: {  	[sflag:s29] =	ssyncadd.s32 $0xFFFFFFFF  }
0xbd: {  	_ =	strace $0x90000048  }
0xbe: {  	_ =	sfence  }
0xbf: {  	s30 =	sld [smem:$0x0];
	_ =	sdelay $0x2  }
0xc0: {  	s31 =	sshll.u32 s1, $0xD;
	s1 =	sshrl.u32 s1, $0x2  }
0xc1: {  	s3 =	sand.u32 $0x4000, s31;
	s1 =	sadd.s32 s1, s30  }
0xc2: {  	s0 =	sor.u32 s3, s0;
	s1 =	sshll.u32 s1, $0x11  }
0xc3: {  	s0 =	sor.u32 s1, s0  }
0xc4: {  	s0 =	sadd.s32 $0x8F2B, s0  }
0xc5: {  	[sflag:s0] =	ssyncadd.remote.s32 $0x1  }
0xc6: {  	_ =	sfence.sel $0xFFFF  }
0xc7: {  	[dreg:$0x0] =	wrdreg $0xFFFFFFFF;
	(pc) =	sbr.abs _section_cstart, $3  }
0xc8: {  	[dreg:$0x1] =	wrdreg $0xFFFFFFFF  }
0xc9: {  	_ =	task.clear_ibuf [dreg:s8], $0x2FFFF;
	_ =	strace $0x9FFFFFFF  }
0xca: {  	(tm) =	ssettm $0x7FFFFFFF  }
0xcb: {  	_ =	shalt  }
tec
execute0_lowered:
.L_overlay_start_1:
0x0: {  	(tag) =	ssettag $0x1  }
0x1: {  	s0 =	rddreg [dreg:$0x0]  }
0x2: {  	s4 =	rddreg [dreg:$0x3];
	s1 =	srdreg.scid  }
0x3: {  	s10 =	stileid.u32;
	s5 =	simm.s32 $0x0;
	s28 =	simm.s32 $0x9  }
0x4: {  	s29 =	simm.s32 $0x500;
	s30 =	simm.s32 $0x550;
	s31 =	simm.s32 $0x5A0  }
0x5: {  	s1 =	sand.u32 $0x1, s1;
	s2 =	smul.u32 $0x2800, s10;
	[smem:$0x7FF] =	sst s5  }
0x6: {  	s6 =	sshll.u32 s10, $0x1;
	s19 =	smul.u32 $0x4E20, s10;
	s20 =	sshll.u32 s10, $0x6  }
0x7: {  	s3 =	smul.u32 $0x28000, s1;
	_ =	strace $0x80000047;
	s7 =	ssub.s32 $0x2, s1  }
0x8: {  	s6 =	sor.u32 s1, s6;
	s1 =	smul.u32 $0x2710, s1;
	s17 =	sor.u32 $0x1C09, s20  }
0x9: {  	s8 =	sshrl.u32 s7, $0x1;
	s9 =	smul.u32 $0x2710, s6;
	s6 =	sadd.s32 $0x3E00, s0  }
0xa: {  	[dreg:$0x7] =	wrdreg s17;
	s3 =	sadd.s32 s2, s3;
	s16 =	ssub.s32 s7, s8  }
0xb: {  	s2 =	sadd.s32 s2, s4;
	s1 =	sadd.s32 s1, s19;
	s3 =	sshrl.u32 s3, $0x3  }
0xc: {  	[dreg:$0x5] =	wrdreg s2;
	s18 =	sshrl.u32 s9, $0x3;
	s26 =	sadd.s32 $0x4B0, s1  }
0xd: {  	s7 =	smax.u32 s16, $0x1;
	s10 =	sadd.s32 $0x460, s1;
	s11 =	sadd.s32 $0x410, s1  }
0xe: {  	s12 =	sadd.s32 $0x3C0, s1;
	s14 =	sadd.s32 $0x370, s1;
	s15 =	sadd.s32 $0x320, s1  }
0xf: {  	s16 =	sadd.s32 $0x2D0, s1;
	s9 =	sadd.s32 s6, s18;
	[dreg:$0xf] =	wrdreg s7  }
0x10: {  	s0 =	sadd.s32 s3, s0;
	s2 =	sadd.s32 $0xA, s9;
	[dreg:$0x6] =	wrdreg s9  }
0x11: {  	s8 =	sshrl.u32 s26, $0x3;
	s21 =	sadd.s32 $0x14, s9;
	[dreg:$0x8] =	wrdreg s2  }
0x12: {  	s13 =	sshrl.u32 s12, $0x3;
	s22 =	sadd.s32 $0x1E, s9;
	[dreg:$0x9] =	wrdreg s21  }
0x13: {  	s3 =	simm.s32 $0x730;
	s23 =	sadd.s32 $0x28, s9;
	[dreg:$0xa] =	wrdreg s22  }
0x14: {  	s7 =	simm.s32 $0x1;
	s24 =	sadd.s32 $0x32, s9;
	[dreg:$0xb] =	wrdreg s23  }
0x15: {  	s12 =	simm.s32 $0x3;
	s25 =	sadd.s32 $0x3C, s9;
	[dreg:$0xc] =	wrdreg s24  }
0x16: {  	s0 =	sadd.s32 $0x17A00, s0;
	s18 =	sadd.s32 s8, s6;
	[dreg:$0xd] =	wrdreg s25  }
0x17: {  	s26 =	sadd.s32 $0x46, s9;
	s9 =	simm.s32 $0x0;
	[dreg:$0xe] =	wrdreg s0  }
0x18: {  	s0 =	sshrl.u32 s10, $0x3;
	s2 =	sshrl.u32 s11, $0x3;
	s21 =	sadd.s32 s13, s6  }
0x19: {  	s24 =	sshrl.u32 s16, $0x3;
	s25 =	sadd.s32 $0x280, s1;
	[dreg:$0x11] =	wrdreg s26  }
0x1a: {  	s1 =	simm.s32 $0x690;
	s10 =	simm.s32 $0x50;
	s11 =	simm.s32 $0x2  }
.Ltmp0:
0x1b: {  	s13 =	simm.s32 $0x4;
	s16 =	simm.s32 $0x8;
	(pc) =	sbr.rel .LBB2_1-.Ltmp0, $4  }
0x1c: {  	s19 =	sadd.s32 s0, s6;
	s20 =	sadd.s32 s2, s6;
	s0 =	sshrl.u32 s14, $0x3  }
0x1d: {  	s2 =	sshrl.u32 s15, $0x3;
	s24 =	sadd.s32 s24, s6;
	[dreg:$0x10] =	wrdreg s25  }
0x1e: {  	s14 =	simm.s32 $0x5;
	s15 =	simm.s32 $0x6;
	s22 =	sadd.s32 s0, s6  }
0x1f: {  	s23 =	sadd.s32 s2, s6;
	s0 =	simm.s32 $0x5F0;
	s2 =	simm.s32 $0x640  }
.LBB2_4:
0x20: {  	_ =	swait.ge [sflag:s7], $0x50  }
0x21: {  	[sflag:s7] =	ssyncset.done $0x0  }
0x22: {  	[sflag:s7] =	ssyncadd.s32 $0xFFFFFFB0  }
0x23: {  	[spmem:s4] =	stream.indirect.scatter.add.f32 [tilespmem:s5], [sflag:$0x9], $0x10, s29, s10, $0xb8;
	[tilespmem:$0x2F80] =	vst v63  }
0x24: {  	_ =	swait.ge [sflag:s28], $0x500  }
0x25: {  	[sflag:s28] =	ssyncset.done $0x0  }
0x26: {  	[sflag:s28] =	ssyncadd.s32 $0xFFFFFB00  }
0x27: {  	_ =	swait.ge [sflag:s11], $0x50  }
0x28: {  	[sflag:s11] =	ssyncset.done $0x0  }
0x29: {  	[sflag:s11] =	ssyncadd.s32 $0xFFFFFFB0  }
0x2a: {  	[spmem:s4] =	stream.indirect.scatter.add.f32 [tilespmem:s5], [sflag:$0x9], $0x10, s30, s10, $0xb8;
	[tilespmem:$0x2F80] =	vst v63  }
0x2b: {  	_ =	swait.ge [sflag:s28], $0x500  }
0x2c: {  	[sflag:s28] =	ssyncset.done $0x0  }
0x2d: {  	[sflag:s28] =	ssyncadd.s32 $0xFFFFFB00  }
0x2e: {  	_ =	swait.ge [sflag:s12], $0x50  }
0x2f: {  	[sflag:s12] =	ssyncset.done $0x0  }
0x30: {  	[sflag:s12] =	ssyncadd.s32 $0xFFFFFFB0  }
0x31: {  	[spmem:s4] =	stream.indirect.scatter.add.f32 [tilespmem:s5], [sflag:$0x9], $0x10, s31, s10, $0xb8;
	[tilespmem:$0x2F80] =	vst v63  }
0x32: {  	_ =	swait.ge [sflag:s28], $0x500  }
0x33: {  	[sflag:s28] =	ssyncset.done $0x0  }
0x34: {  	[sflag:s28] =	ssyncadd.s32 $0xFFFFFB00  }
0x35: {  	_ =	swait.ge [sflag:s13], $0x50  }
0x36: {  	[sflag:s13] =	ssyncset.done $0x0  }
0x37: {  	[sflag:s13] =	ssyncadd.s32 $0xFFFFFFB0  }
0x38: {  	[spmem:s4] =	stream.indirect.scatter.add.f32 [tilespmem:s5], [sflag:$0x9], $0x10, s0, s10, $0xb8;
	[tilespmem:$0x2F80] =	vst v63  }
0x39: {  	_ =	swait.ge [sflag:s28], $0x500  }
0x3a: {  	[sflag:s28] =	ssyncset.done $0x0  }
0x3b: {  	[sflag:s28] =	ssyncadd.s32 $0xFFFFFB00  }
0x3c: {  	_ =	swait.ge [sflag:s14], $0x50  }
0x3d: {  	[sflag:s14] =	ssyncset.done $0x0  }
0x3e: {  	[sflag:s14] =	ssyncadd.s32 $0xFFFFFFB0  }
0x3f: {  	[spmem:s4] =	stream.indirect.scatter.add.f32 [tilespmem:s5], [sflag:$0x9], $0x10, s2, s10, $0xb8;
	[tilespmem:$0x2F80] =	vst v63  }
0x40: {  	_ =	swait.ge [sflag:s28], $0x500  }
0x41: {  	[sflag:s28] =	ssyncset.done $0x0  }
0x42: {  	[sflag:s28] =	ssyncadd.s32 $0xFFFFFB00  }
0x43: {  	[bflag:$0x0] =	sbarrier.arrive $0xFFFF  }
0x44: {  	s17 =	rddreg [dreg:$0x7]  }
0x45: {  	s8 =	rddreg [dreg:$0xe]  }
0x46: {  	s9 =	rddreg [dreg:$0x13]  }
0x47: {  	[hbm:s8], [sflag:s17] =	dma.local [spmem:s9], $0x500  }
0x48: {  	_ =	swait.ge [sflag:s28], $0x500  }
0x49: {  	s25 =	rddreg [dreg:$0x12]  }
0x4a: {  	s26 =	rddreg [dreg:$0xf];
	s9 =	sadd.s32 $0x1, s25  }
0x4b: {  	p0 =	sne.s32 s9, s26  }
.Ltmp1:
0x4c: {  	_ = 	snop;
	(pc) =	sbr.rel @!p0 .LBB2_5-.Ltmp1, $3  }
0x4d: {  	_ =	sdelay $0x1  }
0x4e: {  	[sflag:s28] =	ssyncset.done $0x0  }
0x4f: {  	[sflag:s28] =	ssyncadd.s32 $0xFFFFFB00  }
.LBB2_1:
0x50: {  	[dreg:$0x12] =	wrdreg s9  }
0x51: {  	s8 =	rddreg [dreg:$0x5]  }
0x52: {  	s26 =	rddreg [dreg:$0x2];
	s25 =	sshrl.u32 s8, $0x3  }
0x53: {  	[dreg:$0x13] =	wrdreg s25  }
0x54: {  	[spmem:s25], [sflag:s17] =	dma.local [hbm:s26], $0x500  }
0x55: {  	_ =	swait.ge [sflag:s28], $0x500  }
0x56: {  	[sflag:s28] =	ssyncset.done $0x0  }
0x57: {  	[sflag:s28] =	ssyncadd.s32 $0xFFFFFB00  }
0x58: {  	s25 =	rddreg [dreg:$0x1]  }
0x59: {  	[tilespmem:s5], [sflag:$0x9] =	stream.linear.gather [hbm4b:s25+s5], $0x500, $0x38;
	[tilespmem:$0x2F80] =	vst v63  }
0x5a: {  	_ =	swait.ge [sflag:s28], $0x500  }
0x5b: {  	[sflag:s28] =	ssyncset.done $0x0  }
0x5c: {  	[sflag:s28] =	ssyncadd.s32 $0xFFFFFB00  }
0x5d: {  	[bflag:$0x0] =	sbarrier.arrive $0xFFFF  }
0x5e: {  	s26 =	rddreg [dreg:$0x6]  }
0x5f: {  	s9 =	rddreg [dreg:$0x8]  }
0x60: {  	[tilespmem:s29], [sflag:$0x1] =	stream.linear.gather [hbm4b:s26+s5], $0x50, $0x38;
	[tilespmem:$0x2F80] =	vst v63  }
0x61: {  	s17 =	rddreg [dreg:$0x9]  }
0x62: {  	[tilespmem:s30], [sflag:$0x2] =	stream.linear.gather [hbm4b:s9+s5], $0x50, $0x38;
	[tilespmem:$0x2F80] =	vst v63  }
0x63: {  	s25 =	rddreg [dreg:$0xa]  }
0x64: {  	[tilespmem:s31], [sflag:$0x3] =	stream.linear.gather [hbm4b:s17+s5], $0x50, $0x38;
	[tilespmem:$0x2F80] =	vst v63  }
0x65: {  	s26 =	rddreg [dreg:$0xb]  }
0x66: {  	[tilespmem:s0], [sflag:$0x4] =	stream.linear.gather [hbm4b:s25+s5], $0x50, $0x38;
	[tilespmem:$0x2F80] =	vst v63  }
0x67: {  	s9 =	rddreg [dreg:$0xc]  }
0x68: {  	[tilespmem:s2], [sflag:$0x5] =	stream.linear.gather [hbm4b:s26+s5], $0x50, $0x38;
	[tilespmem:$0x2F80] =	vst v63  }
0x69: {  	s17 =	rddreg [dreg:$0xd]  }
0x6a: {  	[tilespmem:s1], [sflag:$0x6] =	stream.linear.gather [hbm4b:s9+s5], $0x50, $0x38;
	[tilespmem:$0x2F80] =	vst v63  }
0x6b: {  	s25 =	simm.s32 $0x6E0;
	s26 =	rddreg [dreg:$0x11]  }
0x6c: {  	[tilespmem:s25], [sflag:$0x7] =	stream.linear.gather [hbm4b:s17+s5], $0x50, $0x38;
	[tilespmem:$0x2F80] =	vst v63  }
0x6d: {  	s8 =	simm.s32 $0x0;
	s25 =	rddreg [dreg:$0x10]  }
0x6e: {  	[tilespmem:s3], [sflag:$0x8] =	stream.linear.gather [hbm4b:s26+s5], $0x50, $0x38;
	[tilespmem:$0x2F80] =	vst v63  }
.LBB2_2:
0x6f: {  	_ =	swait.ge [sflag:s7], $0x50  }
0x70: {  	[sflag:s7] =	ssyncset.done $0x0  }
0x71: {  	[sflag:s7] =	ssyncadd.s32 $0xFFFFFFB0  }
0x72: {  	[spmem:s4] =	stream.indirect.scatter.add.f32 [tilespmem:s5], [sflag:$0x9], $0x10, s29, s10, $0xb8;
	[tilespmem:$0x2F80] =	vst v63  }
0x73: {  	_ =	swait.ge [sflag:s28], $0x500  }
0x74: {  	s9 =	sshrl.u32 s25, $0x3;
	[sflag:s28] =	ssyncset.done $0x0  }
0x75: {  	s9 =	sadd.s32 s6, s9;
	[sflag:s28] =	ssyncadd.s32 $0xFFFFFB00  }
0x76: {  	[tilespmem:s29], [sflag:$0x1] =	stream.linear.gather [hbm4b:s9+s5], $0x50, $0x38;
	[tilespmem:$0x2F80] =	vst v63  }
0x77: {  	_ =	swait.ge [sflag:s11], $0x50  }
0x78: {  	[sflag:s11] =	ssyncset.done $0x0  }
0x79: {  	[sflag:s11] =	ssyncadd.s32 $0xFFFFFFB0  }
0x7a: {  	[spmem:s4] =	stream.indirect.scatter.add.f32 [tilespmem:s5], [sflag:$0x9], $0x10, s30, s10, $0xb8;
	[tilespmem:$0x2F80] =	vst v63  }
0x7b: {  	_ =	swait.ge [sflag:s28], $0x500  }
0x7c: {  	[sflag:s28] =	ssyncset.done $0x0  }
0x7d: {  	s17 =	sadd.s32 s8, s24;
	[sflag:s28] =	ssyncadd.s32 $0xFFFFFB00  }
0x7e: {  	[tilespmem:s30], [sflag:$0x2] =	stream.linear.gather [hbm4b:s17+s5], $0x50, $0x38;
	[tilespmem:$0x2F80] =	vst v63  }
0x7f: {  	_ =	swait.ge [sflag:s12], $0x50  }
0x80: {  	[sflag:s12] =	ssyncset.done $0x0  }
0x81: {  	[sflag:s12] =	ssyncadd.s32 $0xFFFFFFB0  }
0x82: {  	[spmem:s4] =	stream.indirect.scatter.add.f32 [tilespmem:s5], [sflag:$0x9], $0x10, s31, s10, $0xb8;
	[tilespmem:$0x2F80] =	vst v63  }
0x83: {  	_ =	swait.ge [sflag:s28], $0x500  }
0x84: {  	[sflag:s28] =	ssyncset.done $0x0  }
0x85: {  	s26 =	sadd.s32 s8, s23;
	[sflag:s28] =	ssyncadd.s32 $0xFFFFFB00  }
0x86: {  	[tilespmem:s31], [sflag:$0x3] =	stream.linear.gather [hbm4b:s26+s5], $0x50, $0x38;
	[tilespmem:$0x2F80] =	vst v63  }
0x87: {  	_ =	swait.ge [sflag:s13], $0x50  }
0x88: {  	[sflag:s13] =	ssyncset.done $0x0  }
0x89: {  	[sflag:s13] =	ssyncadd.s32 $0xFFFFFFB0  }
0x8a: {  	[spmem:s4] =	stream.indirect.scatter.add.f32 [tilespmem:s5], [sflag:$0x9], $0x10, s0, s10, $0xb8;
	[tilespmem:$0x2F80] =	vst v63  }
0x8b: {  	_ =	swait.ge [sflag:s28], $0x500  }
0x8c: {  	[sflag:s28] =	ssyncset.done $0x0  }
0x8d: {  	s17 =	sadd.s32 s8, s22;
	[sflag:s28] =	ssyncadd.s32 $0xFFFFFB00  }
0x8e: {  	[tilespmem:s0], [sflag:$0x4] =	stream.linear.gather [hbm4b:s17+s5], $0x50, $0x38;
	[tilespmem:$0x2F80] =	vst v63  }
0x8f: {  	_ =	swait.ge [sflag:s14], $0x50  }
0x90: {  	[sflag:s14] =	ssyncset.done $0x0  }
0x91: {  	[sflag:s14] =	ssyncadd.s32 $0xFFFFFFB0  }
0x92: {  	[spmem:s4] =	stream.indirect.scatter.add.f32 [tilespmem:s5], [sflag:$0x9], $0x10, s2, s10, $0xb8;
	[tilespmem:$0x2F80] =	vst v63  }
0x93: {  	_ =	swait.ge [sflag:s28], $0x500  }
0x94: {  	[sflag:s28] =	ssyncset.done $0x0  }
0x95: {  	s26 =	sadd.s32 s8, s21;
	[sflag:s28] =	ssyncadd.s32 $0xFFFFFB00  }
0x96: {  	[tilespmem:s2], [sflag:$0x5] =	stream.linear.gather [hbm4b:s26+s5], $0x50, $0x38;
	[tilespmem:$0x2F80] =	vst v63  }
0x97: {  	_ =	swait.ge [sflag:s15], $0x50  }
0x98: {  	[sflag:s15] =	ssyncset.done $0x0  }
0x99: {  	[sflag:s15] =	ssyncadd.s32 $0xFFFFFFB0  }
0x9a: {  	[spmem:s4] =	stream.indirect.scatter.add.f32 [tilespmem:s5], [sflag:$0x9], $0x10, s1, s10, $0xb8;
	[tilespmem:$0x2F80] =	vst v63  }
0x9b: {  	_ =	swait.ge [sflag:s28], $0x500  }
0x9c: {  	p0 =	seq.s32 s8, $0x460;
	[sflag:s28] =	ssyncset.done $0x0  }
0x9d: {  	s9 =	simm.s32 @p0 $0x7;
	[sflag:s28] =	ssyncadd.s32 $0xFFFFFB00  }
0x9e: {  	_ =	swait.ge @p0 [sflag:s9], $0x50  }
0x9f: {  	s17 =	simm.s32 @p0 $0x0;
	[sflag:s9] =	ssyncset.done @p0 $0x0  }
0xa0: {  	s26 =	simm.s32 @p0 $0x6E0;
	[sflag:s9] =	ssyncadd.s32 @p0 $0xFFFFFFB0;
	s9 =	simm.s32 @p0 $0x50  }
0xa1: {  	[spmem:s4] =	stream.indirect.scatter.add.f32 @p0 [tilespmem:s17], [sflag:$0x9], $0x10, s26, s9, $0xb8;
	[tilespmem:$0x2F80] =	vst v63  }
0xa2: {  	s9 =	simm.s32 @p0 $0x9  }
0xa3: {  	_ =	swait.ge @p0 [sflag:s9], $0x500  }
0xa4: {  	s17 =	simm.s32 @!p0 $0x0;
	[sflag:s9] =	ssyncset.done @p0 $0x0  }
0xa5: {  	s26 =	simm.s32 @!p0 $0x690;
	[sflag:s9] =	ssyncadd.s32 @p0 $0xFFFFFB00;
	s9 =	sadd.s32 @!p0 s8, s20  }
0xa6: {  	[tilespmem:s26], [sflag:$0x6] =	stream.linear.gather @!p0 [hbm4b:s9+s17], $0x50, $0x38;
	[tilespmem:$0x2F80] =	vst v63  }
0xa7: {  	s9 =	simm.s32 @!p0 $0x7  }
0xa8: {  	_ =	swait.ge @!p0 [sflag:s9], $0x50  }
0xa9: {  	[sflag:s9] =	ssyncset.done @!p0 $0x0  }
0xaa: {  	s26 =	simm.s32 @!p0 $0x6E0;
	[sflag:s9] =	ssyncadd.s32 @!p0 $0xFFFFFFB0;
	s9 =	simm.s32 @!p0 $0x50  }
0xab: {  	[spmem:s4] =	stream.indirect.scatter.add.f32 @!p0 [tilespmem:s17], [sflag:$0x9], $0x10, s26, s9, $0xb8;
	[tilespmem:$0x2F80] =	vst v63  }
0xac: {  	s9 =	simm.s32 @!p0 $0x9  }
0xad: {  	_ =	swait.ge @!p0 [sflag:s9], $0x500  }
0xae: {  	[sflag:s9] =	ssyncset.done @!p0 $0x0  }
0xaf: {  	[sflag:s9] =	ssyncadd.s32 @!p0 $0xFFFFFB00;
	s9 =	sadd.s32 @!p0 s8, s19  }
0xb0: {  	[tilespmem:s26], [sflag:$0x7] =	stream.linear.gather @!p0 [hbm4b:s9+s17], $0x50, $0x38;
	[tilespmem:$0x2F80] =	vst v63  }
0xb1: {  	_ =	swait.ge [sflag:s16], $0x50  }
0xb2: {  	[sflag:s16] =	ssyncset.done $0x0  }
.Ltmp2:
0xb3: {  	[sflag:s16] =	ssyncadd.s32 $0xFFFFFFB0;
	(pc) =	sbr.rel @p0 .LBB2_4-.Ltmp2, $4  }
0xb4: {  	[spmem:s4] =	stream.indirect.scatter.add.f32 [tilespmem:s5], [sflag:$0x9], $0x10, s3, s10, $0xb8;
	[tilespmem:$0x2F80] =	vst v63  }
0xb5: {  	_ =	swait.ge [sflag:s28], $0x500  }
0xb6: {  	[sflag:s28] =	ssyncset.done $0x0  }
0xb7: {  	[sflag:s28] =	ssyncadd.s32 $0xFFFFFB00  }
.Ltmp3:
0xb8: {  	(pc) =	sbr.rel .LBB2_2-.Ltmp3, $3  }
0xb9: {  	_ =	sdelay $0x1  }
0xba: {  	s9 =	sadd.s32 s8, s18;
	s8 =	sadd.s32 $0x50, s8;
	s25 =	sadd.s32 $0x280, s25  }
0xbb: {  	[tilespmem:s3], [sflag:$0x8] =	stream.linear.gather [hbm4b:s9+s5], $0x50, $0x38;
	[tilespmem:$0x2F80] =	vst v63  }
.LBB2_5:
0xbc: {  	_ =	sfence.sel $0x180000  }
0xbd: {  	[bflag:$0x0] =	sbarrier.arrive $0xFFFF  }
0xbe: {  	_ =	strace $0x90000047  }
0xbf: {  	s0 =	stileid.u32;
	[bflag:$0x2] =	sbarrier.arrive $0xFFFF  }
0xc0: {  	p0 =	sne.s32 s0, $0x0;
	s0 =	rddreg [dreg:$0x4]  }
0xc1: {  	s0 =	sadd.s32 @!p0 $0x100000, s0  }
0xc2: {  	[sflag:s0] =	ssyncadd.tile.s32 @!p0 $0x1;
	_ =	shalt  }
.Lfunc_end2:
_tile_overlayer_lowered:
.L_overlay_start_2:
0xc3: {  	(tag) =	ssettag $0x2  }
0xc4: {  	s0 =	rddreg [dreg:$0x0];
	s2 =	stileid.u32  }
0xc5: {  	s1 =	rddreg [dreg:$0x1];
	p0 =	sne.s32 s2, $0x0  }
0xc6: {  	s3 =	rddreg [dreg:$0x2];
	[bflag:$0x3] =	sbarrier.arrive $0xFFFF;
	s2 =	simm.s32 @!p0 $0x1C09  }
0xc7: {  	[timem:s3], [sflag:s2] =	dma.local @!p0 [hbm:s0], s1  }
0xc8: {  	s0 =	simm.s32 @!p0 $0x9  }
0xc9: {  	_ =	swait.ge @!p0 [sflag:s0], s1  }
0xca: {  	s1 =	ssub.s32 @!p0 $0x0, s1;
	[sflag:s0] =	ssyncset.done @!p0 $0x0  }
0xcb: {  	[sflag:s0] =	ssyncadd.s32 @!p0 s1  }
0xcc: {  	[bflag:$0x3] =	sbarrier.arrive $0xFFFF  }
0xcd: {  	_ =	shalt  }

// kernel: kernel.14.cloned.1.call-start
scs
__scs_entry_jumppad:
0x0: {  	(pc) =	sbr.rel $0x88, $3  }
0x1: {  	(tag) =	ssettag $0x0;
	lr =	simm.s32 $0x1  }
0x2: {  	[smem:$0x3F96] =	sst lr;
	_ =	strace $0xD0000000  }
0x3: {  	_ = 	snop  }
0x4: {  	_ = 	snop  }
0x5: {  	_ = 	snop  }
0x6: {  	_ = 	snop  }
0x7: {  	_ = 	snop  }
__scs_overlays_trampoline_lowered:
0x8: {  	[smem:$0x3FA5] =	sst s0  }
0x9: {  	[smem:$0x3FA6] =	sst s1  }
0xa: {  	[smem:$0x3FA7] =	sst s2  }
0xb: {  	[smem:$0x3FA8] =	sst s3  }
0xc: {  	[smem:$0x3FA9] =	sst s4  }
0xd: {  	[smem:$0x3FAA] =	sst s5  }
0xe: {  	[smem:$0x3FAB] =	sst s6  }
0xf: {  	[smem:$0x3FAC] =	sst s7  }
0x10: {  	[smem:$0x3FAD] =	sst s8  }
0x11: {  	[smem:$0x3FAE] =	sst s9;
	s0 =	simm.s32 @!p0 $0x0  }
0x12: {  	s1 =	sld [smem:$0x3F94];
	s0 =	simm.s32 @p0 $0x1  }
0x13: {  	[smem:$0x3FAF] =	sst s0;
	s0 =	simm.s32 @!p1 $0x0  }
0x14: {  	s2 =	sld [smem:$0x3F93];
	s0 =	simm.s32 @p1 $0x1  }
0x15: {  	[smem:$0x3FB0] =	sst s0;
	s0 =	simm.s32 @!p2 $0x0  }
0x16: {  	s3 =	sld [smem:$0x3FDB];
	s0 =	simm.s32 @p2 $0x1  }
0x17: {  	s4 =	simm.s32 $0x1BF5;
	[smem:$0x3FB2] =	sst s0  }
0x18: {  	s0 =	sld [smem:$0x3F95];
	_ =	swait.ge [sflag:s4], $0x0  }
0x19: {  	s7 =	sld [smem:$0x3F96]  }
0x1a: {  	s8 =	sadd.s32 $0xFFFFE003, lr  }
0x1b: {  	s9 =	sadd.s32 $0xFFFFFEF7, lr;
	s5 =	simm.s32 $0xFFFFFFFF;
	p2 =	slt.u32 s8, $0xFFFFF086  }
0x1c: {  	p1 =	slt.u32 s9, $0xF7A;
	s5 =	simm.s32 @!p2 $0x0  }
0x1d: {  	s5 =	simm.s32 @p1 $0x1;
	p0 =	seq.s32 s7, s2  }
0x1e: {  	s7 =	smul.u32 @!p0 $0xF7A, s2;
	p2 =	seq.s32 @!p0 s5, $0x0  }
0x1f: {  	s9 =	smul.u32 $0xF7A, s1;
	s8 =	simm.s32 @!p0 $0x1BF5;
	p2 =	por !p2, p0  }
0x20: {  	[sflag:s8] =	ssyncset.s32 @!p0 $0xFFFFF086;
	s6 =	sadd.s32 @!p0 s3, s7;
	s7 =	simm.s32 @!p0 $0x108  }
0x21: {  	s3 =	sadd.s32 s3, s9;
	s6 =	sadd.s32 @!p0 $0x88, s6;
	s7 =	simm.s32 @p2 $0x1082  }
0x22: {  	[simem:s7], [sflag:s8] =	dma.local @!p0 [hbm:s6], $0xF7A  }
0x23: {  	s9 =	sor.u32 $0xD0000000, s2;
	s6 =	simm.s32 $0x108;
	_ =	swait.ge @!p0 [sflag:s8], $0x0  }
0x24: {  	s3 =	sadd.s32 $0x88, s3;
	s6 =	simm.s32 @!p1 $0x1082;
	[sflag:s4] =	ssyncset.s32 $0xFFFFF086  }
0x25: {  	[simem:s6], [sflag:s4] =	dma.local [hbm:s3], $0xF7A  }
0x26: {  	[smem:$0x3F96] =	sst s1;
	(tag) =	ssettag s2;
	_ =	strace s9  }
0x27: {  	s1 =	sld [smem:$0x3FA6]  }
0x28: {  	s2 =	sld [smem:$0x3FA7]  }
0x29: {  	s4 =	sld [smem:$0x3FA9]  }
0x2a: {  	p0 =	seq.s32 s5, $0x0;
	s5 =	sld [smem:$0x3FAA]  }
0x2b: {  	s6 =	sld [smem:$0x3FAB]  }
0x2c: {  	s7 =	sld [smem:$0x3FAC]  }
0x2d: {  	s3 =	simm.s32 $0x108;
	s8 =	sld [smem:$0x3FAD]  }
0x2e: {  	s3 =	simm.s32 @!p0 $0x1082;
	s9 =	sld [smem:$0x3FAE]  }
0x2f: {  	lr =	sadd.s32 s0, s3;
	s0 =	sld [smem:$0x3FA5]  }
0x30: {  	s3 =	sld [smem:$0x3FA8]  }
0x31: {  	[smem:$0x3FB1] =	sst s10  }
0x32: {  	s10 =	sld [smem:$0x3FAF];
	_ =	sdelay $0x3  }
0x33: {  	p0 =	seq.s32 s10, $0x1;
	s10 =	sld [smem:$0x3FB1];
	_ =	sdelay $0x3  }
0x34: {  	[smem:$0x3FB1] =	sst s10  }
0x35: {  	s10 =	sld [smem:$0x3FB0];
	_ =	sdelay $0x3  }
0x36: {  	p1 =	seq.s32 s10, $0x1;
	s10 =	sld [smem:$0x3FB1];
	_ =	sdelay $0x3  }
0x37: {  	[smem:$0x3FB1] =	sst s10  }
0x38: {  	s10 =	sld [smem:$0x3FB2]  }
0x39: {  	_ = 	snop;
	(pc) =	sbr.ind lr, $3  }
0x3a: {  	_ = 	snop  }
0x3b: {  	_ = 	snop  }
0x3c: {  	p2 =	seq.s32 s10, $0x1;
	s10 =	sld [smem:$0x3FB1]  }
0x3d: {  	_ =	shalt  }
0x3e: {  	_ =	shalt  }
0x3f: {  	_ =	shalt  }
0x40: {  	_ =	shalt  }
0x41: {  	_ =	shalt  }
0x42: {  	_ =	shalt  }
0x43: {  	_ =	shalt  }
0x44: {  	_ =	shalt  }
0x45: {  	_ =	shalt  }
0x46: {  	_ =	shalt  }
0x47: {  	_ =	shalt  }
0x48: {  	_ =	shalt  }
0x49: {  	_ =	shalt  }
0x4a: {  	_ =	shalt  }
0x4b: {  	_ =	shalt  }
0x4c: {  	_ =	shalt  }
0x4d: {  	_ =	shalt  }
0x4e: {  	_ =	shalt  }
0x4f: {  	_ =	shalt  }
0x50: {  	_ =	shalt  }
0x51: {  	_ =	shalt  }
0x52: {  	_ =	shalt  }
0x53: {  	_ =	shalt  }
0x54: {  	_ =	shalt  }
0x55: {  	_ =	shalt  }
0x56: {  	_ =	shalt  }
0x57: {  	_ =	shalt  }
0x58: {  	_ =	shalt  }
0x59: {  	_ =	shalt  }
0x5a: {  	_ =	shalt  }
0x5b: {  	_ =	shalt  }
0x5c: {  	_ =	shalt  }
0x5d: {  	_ =	shalt  }
0x5e: {  	_ =	shalt  }
0x5f: {  	_ =	shalt  }
0x60: {  	_ =	shalt  }
0x61: {  	_ =	shalt  }
0x62: {  	_ =	shalt  }
0x63: {  	_ =	shalt  }
0x64: {  	_ =	shalt  }
0x65: {  	_ =	shalt  }
0x66: {  	_ =	shalt  }
0x67: {  	_ =	shalt  }
0x68: {  	_ =	shalt  }
0x69: {  	_ =	shalt  }
0x6a: {  	_ =	shalt  }
0x6b: {  	_ =	shalt  }
0x6c: {  	_ =	shalt  }
0x6d: {  	_ =	shalt  }
0x6e: {  	_ =	shalt  }
0x6f: {  	_ =	shalt  }
0x70: {  	_ =	shalt  }
0x71: {  	_ =	shalt  }
0x72: {  	_ =	shalt  }
0x73: {  	_ =	shalt  }
0x74: {  	_ =	shalt  }
0x75: {  	_ =	shalt  }
0x76: {  	_ =	shalt  }
0x77: {  	_ =	shalt  }
0x78: {  	_ =	shalt  }
0x79: {  	_ =	shalt  }
0x7a: {  	_ =	shalt  }
0x7b: {  	_ =	shalt  }
0x7c: {  	_ =	shalt  }
0x7d: {  	_ =	shalt  }
0x7e: {  	_ =	shalt  }
0x7f: {  	_ =	shalt  }
0x80: {  	_ =	shalt  }
0x81: {  	_ =	shalt  }
0x82: {  	_ =	shalt  }
0x83: {  	_ =	shalt  }
0x84: {  	_ =	shalt  }
0x85: {  	_ =	shalt  }
0x86: {  	_ =	shalt  }
0x87: {  	_ =	shalt  }
.Lfunc_end0:
.L_simem_size_0:
called_computation.1_lowered:
.L_overlay_start_0:
0x88: {  	s2 =	sld [smem:$0x3FD9]  }
0x89: {  	s3 =	sld [smem:$0x3FFE];
	_ =	sdelay $0x1  }
0x8a: {  	s1 =	srdreg.scid  }
0x8b: {  	s0 =	sand.u32 $0x1, s1  }
0x8c: {  	s15 =	sshll.u32 s0, $0xA;
	s2 =	sadd.s32 s3, s2  }
0x8d: {  	s2 =	sadd.s32 s2, s15  }
0x8e: {  	[smem:$0x3FBD] =	sst s2  }
0x8f: {  	_ = 	snop  }
0x90: {  	s2 =	sld [smem:$0x3FD0];
	_ =	sdelay $0x2  }
0x91: {  	s16 =	simm.s32 $0xB;
	s4 =	simm.s32 $0x10  }
0x92: {  	[smem:s4], [sflag:s16] =	dma.local [hbm:s2], $0x1  }
0x93: {  	_ =	swait.eq [sflag:s16], $0x1  }
0x94: {  	[sflag:s16] =	ssyncset.done $0x0  }
0x95: {  	[sflag:s16] =	ssyncadd.s32 $0xFFFFFFFF  }
0x96: {  	s17 =	sld [smem:$0x12];
	(tm) =	ssettm $0x1  }
0x97: {  	s18 =	sld [smem:$0x3FFB];
	_ =	sdelay $0x3  }
0x98: {  	_ =	strace s18  }
0x99: {  	s2 =	sld [smem:$0x3FFC];
	_ =	sdelay $0x3  }
0x9a: {  	_ =	strace s2  }
0x9b: {  	s2 =	sld [smem:$0x3FFD];
	_ =	sdelay $0x3  }
0x9c: {  	_ =	strace s2  }
0x9d: {  	_ =	strace $0x8FFFFFFF  }
0x9e: {  	s19 =	sld [smem:$0x3FDB];
	_ =	sdelay $0x1  }
0x9f: {  	s20 =	simm.s32 $_scs_section_size  }
0xa0: {  	s5 =	simm.s32 $_size__tile_overlayer_lowered;
	s6 =	simm.s32 $_tile_overlayer_lowered  }
0xa1: {  	s7 =	simm.s32 $0x1BFF;
	s21 =	sshll.u32 s6, $0x1;
	s4 =	sadd.s32 s20, s19  }
0xa2: {  	s22 =	simm.s32 $0x0;
	s5 =	sshll.u32 s5, $0x1;
	s6 =	sadd.s32 s21, s4  }
0xa3: {  	[timem:s22], [sflag:s7] =	dma.local [hbm:s6], s5  }
0xa4: {  	_ =	swait.ge [sflag:s7], s5  }
0xa5: {  	s5 =	ssub.s32 $0x0, s5;
	[sflag:s7] =	ssyncset.done $0x0  }
0xa6: {  	[sflag:s7] =	ssyncadd.s32 s5;
	_ =	sdelay $0x1  }
0xa7: {  	s23 =	simm.s32 $0x1B8B  }
0xa8: {  	_ =	swait.ge [sflag:s23], $0x1  }
0xa9: {  	[sflag:s23] =	ssyncset.done $0x0  }
0xaa: {  	[sflag:s23] =	ssyncadd.s32 $0xFFFFFFFF  }
0xab: {  	s5 =	sld [smem:$0x0]  }
0xac: {  	s6 =	sand.u32 $0xFFFFFFFE, s1  }
0xad: {  	p0 =	sne.s32 s1, s6  }
0xae: {  	s6 =	sshll.u32 @p0 s6, $0xE  }
0xaf: {  	s6 =	sadd.s32 @p0 $0x11B8D, s6;
	s7 =	sshll.u32 @p0 s5, $0x11  }
0xb0: {  	s6 =	sor.u32 @p0 s7, s6  }
0xb1: {  	[sflag:s6] =	ssyncadd.remote.s32 @p0 $0x1;
	_ =	sdelay $0x1  }
0xb2: {  	s6 =	simm.s32 @p0 $0x1B8D  }
0xb3: {  	_ =	swait.eq @p0 [sflag:s6], $0x1  }
0xb4: {  	[sflag:s6] =	ssyncadd.s32 @p0 $0xFFFFFFFF  }
0xb5: {  	s7 =	sshll.u32 @!p0 s1, $0xE  }
0xb6: {  	s7 =	sor.u32 @!p0 $0x4000, s7;
	s6 =	simm.s32 @!p0 $0x1B8D  }
0xb7: {  	s5 =	sshll.u32 @!p0 s5, $0x11;
	s7 =	sadd.s32 @!p0 $0x11B8D, s7;
	_ =	swait.eq @!p0 [sflag:s6], $0x1  }
0xb8: {  	s5 =	sor.u32 @!p0 s5, s7;
	[sflag:s6] =	ssyncadd.s32 @!p0 $0xFFFFFFFF  }
0xb9: {  	s25 =	simm.s32 $0x1B8E;
	s24 =	sld [smem:$0x3FFE];
	[sflag:s5] =	ssyncadd.remote.s32 @!p0 $0x1  }
0xba: {  	s26 =	simm.s32 $execute0_lowered;
	[smem:$0x3FD2] =	sst s25  }
0xbb: {  	s6 =	sshll.u32 s26, $0x1;
	_ =	strace $0x80000049;
	[dreg:$0x1] =	wrdreg $0xFFFFFFFF  }
0xbc: {  	s28 =	simm.s32 $_size_execute0_lowered;
	s4 =	sadd.s32 s4, s6;
	[dreg:$0x0] =	wrdreg $0x0  }
0xbd: {  	s6 =	sshll.u32 s28, $0x1;
	[dreg:$0x2] =	wrdreg s4  }
0xbe: {  	[dreg:$0x3] =	wrdreg s6  }
0xbf: {  	[dreg:$0x4] =	wrdreg $0xC0  }
0xc0: {  	_ =	task [dreg:s22], $0x5FFFF  }
0xc1: {  	[dreg:$0x1] =	wrdreg $0xFFFFFFFF  }
0xc2: {  	[dreg:$0x0] =	wrdreg $0x60  }
0xc3: {  	[dreg:$0x2] =	wrdreg s17  }
0xc4: {  	[dreg:$0x3] =	wrdreg s24  }
0xc5: {  	[dreg:$0x4] =	wrdreg $0xA1000  }
0xc6: {  	[dreg:$0x5] =	wrdreg $0xA  }
0xc7: {  	_ =	task.clear_ibuf [dreg:s22], $0x6FFFF;
	_ =	strace $0x90000049  }
0xc8: {  	s29 =	simm.s32 $0xA;
	_ =	strace $0x8000004B  }
0xc9: {  	_ =	swait.ge [sflag:s29], $0x1  }
0xca: {  	[sflag:s29] =	ssyncadd.s32 $0xFFFFFFFF  }
0xcb: {  	_ =	strace $0x9000004B  }
0xcc: {  	_ =	sfence  }
0xcd: {  	s30 =	sld [smem:$0x0];
	_ =	sdelay $0x2  }
0xce: {  	s31 =	sshll.u32 s1, $0xD;
	s1 =	sshrl.u32 s1, $0x2  }
0xcf: {  	s4 =	sand.u32 $0x4000, s31;
	s1 =	sadd.s32 s1, s30  }
0xd0: {  	s0 =	sor.u32 s4, s0;
	s1 =	sshll.u32 s1, $0x11  }
0xd1: {  	s0 =	sor.u32 s1, s0  }
0xd2: {  	s0 =	sadd.s32 $0x8F2B, s0  }
0xd3: {  	[sflag:s0] =	ssyncadd.remote.s32 $0x1  }
0xd4: {  	_ =	sfence.sel $0xFFFF  }
0xd5: {  	[dreg:$0x0] =	wrdreg $0xFFFFFFFF;
	(pc) =	sbr.abs _section_cstart, $3  }
0xd6: {  	[dreg:$0x1] =	wrdreg $0xFFFFFFFF  }
0xd7: {  	_ =	task.clear_ibuf [dreg:s22], $0x2FFFF;
	_ =	strace $0x9FFFFFFF  }
0xd8: {  	(tm) =	ssettm $0x7FFFFFFF  }
0xd9: {  	_ =	shalt  }
tec
execute0_lowered:
.L_overlay_start_1:
0x0: {  	(tag) =	ssettag $0x1  }
0x1: {  	s1 =	rddreg [dreg:$0x0]  }
0x2: {  	s0 =	srdreg.scid;
	s6 =	rddreg [dreg:$0x1]  }
0x3: {  	s12 =	stileid.u32;
	s3 =	rddreg [dreg:$0x2]  }
0x4: {  	s4 =	simm.s32 $0x0;
	s29 =	simm.s32 $0x7900;
	s30 =	simm.s32 $0x4  }
0x5: {  	s31 =	simm.s32 $0x1;
	s28 =	simm.s32 $0x6;
	s8 =	smul.u32 $0x14000, s12  }
0x6: {  	s0 =	sand.u32 $0x1, s0;
	s2 =	sshll.u32 s12, $0x1;
	s10 =	smul.u32 $0x50000, s12  }
0x7: {  	[smem:$0x7FF] =	sst s4;
	s5 =	sadd.s32 $0x3E00, s6;
	s14 =	smul.u32 $0x4E20, s12  }
0x8: {  	s11 =	sadd.s32 $0x21A00, s6;
	s18 =	sshll.u32 s12, $0x6;
	s7 =	smul.u32 $0x140000, s0  }
0x9: {  	s2 =	sor.u32 s0, s2;
	s26 =	ssub.s32 $0x2, s0;
	s0 =	smul.u32 $0x2710, s0  }
0xa: {  	_ =	strace $0x8000004A;
	[dreg:$0x4] =	wrdreg s11;
	s2 =	smul.u32 $0x2710, s2  }
0xb: {  	s11 =	sshrl.u32 s26, $0x1;
	s13 =	sshrl.u32 s10, $0x2;
	s7 =	sadd.s32 s8, s7  }
0xc: {  	s8 =	ssub.s32 s26, s11;
	s15 =	sadd.s32 s13, s3;
	s0 =	sadd.s32 s0, s14  }
0xd: {  	s2 =	sshrl.u32 s2, $0x3;
	s7 =	sshrl.u32 s7, $0x3;
	s21 =	smax.u32 s8, $0x1  }
0xe: {  	s22 =	sadd.s32 $0x190, s0;
	s24 =	sadd.s32 $0x140, s0;
	s8 =	simm.s32 $0x0  }
0xf: {  	s9 =	sadd.s32 s2, s6;
	s6 =	sadd.s32 s7, s6;
	s7 =	sor.u32 $0x1C07, s18  }
0x10: {  	[dreg:$0x9] =	wrdreg s21;
	s26 =	sshrl.u32 s24, $0x3;
	s18 =	sadd.s32 $0xF0, s0  }
0x11: {  	s21 =	simm.s32 $0x2780;
	s24 =	simm.s32 $0x2800;
	s9 =	sadd.s32 $0xDC00, s9  }
0x12: {  	s20 =	sadd.s32 $0x24200, s6;
	[dreg:$0x5] =	wrdreg s9;
	s9 =	sadd.s32 s5, s2  }
0x13: {  	s0 =	simm.s32 $0x2;
	[dreg:$0x8] =	wrdreg s20;
	s2 =	sadd.s32 $0xA, s9  }
0x14: {  	s17 =	sadd.s32 s26, s5;
	s19 =	sadd.s32 $0x14, s9;
	[dreg:$0x6] =	wrdreg s2  }
0x15: {  	s26 =	simm.s32 $0x2880;
	s23 =	sadd.s32 $0x4CE, s9;
	[dreg:$0x7] =	wrdreg s19  }
0x16: {  	s6 =	simm.s32 $0x3;
	s25 =	sadd.s32 $0x4D8, s9;
	[dreg:$0xa] =	wrdreg s23  }
0x17: {  	s20 =	simm.s32 $0x7;
	s2 =	sshrl.u32 s22, $0x3;
	[dreg:$0xb] =	wrdreg s25  }
0x18: {  	s19 =	sshrl.u32 s15, $0x3;
	s22 =	simm.s32 $0x50;
	s23 =	simm.s32 $0x2900  }
0x19: {  	s25 =	simm.s32 $0x5100;
	s16 =	sadd.s32 s2, s5;
	s2 =	simm.s32 $0x5  }
.LBB2_1:
0x1a: {  	s10 =	rddreg [dreg:$0x4]  }
0x1b: {  	[spmem:s19], [sflag:s7] =	dma.local [hbm:s10], $0x2800  }
0x1c: {  	_ =	swait.ge [sflag:s20], $0x2800  }
0x1d: {  	[sflag:s20] =	ssyncset.done $0x0  }
0x1e: {  	s14 =	rddreg [dreg:$0x5];
	[sflag:s20] =	ssyncadd.s32 $0xFFFFD800  }
0x1f: {  	[tilespmem:s4], [sflag:$0x7] =	stream.linear.gather [hbm4b:s14+s4], $0x2710, $0x38;
	[tilespmem:$0x1E100] =	vst v63  }
0x20: {  	_ =	swait.ge [sflag:s20], $0x2710  }
0x21: {  	[sflag:s20] =	ssyncset.done $0x0  }
0x22: {  	[sflag:s20] =	ssyncadd.s32 $0xFFFFD8F0  }
0x23: {  	[bflag:$0x0] =	sbarrier.arrive $0xFFFF  }
0x24: {  	[tilespmem:s21], [sflag:$0x4] =	stream.linear.gather [hbm4b:s9+s4], $0x50, $0x38;
	[tilespmem:$0x1E100] =	vst v63  }
0x25: {  	_ = 	snop  }
0x26: {  	[tilespmem:s23], [sflag:$0x1] =	stream.indirect.gather [hbm4b:s1+s22], $0x80, s4, s22, $0xb8;
	[tilespmem:$0x1E100] =	vst v63  }
0x27: {  	s15 =	rddreg [dreg:$0x6]  }
0x28: {  	[tilespmem:s24], [sflag:$0x5] =	stream.linear.gather [hbm4b:s15+s4], $0x50, $0x38;
	[tilespmem:$0x1E100] =	vst v63  }
0x29: {  	_ = 	snop  }
0x2a: {  	[tilespmem:s25], [sflag:$0x2] =	stream.indirect.gather [hbm4b:s1+s22], $0x80, s22, s22, $0xb8;
	[tilespmem:$0x1E100] =	vst v63  }
0x2b: {  	s11 =	rddreg [dreg:$0x7]  }
0x2c: {  	[tilespmem:s26], [sflag:$0x6] =	stream.linear.gather [hbm4b:s11+s4], $0x50, $0x38;
	[tilespmem:$0x1E100] =	vst v63  }
0x2d: {  	s12 =	simm.s32 $0xA0  }
0x2e: {  	[tilespmem:s29], [sflag:$0x3] =	stream.indirect.gather [hbm4b:s1+s22], $0x80, s12, s22, $0xb8;
	[tilespmem:$0x1E100] =	vst v63  }
0x2f: {  	_ =	swait.ge [sflag:s30], $0x50  }
0x30: {  	[sflag:s30] =	ssyncset.done $0x0  }
0x31: {  	[sflag:s30] =	ssyncadd.s32 $0xFFFFFFB0  }
0x32: {  	_ =	swait.ge [sflag:s31], $0x2800  }
0x33: {  	[sflag:s31] =	ssyncset.done $0x0  }
0x34: {  	[sflag:s31] =	ssyncadd.s32 $0xFFFFD800  }
0x35: {  	[spmem:s3] =	stream.indirect.scatter.add.f32 [tilespmem:s23], [sflag:$0x7], $0x80, s21, s22, $0xb8;
	[tilespmem:$0x1E100] =	vst v63  }
0x36: {  	_ =	swait.ge [sflag:s20], $0x2800  }
0x37: {  	s13 =	sshrl.u32 s18, $0x3;
	[sflag:s20] =	ssyncset.done $0x0  }
0x38: {  	s10 =	sadd.s32 s5, s13;
	[sflag:s20] =	ssyncadd.s32 $0xFFFFD800  }
0x39: {  	[tilespmem:s21], [sflag:$0x4] =	stream.linear.gather [hbm4b:s10+s4], $0x50, $0x38;
	[tilespmem:$0x1E100] =	vst v63  }
0x3a: {  	s14 =	simm.s32 $0xF0  }
0x3b: {  	[tilespmem:s23], [sflag:$0x1] =	stream.indirect.gather [hbm4b:s1+s22], $0x80, s14, s22, $0xb8;
	[tilespmem:$0x1E100] =	vst v63  }
0x3c: {  	_ =	swait.ge [sflag:s2], $0x50  }
0x3d: {  	[sflag:s2] =	ssyncset.done $0x0  }
0x3e: {  	[sflag:s2] =	ssyncadd.s32 $0xFFFFFFB0  }
0x3f: {  	_ =	swait.ge [sflag:s0], $0x2800  }
0x40: {  	[sflag:s0] =	ssyncset.done $0x0  }
0x41: {  	[sflag:s0] =	ssyncadd.s32 $0xFFFFD800  }
0x42: {  	[spmem:s3] =	stream.indirect.scatter.add.f32 [tilespmem:s25], [sflag:$0x7], $0x80, s24, s22, $0xb8;
	[tilespmem:$0x1E100] =	vst v63  }
0x43: {  	_ =	swait.ge [sflag:s20], $0x2800  }
0x44: {  	[sflag:s20] =	ssyncset.done $0x0  }
0x45: {  	[sflag:s20] =	ssyncadd.s32 $0xFFFFD800  }
0x46: {  	[tilespmem:s24], [sflag:$0x5] =	stream.linear.gather [hbm4b:s17+s4], $0x50, $0x38;
	[tilespmem:$0x1E100] =	vst v63  }
0x47: {  	s15 =	simm.s32 $0x140  }
0x48: {  	[tilespmem:s25], [sflag:$0x2] =	stream.indirect.gather [hbm4b:s1+s22], $0x80, s15, s22, $0xb8;
	[tilespmem:$0x1E100] =	vst v63  }
0x49: {  	_ =	swait.ge [sflag:s28], $0x50  }
0x4a: {  	[sflag:s28] =	ssyncset.done $0x0  }
0x4b: {  	[sflag:s28] =	ssyncadd.s32 $0xFFFFFFB0  }
0x4c: {  	_ =	swait.ge [sflag:s6], $0x2800  }
0x4d: {  	[sflag:s6] =	ssyncset.done $0x0  }
0x4e: {  	[sflag:s6] =	ssyncadd.s32 $0xFFFFD800  }
0x4f: {  	[spmem:s3] =	stream.indirect.scatter.add.f32 [tilespmem:s29], [sflag:$0x7], $0x80, s26, s22, $0xb8;
	[tilespmem:$0x1E100] =	vst v63  }
0x50: {  	s13 =	sadd.s32 $0x1E, s17;
	_ =	swait.ge [sflag:s20], $0x2800  }
0x51: {  	s11 =	sadd.s32 $0xF0, s18;
	s12 =	sadd.s32 $0x1E, s16;
	[sflag:s20] =	ssyncset.done $0x0  }
0x52: {  	s10 =	simm.s32 $0x3C0;
	s14 =	simm.s32 $0x190;
	[sflag:s20] =	ssyncadd.s32 $0xFFFFD800  }
0x53: {  	[tilespmem:s26], [sflag:$0x6] =	stream.linear.gather [hbm4b:s16+s4], $0x50, $0x38;
	[tilespmem:$0x1E100] =	vst v63  }
.LBB2_2:
0x54: {  	[tilespmem:s29], [sflag:$0x3] =	stream.indirect.gather [hbm4b:s1+s22], $0x80, s14, s22, $0xb8;
	[tilespmem:$0x1E100] =	vst v63  }
0x55: {  	s14 =	smov.u32 s10  }
0x56: {  	p0 =	sne.s32 s10, $0x9240;
	s10 =	sadd.s32 $0x3C0, s10;
	_ =	swait.ge [sflag:s30], $0x50  }
0x57: {  	[sflag:s30] =	ssyncset.done $0x0  }
0x58: {  	[sflag:s30] =	ssyncadd.s32 $0xFFFFFFB0  }
0x59: {  	_ =	swait.ge [sflag:s31], $0x2800  }
0x5a: {  	[sflag:s31] =	ssyncset.done $0x0  }
0x5b: {  	[sflag:s31] =	ssyncadd.s32 $0xFFFFD800  }
0x5c: {  	[spmem:s3] =	stream.indirect.scatter.add.f32 [tilespmem:s23], [sflag:$0x7], $0x80, s21, s22, $0xb8;
	[tilespmem:$0x1E100] =	vst v63  }
0x5d: {  	_ =	swait.ge [sflag:s20], $0x2800  }
0x5e: {  	s15 =	sshrl.u32 s11, $0x3;
	[sflag:s20] =	ssyncset.done $0x0  }
0x5f: {  	s15 =	sadd.s32 s5, s15;
	s14 =	sshra.s32 s14, $0x2;
	[sflag:s20] =	ssyncadd.s32 $0xFFFFD800  }
0x60: {  	[tilespmem:s21], [sflag:$0x4] =	stream.linear.gather [hbm4b:s15+s4], $0x50, $0x38;
	[tilespmem:$0x1E100] =	vst v63  }
0x61: {  	s15 =	sadd.s32 $0xF0, s14  }
0x62: {  	[tilespmem:s23], [sflag:$0x1] =	stream.indirect.gather [hbm4b:s1+s22], $0x80, s15, s22, $0xb8;
	[tilespmem:$0x1E100] =	vst v63  }
0x63: {  	_ =	swait.ge [sflag:s2], $0x50  }
0x64: {  	[sflag:s2] =	ssyncset.done $0x0  }
0x65: {  	[sflag:s2] =	ssyncadd.s32 $0xFFFFFFB0  }
0x66: {  	_ =	swait.ge [sflag:s0], $0x2800  }
0x67: {  	[sflag:s0] =	ssyncset.done $0x0  }
0x68: {  	[sflag:s0] =	ssyncadd.s32 $0xFFFFD800  }
0x69: {  	[spmem:s3] =	stream.indirect.scatter.add.f32 [tilespmem:s25], [sflag:$0x7], $0x80, s24, s22, $0xb8;
	[tilespmem:$0x1E100] =	vst v63  }
0x6a: {  	_ =	swait.ge [sflag:s20], $0x2800  }
0x6b: {  	[sflag:s20] =	ssyncset.done $0x0  }
0x6c: {  	[sflag:s20] =	ssyncadd.s32 $0xFFFFD800  }
0x6d: {  	[tilespmem:s24], [sflag:$0x5] =	stream.linear.gather [hbm4b:s13+s4], $0x50, $0x38;
	[tilespmem:$0x1E100] =	vst v63  }
0x6e: {  	s15 =	sadd.s32 $0x140, s14  }
0x6f: {  	[tilespmem:s25], [sflag:$0x2] =	stream.indirect.gather [hbm4b:s1+s22], $0x80, s15, s22, $0xb8;
	[tilespmem:$0x1E100] =	vst v63  }
0x70: {  	_ =	swait.ge [sflag:s28], $0x50  }
0x71: {  	[sflag:s28] =	ssyncset.done $0x0  }
0x72: {  	[sflag:s28] =	ssyncadd.s32 $0xFFFFFFB0  }
0x73: {  	_ =	swait.ge [sflag:s6], $0x2800  }
0x74: {  	[sflag:s6] =	ssyncset.done $0x0  }
0x75: {  	[sflag:s6] =	ssyncadd.s32 $0xFFFFD800  }
0x76: {  	[spmem:s3] =	stream.indirect.scatter.add.f32 [tilespmem:s29], [sflag:$0x7], $0x80, s26, s22, $0xb8;
	[tilespmem:$0x1E100] =	vst v63  }
.Ltmp0:
0x77: {  	_ =	swait.ge [sflag:s20], $0x2800;
	(pc) =	sbr.rel @p0 .LBB2_2-.Ltmp0, $4  }
0x78: {  	[sflag:s20] =	ssyncset.done $0x0  }
0x79: {  	s11 =	sadd.s32 $0xF0, s11;
	[sflag:s20] =	ssyncadd.s32 $0xFFFFD800  }
0x7a: {  	[tilespmem:s26], [sflag:$0x6] =	stream.linear.gather [hbm4b:s12+s4], $0x50, $0x38;
	[tilespmem:$0x1E100] =	vst v63  }
0x7b: {  	s14 =	sadd.s32 $0x190, s14;
	s13 =	sadd.s32 $0x1E, s13;
	s12 =	sadd.s32 $0x1E, s12  }
0x7c: {  	[tilespmem:s29], [sflag:$0x3] =	stream.indirect.gather [hbm4b:s1+s22], $0x80, s14, s22, $0xb8;
	[tilespmem:$0x1E100] =	vst v63  }
0x7d: {  	_ =	swait.ge [sflag:s30], $0x50  }
0x7e: {  	[sflag:s30] =	ssyncset.done $0x0  }
0x7f: {  	[sflag:s30] =	ssyncadd.s32 $0xFFFFFFB0  }
0x80: {  	_ =	swait.ge [sflag:s31], $0x2800  }
0x81: {  	[sflag:s31] =	ssyncset.done $0x0  }
0x82: {  	[sflag:s31] =	ssyncadd.s32 $0xFFFFD800  }
0x83: {  	[spmem:s3] =	stream.indirect.scatter.add.f32 [tilespmem:s23], [sflag:$0x7], $0x80, s21, s22, $0xb8;
	[tilespmem:$0x1E100] =	vst v63  }
0x84: {  	_ =	swait.ge [sflag:s20], $0x2800  }
0x85: {  	[sflag:s20] =	ssyncset.done $0x0  }
0x86: {  	s10 =	rddreg [dreg:$0xa];
	[sflag:s20] =	ssyncadd.s32 $0xFFFFD800  }
0x87: {  	[tilespmem:s21], [sflag:$0x4] =	stream.linear.gather [hbm4b:s10+s4], $0x50, $0x38;
	[tilespmem:$0x1E100] =	vst v63  }
0x88: {  	s11 =	simm.s32 $0x2670  }
0x89: {  	[tilespmem:s23], [sflag:$0x1] =	stream.indirect.gather [hbm4b:s1+s22], $0x80, s11, s22, $0xb8;
	[tilespmem:$0x1E100] =	vst v63  }
0x8a: {  	_ =	swait.ge [sflag:s2], $0x50  }
0x8b: {  	[sflag:s2] =	ssyncset.done $0x0  }
0x8c: {  	[sflag:s2] =	ssyncadd.s32 $0xFFFFFFB0  }
0x8d: {  	_ =	swait.ge [sflag:s0], $0x2800  }
0x8e: {  	[sflag:s0] =	ssyncset.done $0x0  }
0x8f: {  	[sflag:s0] =	ssyncadd.s32 $0xFFFFD800  }
0x90: {  	[spmem:s3] =	stream.indirect.scatter.add.f32 [tilespmem:s25], [sflag:$0x7], $0x80, s24, s22, $0xb8;
	[tilespmem:$0x1E100] =	vst v63  }
0x91: {  	_ =	swait.ge [sflag:s20], $0x2800  }
0x92: {  	[sflag:s20] =	ssyncset.done $0x0  }
0x93: {  	s12 =	rddreg [dreg:$0xb];
	[sflag:s20] =	ssyncadd.s32 $0xFFFFD800  }
0x94: {  	[tilespmem:s24], [sflag:$0x5] =	stream.linear.gather [hbm4b:s12+s4], $0x50, $0x38;
	[tilespmem:$0x1E100] =	vst v63  }
0x95: {  	s13 =	simm.s32 $0x26C0  }
0x96: {  	[tilespmem:s25], [sflag:$0x2] =	stream.indirect.gather [hbm4b:s1+s22], $0x80, s13, s22, $0xb8;
	[tilespmem:$0x1E100] =	vst v63  }
0x97: {  	_ =	swait.ge [sflag:s28], $0x50  }
0x98: {  	[sflag:s28] =	ssyncset.done $0x0  }
0x99: {  	[sflag:s28] =	ssyncadd.s32 $0xFFFFFFB0  }
0x9a: {  	_ =	swait.ge [sflag:s6], $0x2800  }
0x9b: {  	[sflag:s6] =	ssyncset.done $0x0  }
0x9c: {  	[sflag:s6] =	ssyncadd.s32 $0xFFFFD800  }
0x9d: {  	[spmem:s3] =	stream.indirect.scatter.add.f32 [tilespmem:s29], [sflag:$0x7], $0x80, s26, s22, $0xb8;
	[tilespmem:$0x1E100] =	vst v63  }
0x9e: {  	_ =	swait.ge [sflag:s20], $0x2800  }
0x9f: {  	[sflag:s20] =	ssyncset.done $0x0  }
0xa0: {  	[sflag:s20] =	ssyncadd.s32 $0xFFFFD800  }
0xa1: {  	_ =	swait.ge [sflag:s30], $0x50  }
0xa2: {  	[sflag:s30] =	ssyncset.done $0x0  }
0xa3: {  	[sflag:s30] =	ssyncadd.s32 $0xFFFFFFB0  }
0xa4: {  	_ =	swait.ge [sflag:s31], $0x2800  }
0xa5: {  	[sflag:s31] =	ssyncset.done $0x0  }
0xa6: {  	[sflag:s31] =	ssyncadd.s32 $0xFFFFD800  }
0xa7: {  	[spmem:s3] =	stream.indirect.scatter.add.f32 [tilespmem:s23], [sflag:$0x7], $0x80, s21, s22, $0xb8;
	[tilespmem:$0x1E100] =	vst v63  }
0xa8: {  	_ =	swait.ge [sflag:s20], $0x2800  }
0xa9: {  	[sflag:s20] =	ssyncset.done $0x0  }
0xaa: {  	[sflag:s20] =	ssyncadd.s32 $0xFFFFD800  }
0xab: {  	_ =	swait.ge [sflag:s2], $0x50  }
0xac: {  	[sflag:s2] =	ssyncset.done $0x0  }
0xad: {  	[sflag:s2] =	ssyncadd.s32 $0xFFFFFFB0  }
0xae: {  	_ =	swait.ge [sflag:s0], $0x2800  }
0xaf: {  	[sflag:s0] =	ssyncset.done $0x0  }
0xb0: {  	[sflag:s0] =	ssyncadd.s32 $0xFFFFD800  }
0xb1: {  	[spmem:s3] =	stream.indirect.scatter.add.f32 [tilespmem:s25], [sflag:$0x7], $0x80, s24, s22, $0xb8;
	[tilespmem:$0x1E100] =	vst v63  }
0xb2: {  	_ =	swait.ge [sflag:s20], $0x2800  }
0xb3: {  	[sflag:s20] =	ssyncset.done $0x0  }
0xb4: {  	[sflag:s20] =	ssyncadd.s32 $0xFFFFD800  }
0xb5: {  	[bflag:$0x0] =	sbarrier.arrive $0xFFFF  }
0xb6: {  	s14 =	rddreg [dreg:$0x8]  }
0xb7: {  	[hbm:s14], [sflag:s7] =	dma.local [spmem:s19], $0x2800  }
0xb8: {  	_ =	swait.ge [sflag:s20], $0x2800  }
0xb9: {  	s8 =	sadd.s32 $0x1, s8;
	s15 =	rddreg [dreg:$0x9]  }
0xba: {  	p0 =	sne.s32 s8, s15  }
.Ltmp1:
0xbb: {  	_ = 	snop;
	(pc) =	sbr.rel @p0 .LBB2_1-.Ltmp1, $3  }
0xbc: {  	_ =	sdelay $0x1  }
0xbd: {  	[sflag:s20] =	ssyncset.done $0x0  }
0xbe: {  	[sflag:s20] =	ssyncadd.s32 $0xFFFFD800  }
0xbf: {  	_ =	sfence.sel $0x180000  }
0xc0: {  	[bflag:$0x0] =	sbarrier.arrive $0xFFFF  }
0xc1: {  	_ =	strace $0x9000004A  }
0xc2: {  	s0 =	stileid.u32;
	[bflag:$0x2] =	sbarrier.arrive $0xFFFF  }
0xc3: {  	p0 =	sne.s32 s0, $0x0;
	s0 =	rddreg [dreg:$0x3]  }
0xc4: {  	s0 =	sadd.s32 @!p0 $0x100000, s0  }
0xc5: {  	[sflag:s0] =	ssyncadd.tile.s32 @!p0 $0x1;
	_ =	shalt  }
.Lfunc_end2:
_tile_overlayer_lowered:
.L_overlay_start_2:
0xc6: {  	(tag) =	ssettag $0x2  }
0xc7: {  	s0 =	rddreg [dreg:$0x0];
	s2 =	stileid.u32  }
0xc8: {  	s1 =	rddreg [dreg:$0x1];
	p0 =	sne.s32 s2, $0x0  }
0xc9: {  	s3 =	rddreg [dreg:$0x2];
	[bflag:$0x3] =	sbarrier.arrive $0xFFFF;
	s2 =	simm.s32 @!p0 $0x1C07  }
0xca: {  	[timem:s3], [sflag:s2] =	dma.local @!p0 [hbm:s0], s1  }
0xcb: {  	s0 =	simm.s32 @!p0 $0x7  }
0xcc: {  	_ =	swait.ge @!p0 [sflag:s0], s1  }
0xcd: {  	s1 =	ssub.s32 @!p0 $0x0, s1;
	[sflag:s0] =	ssyncset.done @!p0 $0x0  }
0xce: {  	[sflag:s0] =	ssyncadd.s32 @!p0 s1  }
0xcf: {  	[bflag:$0x3] =	sbarrier.arrive $0xFFFF  }
0xd0: {  	_ =	shalt  }

// kernel: kernel.17.cloned.1.call-start
scs
__scs_entry_jumppad:
0x0: {  	(pc) =	sbr.rel $0x88, $3  }
0x1: {  	(tag) =	ssettag $0x0;
	lr =	simm.s32 $0x1  }
0x2: {  	[smem:$0x3F96] =	sst lr;
	_ =	strace $0xD0000000  }
0x3: {  	_ = 	snop  }
0x4: {  	_ = 	snop  }
0x5: {  	_ = 	snop  }
0x6: {  	_ = 	snop  }
0x7: {  	_ = 	snop  }
__scs_overlays_trampoline_lowered:
0x8: {  	[smem:$0x3FA5] =	sst s0  }
0x9: {  	[smem:$0x3FA6] =	sst s1  }
0xa: {  	[smem:$0x3FA7] =	sst s2  }
0xb: {  	[smem:$0x3FA8] =	sst s3  }
0xc: {  	[smem:$0x3FA9] =	sst s4  }
0xd: {  	[smem:$0x3FAA] =	sst s5  }
0xe: {  	[smem:$0x3FAB] =	sst s6  }
0xf: {  	[smem:$0x3FAC] =	sst s7  }
0x10: {  	[smem:$0x3FAD] =	sst s8  }
0x11: {  	[smem:$0x3FAE] =	sst s9;
	s0 =	simm.s32 @!p0 $0x0  }
0x12: {  	s1 =	sld [smem:$0x3F94];
	s0 =	simm.s32 @p0 $0x1  }
0x13: {  	[smem:$0x3FAF] =	sst s0;
	s0 =	simm.s32 @!p1 $0x0  }
0x14: {  	s2 =	sld [smem:$0x3F93];
	s0 =	simm.s32 @p1 $0x1  }
0x15: {  	[smem:$0x3FB0] =	sst s0;
	s0 =	simm.s32 @!p2 $0x0  }
0x16: {  	s3 =	sld [smem:$0x3FDB];
	s0 =	simm.s32 @p2 $0x1  }
0x17: {  	s4 =	simm.s32 $0x1BF5;
	[smem:$0x3FB2] =	sst s0  }
0x18: {  	s0 =	sld [smem:$0x3F95];
	_ =	swait.ge [sflag:s4], $0x0  }
0x19: {  	s7 =	sld [smem:$0x3F96]  }
0x1a: {  	s8 =	sadd.s32 $0xFFFFE003, lr  }
0x1b: {  	s9 =	sadd.s32 $0xFFFFFEF7, lr;
	s5 =	simm.s32 $0xFFFFFFFF;
	p2 =	slt.u32 s8, $0xFFFFF086  }
0x1c: {  	p1 =	slt.u32 s9, $0xF7A;
	s5 =	simm.s32 @!p2 $0x0  }
0x1d: {  	s5 =	simm.s32 @p1 $0x1;
	p0 =	seq.s32 s7, s2  }
0x1e: {  	s7 =	smul.u32 @!p0 $0xF7A, s2;
	p2 =	seq.s32 @!p0 s5, $0x0  }
0x1f: {  	s9 =	smul.u32 $0xF7A, s1;
	s8 =	simm.s32 @!p0 $0x1BF5;
	p2 =	por !p2, p0  }
0x20: {  	[sflag:s8] =	ssyncset.s32 @!p0 $0xFFFFF086;
	s6 =	sadd.s32 @!p0 s3, s7;
	s7 =	simm.s32 @!p0 $0x108  }
0x21: {  	s3 =	sadd.s32 s3, s9;
	s6 =	sadd.s32 @!p0 $0x88, s6;
	s7 =	simm.s32 @p2 $0x1082  }
0x22: {  	[simem:s7], [sflag:s8] =	dma.local @!p0 [hbm:s6], $0xF7A  }
0x23: {  	s9 =	sor.u32 $0xD0000000, s2;
	s6 =	simm.s32 $0x108;
	_ =	swait.ge @!p0 [sflag:s8], $0x0  }
0x24: {  	s3 =	sadd.s32 $0x88, s3;
	s6 =	simm.s32 @!p1 $0x1082;
	[sflag:s4] =	ssyncset.s32 $0xFFFFF086  }
0x25: {  	[simem:s6], [sflag:s4] =	dma.local [hbm:s3], $0xF7A  }
0x26: {  	[smem:$0x3F96] =	sst s1;
	(tag) =	ssettag s2;
	_ =	strace s9  }
0x27: {  	s1 =	sld [smem:$0x3FA6]  }
0x28: {  	s2 =	sld [smem:$0x3FA7]  }
0x29: {  	s4 =	sld [smem:$0x3FA9]  }
0x2a: {  	p0 =	seq.s32 s5, $0x0;
	s5 =	sld [smem:$0x3FAA]  }
0x2b: {  	s6 =	sld [smem:$0x3FAB]  }
0x2c: {  	s7 =	sld [smem:$0x3FAC]  }
0x2d: {  	s3 =	simm.s32 $0x108;
	s8 =	sld [smem:$0x3FAD]  }
0x2e: {  	s3 =	simm.s32 @!p0 $0x1082;
	s9 =	sld [smem:$0x3FAE]  }
0x2f: {  	lr =	sadd.s32 s0, s3;
	s0 =	sld [smem:$0x3FA5]  }
0x30: {  	s3 =	sld [smem:$0x3FA8]  }
0x31: {  	[smem:$0x3FB1] =	sst s10  }
0x32: {  	s10 =	sld [smem:$0x3FAF];
	_ =	sdelay $0x3  }
0x33: {  	p0 =	seq.s32 s10, $0x1;
	s10 =	sld [smem:$0x3FB1];
	_ =	sdelay $0x3  }
0x34: {  	[smem:$0x3FB1] =	sst s10  }
0x35: {  	s10 =	sld [smem:$0x3FB0];
	_ =	sdelay $0x3  }
0x36: {  	p1 =	seq.s32 s10, $0x1;
	s10 =	sld [smem:$0x3FB1];
	_ =	sdelay $0x3  }
0x37: {  	[smem:$0x3FB1] =	sst s10  }
0x38: {  	s10 =	sld [smem:$0x3FB2]  }
0x39: {  	_ = 	snop;
	(pc) =	sbr.ind lr, $3  }
0x3a: {  	_ = 	snop  }
0x3b: {  	_ = 	snop  }
0x3c: {  	p2 =	seq.s32 s10, $0x1;
	s10 =	sld [smem:$0x3FB1]  }
0x3d: {  	_ =	shalt  }
0x3e: {  	_ =	shalt  }
0x3f: {  	_ =	shalt  }
0x40: {  	_ =	shalt  }
0x41: {  	_ =	shalt  }
0x42: {  	_ =	shalt  }
0x43: {  	_ =	shalt  }
0x44: {  	_ =	shalt  }
0x45: {  	_ =	shalt  }
0x46: {  	_ =	shalt  }
0x47: {  	_ =	shalt  }
0x48: {  	_ =	shalt  }
0x49: {  	_ =	shalt  }
0x4a: {  	_ =	shalt  }
0x4b: {  	_ =	shalt  }
0x4c: {  	_ =	shalt  }
0x4d: {  	_ =	shalt  }
0x4e: {  	_ =	shalt  }
0x4f: {  	_ =	shalt  }
0x50: {  	_ =	shalt  }
0x51: {  	_ =	shalt  }
0x52: {  	_ =	shalt  }
0x53: {  	_ =	shalt  }
0x54: {  	_ =	shalt  }
0x55: {  	_ =	shalt  }
0x56: {  	_ =	shalt  }
0x57: {  	_ =	shalt  }
0x58: {  	_ =	shalt  }
0x59: {  	_ =	shalt  }
0x5a: {  	_ =	shalt  }
0x5b: {  	_ =	shalt  }
0x5c: {  	_ =	shalt  }
0x5d: {  	_ =	shalt  }
0x5e: {  	_ =	shalt  }
0x5f: {  	_ =	shalt  }
0x60: {  	_ =	shalt  }
0x61: {  	_ =	shalt  }
0x62: {  	_ =	shalt  }
0x63: {  	_ =	shalt  }
0x64: {  	_ =	shalt  }
0x65: {  	_ =	shalt  }
0x66: {  	_ =	shalt  }
0x67: {  	_ =	shalt  }
0x68: {  	_ =	shalt  }
0x69: {  	_ =	shalt  }
0x6a: {  	_ =	shalt  }
0x6b: {  	_ =	shalt  }
0x6c: {  	_ =	shalt  }
0x6d: {  	_ =	shalt  }
0x6e: {  	_ =	shalt  }
0x6f: {  	_ =	shalt  }
0x70: {  	_ =	shalt  }
0x71: {  	_ =	shalt  }
0x72: {  	_ =	shalt  }
0x73: {  	_ =	shalt  }
0x74: {  	_ =	shalt  }
0x75: {  	_ =	shalt  }
0x76: {  	_ =	shalt  }
0x77: {  	_ =	shalt  }
0x78: {  	_ =	shalt  }
0x79: {  	_ =	shalt  }
0x7a: {  	_ =	shalt  }
0x7b: {  	_ =	shalt  }
0x7c: {  	_ =	shalt  }
0x7d: {  	_ =	shalt  }
0x7e: {  	_ =	shalt  }
0x7f: {  	_ =	shalt  }
0x80: {  	_ =	shalt  }
0x81: {  	_ =	shalt  }
0x82: {  	_ =	shalt  }
0x83: {  	_ =	shalt  }
0x84: {  	_ =	shalt  }
0x85: {  	_ =	shalt  }
0x86: {  	_ =	shalt  }
0x87: {  	_ =	shalt  }
.Lfunc_end0:
.L_simem_size_0:
called_computation.2_lowered:
.L_overlay_start_0:
0x88: {  	s2 =	sld [smem:$0x3FD9]  }
0x89: {  	s3 =	sld [smem:$0x3FFE];
	_ =	sdelay $0x1  }
0x8a: {  	s1 =	srdreg.scid  }
0x8b: {  	s0 =	sand.u32 $0x1, s1  }
0x8c: {  	s14 =	sshll.u32 s0, $0xA;
	s2 =	sadd.s32 s3, s2  }
0x8d: {  	s2 =	sadd.s32 s2, s14  }
0x8e: {  	[smem:$0x3FBD] =	sst s2  }
0x8f: {  	_ = 	snop  }
0x90: {  	s2 =	sld [smem:$0x3FD0];
	_ =	sdelay $0x2  }
0x91: {  	s15 =	simm.s32 $0xB;
	s4 =	simm.s32 $0x10  }
0x92: {  	[smem:s4], [sflag:s15] =	dma.local [hbm:s2], $0x1  }
0x93: {  	_ =	swait.eq [sflag:s15], $0x1  }
0x94: {  	[sflag:s15] =	ssyncset.done $0x0  }
0x95: {  	[sflag:s15] =	ssyncadd.s32 $0xFFFFFFFF  }
0x96: {  	s16 =	sld [smem:$0x12];
	(tm) =	ssettm $0x1  }
0x97: {  	s17 =	sld [smem:$0x3FFB];
	_ =	sdelay $0x3  }
0x98: {  	_ =	strace s17  }
0x99: {  	s3 =	sld [smem:$0x3FFC];
	_ =	sdelay $0x3  }
0x9a: {  	_ =	strace s3  }
0x9b: {  	s3 =	sld [smem:$0x3FFD];
	_ =	sdelay $0x3  }
0x9c: {  	_ =	strace s3  }
0x9d: {  	_ =	strace $0x8FFFFFFF  }
0x9e: {  	s18 =	sld [smem:$0x3FDB];
	_ =	sdelay $0x1  }
0x9f: {  	s19 =	simm.s32 $_scs_section_size  }
0xa0: {  	s5 =	simm.s32 $_size__tile_overlayer_lowered;
	s6 =	simm.s32 $_tile_overlayer_lowered  }
0xa1: {  	s22 =	simm.s32 $0x1BFF;
	s21 =	sshll.u32 s6, $0x1;
	s3 =	sadd.s32 s19, s18  }
0xa2: {  	s7 =	simm.s32 $0x0;
	s20 =	sshll.u32 s5, $0x1;
	s5 =	sadd.s32 s21, s3  }
0xa3: {  	[timem:s7], [sflag:s22] =	dma.local [hbm:s5], s20  }
0xa4: {  	_ =	swait.ge [sflag:s22], s20  }
0xa5: {  	s4 =	ssub.s32 $0x0, s20;
	[sflag:s22] =	ssyncset.done $0x0  }
0xa6: {  	[sflag:s22] =	ssyncadd.s32 s4;
	_ =	sdelay $0x1  }
0xa7: {  	s23 =	simm.s32 $0x1B8B  }
0xa8: {  	_ =	swait.ge [sflag:s23], $0x1  }
0xa9: {  	[sflag:s23] =	ssyncset.done $0x0  }
0xaa: {  	s25 =	simm.s32 $0x1B8E;
	s24 =	sld [smem:$0x3FFE];
	[sflag:s23] =	ssyncadd.s32 $0xFFFFFFFF  }
0xab: {  	s26 =	simm.s32 $execute0_lowered;
	[smem:$0x3FD2] =	sst s25  }
0xac: {  	s5 =	sshll.u32 s26, $0x1;
	_ =	strace $0x8000004C;
	[dreg:$0x1] =	wrdreg $0xFFFFFFFF  }
0xad: {  	s28 =	simm.s32 $_size_execute0_lowered;
	s3 =	sadd.s32 s3, s5;
	[dreg:$0x0] =	wrdreg $0x0  }
0xae: {  	s5 =	sshll.u32 s28, $0x1;
	[dreg:$0x2] =	wrdreg s3  }
0xaf: {  	[dreg:$0x3] =	wrdreg s5  }
0xb0: {  	[dreg:$0x4] =	wrdreg $0xC0  }
0xb1: {  	_ =	task [dreg:s7], $0x5FFFF  }
0xb2: {  	[dreg:$0x1] =	wrdreg $0xFFFFFFFF  }
0xb3: {  	[dreg:$0x0] =	wrdreg $0x60  }
0xb4: {  	[dreg:$0x2] =	wrdreg s16  }
0xb5: {  	[dreg:$0x3] =	wrdreg s24  }
0xb6: {  	[dreg:$0x4] =	wrdreg $0xA1000  }
0xb7: {  	[dreg:$0x5] =	wrdreg $0x9  }
0xb8: {  	_ =	task.clear_ibuf [dreg:s7], $0x6FFFF;
	_ =	strace $0x9000004C  }
0xb9: {  	s29 =	simm.s32 $0x9;
	_ =	strace $0x8000004E  }
0xba: {  	_ =	swait.ge [sflag:s29], $0x1  }
0xbb: {  	[sflag:s29] =	ssyncadd.s32 $0xFFFFFFFF  }
0xbc: {  	_ =	strace $0x9000004E  }
0xbd: {  	_ =	sfence  }
0xbe: {  	s30 =	sld [smem:$0x0];
	_ =	sdelay $0x2  }
0xbf: {  	s31 =	sshll.u32 s1, $0xD;
	s1 =	sshrl.u32 s1, $0x2  }
0xc0: {  	s3 =	sand.u32 $0x4000, s31;
	s1 =	sadd.s32 s1, s30  }
0xc1: {  	s0 =	sor.u32 s3, s0;
	s1 =	sshll.u32 s1, $0x11  }
0xc2: {  	s0 =	sor.u32 s1, s0  }
0xc3: {  	s0 =	sadd.s32 $0x8F2B, s0  }
0xc4: {  	[sflag:s0] =	ssyncadd.remote.s32 $0x1  }
0xc5: {  	_ =	sfence.sel $0xFFFF  }
0xc6: {  	[dreg:$0x0] =	wrdreg $0xFFFFFFFF;
	(pc) =	sbr.abs _section_cstart, $3  }
0xc7: {  	[dreg:$0x1] =	wrdreg $0xFFFFFFFF  }
0xc8: {  	_ =	task.clear_ibuf [dreg:s7], $0x2FFFF;
	_ =	strace $0x9FFFFFFF  }
0xc9: {  	(tm) =	ssettm $0x7FFFFFFF  }
tec
execute0_lowered:
.L_overlay_start_1:
0x0: {  	(tag) =	ssettag $0x1  }
0x1: {  	s1 =	rddreg [dreg:$0x0]  }
0x2: {  	s0 =	srdreg.scid;
	s6 =	rddreg [dreg:$0x1]  }
0x3: {  	s12 =	stileid.u32;
	s3 =	rddreg [dreg:$0x2]  }
0x4: {  	s4 =	simm.s32 $0x0;
	s29 =	simm.s32 $0x7900;
	s30 =	simm.s32 $0x4  }
0x5: {  	s31 =	simm.s32 $0x1;
	s28 =	simm.s32 $0x6;
	s8 =	smul.u32 $0x14000, s12  }
0x6: {  	s0 =	sand.u32 $0x1, s0;
	s2 =	sshll.u32 s12, $0x1;
	s10 =	smul.u32 $0x50000, s12  }
0x7: {  	[smem:$0x7FF] =	sst s4;
	s5 =	sadd.s32 $0x3E00, s6;
	s14 =	smul.u32 $0x4E20, s12  }
0x8: {  	s11 =	sadd.s32 $0x21A00, s6;
	s18 =	sshll.u32 s12, $0x6;
	s7 =	smul.u32 $0x140000, s0  }
0x9: {  	s2 =	sor.u32 s0, s2;
	s26 =	ssub.s32 $0x2, s0;
	s0 =	smul.u32 $0x2710, s0  }
0xa: {  	_ =	strace $0x8000004D;
	[dreg:$0x4] =	wrdreg s11;
	s2 =	smul.u32 $0x2710, s2  }
0xb: {  	s11 =	sshrl.u32 s26, $0x1;
	s13 =	sshrl.u32 s10, $0x2;
	s7 =	sadd.s32 s8, s7  }
0xc: {  	s8 =	ssub.s32 s26, s11;
	s15 =	sadd.s32 s13, s3;
	s0 =	sadd.s32 s0, s14  }
0xd: {  	s2 =	sshrl.u32 s2, $0x3;
	s7 =	sshrl.u32 s7, $0x3;
	s21 =	smax.u32 s8, $0x1  }
0xe: {  	s22 =	sadd.s32 $0x190, s0;
	s24 =	sadd.s32 $0x140, s0;
	s8 =	simm.s32 $0x0  }
0xf: {  	s9 =	sadd.s32 s2, s6;
	s6 =	sadd.s32 s7, s6;
	s7 =	sor.u32 $0x1C07, s18  }
0x10: {  	[dreg:$0x9] =	wrdreg s21;
	s26 =	sshrl.u32 s24, $0x3;
	s18 =	sadd.s32 $0xF0, s0  }
0x11: {  	s21 =	simm.s32 $0x2780;
	s24 =	simm.s32 $0x2800;
	s9 =	sadd.s32 $0xDC00, s9  }
0x12: {  	s20 =	sadd.s32 $0x24200, s6;
	[dreg:$0x5] =	wrdreg s9;
	s9 =	sadd.s32 s5, s2  }
0x13: {  	s0 =	simm.s32 $0x2;
	[dreg:$0x8] =	wrdreg s20;
	s2 =	sadd.s32 $0xA, s9  }
0x14: {  	s17 =	sadd.s32 s26, s5;
	s19 =	sadd.s32 $0x14, s9;
	[dreg:$0x6] =	wrdreg s2  }
0x15: {  	s26 =	simm.s32 $0x2880;
	s23 =	sadd.s32 $0x4CE, s9;
	[dreg:$0x7] =	wrdreg s19  }
0x16: {  	s6 =	simm.s32 $0x3;
	s25 =	sadd.s32 $0x4D8, s9;
	[dreg:$0xa] =	wrdreg s23  }
0x17: {  	s20 =	simm.s32 $0x7;
	s2 =	sshrl.u32 s22, $0x3;
	[dreg:$0xb] =	wrdreg s25  }
0x18: {  	s19 =	sshrl.u32 s15, $0x3;
	s22 =	simm.s32 $0x50;
	s23 =	simm.s32 $0x2900  }
0x19: {  	s25 =	simm.s32 $0x5100;
	s16 =	sadd.s32 s2, s5;
	s2 =	simm.s32 $0x5  }
.LBB2_1:
0x1a: {  	s10 =	rddreg [dreg:$0x4]  }
0x1b: {  	[spmem:s19], [sflag:s7] =	dma.local [hbm:s10], $0x2800  }
0x1c: {  	_ =	swait.ge [sflag:s20], $0x2800  }
0x1d: {  	[sflag:s20] =	ssyncset.done $0x0  }
0x1e: {  	s14 =	rddreg [dreg:$0x5];
	[sflag:s20] =	ssyncadd.s32 $0xFFFFD800  }
0x1f: {  	[tilespmem:s4], [sflag:$0x7] =	stream.linear.gather [hbm4b:s14+s4], $0x2710, $0x38;
	[tilespmem:$0x1E100] =	vst v63  }
0x20: {  	_ =	swait.ge [sflag:s20], $0x2710  }
0x21: {  	[sflag:s20] =	ssyncset.done $0x0  }
0x22: {  	[sflag:s20] =	ssyncadd.s32 $0xFFFFD8F0  }
0x23: {  	[bflag:$0x0] =	sbarrier.arrive $0xFFFF  }
0x24: {  	[tilespmem:s21], [sflag:$0x4] =	stream.linear.gather [hbm4b:s9+s4], $0x50, $0x38;
	[tilespmem:$0x1E100] =	vst v63  }
0x25: {  	_ = 	snop  }
0x26: {  	[tilespmem:s23], [sflag:$0x1] =	stream.indirect.gather [hbm4b:s1+s22], $0x80, s4, s22, $0xb8;
	[tilespmem:$0x1E100] =	vst v63  }
0x27: {  	s15 =	rddreg [dreg:$0x6]  }
0x28: {  	[tilespmem:s24], [sflag:$0x5] =	stream.linear.gather [hbm4b:s15+s4], $0x50, $0x38;
	[tilespmem:$0x1E100] =	vst v63  }
0x29: {  	_ = 	snop  }
0x2a: {  	[tilespmem:s25], [sflag:$0x2] =	stream.indirect.gather [hbm4b:s1+s22], $0x80, s22, s22, $0xb8;
	[tilespmem:$0x1E100] =	vst v63  }
0x2b: {  	s11 =	rddreg [dreg:$0x7]  }
0x2c: {  	[tilespmem:s26], [sflag:$0x6] =	stream.linear.gather [hbm4b:s11+s4], $0x50, $0x38;
	[tilespmem:$0x1E100] =	vst v63  }
0x2d: {  	s12 =	simm.s32 $0xA0  }
0x2e: {  	[tilespmem:s29], [sflag:$0x3] =	stream.indirect.gather [hbm4b:s1+s22], $0x80, s12, s22, $0xb8;
	[tilespmem:$0x1E100] =	vst v63  }
0x2f: {  	_ =	swait.ge [sflag:s30], $0x50  }
0x30: {  	[sflag:s30] =	ssyncset.done $0x0  }
0x31: {  	[sflag:s30] =	ssyncadd.s32 $0xFFFFFFB0  }
0x32: {  	_ =	swait.ge [sflag:s31], $0x2800  }
0x33: {  	[sflag:s31] =	ssyncset.done $0x0  }
0x34: {  	[sflag:s31] =	ssyncadd.s32 $0xFFFFD800  }
0x35: {  	[spmem:s3] =	stream.indirect.scatter.add.f32 [tilespmem:s23], [sflag:$0x7], $0x80, s21, s22, $0xb8;
	[tilespmem:$0x1E100] =	vst v63  }
0x36: {  	_ =	swait.ge [sflag:s20], $0x2800  }
0x37: {  	s13 =	sshrl.u32 s18, $0x3;
	[sflag:s20] =	ssyncset.done $0x0  }
0x38: {  	s10 =	sadd.s32 s5, s13;
	[sflag:s20] =	ssyncadd.s32 $0xFFFFD800  }
0x39: {  	[tilespmem:s21], [sflag:$0x4] =	stream.linear.gather [hbm4b:s10+s4], $0x50, $0x38;
	[tilespmem:$0x1E100] =	vst v63  }
0x3a: {  	s14 =	simm.s32 $0xF0  }
0x3b: {  	[tilespmem:s23], [sflag:$0x1] =	stream.indirect.gather [hbm4b:s1+s22], $0x80, s14, s22, $0xb8;
	[tilespmem:$0x1E100] =	vst v63  }
0x3c: {  	_ =	swait.ge [sflag:s2], $0x50  }
0x3d: {  	[sflag:s2] =	ssyncset.done $0x0  }
0x3e: {  	[sflag:s2] =	ssyncadd.s32 $0xFFFFFFB0  }
0x3f: {  	_ =	swait.ge [sflag:s0], $0x2800  }
0x40: {  	[sflag:s0] =	ssyncset.done $0x0  }
0x41: {  	[sflag:s0] =	ssyncadd.s32 $0xFFFFD800  }
0x42: {  	[spmem:s3] =	stream.indirect.scatter.add.f32 [tilespmem:s25], [sflag:$0x7], $0x80, s24, s22, $0xb8;
	[tilespmem:$0x1E100] =	vst v63  }
0x43: {  	_ =	swait.ge [sflag:s20], $0x2800  }
0x44: {  	[sflag:s20] =	ssyncset.done $0x0  }
0x45: {  	[sflag:s20] =	ssyncadd.s32 $0xFFFFD800  }
0x46: {  	[tilespmem:s24], [sflag:$0x5] =	stream.linear.gather [hbm4b:s17+s4], $0x50, $0x38;
	[tilespmem:$0x1E100] =	vst v63  }
0x47: {  	s15 =	simm.s32 $0x140  }
0x48: {  	[tilespmem:s25], [sflag:$0x2] =	stream.indirect.gather [hbm4b:s1+s22], $0x80, s15, s22, $0xb8;
	[tilespmem:$0x1E100] =	vst v63  }
0x49: {  	_ =	swait.ge [sflag:s28], $0x50  }
0x4a: {  	[sflag:s28] =	ssyncset.done $0x0  }
0x4b: {  	[sflag:s28] =	ssyncadd.s32 $0xFFFFFFB0  }
0x4c: {  	_ =	swait.ge [sflag:s6], $0x2800  }
0x4d: {  	[sflag:s6] =	ssyncset.done $0x0  }
0x4e: {  	[sflag:s6] =	ssyncadd.s32 $0xFFFFD800  }
0x4f: {  	[spmem:s3] =	stream.indirect.scatter.add.f32 [tilespmem:s29], [sflag:$0x7], $0x80, s26, s22, $0xb8;
	[tilespmem:$0x1E100] =	vst v63  }
0x50: {  	s13 =	sadd.s32 $0x1E, s17;
	_ =	swait.ge [sflag:s20], $0x2800  }
0x51: {  	s11 =	sadd.s32 $0xF0, s18;
	s12 =	sadd.s32 $0x1E, s16;
	[sflag:s20] =	ssyncset.done $0x0  }
0x52: {  	s10 =	simm.s32 $0x3C0;
	s14 =	simm.s32 $0x190;
	[sflag:s20] =	ssyncadd.s32 $0xFFFFD800  }
0x53: {  	[tilespmem:s26], [sflag:$0x6] =	stream.linear.gather [hbm4b:s16+s4], $0x50, $0x38;
	[tilespmem:$0x1E100] =	vst v63  }
.LBB2_2:
0x54: {  	[tilespmem:s29], [sflag:$0x3] =	stream.indirect.gather [hbm4b:s1+s22], $0x80, s14, s22, $0xb8;
	[tilespmem:$0x1E100] =	vst v63  }
0x55: {  	s14 =	smov.u32 s10  }
0x56: {  	p0 =	sne.s32 s10, $0x9240;
	s10 =	sadd.s32 $0x3C0, s10;
	_ =	swait.ge [sflag:s30], $0x50  }
0x57: {  	[sflag:s30] =	ssyncset.done $0x0  }
0x58: {  	[sflag:s30] =	ssyncadd.s32 $0xFFFFFFB0  }
0x59: {  	_ =	swait.ge [sflag:s31], $0x2800  }
0x5a: {  	[sflag:s31] =	ssyncset.done $0x0  }
0x5b: {  	[sflag:s31] =	ssyncadd.s32 $0xFFFFD800  }
0x5c: {  	[spmem:s3] =	stream.indirect.scatter.add.f32 [tilespmem:s23], [sflag:$0x7], $0x80, s21, s22, $0xb8;
	[tilespmem:$0x1E100] =	vst v63  }
0x5d: {  	_ =	swait.ge [sflag:s20], $0x2800  }
0x5e: {  	s15 =	sshrl.u32 s11, $0x3;
	[sflag:s20] =	ssyncset.done $0x0  }
0x5f: {  	s15 =	sadd.s32 s5, s15;
	s14 =	sshra.s32 s14, $0x2;
	[sflag:s20] =	ssyncadd.s32 $0xFFFFD800  }
0x60: {  	[tilespmem:s21], [sflag:$0x4] =	stream.linear.gather [hbm4b:s15+s4], $0x50, $0x38;
	[tilespmem:$0x1E100] =	vst v63  }
0x61: {  	s15 =	sadd.s32 $0xF0, s14  }
0x62: {  	[tilespmem:s23], [sflag:$0x1] =	stream.indirect.gather [hbm4b:s1+s22], $0x80, s15, s22, $0xb8;
	[tilespmem:$0x1E100] =	vst v63  }
0x63: {  	_ =	swait.ge [sflag:s2], $0x50  }
0x64: {  	[sflag:s2] =	ssyncset.done $0x0  }
0x65: {  	[sflag:s2] =	ssyncadd.s32 $0xFFFFFFB0  }
0x66: {  	_ =	swait.ge [sflag:s0], $0x2800  }
0x67: {  	[sflag:s0] =	ssyncset.done $0x0  }
0x68: {  	[sflag:s0] =	ssyncadd.s32 $0xFFFFD800  }
0x69: {  	[spmem:s3] =	stream.indirect.scatter.add.f32 [tilespmem:s25], [sflag:$0x7], $0x80, s24, s22, $0xb8;
	[tilespmem:$0x1E100] =	vst v63  }
0x6a: {  	_ =	swait.ge [sflag:s20], $0x2800  }
0x6b: {  	[sflag:s20] =	ssyncset.done $0x0  }
0x6c: {  	[sflag:s20] =	ssyncadd.s32 $0xFFFFD800  }
0x6d: {  	[tilespmem:s24], [sflag:$0x5] =	stream.linear.gather [hbm4b:s13+s4], $0x50, $0x38;
	[tilespmem:$0x1E100] =	vst v63  }
0x6e: {  	s15 =	sadd.s32 $0x140, s14  }
0x6f: {  	[tilespmem:s25], [sflag:$0x2] =	stream.indirect.gather [hbm4b:s1+s22], $0x80, s15, s22, $0xb8;
	[tilespmem:$0x1E100] =	vst v63  }
0x70: {  	_ =	swait.ge [sflag:s28], $0x50  }
0x71: {  	[sflag:s28] =	ssyncset.done $0x0  }
0x72: {  	[sflag:s28] =	ssyncadd.s32 $0xFFFFFFB0  }
0x73: {  	_ =	swait.ge [sflag:s6], $0x2800  }
0x74: {  	[sflag:s6] =	ssyncset.done $0x0  }
0x75: {  	[sflag:s6] =	ssyncadd.s32 $0xFFFFD800  }
0x76: {  	[spmem:s3] =	stream.indirect.scatter.add.f32 [tilespmem:s29], [sflag:$0x7], $0x80, s26, s22, $0xb8;
	[tilespmem:$0x1E100] =	vst v63  }
.Ltmp0:
0x77: {  	_ =	swait.ge [sflag:s20], $0x2800;
	(pc) =	sbr.rel @p0 .LBB2_2-.Ltmp0, $4  }
0x78: {  	[sflag:s20] =	ssyncset.done $0x0  }
0x79: {  	s11 =	sadd.s32 $0xF0, s11;
	[sflag:s20] =	ssyncadd.s32 $0xFFFFD800  }
0x7a: {  	[tilespmem:s26], [sflag:$0x6] =	stream.linear.gather [hbm4b:s12+s4], $0x50, $0x38;
	[tilespmem:$0x1E100] =	vst v63  }
0x7b: {  	s14 =	sadd.s32 $0x190, s14;
	s13 =	sadd.s32 $0x1E, s13;
	s12 =	sadd.s32 $0x1E, s12  }
0x7c: {  	[tilespmem:s29], [sflag:$0x3] =	stream.indirect.gather [hbm4b:s1+s22], $0x80, s14, s22, $0xb8;
	[tilespmem:$0x1E100] =	vst v63  }
0x7d: {  	_ =	swait.ge [sflag:s30], $0x50  }
0x7e: {  	[sflag:s30] =	ssyncset.done $0x0  }
0x7f: {  	[sflag:s30] =	ssyncadd.s32 $0xFFFFFFB0  }
0x80: {  	_ =	swait.ge [sflag:s31], $0x2800  }
0x81: {  	[sflag:s31] =	ssyncset.done $0x0  }
0x82: {  	[sflag:s31] =	ssyncadd.s32 $0xFFFFD800  }
0x83: {  	[spmem:s3] =	stream.indirect.scatter.add.f32 [tilespmem:s23], [sflag:$0x7], $0x80, s21, s22, $0xb8;
	[tilespmem:$0x1E100] =	vst v63  }
0x84: {  	_ =	swait.ge [sflag:s20], $0x2800  }
0x85: {  	[sflag:s20] =	ssyncset.done $0x0  }
0x86: {  	s10 =	rddreg [dreg:$0xa];
	[sflag:s20] =	ssyncadd.s32 $0xFFFFD800  }
0x87: {  	[tilespmem:s21], [sflag:$0x4] =	stream.linear.gather [hbm4b:s10+s4], $0x50, $0x38;
	[tilespmem:$0x1E100] =	vst v63  }
0x88: {  	s11 =	simm.s32 $0x2670  }
0x89: {  	[tilespmem:s23], [sflag:$0x1] =	stream.indirect.gather [hbm4b:s1+s22], $0x80, s11, s22, $0xb8;
	[tilespmem:$0x1E100] =	vst v63  }
0x8a: {  	_ =	swait.ge [sflag:s2], $0x50  }
0x8b: {  	[sflag:s2] =	ssyncset.done $0x0  }
0x8c: {  	[sflag:s2] =	ssyncadd.s32 $0xFFFFFFB0  }
0x8d: {  	_ =	swait.ge [sflag:s0], $0x2800  }
0x8e: {  	[sflag:s0] =	ssyncset.done $0x0  }
0x8f: {  	[sflag:s0] =	ssyncadd.s32 $0xFFFFD800  }
0x90: {  	[spmem:s3] =	stream.indirect.scatter.add.f32 [tilespmem:s25], [sflag:$0x7], $0x80, s24, s22, $0xb8;
	[tilespmem:$0x1E100] =	vst v63  }
0x91: {  	_ =	swait.ge [sflag:s20], $0x2800  }
0x92: {  	[sflag:s20] =	ssyncset.done $0x0  }
0x93: {  	s12 =	rddreg [dreg:$0xb];
	[sflag:s20] =	ssyncadd.s32 $0xFFFFD800  }
0x94: {  	[tilespmem:s24], [sflag:$0x5] =	stream.linear.gather [hbm4b:s12+s4], $0x50, $0x38;
	[tilespmem:$0x1E100] =	vst v63  }
0x95: {  	s13 =	simm.s32 $0x26C0  }
0x96: {  	[tilespmem:s25], [sflag:$0x2] =	stream.indirect.gather [hbm4b:s1+s22], $0x80, s13, s22, $0xb8;
	[tilespmem:$0x1E100] =	vst v63  }
0x97: {  	_ =	swait.ge [sflag:s28], $0x50  }
0x98: {  	[sflag:s28] =	ssyncset.done $0x0  }
0x99: {  	[sflag:s28] =	ssyncadd.s32 $0xFFFFFFB0  }
0x9a: {  	_ =	swait.ge [sflag:s6], $0x2800  }
0x9b: {  	[sflag:s6] =	ssyncset.done $0x0  }
0x9c: {  	[sflag:s6] =	ssyncadd.s32 $0xFFFFD800  }
0x9d: {  	[spmem:s3] =	stream.indirect.scatter.add.f32 [tilespmem:s29], [sflag:$0x7], $0x80, s26, s22, $0xb8;
	[tilespmem:$0x1E100] =	vst v63  }
0x9e: {  	_ =	swait.ge [sflag:s20], $0x2800  }
0x9f: {  	[sflag:s20] =	ssyncset.done $0x0  }
0xa0: {  	[sflag:s20] =	ssyncadd.s32 $0xFFFFD800  }
0xa1: {  	_ =	swait.ge [sflag:s30], $0x50  }
0xa2: {  	[sflag:s30] =	ssyncset.done $0x0  }
0xa3: {  	[sflag:s30] =	ssyncadd.s32 $0xFFFFFFB0  }
0xa4: {  	_ =	swait.ge [sflag:s31], $0x2800  }
0xa5: {  	[sflag:s31] =	ssyncset.done $0x0  }
0xa6: {  	[sflag:s31] =	ssyncadd.s32 $0xFFFFD800  }
0xa7: {  	[spmem:s3] =	stream.indirect.scatter.add.f32 [tilespmem:s23], [sflag:$0x7], $0x80, s21, s22, $0xb8;
	[tilespmem:$0x1E100] =	vst v63  }
0xa8: {  	_ =	swait.ge [sflag:s20], $0x2800  }
0xa9: {  	[sflag:s20] =	ssyncset.done $0x0  }
0xaa: {  	[sflag:s20] =	ssyncadd.s32 $0xFFFFD800  }
0xab: {  	_ =	swait.ge [sflag:s2], $0x50  }
0xac: {  	[sflag:s2] =	ssyncset.done $0x0  }
0xad: {  	[sflag:s2] =	ssyncadd.s32 $0xFFFFFFB0  }
0xae: {  	_ =	swait.ge [sflag:s0], $0x2800  }
0xaf: {  	[sflag:s0] =	ssyncset.done $0x0  }
0xb0: {  	[sflag:s0] =	ssyncadd.s32 $0xFFFFD800  }
0xb1: {  	[spmem:s3] =	stream.indirect.scatter.add.f32 [tilespmem:s25], [sflag:$0x7], $0x80, s24, s22, $0xb8;
	[tilespmem:$0x1E100] =	vst v63  }
0xb2: {  	_ =	swait.ge [sflag:s20], $0x2800  }
0xb3: {  	[sflag:s20] =	ssyncset.done $0x0  }
0xb4: {  	[sflag:s20] =	ssyncadd.s32 $0xFFFFD800  }
0xb5: {  	[bflag:$0x0] =	sbarrier.arrive $0xFFFF  }
0xb6: {  	s14 =	rddreg [dreg:$0x8]  }
0xb7: {  	[hbm:s14], [sflag:s7] =	dma.local [spmem:s19], $0x2800  }
0xb8: {  	_ =	swait.ge [sflag:s20], $0x2800  }
0xb9: {  	s8 =	sadd.s32 $0x1, s8;
	s15 =	rddreg [dreg:$0x9]  }
0xba: {  	p0 =	sne.s32 s8, s15  }
.Ltmp1:
0xbb: {  	_ = 	snop;
	(pc) =	sbr.rel @p0 .LBB2_1-.Ltmp1, $3  }
0xbc: {  	_ =	sdelay $0x1  }
0xbd: {  	[sflag:s20] =	ssyncset.done $0x0  }
0xbe: {  	[sflag:s20] =	ssyncadd.s32 $0xFFFFD800  }
0xbf: {  	_ =	sfence.sel $0x180000  }
0xc0: {  	[bflag:$0x0] =	sbarrier.arrive $0xFFFF  }
0xc1: {  	_ =	strace $0x9000004D  }
0xc2: {  	s0 =	stileid.u32;
	[bflag:$0x2] =	sbarrier.arrive $0xFFFF  }
0xc3: {  	p0 =	sne.s32 s0, $0x0;
	s0 =	rddreg [dreg:$0x3]  }
0xc4: {  	s0 =	sadd.s32 @!p0 $0x100000, s0  }
0xc5: {  	[sflag:s0] =	ssyncadd.tile.s32 @!p0 $0x1;
	_ =	shalt  }
.Lfunc_end2:
_tile_overlayer_lowered:
.L_overlay_start_2:
0xc6: {  	(tag) =	ssettag $0x2  }
0xc7: {  	s0 =	rddreg [dreg:$0x0];
	s2 =	stileid.u32  }
0xc8: {  	s1 =	rddreg [dreg:$0x1];
	p0 =	sne.s32 s2, $0x0  }
0xc9: {  	s3 =	rddreg [dreg:$0x2];
	[bflag:$0x3] =	sbarrier.arrive $0xFFFF;
	s2 =	simm.s32 @!p0 $0x1C07  }
0xca: {  	[timem:s3], [sflag:s2] =	dma.local @!p0 [hbm:s0], s1  }
0xcb: {  	s0 =	simm.s32 @!p0 $0x7  }
0xcc: {  	_ =	swait.ge @!p0 [sflag:s0], s1  }
0xcd: {  	s1 =	ssub.s32 @!p0 $0x0, s1;
	[sflag:s0] =	ssyncset.done @!p0 $0x0  }
0xce: {  	[sflag:s0] =	ssyncadd.s32 @!p0 s1  }
0xcf: {  	[bflag:$0x3] =	sbarrier.arrive $0xFFFF  }
0xd0: {  	_ =	shalt  }

// kernel: kernel.20.cloned.1.call-start
scs
__scs_entry_jumppad:
0x0: {  	(pc) =	sbr.rel $0x88, $3  }
0x1: {  	(tag) =	ssettag $0x0;
	lr =	simm.s32 $0x1  }
0x2: {  	[smem:$0x3F96] =	sst lr;
	_ =	strace $0xD0000000  }
0x3: {  	_ = 	snop  }
0x4: {  	_ = 	snop  }
0x5: {  	_ = 	snop  }
0x6: {  	_ = 	snop  }
0x7: {  	_ = 	snop  }
__scs_overlays_trampoline_lowered:
0x8: {  	[smem:$0x3FA5] =	sst s0  }
0x9: {  	[smem:$0x3FA6] =	sst s1  }
0xa: {  	[smem:$0x3FA7] =	sst s2  }
0xb: {  	[smem:$0x3FA8] =	sst s3  }
0xc: {  	[smem:$0x3FA9] =	sst s4  }
0xd: {  	[smem:$0x3FAA] =	sst s5  }
0xe: {  	[smem:$0x3FAB] =	sst s6  }
0xf: {  	[smem:$0x3FAC] =	sst s7  }
0x10: {  	[smem:$0x3FAD] =	sst s8  }
0x11: {  	[smem:$0x3FAE] =	sst s9;
	s0 =	simm.s32 @!p0 $0x0  }
0x12: {  	s1 =	sld [smem:$0x3F94];
	s0 =	simm.s32 @p0 $0x1  }
0x13: {  	[smem:$0x3FAF] =	sst s0;
	s0 =	simm.s32 @!p1 $0x0  }
0x14: {  	s2 =	sld [smem:$0x3F93];
	s0 =	simm.s32 @p1 $0x1  }
0x15: {  	[smem:$0x3FB0] =	sst s0;
	s0 =	simm.s32 @!p2 $0x0  }
0x16: {  	s3 =	sld [smem:$0x3FDB];
	s0 =	simm.s32 @p2 $0x1  }
0x17: {  	s4 =	simm.s32 $0x1BF5;
	[smem:$0x3FB2] =	sst s0  }
0x18: {  	s0 =	sld [smem:$0x3F95];
	_ =	swait.ge [sflag:s4], $0x0  }
0x19: {  	s7 =	sld [smem:$0x3F96]  }
0x1a: {  	s8 =	sadd.s32 $0xFFFFE003, lr  }
0x1b: {  	s9 =	sadd.s32 $0xFFFFFEF7, lr;
	s5 =	simm.s32 $0xFFFFFFFF;
	p2 =	slt.u32 s8, $0xFFFFF086  }
0x1c: {  	p1 =	slt.u32 s9, $0xF7A;
	s5 =	simm.s32 @!p2 $0x0  }
0x1d: {  	s5 =	simm.s32 @p1 $0x1;
	p0 =	seq.s32 s7, s2  }
0x1e: {  	s7 =	smul.u32 @!p0 $0xF7A, s2;
	p2 =	seq.s32 @!p0 s5, $0x0  }
0x1f: {  	s9 =	smul.u32 $0xF7A, s1;
	s8 =	simm.s32 @!p0 $0x1BF5;
	p2 =	por !p2, p0  }
0x20: {  	[sflag:s8] =	ssyncset.s32 @!p0 $0xFFFFF086;
	s6 =	sadd.s32 @!p0 s3, s7;
	s7 =	simm.s32 @!p0 $0x108  }
0x21: {  	s3 =	sadd.s32 s3, s9;
	s6 =	sadd.s32 @!p0 $0x88, s6;
	s7 =	simm.s32 @p2 $0x1082  }
0x22: {  	[simem:s7], [sflag:s8] =	dma.local @!p0 [hbm:s6], $0xF7A  }
0x23: {  	s9 =	sor.u32 $0xD0000000, s2;
	s6 =	simm.s32 $0x108;
	_ =	swait.ge @!p0 [sflag:s8], $0x0  }
0x24: {  	s3 =	sadd.s32 $0x88, s3;
	s6 =	simm.s32 @!p1 $0x1082;
	[sflag:s4] =	ssyncset.s32 $0xFFFFF086  }
0x25: {  	[simem:s6], [sflag:s4] =	dma.local [hbm:s3], $0xF7A  }
0x26: {  	[smem:$0x3F96] =	sst s1;
	(tag) =	ssettag s2;
	_ =	strace s9  }
0x27: {  	s1 =	sld [smem:$0x3FA6]  }
0x28: {  	s2 =	sld [smem:$0x3FA7]  }
0x29: {  	s4 =	sld [smem:$0x3FA9]  }
0x2a: {  	p0 =	seq.s32 s5, $0x0;
	s5 =	sld [smem:$0x3FAA]  }
0x2b: {  	s6 =	sld [smem:$0x3FAB]  }
0x2c: {  	s7 =	sld [smem:$0x3FAC]  }
0x2d: {  	s3 =	simm.s32 $0x108;
	s8 =	sld [smem:$0x3FAD]  }
0x2e: {  	s3 =	simm.s32 @!p0 $0x1082;
	s9 =	sld [smem:$0x3FAE]  }
0x2f: {  	lr =	sadd.s32 s0, s3;
	s0 =	sld [smem:$0x3FA5]  }
0x30: {  	s3 =	sld [smem:$0x3FA8]  }
0x31: {  	[smem:$0x3FB1] =	sst s10  }
0x32: {  	s10 =	sld [smem:$0x3FAF];
	_ =	sdelay $0x3  }
0x33: {  	p0 =	seq.s32 s10, $0x1;
	s10 =	sld [smem:$0x3FB1];
	_ =	sdelay $0x3  }
0x34: {  	[smem:$0x3FB1] =	sst s10  }
0x35: {  	s10 =	sld [smem:$0x3FB0];
	_ =	sdelay $0x3  }
0x36: {  	p1 =	seq.s32 s10, $0x1;
	s10 =	sld [smem:$0x3FB1];
	_ =	sdelay $0x3  }
0x37: {  	[smem:$0x3FB1] =	sst s10  }
0x38: {  	s10 =	sld [smem:$0x3FB2]  }
0x39: {  	_ = 	snop;
	(pc) =	sbr.ind lr, $3  }
0x3a: {  	_ = 	snop  }
0x3b: {  	_ = 	snop  }
0x3c: {  	p2 =	seq.s32 s10, $0x1;
	s10 =	sld [smem:$0x3FB1]  }
0x3d: {  	_ =	shalt  }
0x3e: {  	_ =	shalt  }
0x3f: {  	_ =	shalt  }
0x40: {  	_ =	shalt  }
0x41: {  	_ =	shalt  }
0x42: {  	_ =	shalt  }
0x43: {  	_ =	shalt  }
0x44: {  	_ =	shalt  }
0x45: {  	_ =	shalt  }
0x46: {  	_ =	shalt  }
0x47: {  	_ =	shalt  }
0x48: {  	_ =	shalt  }
0x49: {  	_ =	shalt  }
0x4a: {  	_ =	shalt  }
0x4b: {  	_ =	shalt  }
0x4c: {  	_ =	shalt  }
0x4d: {  	_ =	shalt  }
0x4e: {  	_ =	shalt  }
0x4f: {  	_ =	shalt  }
0x50: {  	_ =	shalt  }
0x51: {  	_ =	shalt  }
0x52: {  	_ =	shalt  }
0x53: {  	_ =	shalt  }
0x54: {  	_ =	shalt  }
0x55: {  	_ =	shalt  }
0x56: {  	_ =	shalt  }
0x57: {  	_ =	shalt  }
0x58: {  	_ =	shalt  }
0x59: {  	_ =	shalt  }
0x5a: {  	_ =	shalt  }
0x5b: {  	_ =	shalt  }
0x5c: {  	_ =	shalt  }
0x5d: {  	_ =	shalt  }
0x5e: {  	_ =	shalt  }
0x5f: {  	_ =	shalt  }
0x60: {  	_ =	shalt  }
0x61: {  	_ =	shalt  }
0x62: {  	_ =	shalt  }
0x63: {  	_ =	shalt  }
0x64: {  	_ =	shalt  }
0x65: {  	_ =	shalt  }
0x66: {  	_ =	shalt  }
0x67: {  	_ =	shalt  }
0x68: {  	_ =	shalt  }
0x69: {  	_ =	shalt  }
0x6a: {  	_ =	shalt  }
0x6b: {  	_ =	shalt  }
0x6c: {  	_ =	shalt  }
0x6d: {  	_ =	shalt  }
0x6e: {  	_ =	shalt  }
0x6f: {  	_ =	shalt  }
0x70: {  	_ =	shalt  }
0x71: {  	_ =	shalt  }
0x72: {  	_ =	shalt  }
0x73: {  	_ =	shalt  }
0x74: {  	_ =	shalt  }
0x75: {  	_ =	shalt  }
0x76: {  	_ =	shalt  }
0x77: {  	_ =	shalt  }
0x78: {  	_ =	shalt  }
0x79: {  	_ =	shalt  }
0x7a: {  	_ =	shalt  }
0x7b: {  	_ =	shalt  }
0x7c: {  	_ =	shalt  }
0x7d: {  	_ =	shalt  }
0x7e: {  	_ =	shalt  }
0x7f: {  	_ =	shalt  }
0x80: {  	_ =	shalt  }
0x81: {  	_ =	shalt  }
0x82: {  	_ =	shalt  }
0x83: {  	_ =	shalt  }
0x84: {  	_ =	shalt  }
0x85: {  	_ =	shalt  }
0x86: {  	_ =	shalt  }
0x87: {  	_ =	shalt  }
.Lfunc_end0:
.L_simem_size_0:
called_computation.3_lowered:
.L_overlay_start_0:
0x88: {  	s2 =	sld [smem:$0x3FD9]  }
0x89: {  	s3 =	sld [smem:$0x3FFE];
	_ =	sdelay $0x1  }
0x8a: {  	s1 =	srdreg.scid  }
0x8b: {  	s0 =	sand.u32 $0x1, s1  }
0x8c: {  	s14 =	sshll.u32 s0, $0xA;
	s2 =	sadd.s32 s3, s2  }
0x8d: {  	s2 =	sadd.s32 s2, s14  }
0x8e: {  	[smem:$0x3FBD] =	sst s2  }
0x8f: {  	_ = 	snop  }
0x90: {  	s2 =	sld [smem:$0x3FD0];
	_ =	sdelay $0x2  }
0x91: {  	s15 =	simm.s32 $0xB;
	s4 =	simm.s32 $0x10  }
0x92: {  	[smem:s4], [sflag:s15] =	dma.local [hbm:s2], $0x1  }
0x93: {  	_ =	swait.eq [sflag:s15], $0x1  }
0x94: {  	[sflag:s15] =	ssyncset.done $0x0  }
0x95: {  	[sflag:s15] =	ssyncadd.s32 $0xFFFFFFFF  }
0x96: {  	s16 =	sld [smem:$0x11];
	(tm) =	ssettm $0x1  }
0x97: {  	s17 =	sld [smem:$0x3FFB];
	_ =	sdelay $0x3  }
0x98: {  	_ =	strace s17  }
0x99: {  	s3 =	sld [smem:$0x3FFC];
	_ =	sdelay $0x3  }
0x9a: {  	_ =	strace s3  }
0x9b: {  	s3 =	sld [smem:$0x3FFD];
	_ =	sdelay $0x3  }
0x9c: {  	_ =	strace s3  }
0x9d: {  	_ =	strace $0x8FFFFFFF  }
0x9e: {  	s18 =	sld [smem:$0x3FDB];
	_ =	sdelay $0x1  }
0x9f: {  	s19 =	simm.s32 $_scs_section_size  }
0xa0: {  	s5 =	simm.s32 $_size__tile_overlayer_lowered;
	s6 =	simm.s32 $_tile_overlayer_lowered  }
0xa1: {  	s22 =	simm.s32 $0x1BFF;
	s21 =	sshll.u32 s6, $0x1;
	s3 =	sadd.s32 s19, s18  }
0xa2: {  	s7 =	simm.s32 $0x0;
	s20 =	sshll.u32 s5, $0x1;
	s5 =	sadd.s32 s21, s3  }
0xa3: {  	[timem:s7], [sflag:s22] =	dma.local [hbm:s5], s20  }
0xa4: {  	_ =	swait.ge [sflag:s22], s20  }
0xa5: {  	s4 =	ssub.s32 $0x0, s20;
	[sflag:s22] =	ssyncset.done $0x0  }
0xa6: {  	[sflag:s22] =	ssyncadd.s32 s4;
	_ =	sdelay $0x1  }
0xa7: {  	s23 =	simm.s32 $0x1B8B  }
0xa8: {  	_ =	swait.ge [sflag:s23], $0x1  }
0xa9: {  	[sflag:s23] =	ssyncset.done $0x0  }
0xaa: {  	s25 =	simm.s32 $0x1B8E;
	s24 =	sld [smem:$0x3FFE];
	[sflag:s23] =	ssyncadd.s32 $0xFFFFFFFF  }
0xab: {  	s26 =	simm.s32 $execute0_lowered;
	[smem:$0x3FD2] =	sst s25  }
0xac: {  	s5 =	sshll.u32 s26, $0x1;
	_ =	strace $0x8000004F;
	[dreg:$0x1] =	wrdreg $0xFFFFFFFF  }
0xad: {  	s28 =	simm.s32 $_size_execute0_lowered;
	s3 =	sadd.s32 s3, s5;
	[dreg:$0x0] =	wrdreg $0x0  }
0xae: {  	s5 =	sshll.u32 s28, $0x1;
	[dreg:$0x2] =	wrdreg s3  }
0xaf: {  	[dreg:$0x3] =	wrdreg s5  }
0xb0: {  	[dreg:$0x4] =	wrdreg $0xC0  }
0xb1: {  	_ =	task [dreg:s7], $0x5FFFF  }
0xb2: {  	[dreg:$0x1] =	wrdreg $0xFFFFFFFF  }
0xb3: {  	[dreg:$0x0] =	wrdreg $0x60  }
0xb4: {  	[dreg:$0x2] =	wrdreg s24  }
0xb5: {  	[dreg:$0x3] =	wrdreg s16  }
0xb6: {  	[dreg:$0x4] =	wrdreg $0x46F00  }
0xb7: {  	[dreg:$0x5] =	wrdreg $0x9  }
0xb8: {  	_ =	task.clear_ibuf [dreg:s7], $0x6FFFF;
	_ =	strace $0x9000004F  }
0xb9: {  	s29 =	simm.s32 $0x9;
	_ =	strace $0x80000051  }
0xba: {  	_ =	swait.ge [sflag:s29], $0x1  }
0xbb: {  	[sflag:s29] =	ssyncadd.s32 $0xFFFFFFFF  }
0xbc: {  	_ =	strace $0x90000051  }
0xbd: {  	_ =	sfence  }
0xbe: {  	s30 =	sld [smem:$0x0];
	_ =	sdelay $0x2  }
0xbf: {  	s31 =	sshll.u32 s1, $0xD;
	s1 =	sshrl.u32 s1, $0x2  }
0xc0: {  	s3 =	sand.u32 $0x4000, s31;
	s1 =	sadd.s32 s1, s30  }
0xc1: {  	s0 =	sor.u32 s3, s0;
	s1 =	sshll.u32 s1, $0x11  }
0xc2: {  	s0 =	sor.u32 s1, s0  }
0xc3: {  	s0 =	sadd.s32 $0x8F2B, s0  }
0xc4: {  	[sflag:s0] =	ssyncadd.remote.s32 $0x1  }
0xc5: {  	_ =	sfence.sel $0xFFFF  }
0xc6: {  	[dreg:$0x0] =	wrdreg $0xFFFFFFFF;
	(pc) =	sbr.abs _section_cstart, $3  }
0xc7: {  	[dreg:$0x1] =	wrdreg $0xFFFFFFFF  }
0xc8: {  	_ =	task.clear_ibuf [dreg:s7], $0x2FFFF;
	_ =	strace $0x9FFFFFFF  }
0xc9: {  	(tm) =	ssettm $0x7FFFFFFF  }
tec
execute0_lowered:
.L_overlay_start_1:
0x0: {  	(tag) =	ssettag $0x1  }
0x1: {  	s0 =	srdreg.scid;
	s1 =	rddreg [dreg:$0x0]  }
0x2: {  	s11 =	stileid.u32;
	s3 =	rddreg [dreg:$0x2];
	s4 =	simm.s32 $0x0  }
0x3: {  	s28 =	simm.s32 $0x27B0;
	s29 =	simm.s32 $0x32F0;
	s30 =	simm.s32 $0x37F0  }
0x4: {  	s0 =	sand.u32 $0x1, s0;
	s2 =	sshll.u32 s11, $0x1;
	s6 =	smul.u32 $0x2800, s11  }
0x5: {  	[smem:$0x7FF] =	sst s4;
	s5 =	sadd.s32 $0x17A00, s1;
	s12 =	sadd.s32 $0x3E00, s1  }
0x6: {  	s26 =	sshll.u32 s11, $0x6;
	s31 =	smul.u32 $0x4E20, s11;
	s2 =	sor.u32 s0, s2  }
0x7: {  	s7 =	smul.u32 $0x28000, s0;
	_ =	strace $0x80000050;
	s8 =	ssub.s32 $0x2, s0  }
0x8: {  	s11 =	sor.u32 $0x1C0D, s26;
	s0 =	smul.u32 $0x2710, s0;
	[dreg:$0x4] =	wrdreg s12  }
0x9: {  	s2 =	smul.u32 $0x2710, s2;
	s10 =	sshrl.u32 s8, $0x1;
	[dreg:$0x5] =	wrdreg s11  }
0xa: {  	s7 =	sadd.s32 s6, s7;
	s25 =	ssub.s32 s8, s10;
	s6 =	sadd.s32 s6, s3  }
0xb: {  	s0 =	sadd.s32 s0, s31;
	s10 =	simm.s32 $0x3CF0;
	s2 =	sshrl.u32 s2, $0x3  }
0xc: {  	s7 =	sshrl.u32 s7, $0x3;
	s18 =	sadd.s32 $0x370, s0;
	s19 =	sadd.s32 $0x320, s0  }
0xd: {  	s23 =	sadd.s32 $0x2D0, s0;
	s24 =	sadd.s32 $0x280, s0;
	s6 =	sshrl.u32 s6, $0x3  }
0xe: {  	s9 =	sadd.s32 s2, s1;
	s2 =	sadd.s32 s12, s2;
	[dreg:$0x15] =	wrdreg s6  }
0xf: {  	s1 =	sadd.s32 s7, s1;
	s7 =	smax.u32 s25, $0x1;
	[dreg:$0x6] =	wrdreg s2  }
0x10: {  	s25 =	sadd.s32 $0x230, s0;
	s0 =	sadd.s32 $0x1E0, s0;
	[dreg:$0xe] =	wrdreg s7  }
0x11: {  	s8 =	simm.s32 $0xC;
	s13 =	sadd.s32 $0xDC00, s9;
	[dreg:$0x14] =	wrdreg s0  }
0x12: {  	s20 =	sshrl.u32 s18, $0x3;
	s14 =	sadd.s32 $0xA, s2;
	[dreg:$0x7] =	wrdreg s13  }
0x13: {  	s21 =	sshrl.u32 s19, $0x3;
	s15 =	sadd.s32 $0x14, s2;
	[dreg:$0x8] =	wrdreg s14  }
0x14: {  	s18 =	simm.s32 $0x3;
	s16 =	sadd.s32 $0x1E, s2;
	[dreg:$0x9] =	wrdreg s15  }
0x15: {  	s19 =	simm.s32 $0xA;
	s17 =	sadd.s32 $0x28, s2;
	[dreg:$0xa] =	wrdreg s16  }
0x16: {  	s2 =	sadd.s32 $0x32, s2;
	s1 =	sadd.s32 $0x1CA00, s1;
	[dreg:$0xb] =	wrdreg s17  }
0x17: {  	s22 =	sadd.s32 s21, s12;
	s7 =	sshrl.u32 s25, $0x3;
	[dreg:$0xc] =	wrdreg s2  }
0x18: {  	s25 =	simm.s32 $0x2DF0;
	s9 =	simm.s32 $0x2850;
	[dreg:$0xd] =	wrdreg s1  }
0x19: {  	s21 =	simm.s32 $0xB;
	s1 =	sadd.s32 s20, s12;
	[dreg:$0x10] =	wrdreg s22  }
0x1a: {  	s2 =	sshrl.u32 s24, $0x3;
	s31 =	sadd.s32 s7, s12;
	s24 =	simm.s32 $0xD  }
0x1b: {  	s14 =	simm.s32 $0x1;
	s15 =	simm.s32 $0x8;
	s16 =	simm.s32 $0x2  }
0x1c: {  	s17 =	simm.s32 $0x9;
	s20 =	simm.s32 $0x4;
	s22 =	simm.s32 $0x5  }
.Ltmp0:
0x1d: {  	s7 =	simm.s32 $0x6;
	s13 =	simm.s32 $0x0;
	(pc) =	sbr.rel .LBB2_1-.Ltmp0, $4  }
0x1e: {  	[dreg:$0xf] =	wrdreg s1;
	s1 =	sshrl.u32 s23, $0x3;
	s26 =	sadd.s32 s2, s12  }
0x1f: {  	[dreg:$0x13] =	wrdreg s31;
	s23 =	simm.s32 $0x2710;
	s2 =	simm.s32 $0x28F0  }
0x20: {  	s1 =	sadd.s32 s1, s12;
	[dreg:$0x12] =	wrdreg s26;
	s26 =	simm.s32 $0x50  }
0x21: {  	s12 =	simm.s32 $0x2760;
	[dreg:$0x11] =	wrdreg s1;
	s1 =	simm.s32 $0x2800  }
.LBB2_4:
0x22: {  	s0 =	simm.s32 $0x7  }
0x23: {  	_ =	swait.ge [sflag:s0], $0x50  }
0x24: {  	[sflag:s0] =	ssyncset.done $0x0  }
0x25: {  	[sflag:s0] =	ssyncadd.s32 $0xFFFFFFB0  }
0x26: {  	_ =	swait.ge [sflag:s14], $0x500  }
0x27: {  	[sflag:s14] =	ssyncset.done $0x0  }
0x28: {  	s23 =	simm.s32 $0x2710;
	s2 =	simm.s32 $0x28F0;
	[sflag:s14] =	ssyncadd.s32 $0xFFFFFB00  }
0x29: {  	[spmem:s3] =	stream.indirect.scatter.add.f32 [tilespmem:s2], [sflag:$0xD], $0x10, s23, s26, $0xb8;
	[tilespmem:$0x6EF0] =	vst v63  }
0x2a: {  	_ =	swait.ge [sflag:s24], $0x500  }
0x2b: {  	[sflag:s24] =	ssyncset.done $0x0  }
0x2c: {  	[sflag:s24] =	ssyncadd.s32 $0xFFFFFB00  }
0x2d: {  	_ =	swait.ge [sflag:s15], $0x50  }
0x2e: {  	[sflag:s15] =	ssyncset.done $0x0  }
0x2f: {  	[sflag:s15] =	ssyncadd.s32 $0xFFFFFFB0  }
0x30: {  	_ =	swait.ge [sflag:s16], $0x500  }
0x31: {  	[sflag:s16] =	ssyncset.done $0x0  }
0x32: {  	s25 =	simm.s32 $0x2DF0;
	[sflag:s16] =	ssyncadd.s32 $0xFFFFFB00  }
0x33: {  	[spmem:s3] =	stream.indirect.scatter.add.f32 [tilespmem:s25], [sflag:$0xD], $0x10, s12, s26, $0xb8;
	[tilespmem:$0x6EF0] =	vst v63  }
0x34: {  	_ =	swait.ge [sflag:s24], $0x500  }
0x35: {  	[sflag:s24] =	ssyncset.done $0x0  }
0x36: {  	[sflag:s24] =	ssyncadd.s32 $0xFFFFFB00  }
0x37: {  	_ =	swait.ge [sflag:s17], $0x50  }
0x38: {  	[sflag:s17] =	ssyncset.done $0x0  }
0x39: {  	[sflag:s17] =	ssyncadd.s32 $0xFFFFFFB0  }
0x3a: {  	_ =	swait.ge [sflag:s18], $0x500  }
0x3b: {  	[sflag:s18] =	ssyncset.done $0x0  }
0x3c: {  	s28 =	simm.s32 $0x27B0;
	s29 =	simm.s32 $0x32F0;
	[sflag:s18] =	ssyncadd.s32 $0xFFFFFB00  }
0x3d: {  	[spmem:s3] =	stream.indirect.scatter.add.f32 [tilespmem:s29], [sflag:$0xD], $0x10, s28, s26, $0xb8;
	[tilespmem:$0x6EF0] =	vst v63  }
0x3e: {  	_ =	swait.ge [sflag:s24], $0x500  }
0x3f: {  	[sflag:s24] =	ssyncset.done $0x0  }
0x40: {  	[sflag:s24] =	ssyncadd.s32 $0xFFFFFB00  }
0x41: {  	_ =	swait.ge [sflag:s19], $0x50  }
0x42: {  	[sflag:s19] =	ssyncset.done $0x0  }
0x43: {  	[sflag:s19] =	ssyncadd.s32 $0xFFFFFFB0  }
0x44: {  	_ =	swait.ge [sflag:s20], $0x500  }
0x45: {  	[sflag:s20] =	ssyncset.done $0x0  }
0x46: {  	s30 =	simm.s32 $0x37F0;
	[sflag:s20] =	ssyncadd.s32 $0xFFFFFB00  }
0x47: {  	[spmem:s3] =	stream.indirect.scatter.add.f32 [tilespmem:s30], [sflag:$0xD], $0x10, s1, s26, $0xb8;
	[tilespmem:$0x6EF0] =	vst v63  }
0x48: {  	_ =	swait.ge [sflag:s24], $0x500  }
0x49: {  	[sflag:s24] =	ssyncset.done $0x0  }
0x4a: {  	[sflag:s24] =	ssyncadd.s32 $0xFFFFFB00  }
0x4b: {  	_ =	swait.ge [sflag:s21], $0x50  }
0x4c: {  	[sflag:s21] =	ssyncset.done $0x0  }
0x4d: {  	[sflag:s21] =	ssyncadd.s32 $0xFFFFFFB0  }
0x4e: {  	_ =	swait.ge [sflag:s22], $0x500  }
0x4f: {  	[sflag:s22] =	ssyncset.done $0x0  }
0x50: {  	s9 =	simm.s32 $0x2850;
	s10 =	simm.s32 $0x3CF0;
	[sflag:s22] =	ssyncadd.s32 $0xFFFFFB00  }
0x51: {  	[spmem:s3] =	stream.indirect.scatter.add.f32 [tilespmem:s10], [sflag:$0xD], $0x10, s9, s26, $0xb8;
	[tilespmem:$0x6EF0] =	vst v63  }
0x52: {  	_ =	swait.ge [sflag:s24], $0x500  }
0x53: {  	[sflag:s24] =	ssyncset.done $0x0  }
0x54: {  	[sflag:s24] =	ssyncadd.s32 $0xFFFFFB00  }
0x55: {  	[bflag:$0x0] =	sbarrier.arrive $0xFFFF  }
0x56: {  	s11 =	rddreg [dreg:$0x5]  }
0x57: {  	s13 =	rddreg [dreg:$0xd]  }
0x58: {  	s6 =	rddreg [dreg:$0x15]  }
0x59: {  	[hbm:s13], [sflag:s11] =	dma.local [spmem:s6], $0x500  }
0x5a: {  	_ =	swait.ge [sflag:s24], $0x500  }
0x5b: {  	s13 =	rddreg [dreg:$0x16]  }
0x5c: {  	s31 =	rddreg [dreg:$0xe];
	s13 =	sadd.s32 $0x1, s13  }
0x5d: {  	p0 =	sne.s32 s13, s31  }
.Ltmp1:
0x5e: {  	_ = 	snop;
	(pc) =	sbr.rel @!p0 .LBB2_5-.Ltmp1, $3  }
0x5f: {  	_ =	sdelay $0x1  }
0x60: {  	[sflag:s24] =	ssyncset.done $0x0  }
0x61: {  	[sflag:s24] =	ssyncadd.s32 $0xFFFFFB00  }
.LBB2_1:
0x62: {  	[dreg:$0x16] =	wrdreg s13  }
0x63: {  	s0 =	rddreg [dreg:$0x1]  }
0x64: {  	[spmem:s6], [sflag:s11] =	dma.local [hbm:s0], $0x500  }
0x65: {  	_ =	swait.ge [sflag:s24], $0x500  }
0x66: {  	[sflag:s24] =	ssyncset.done $0x0  }
0x67: {  	s11 =	rddreg [dreg:$0x7];
	[sflag:s24] =	ssyncadd.s32 $0xFFFFFB00  }
0x68: {  	[tilespmem:s4], [sflag:$0xD] =	stream.linear.gather [hbm4b:s11+s4], $0x2710, $0x38;
	[tilespmem:$0x6EF0] =	vst v63  }
0x69: {  	_ =	swait.ge [sflag:s24], $0x2710  }
0x6a: {  	[sflag:s24] =	ssyncset.done $0x0  }
0x6b: {  	[sflag:s24] =	ssyncadd.s32 $0xFFFFD8F0  }
0x6c: {  	[bflag:$0x0] =	sbarrier.arrive $0xFFFF  }
0x6d: {  	s13 =	rddreg [dreg:$0x6]  }
0x6e: {  	[tilespmem:s23], [sflag:$0x7] =	stream.linear.gather [hbm4b:s13+s4], $0x50, $0x38;
	[tilespmem:$0x6EF0] =	vst v63  }
0x6f: {  	_ = 	snop  }
0x70: {  	[tilespmem:s2], [sflag:$0x1] =	stream.indirect.gather [hbm4b:s5+s26], $0x10, s4, s26, $0xb8;
	[tilespmem:$0x6EF0] =	vst v63  }
0x71: {  	s23 =	rddreg [dreg:$0x8]  }
0x72: {  	[tilespmem:s12], [sflag:$0x8] =	stream.linear.gather [hbm4b:s23+s4], $0x50, $0x38;
	[tilespmem:$0x6EF0] =	vst v63  }
0x73: {  	s6 =	rddreg [dreg:$0xa]  }
0x74: {  	[tilespmem:s25], [sflag:$0x2] =	stream.indirect.gather [hbm4b:s5+s26], $0x10, s26, s26, $0xb8;
	[tilespmem:$0x6EF0] =	vst v63  }
0x75: {  	s25 =	rddreg [dreg:$0x9]  }
0x76: {  	[tilespmem:s28], [sflag:$0x9] =	stream.linear.gather [hbm4b:s25+s4], $0x50, $0x38;
	[tilespmem:$0x6EF0] =	vst v63  }
0x77: {  	s31 =	rddreg [dreg:$0xf];
	s2 =	simm.s32 $0xA0  }
0x78: {  	[tilespmem:s29], [sflag:$0x3] =	stream.indirect.gather [hbm4b:s5+s26], $0x10, s2, s26, $0xb8;
	[tilespmem:$0x6EF0] =	vst v63  }
0x79: {  	s12 =	rddreg [dreg:$0xb]  }
0x7a: {  	[tilespmem:s1], [sflag:$0xA] =	stream.linear.gather [hbm4b:s6+s4], $0x50, $0x38;
	[tilespmem:$0x6EF0] =	vst v63  }
0x7b: {  	s11 =	simm.s32 $0xF0;
	s23 =	rddreg [dreg:$0xc]  }
0x7c: {  	[tilespmem:s30], [sflag:$0x4] =	stream.indirect.gather [hbm4b:s5+s26], $0x10, s11, s26, $0xb8;
	[tilespmem:$0x6EF0] =	vst v63  }
0x7d: {  	s28 =	rddreg [dreg:$0x11]  }
0x7e: {  	[tilespmem:s9], [sflag:$0xB] =	stream.linear.gather [hbm4b:s12+s4], $0x50, $0x38;
	[tilespmem:$0x6EF0] =	vst v63  }
0x7f: {  	s13 =	simm.s32 $0x140;
	s29 =	rddreg [dreg:$0x10]  }
0x80: {  	[tilespmem:s10], [sflag:$0x5] =	stream.indirect.gather [hbm4b:s5+s26], $0x10, s13, s26, $0xb8;
	[tilespmem:$0x6EF0] =	vst v63  }
0x81: {  	s6 =	rddreg [dreg:$0x13];
	s9 =	simm.s32 $0x28A0  }
0x82: {  	[tilespmem:s9], [sflag:$0xC] =	stream.linear.gather [hbm4b:s23+s4], $0x50, $0x38;
	[tilespmem:$0x6EF0] =	vst v63  }
0x83: {  	s25 =	simm.s32 $0x190;
	s10 =	simm.s32 $0x41F0;
	s23 =	rddreg [dreg:$0x14]  }
0x84: {  	[tilespmem:s10], [sflag:$0x6] =	stream.indirect.gather [hbm4b:s5+s26], $0x10, s25, s26, $0xb8;
	[tilespmem:$0x6EF0] =	vst v63  }
0x85: {  	s30 =	simm.s32 $0x0;
	s25 =	rddreg [dreg:$0x12]  }
.LBB2_2:
0x86: {  	s0 =	simm.s32 $0x7  }
0x87: {  	_ =	swait.ge [sflag:s0], $0x50  }
0x88: {  	[sflag:s0] =	ssyncset.done $0x0  }
0x89: {  	[sflag:s0] =	ssyncadd.s32 $0xFFFFFFB0  }
0x8a: {  	_ =	swait.ge [sflag:s14], $0x500  }
0x8b: {  	[sflag:s14] =	ssyncset.done $0x0  }
0x8c: {  	s2 =	simm.s32 $0x2710;
	s12 =	simm.s32 $0x28F0;
	[sflag:s14] =	ssyncadd.s32 $0xFFFFFB00  }
0x8d: {  	[spmem:s3] =	stream.indirect.scatter.add.f32 [tilespmem:s12], [sflag:$0xD], $0x10, s2, s26, $0xb8;
	[tilespmem:$0x6EF0] =	vst v63  }
0x8e: {  	_ =	swait.ge [sflag:s24], $0x500  }
0x8f: {  	s1 =	sshrl.u32 s23, $0x3;
	[sflag:s24] =	ssyncset.done $0x0;
	s11 =	rddreg [dreg:$0x4]  }
0x90: {  	[sflag:s24] =	ssyncadd.s32 $0xFFFFFB00;
	s0 =	sadd.s32 s11, s1  }
0x91: {  	[tilespmem:s2], [sflag:$0x7] =	stream.linear.gather [hbm4b:s0+s4], $0x50, $0x38;
	[tilespmem:$0x6EF0] =	vst v63  }
0x92: {  	s0 =	sshra.s32 s30, $0x2  }
0x93: {  	s2 =	sadd.s32 $0x1E0, s0  }
0x94: {  	[tilespmem:s12], [sflag:$0x1] =	stream.indirect.gather [hbm4b:s5+s26], $0x10, s2, s26, $0xb8;
	[tilespmem:$0x6EF0] =	vst v63  }
0x95: {  	_ =	swait.ge [sflag:s15], $0x50  }
0x96: {  	[sflag:s15] =	ssyncset.done $0x0  }
0x97: {  	[sflag:s15] =	ssyncadd.s32 $0xFFFFFFB0  }
0x98: {  	_ =	swait.ge [sflag:s16], $0x500  }
0x99: {  	[sflag:s16] =	ssyncset.done $0x0  }
0x9a: {  	s13 =	simm.s32 $0x2DF0;
	s12 =	simm.s32 $0x2760;
	[sflag:s16] =	ssyncadd.s32 $0xFFFFFB00  }
0x9b: {  	[spmem:s3] =	stream.indirect.scatter.add.f32 [tilespmem:s13], [sflag:$0xD], $0x10, s12, s26, $0xb8;
	[tilespmem:$0x6EF0] =	vst v63  }
0x9c: {  	_ =	swait.ge [sflag:s24], $0x500  }
0x9d: {  	[sflag:s24] =	ssyncset.done $0x0  }
0x9e: {  	[sflag:s24] =	ssyncadd.s32 $0xFFFFFB00  }
0x9f: {  	[tilespmem:s12], [sflag:$0x8] =	stream.linear.gather [hbm4b:s6+s4], $0x50, $0x38;
	[tilespmem:$0x6EF0] =	vst v63  }
0xa0: {  	s1 =	sadd.s32 $0x230, s0  }
0xa1: {  	[tilespmem:s13], [sflag:$0x2] =	stream.indirect.gather [hbm4b:s5+s26], $0x10, s1, s26, $0xb8;
	[tilespmem:$0x6EF0] =	vst v63  }
0xa2: {  	_ =	swait.ge [sflag:s17], $0x50  }
0xa3: {  	[sflag:s17] =	ssyncset.done $0x0  }
0xa4: {  	[sflag:s17] =	ssyncadd.s32 $0xFFFFFFB0  }
0xa5: {  	_ =	swait.ge [sflag:s18], $0x500  }
0xa6: {  	[sflag:s18] =	ssyncset.done $0x0  }
0xa7: {  	s13 =	simm.s32 $0x27B0;
	s1 =	simm.s32 $0x32F0;
	[sflag:s18] =	ssyncadd.s32 $0xFFFFFB00  }
0xa8: {  	[spmem:s3] =	stream.indirect.scatter.add.f32 [tilespmem:s1], [sflag:$0xD], $0x10, s13, s26, $0xb8;
	[tilespmem:$0x6EF0] =	vst v63  }
0xa9: {  	_ =	swait.ge [sflag:s24], $0x500  }
0xaa: {  	[sflag:s24] =	ssyncset.done $0x0  }
0xab: {  	[sflag:s24] =	ssyncadd.s32 $0xFFFFFB00  }
0xac: {  	[tilespmem:s13], [sflag:$0x9] =	stream.linear.gather [hbm4b:s25+s4], $0x50, $0x38;
	[tilespmem:$0x6EF0] =	vst v63  }
0xad: {  	s2 =	sadd.s32 $0x280, s0  }
0xae: {  	[tilespmem:s1], [sflag:$0x3] =	stream.indirect.gather [hbm4b:s5+s26], $0x10, s2, s26, $0xb8;
	[tilespmem:$0x6EF0] =	vst v63  }
0xaf: {  	_ =	swait.ge [sflag:s19], $0x50  }
0xb0: {  	[sflag:s19] =	ssyncset.done $0x0  }
0xb1: {  	[sflag:s19] =	ssyncadd.s32 $0xFFFFFFB0  }
0xb2: {  	_ =	swait.ge [sflag:s20], $0x500  }
0xb3: {  	[sflag:s20] =	ssyncset.done $0x0  }
0xb4: {  	s11 =	simm.s32 $0x37F0;
	s1 =	simm.s32 $0x2800;
	[sflag:s20] =	ssyncadd.s32 $0xFFFFFB00  }
0xb5: {  	[spmem:s3] =	stream.indirect.scatter.add.f32 [tilespmem:s11], [sflag:$0xD], $0x10, s1, s26, $0xb8;
	[tilespmem:$0x6EF0] =	vst v63  }
0xb6: {  	_ =	swait.ge [sflag:s24], $0x500  }
0xb7: {  	[sflag:s24] =	ssyncset.done $0x0  }
0xb8: {  	[sflag:s24] =	ssyncadd.s32 $0xFFFFFB00  }
0xb9: {  	[tilespmem:s1], [sflag:$0xA] =	stream.linear.gather [hbm4b:s28+s4], $0x50, $0x38;
	[tilespmem:$0x6EF0] =	vst v63  }
0xba: {  	s13 =	sadd.s32 $0x2D0, s0  }
0xbb: {  	[tilespmem:s11], [sflag:$0x4] =	stream.indirect.gather [hbm4b:s5+s26], $0x10, s13, s26, $0xb8;
	[tilespmem:$0x6EF0] =	vst v63  }
0xbc: {  	_ =	swait.ge [sflag:s21], $0x50  }
0xbd: {  	[sflag:s21] =	ssyncset.done $0x0  }
0xbe: {  	[sflag:s21] =	ssyncadd.s32 $0xFFFFFFB0  }
0xbf: {  	_ =	swait.ge [sflag:s22], $0x500  }
0xc0: {  	[sflag:s22] =	ssyncset.done $0x0  }
0xc1: {  	s11 =	simm.s32 $0x2850;
	s13 =	simm.s32 $0x3CF0;
	[sflag:s22] =	ssyncadd.s32 $0xFFFFFB00  }
0xc2: {  	[spmem:s3] =	stream.indirect.scatter.add.f32 [tilespmem:s13], [sflag:$0xD], $0x10, s11, s26, $0xb8;
	[tilespmem:$0x6EF0] =	vst v63  }
0xc3: {  	_ =	swait.ge [sflag:s24], $0x500  }
0xc4: {  	[sflag:s24] =	ssyncset.done $0x0  }
0xc5: {  	[sflag:s24] =	ssyncadd.s32 $0xFFFFFB00  }
0xc6: {  	[tilespmem:s11], [sflag:$0xB] =	stream.linear.gather [hbm4b:s29+s4], $0x50, $0x38;
	[tilespmem:$0x6EF0] =	vst v63  }
0xc7: {  	s2 =	sadd.s32 $0x320, s0  }
0xc8: {  	[tilespmem:s13], [sflag:$0x5] =	stream.indirect.gather [hbm4b:s5+s26], $0x10, s2, s26, $0xb8;
	[tilespmem:$0x6EF0] =	vst v63  }
0xc9: {  	_ =	swait.ge [sflag:s8], $0x50  }
0xca: {  	[sflag:s8] =	ssyncset.done $0x0  }
0xcb: {  	[sflag:s8] =	ssyncadd.s32 $0xFFFFFFB0  }
0xcc: {  	_ =	swait.ge [sflag:s7], $0x500  }
0xcd: {  	p0 =	seq.s32 s30, $0x8E80;
	[sflag:s7] =	ssyncset.done $0x0  }
.Ltmp2:
0xce: {  	[sflag:s7] =	ssyncadd.s32 $0xFFFFFB00;
	(pc) =	sbr.rel @p0 .LBB2_4-.Ltmp2, $4  }
0xcf: {  	[spmem:s3] =	stream.indirect.scatter.add.f32 [tilespmem:s10], [sflag:$0xD], $0x10, s9, s26, $0xb8;
	[tilespmem:$0x6EF0] =	vst v63  }
0xd0: {  	_ =	swait.ge [sflag:s24], $0x500  }
0xd1: {  	[sflag:s24] =	ssyncset.done $0x0  }
0xd2: {  	s2 =	simm.s32 $0x28A0;
	s9 =	simm.s32 $0x41F0;
	[sflag:s24] =	ssyncadd.s32 $0xFFFFFB00  }
0xd3: {  	[tilespmem:s2], [sflag:$0xC] =	stream.linear.gather [hbm4b:s31+s4], $0x50, $0x38;
	[tilespmem:$0x6EF0] =	vst v63  }
.Ltmp3:
0xd4: {  	s0 =	sadd.s32 $0x370, s0;
	(pc) =	sbr.rel .LBB2_2-.Ltmp3, $4  }
0xd5: {  	s31 =	sadd.s32 $0x3C, s31;
	s30 =	sadd.s32 $0x780, s30;
	s29 =	sadd.s32 $0x3C, s29  }
0xd6: {  	s28 =	sadd.s32 $0x3C, s28;
	s25 =	sadd.s32 $0x3C, s25;
	s6 =	sadd.s32 $0x3C, s6  }
0xd7: {  	[tilespmem:s9], [sflag:$0x6] =	stream.indirect.gather [hbm4b:s5+s26], $0x10, s0, s26, $0xb8;
	[tilespmem:$0x6EF0] =	vst v63  }
0xd8: {  	s23 =	sadd.s32 $0x1E0, s23;
	s10 =	simm.s32 $0x41F0;
	s9 =	simm.s32 $0x28A0  }
.LBB2_5:
0xd9: {  	_ =	sfence.sel $0x180000  }
0xda: {  	[bflag:$0x0] =	sbarrier.arrive $0xFFFF  }
0xdb: {  	_ =	strace $0x90000050  }
0xdc: {  	s0 =	stileid.u32;
	[bflag:$0x2] =	sbarrier.arrive $0xFFFF  }
0xdd: {  	p0 =	sne.s32 s0, $0x0;
	s0 =	rddreg [dreg:$0x3]  }
0xde: {  	s0 =	sadd.s32 @!p0 $0x100000, s0  }
0xdf: {  	[sflag:s0] =	ssyncadd.tile.s32 @!p0 $0x1;
	_ =	shalt  }
.Lfunc_end2:
_tile_overlayer_lowered:
.L_overlay_start_2:
0xe0: {  	(tag) =	ssettag $0x2  }
0xe1: {  	s0 =	rddreg [dreg:$0x0];
	s2 =	stileid.u32  }
0xe2: {  	s1 =	rddreg [dreg:$0x1];
	p0 =	sne.s32 s2, $0x0  }
0xe3: {  	s3 =	rddreg [dreg:$0x2];
	[bflag:$0x3] =	sbarrier.arrive $0xFFFF;
	s2 =	simm.s32 @!p0 $0x1C0D  }
0xe4: {  	[timem:s3], [sflag:s2] =	dma.local @!p0 [hbm:s0], s1  }
0xe5: {  	s0 =	simm.s32 @!p0 $0xD  }
0xe6: {  	_ =	swait.ge @!p0 [sflag:s0], s1  }
0xe7: {  	s1 =	ssub.s32 @!p0 $0x0, s1;
	[sflag:s0] =	ssyncset.done @!p0 $0x0  }
0xe8: {  	[sflag:s0] =	ssyncadd.s32 @!p0 s1  }
0xe9: {  	[bflag:$0x3] =	sbarrier.arrive $0xFFFF  }
0xea: {  	_ =	shalt  }

</sc_bundles>
